<compile_context>
chip_gen: v7x
topology: tpu7x:2x2x1
jax: 0.10.2.dev20260603
libtpu: 0.0.44.dev20260713+nightly
codegen_flags: <defaults>
</compile_context>

<pallas_src>
import numpy as np
import jax
import jax.numpy as jnp
from jax.experimental import pallas as pl
from jax.experimental.pallas import tpu as pltpu

_IN = 64
_GX, _GY, _GZ = 180, 200, 5
_A = 6
_BBOX = 7
_CLS_C = _A * 4
_REG_C = _A * _BBOX
_XB = 36

_PC_RANGE = np.array([0.0, -40.0, -4.0, 72.0, 40.0, 4.0], dtype=np.float32)
_ANCHOR_SIZES = np.array([
    [3.9, 1.6, 1.56, 0.0],
    [3.9, 1.6, 1.56, 1.5707963],
    [0.8, 0.6, 1.73, 0.0],
    [0.8, 0.6, 1.73, 1.5707963],
    [1.76, 0.6, 1.73, 0.0],
    [1.76, 0.6, 1.73, 1.5707963],
], dtype=np.float32)
_STRIDE = (_PC_RANGE[3:] - _PC_RANGE[:3]) / np.array([_GX, _GY, _GZ], np.float32)

_PERM = np.array([7 * a + k for a in range(_A) for k in range(6)]
                 + [7 * a + 6 for a in range(_A)], dtype=np.int32)
_KM = np.tile(np.arange(6), _A)
_AM = np.repeat(np.arange(_A), 6)
_MULT = _ANCHOR_SIZES[_AM, _KM % 3].astype(np.float32)[:, None]
_IS_XYZ = (_KM < 3).astype(np.float32)[:, None]
_SEL_X = (_KM == 0).astype(np.float32)[:, None]
_SEL_Y = (_KM == 1).astype(np.float32)[:, None]
_SEL_Z = (_KM == 2).astype(np.float32)[:, None]
_COS = np.cos(_ANCHOR_SIZES[:, 3]).astype(np.float32)[:, None]
_TAB = np.concatenate([_MULT, _IS_XYZ, _SEL_X, _SEL_Y, _SEL_Z], axis=1)


def _head_kernel(x_ref, w1c_ref, b1c_ref, w2c_ref, b2c_ref,
                 w1r_ref, b1r_ref, w2r_ref, b2r_ref, tab_ref, cos_ref,
                 cls_ref, box_ref):
    zi = pl.program_id(2)
    xrow0 = pl.program_id(1) * _XB
    cz = (_PC_RANGE[2] + _STRIDE[2] * zi.astype(jnp.float32)) + np.float32(_STRIDE[2] / 2.0)
    iy = jax.lax.broadcasted_iota(jnp.int32, (1, _GY), 1).astype(jnp.float32)
    cy = (_PC_RANGE[1] + _STRIDE[1] * iy) + np.float32(_STRIDE[1] / 2.0)

    mult = tab_ref[:, 0:1]
    is_xyz = tab_ref[:, 1:2] > 0.5
    coord_yz = cy * tab_ref[:, 3:4] + cz * tab_ref[:, 4:5]
    sel_x = tab_ref[:, 2:3]
    cosang = cos_ref[...]

    for i in range(_XB):
        xb = x_ref[0, i, 0]
        hc = jnp.maximum(
            jnp.dot(w1c_ref[...], xb, preferred_element_type=jnp.float32)
            + b1c_ref[...], 0.0)
        cls_ref[0, i, 0] = (
            jnp.dot(w2c_ref[...], hc, preferred_element_type=jnp.float32)
            + b2c_ref[...])

        hr = jnp.maximum(
            jnp.dot(w1r_ref[...], xb, preferred_element_type=jnp.float32)
            + b1r_ref[...], 0.0)
        off = (jnp.dot(w2r_ref[...], hr, preferred_element_type=jnp.float32)
               + b2r_ref[...])

        cx = (_PC_RANGE[0] + _STRIDE[0] * (xrow0 + i).astype(jnp.float32)) \
            + np.float32(_STRIDE[0] / 2.0)
        om = off[0:36]
        dec_main = jnp.where(is_xyz, om * mult + (coord_yz + cx * sel_x),
                             jnp.exp(om) * mult)
        c = jax.nn.sigmoid(off[36:42]) * cosang
        ang = jnp.arctan2(c, jnp.sqrt(1.0 - c * c))

        pieces = []
        for a in range(_A):
            pieces.append(dec_main[6 * a:6 * a + 6])
            pieces.append(ang[a:a + 1])
        box_ref[0, i, 0] = jnp.concatenate(pieces, axis=0)


def kernel(x, W1c, b1c, gc, bec, mc, vc, W2c, b2c, W1r, b1r, gr, ber, mr, vr, W2r, b2r):
    B = x.shape[0]
    xt = jnp.transpose(x, (0, 2, 4, 1, 3))

    sc = gc * jax.lax.rsqrt(vc + 1e-5)
    w1c_eff = W1c * sc[:, None]
    b1c_eff = (b1c * sc + (bec - mc * sc))[:, None]
    sr = gr * jax.lax.rsqrt(vr + 1e-5)
    w1r_eff = W1r * sr[:, None]
    b1r_eff = (b1r * sr + (ber - mr * sr))[:, None]
    perm = jnp.asarray(_PERM)

    grid = (B, _GX // _XB, _GZ)
    full = lambda shape: pl.BlockSpec(shape, lambda b, xi, zi: (0,) * len(shape))
    cls_t, box_t = pl.pallas_call(
        _head_kernel,
        grid=grid,
        in_specs=[
            pl.BlockSpec((1, _XB, 1, _IN, _GY), lambda b, xi, zi: (b, xi, zi, 0, 0)),
            full((_IN, _IN)), full((_IN, 1)), full((_CLS_C, _IN)), full((_CLS_C, 1)),
            full((_IN, _IN)), full((_IN, 1)), full((_REG_C, _IN)), full((_REG_C, 1)),
            full((36, 5)), full((_A, 1)),
        ],
        out_specs=[
            pl.BlockSpec((1, _XB, 1, _CLS_C, _GY), lambda b, xi, zi: (b, xi, zi, 0, 0)),
            pl.BlockSpec((1, _XB, 1, _REG_C, _GY), lambda b, xi, zi: (b, xi, zi, 0, 0)),
        ],
        out_shape=[
            jax.ShapeDtypeStruct((B, _GX, _GZ, _CLS_C, _GY), jnp.float32),
            jax.ShapeDtypeStruct((B, _GX, _GZ, _REG_C, _GY), jnp.float32),
        ],
        compiler_params=pltpu.CompilerParams(
            dimension_semantics=("parallel", "parallel", "parallel")),
    )(xt, w1c_eff, b1c_eff, W2c, b2c[:, None],
      w1r_eff, b1r_eff, W2r[perm], b2r[perm][:, None],
      jnp.asarray(_TAB), jnp.asarray(_COS))

    cls_out = jnp.transpose(cls_t, (0, 1, 4, 2, 3))
    box_out = jnp.transpose(box_t, (0, 1, 4, 2, 3))
    return cls_out, box_out

# --- scband reference (transcript-rebuilt; emitter-appended) ---
"""Pipeline reference for scband-anchor-head-dense-59124519797211 (READ-ONLY COPY).

The authoritative reference and input builder live on the scoring server;
editing this copy changes nothing except your own understanding.
"""

import jax, jax.numpy as jnp
import numpy as np

IN_FEAT = 64
BATCH = 2
GRID = (180, 200, 5)
PC_RANGE = np.array([0.0, -40.0, -4.0, 72.0, 40.0, 4.0], dtype=np.float32)
# gen_anchor_sizes(anchor_config): one (sx, sy, sz, dir) per class per direction -> 6 anchors/voxel
ANCHOR_SIZES = np.array([
    [3.9, 1.6, 1.56, 0.0],
    [3.9, 1.6, 1.56, 1.5707963],
    [0.8, 0.6, 1.73, 0.0],
    [0.8, 0.6, 1.73, 1.5707963],
    [1.76, 0.6, 1.73, 0.0],
    [1.76, 0.6, 1.73, 1.5707963],
], dtype=np.float32)
A = ANCHOR_SIZES.shape[0]
NUM_CLASS = 4  # 3 classes + background
BBOX = 7


def make_anchors():
    stride = (PC_RANGE[3:] - PC_RANGE[:3]) / np.array(GRID, dtype=np.float32)
    xs = PC_RANGE[0] + stride[0] * jnp.arange(GRID[0], dtype=jnp.float32)
    ys = PC_RANGE[1] + stride[1] * jnp.arange(GRID[1], dtype=jnp.float32)
    zs = PC_RANGE[2] + stride[2] * jnp.arange(GRID[2], dtype=jnp.float32)
    xg, yg, zg = jnp.meshgrid(xs, ys, zs, indexing='ij')
    coords = jnp.stack([xg, yg, zg], axis=-1) + jnp.asarray(stride / 2.0)
    coords = jnp.broadcast_to(coords[:, :, :, None, :], GRID + (A, 3))
    sizes = jnp.broadcast_to(jnp.asarray(ANCHOR_SIZES), GRID + (A, 4))
    return jnp.concatenate([coords, sizes], axis=-1)  # [X, Y, Z, A, 7]


def _conv1x1(h, W, b):
    # nn.Conv3d(kernel_size=1) == channel matmul
    return jnp.einsum('bixyz,oi->boxyz', h, W) + b[None, :, None, None, None]


def _bn(h, gamma, beta, mean, var):
    inv = jax.lax.rsqrt(var + 1e-5)
    return (h - mean[None, :, None, None, None]) * (gamma * inv)[None, :, None, None, None] + beta[None, :, None, None, None]


def setup_inputs(seed: int = 0) -> dict:
    key = jax.random.key(seed)
    ks = jax.random.split(key, 12)
    s = 1.0 / np.sqrt(IN_FEAT)
    f32 = jnp.float32
    return {
        'x': jax.random.normal(ks[0], (BATCH, IN_FEAT) + GRID, dtype=f32),
        'W1c': jax.random.uniform(ks[1], (IN_FEAT, IN_FEAT), f32, -s, s),
        'b1c': jax.random.uniform(ks[2], (IN_FEAT,), f32, -s, s),
        'gc': jnp.ones((IN_FEAT,), f32),
        'bec': jnp.zeros((IN_FEAT,), f32),
        'mc': jnp.zeros((IN_FEAT,), f32),
        'vc': jnp.ones((IN_FEAT,), f32),
        'W2c': jax.random.uniform(ks[3], (A * NUM_CLASS, IN_FEAT), f32, -s, s),
        'b2c': jax.random.uniform(ks[4], (A * NUM_CLASS,), f32, -s, s),
        'W1r': jax.random.uniform(ks[5], (IN_FEAT, IN_FEAT), f32, -s, s),
        'b1r': jax.random.uniform(ks[6], (IN_FEAT,), f32, -s, s),
        'gr': jnp.ones((IN_FEAT,), f32),
        'ber': jnp.zeros((IN_FEAT,), f32),
        'mr': jnp.zeros((IN_FEAT,), f32),
        'vr': jnp.ones((IN_FEAT,), f32),
        'W2r': jax.random.uniform(ks[7], (A * BBOX, IN_FEAT), f32, -s, s),
        'b2r': jax.random.uniform(ks[8], (A * BBOX,), f32, -s, s),
    }


def reference(x, W1c, b1c, gc, bec, mc, vc, W2c, b2c, W1r, b1r, gr, ber, mr, vr, W2r, b2r):
    anchors = make_anchors()
    hc = jax.nn.relu(_bn(_conv1x1(x, W1c, b1c), gc, bec, mc, vc))
    cls_pred = _conv1x1(hc, W2c, b2c)
    hr = jax.nn.relu(_bn(_conv1x1(x, W1r, b1r), gr, ber, mr, vr))
    reg = _conv1x1(hr, W2r, b2r)
    cls_pred = jnp.transpose(cls_pred, (0, 2, 3, 4, 1))
    reg = jnp.transpose(reg, (0, 2, 3, 4, 1))
    off = reg.reshape((BATCH,) + GRID + (A, BBOX))
    xyz = off[..., :3] * anchors[..., 3:6] + anchors[..., :3]
    dims = jnp.exp(off[..., 3:6]) * anchors[..., 3:6]
    cos = jax.nn.sigmoid(off[..., 6]) * jnp.cos(anchors[..., 6])
    ang = jnp.arctan2(cos, jnp.sqrt(1.0 - cos ** 2))
    box_reg = jnp.concatenate([xyz, dims, ang[..., None]], axis=-1).reshape((BATCH,) + GRID + (A * BBOX,))
    return cls_pred, box_reg

if __name__ == "__main__":
    import jax
    _d = setup_inputs()
    print(jax.jit(kernel)(*tuple(_d.values())))

</pallas_src>

<mosaic_0001>
module attributes {stable_mosaic.version = 14 : i64} {
  func.func @_head_kernel(%arg0: i32, %arg1: i32, %arg2: i32, %arg3: memref<1x36x1x64x200xf32, #tpu.memory_space<vmem>>, %arg4: memref<64x64xf32, #tpu.memory_space<vmem>>, %arg5: memref<64x1xf32, #tpu.memory_space<vmem>>, %arg6: memref<24x64xf32, #tpu.memory_space<vmem>>, %arg7: memref<24x1xf32, #tpu.memory_space<vmem>>, %arg8: memref<64x64xf32, #tpu.memory_space<vmem>>, %arg9: memref<64x1xf32, #tpu.memory_space<vmem>>, %arg10: memref<42x64xf32, #tpu.memory_space<vmem>>, %arg11: memref<42x1xf32, #tpu.memory_space<vmem>>, %arg12: memref<36x5xf32, #tpu.memory_space<vmem>>, %arg13: memref<6x1xf32, #tpu.memory_space<vmem>>, %arg14: memref<1x36x1x24x200xf32, #tpu.memory_space<vmem>>, %arg15: memref<1x36x1x42x200xf32, #tpu.memory_space<vmem>>) attributes {dimension_semantics = [#tpu.dimension_semantics<parallel>, #tpu.dimension_semantics<parallel>, #tpu.dimension_semantics<parallel>], iteration_bounds = array<i64: 2, 5, 5>, scalar_prefetch = 0 : i64, scratch_operands = 0 : i64, tpu.core_type = #tpu.core_type<tc>, window_params = [{transform_indices = @transform_0, window_bounds = array<i64: 1, 36, 1, 64, 200>}, {pipeline_mode = #tpu.pipeline_mode<synchronous>, transform_indices = @transform_1, window_bounds = array<i64: 64, 64>}, {pipeline_mode = #tpu.pipeline_mode<synchronous>, transform_indices = @transform_2, window_bounds = array<i64: 64, 1>}, {pipeline_mode = #tpu.pipeline_mode<synchronous>, transform_indices = @transform_3, window_bounds = array<i64: 24, 64>}, {pipeline_mode = #tpu.pipeline_mode<synchronous>, transform_indices = @transform_4, window_bounds = array<i64: 24, 1>}, {pipeline_mode = #tpu.pipeline_mode<synchronous>, transform_indices = @transform_5, window_bounds = array<i64: 64, 64>}, {pipeline_mode = #tpu.pipeline_mode<synchronous>, transform_indices = @transform_6, window_bounds = array<i64: 64, 1>}, {pipeline_mode = #tpu.pipeline_mode<synchronous>, transform_indices = @transform_7, window_bounds = array<i64: 42, 64>}, {pipeline_mode = #tpu.pipeline_mode<synchronous>, transform_indices = @transform_8, window_bounds = array<i64: 42, 1>}, {pipeline_mode = #tpu.pipeline_mode<synchronous>, transform_indices = @transform_9, window_bounds = array<i64: 36, 5>}, {pipeline_mode = #tpu.pipeline_mode<synchronous>, transform_indices = @transform_10, window_bounds = array<i64: 6, 1>}, {transform_indices = @transform_11, window_bounds = array<i64: 1, 36, 1, 24, 200>}, {transform_indices = @transform_12, window_bounds = array<i64: 1, 36, 1, 42, 200>}]} {
    %mul3A = arith.constant 36 : i32
    %mul3A_0 = arith.muli %arg1, %mul3A : i32
    %convert_element_type3A = arith.sitofp %arg2 : i32 to f32
    %mul3A_1 = arith.constant 1.600000e+00 : f32
    %mul3A_2 = arith.mulf %mul3A_1, %convert_element_type3A : f32
    %add3A = arith.constant -4.000000e+00 : f32
    %add3A_3 = arith.addf %add3A, %mul3A_2 : f32
    %add3A_4 = arith.constant 8.000000e-01 : f32
    %add3A_5 = arith.addf %add3A_3, %add3A_4 : f32
    %iota3A = tpu.iota {dimensions = array<i32: 1>} : vector<1x200xi32>
    %convert_element_type3A_6 = arith.sitofp %iota3A : vector<1x200xi32> to vector<1x200xf32>
    %mul3A_7 = arith.constant 4.000000e-01 : f32
    %mul3A_8 = vector.broadcast %mul3A_7 : f32 to vector<1x200xf32>
    %mul3A_9 = arith.mulf %mul3A_8, %convert_element_type3A_6 : vector<1x200xf32>
    %add3A_10 = arith.constant -4.000000e+01 : f32
    %add3A_11 = vector.broadcast %add3A_10 : f32 to vector<1x200xf32>
    %add3A_12 = arith.addf %add3A_11, %mul3A_9 : vector<1x200xf32>
    %add3A_13 = arith.constant 2.000000e-01 : f32
    %add3A_14 = vector.broadcast %add3A_13 : f32 to vector<1x200xf32>
    %add3A_15 = arith.addf %add3A_12, %add3A_14 : vector<1x200xf32>
    %get3A = arith.constant 0 : index
    %get3A_16 = arith.constant 0 : index
    %get3A_17 = vector.load %arg12[%get3A, %get3A_16] : memref<36x5xf32, #tpu.memory_space<vmem>>, vector<36x1xf32>
    %get3A_18 = arith.constant 0 : index
    %get3A_19 = arith.constant 1 : index
    %get3A_20 = vector.load %arg12[%get3A_18, %get3A_19] : memref<36x5xf32, #tpu.memory_space<vmem>>, vector<36x1xf32>
    %gt3A = arith.constant 5.000000e-01 : f32
    %gt3A_21 = vector.broadcast %gt3A : f32 to vector<36x1xf32>
    %gt3A_22 = arith.cmpf ogt, %get3A_20, %gt3A_21 : vector<36x1xf32>
    %get3A_23 = arith.constant 0 : index
    %get3A_24 = arith.constant 3 : index
    %get3A_25 = vector.load %arg12[%get3A_23, %get3A_24] : memref<36x5xf32, #tpu.memory_space<vmem>>, vector<36x1xf32>
    %mul3A_26 = vector.broadcast %add3A_15 : vector<1x200xf32> to vector<36x200xf32>
    %mul3A_27 = vector.broadcast %get3A_25 : vector<36x1xf32> to vector<36x200xf32>
    %mul3A_28 = arith.mulf %mul3A_26, %mul3A_27 : vector<36x200xf32>
    %get3A_29 = arith.constant 0 : index
    %get3A_30 = arith.constant 4 : index
    %get3A_31 = vector.load %arg12[%get3A_29, %get3A_30] : memref<36x5xf32, #tpu.memory_space<vmem>>, vector<36x1xf32>
    %mul3A_32 = vector.broadcast %add3A_5 : f32 to vector<36x1xf32>
    %mul3A_33 = arith.mulf %mul3A_32, %get3A_31 : vector<36x1xf32>
    %add3A_34 = vector.broadcast %mul3A_33 : vector<36x1xf32> to vector<36x200xf32>
    %add3A_35 = arith.addf %mul3A_28, %add3A_34 : vector<36x200xf32>
    %get3A_36 = arith.constant 0 : index
    %get3A_37 = arith.constant 2 : index
    %get3A_38 = vector.load %arg12[%get3A_36, %get3A_37] : memref<36x5xf32, #tpu.memory_space<vmem>>, vector<36x1xf32>
    %get3A_39 = arith.constant 0 : index
    %get3A_40 = arith.constant 0 : index
    %get3A_41 = vector.load %arg13[%get3A_39, %get3A_40] : memref<6x1xf32, #tpu.memory_space<vmem>>, vector<6x1xf32>
    %get3A_42 = arith.constant 0 : index
    %get3A_43 = arith.constant 0 : index
    %get3A_44 = arith.constant 0 : index
    %get3A_45 = arith.constant 0 : index
    %get3A_46 = arith.constant 0 : index
    %get3A_47 = vector.load %arg3[%get3A_42, %get3A_43, %get3A_44, %get3A_45, %get3A_46] : memref<1x36x1x64x200xf32, #tpu.memory_space<vmem>>, vector<1x1x1x64x200xf32>
    %get3A_48 = vector.shape_cast %get3A_47 : vector<1x1x1x64x200xf32> to vector<64x200xf32>
    %get3A_49 = arith.constant 0 : index
    %get3A_50 = arith.constant 0 : index
    %get3A_51 = vector.load %arg4[%get3A_49, %get3A_50] : memref<64x64xf32, #tpu.memory_space<vmem>>, vector<64x64xf32>
    %dot_general3A = arith.constant dense<0.000000e+00> : vector<64x200xf32>
    %dot_general3A_52 = tpu.matmul %get3A_51, %get3A_48, %dot_general3A {dimension_numbers = #tpu.dot_dimension_numbers<[1], [0], [0], [1], [0, 0, 1, 1], [], []>, transpose_lhs_hint = false} : vector<64x64xf32>, vector<64x200xf32>, vector<64x200xf32> -> vector<64x200xf32>
    %get3A_53 = arith.constant 0 : index
    %get3A_54 = arith.constant 0 : index
    %get3A_55 = vector.load %arg5[%get3A_53, %get3A_54] : memref<64x1xf32, #tpu.memory_space<vmem>>, vector<64x1xf32>
    %add3A_56 = vector.broadcast %get3A_55 : vector<64x1xf32> to vector<64x200xf32>
    %add3A_57 = arith.addf %dot_general3A_52, %add3A_56 : vector<64x200xf32>
    %max3A = arith.constant 0.000000e+00 : f32
    %max3A_58 = vector.broadcast %max3A : f32 to vector<64x200xf32>
    %max3A_59 = arith.maximumf %add3A_57, %max3A_58 : vector<64x200xf32>
    %get3A_60 = arith.constant 0 : index
    %get3A_61 = arith.constant 0 : index
    %get3A_62 = vector.load %arg6[%get3A_60, %get3A_61] : memref<24x64xf32, #tpu.memory_space<vmem>>, vector<24x64xf32>
    %dot_general3A_63 = arith.constant dense<0.000000e+00> : vector<24x200xf32>
    %dot_general3A_64 = tpu.matmul %get3A_62, %max3A_59, %dot_general3A_63 {dimension_numbers = #tpu.dot_dimension_numbers<[1], [0], [0], [1], [0, 0, 1, 1], [], []>, transpose_lhs_hint = false} : vector<24x64xf32>, vector<64x200xf32>, vector<24x200xf32> -> vector<24x200xf32>
    %get3A_65 = arith.constant 0 : index
    %get3A_66 = arith.constant 0 : index
    %get3A_67 = vector.load %arg7[%get3A_65, %get3A_66] : memref<24x1xf32, #tpu.memory_space<vmem>>, vector<24x1xf32>
    %add3A_68 = vector.broadcast %get3A_67 : vector<24x1xf32> to vector<24x200xf32>
    %add3A_69 = arith.addf %dot_general3A_64, %add3A_68 : vector<24x200xf32>
    %swap3A = arith.constant 0 : index
    %swap3A_70 = arith.constant 0 : index
    %swap3A_71 = arith.constant 0 : index
    %swap3A_72 = arith.constant 0 : index
    %swap3A_73 = arith.constant 0 : index
    %swap3A_74 = vector.load %arg14[%swap3A, %swap3A_70, %swap3A_71, %swap3A_72, %swap3A_73] : memref<1x36x1x24x200xf32, #tpu.memory_space<vmem>>, vector<1x1x1x24x200xf32>
    %swap3A_75 = vector.shape_cast %swap3A_74 : vector<1x1x1x24x200xf32> to vector<24x200xf32>
    %swap3A_76 = vector.shape_cast %add3A_69 : vector<24x200xf32> to vector<1x1x1x24x200xf32>
    tpu.vector_store %arg14[%swap3A, %swap3A_70, %swap3A_71, %swap3A_72, %swap3A_73], %swap3A_76 {strides = array<i32>} : memref<1x36x1x24x200xf32, #tpu.memory_space<vmem>>, vector<1x1x1x24x200xf32>,
    %get3A_77 = arith.constant 0 : index
    %get3A_78 = arith.constant 0 : index
    %get3A_79 = vector.load %arg8[%get3A_77, %get3A_78] : memref<64x64xf32, #tpu.memory_space<vmem>>, vector<64x64xf32>
    %dot_general3A_80 = arith.constant dense<0.000000e+00> : vector<64x200xf32>
    %dot_general3A_81 = tpu.matmul %get3A_79, %get3A_48, %dot_general3A_80 {dimension_numbers = #tpu.dot_dimension_numbers<[1], [0], [0], [1], [0, 0, 1, 1], [], []>, transpose_lhs_hint = false} : vector<64x64xf32>, vector<64x200xf32>, vector<64x200xf32> -> vector<64x200xf32>
    %get3A_82 = arith.constant 0 : index
    %get3A_83 = arith.constant 0 : index
    %get3A_84 = vector.load %arg9[%get3A_82, %get3A_83] : memref<64x1xf32, #tpu.memory_space<vmem>>, vector<64x1xf32>
    %add3A_85 = vector.broadcast %get3A_84 : vector<64x1xf32> to vector<64x200xf32>
    %add3A_86 = arith.addf %dot_general3A_81, %add3A_85 : vector<64x200xf32>
    %max3A_87 = arith.constant 0.000000e+00 : f32
    %max3A_88 = vector.broadcast %max3A_87 : f32 to vector<64x200xf32>
    %max3A_89 = arith.maximumf %add3A_86, %max3A_88 : vector<64x200xf32>
    %get3A_90 = arith.constant 0 : index
    %get3A_91 = arith.constant 0 : index
    %get3A_92 = vector.load %arg10[%get3A_90, %get3A_91] : memref<42x64xf32, #tpu.memory_space<vmem>>, vector<42x64xf32>
    %dot_general3A_93 = arith.constant dense<0.000000e+00> : vector<42x200xf32>
    %dot_general3A_94 = tpu.matmul %get3A_92, %max3A_89, %dot_general3A_93 {dimension_numbers = #tpu.dot_dimension_numbers<[1], [0], [0], [1], [0, 0, 1, 1], [], []>, transpose_lhs_hint = false} : vector<42x64xf32>, vector<64x200xf32>, vector<42x200xf32> -> vector<42x200xf32>
    %get3A_95 = arith.constant 0 : index
    %get3A_96 = arith.constant 0 : index
    %get3A_97 = vector.load %arg11[%get3A_95, %get3A_96] : memref<42x1xf32, #tpu.memory_space<vmem>>, vector<42x1xf32>
    %add3A_98 = vector.broadcast %get3A_97 : vector<42x1xf32> to vector<42x200xf32>
    %add3A_99 = arith.addf %dot_general3A_94, %add3A_98 : vector<42x200xf32>
    %add3A_100 = arith.constant 0 : i32
    %add3A_101 = arith.addi %mul3A_0, %add3A_100 : i32
    %convert_element_type3A_102 = arith.sitofp %add3A_101 : i32 to f32
    %mul3A_103 = arith.constant 4.000000e-01 : f32
    %mul3A_104 = arith.mulf %mul3A_103, %convert_element_type3A_102 : f32
    %add3A_105 = arith.constant 0.000000e+00 : f32
    %add3A_106 = arith.addf %add3A_105, %mul3A_104 : f32
    %add3A_107 = arith.constant 2.000000e-01 : f32
    %add3A_108 = arith.addf %add3A_106, %add3A_107 : f32
    %slice3A = vector.extract_strided_slice %add3A_99 {offsets = [0, 0], sizes = [36, 200], strides = [1, 1]} : vector<42x200xf32> to vector<36x200xf32>
    %mul3A_109 = vector.broadcast %get3A_17 : vector<36x1xf32> to vector<36x200xf32>
    %mul3A_110 = arith.mulf %slice3A, %mul3A_109 : vector<36x200xf32>
    %mul3A_111 = vector.broadcast %add3A_108 : f32 to vector<36x1xf32>
    %mul3A_112 = arith.mulf %mul3A_111, %get3A_38 : vector<36x1xf32>
    %add3A_113 = vector.broadcast %mul3A_112 : vector<36x1xf32> to vector<36x200xf32>
    %add3A_114 = arith.addf %add3A_35, %add3A_113 : vector<36x200xf32>
    %add3A_115 = arith.addf %mul3A_110, %add3A_114 : vector<36x200xf32>
    %exp3A = math.exp %slice3A : vector<36x200xf32>
    %mul3A_116 = vector.broadcast %get3A_17 : vector<36x1xf32> to vector<36x200xf32>
    %mul3A_117 = arith.mulf %exp3A, %mul3A_116 : vector<36x200xf32>
    %broadcast_in_dim3A = vector.shape_cast %gt3A_22 : vector<36x1xi1> to vector<36x1xi1>
    %broadcast_in_dim3A_118 = vector.broadcast %broadcast_in_dim3A : vector<36x1xi1> to vector<36x200xi1>
    %select_n3A = arith.select %broadcast_in_dim3A_118, %add3A_115, %mul3A_117 : vector<36x200xi1>, vector<36x200xf32>
    %slice3A_119 = vector.extract_strided_slice %add3A_99 {offsets = [36, 0], sizes = [6, 200], strides = [1, 1]} : vector<42x200xf32> to vector<6x200xf32>
    %logistic3A = arith.negf %slice3A_119 : vector<6x200xf32>
    %logistic3A_120 = math.exp %logistic3A : vector<6x200xf32>
    %logistic3A_121 = arith.constant 1.000000e+00 : f32
    %logistic3A_122 = vector.broadcast %logistic3A_121 : f32 to vector<6x200xf32>
    %logistic3A_123 = arith.addf %logistic3A_122, %logistic3A_120 : vector<6x200xf32>
    %logistic3A_124 = arith.divf %logistic3A_122, %logistic3A_123 : vector<6x200xf32>
    %mul3A_125 = vector.broadcast %get3A_41 : vector<6x1xf32> to vector<6x200xf32>
    %mul3A_126 = arith.mulf %logistic3A_124, %mul3A_125 : vector<6x200xf32>
    %mul3A_127 = arith.mulf %mul3A_126, %mul3A_126 : vector<6x200xf32>
    %sub3A = arith.constant 1.000000e+00 : f32
    %sub3A_128 = vector.broadcast %sub3A : f32 to vector<6x200xf32>
    %sub3A_129 = arith.subf %sub3A_128, %mul3A_127 : vector<6x200xf32>
    %sqrt3A = math.sqrt %sub3A_129 : vector<6x200xf32>
    %atan23A = math.atan2 %mul3A_126, %sqrt3A : vector<6x200xf32>
    %slice3A_130 = vector.extract_strided_slice %select_n3A {offsets = [0, 0], sizes = [6, 200], strides = [1, 1]} : vector<36x200xf32> to vector<6x200xf32>
    %slice3A_131 = vector.extract_strided_slice %atan23A {offsets = [0, 0], sizes = [1, 200], strides = [1, 1]} : vector<6x200xf32> to vector<1x200xf32>
    %slice3A_132 = vector.extract_strided_slice %select_n3A {offsets = [6, 0], sizes = [6, 200], strides = [1, 1]} : vector<36x200xf32> to vector<6x200xf32>
    %slice3A_133 = vector.extract_strided_slice %atan23A {offsets = [1, 0], sizes = [1, 200], strides = [1, 1]} : vector<6x200xf32> to vector<1x200xf32>
    %slice3A_134 = vector.extract_strided_slice %select_n3A {offsets = [12, 0], sizes = [6, 200], strides = [1, 1]} : vector<36x200xf32> to vector<6x200xf32>
    %slice3A_135 = vector.extract_strided_slice %atan23A {offsets = [2, 0], sizes = [1, 200], strides = [1, 1]} : vector<6x200xf32> to vector<1x200xf32>
    %slice3A_136 = vector.extract_strided_slice %select_n3A {offsets = [18, 0], sizes = [6, 200], strides = [1, 1]} : vector<36x200xf32> to vector<6x200xf32>
    %slice3A_137 = vector.extract_strided_slice %atan23A {offsets = [3, 0], sizes = [1, 200], strides = [1, 1]} : vector<6x200xf32> to vector<1x200xf32>
    %slice3A_138 = vector.extract_strided_slice %select_n3A {offsets = [24, 0], sizes = [6, 200], strides = [1, 1]} : vector<36x200xf32> to vector<6x200xf32>
    %slice3A_139 = vector.extract_strided_slice %atan23A {offsets = [4, 0], sizes = [1, 200], strides = [1, 1]} : vector<6x200xf32> to vector<1x200xf32>
    %slice3A_140 = vector.extract_strided_slice %select_n3A {offsets = [30, 0], sizes = [6, 200], strides = [1, 1]} : vector<36x200xf32> to vector<6x200xf32>
    %slice3A_141 = vector.extract_strided_slice %atan23A {offsets = [5, 0], sizes = [1, 200], strides = [1, 1]} : vector<6x200xf32> to vector<1x200xf32>
    %concatenate3A = tpu.concatenate %slice3A_130, %slice3A_131, %slice3A_132, %slice3A_133, %slice3A_134, %slice3A_135, %slice3A_136, %slice3A_137, %slice3A_138, %slice3A_139, %slice3A_140, %slice3A_141 in 0 : vector<6x200xf32>, vector<1x200xf32>, vector<6x200xf32>, vector<1x200xf32>, vector<6x200xf32>, vector<1x200xf32>, vector<6x200xf32>, vector<1x200xf32>, vector<6x200xf32>, vector<1x200xf32>, vector<6x200xf32>, vector<1x200xf32> -> vector<42x200xf32>
    %swap3A_142 = arith.constant 0 : index
    %swap3A_143 = arith.constant 0 : index
    %swap3A_144 = arith.constant 0 : index
    %swap3A_145 = arith.constant 0 : index
    %swap3A_146 = arith.constant 0 : index
    %swap3A_147 = vector.load %arg15[%swap3A_142, %swap3A_143, %swap3A_144, %swap3A_145, %swap3A_146] : memref<1x36x1x42x200xf32, #tpu.memory_space<vmem>>, vector<1x1x1x42x200xf32>
    %swap3A_148 = vector.shape_cast %swap3A_147 : vector<1x1x1x42x200xf32> to vector<42x200xf32>
    %swap3A_149 = vector.shape_cast %concatenate3A : vector<42x200xf32> to vector<1x1x1x42x200xf32>
    tpu.vector_store %arg15[%swap3A_142, %swap3A_143, %swap3A_144, %swap3A_145, %swap3A_146], %swap3A_149 {strides = array<i32>} : memref<1x36x1x42x200xf32, #tpu.memory_space<vmem>>, vector<1x1x1x42x200xf32>,
    %get3A_150 = arith.constant 0 : index
    %get3A_151 = arith.constant 1 : index
    %get3A_152 = arith.constant 0 : index
    %get3A_153 = arith.constant 0 : index
    %get3A_154 = arith.constant 0 : index
    %get3A_155 = vector.load %arg3[%get3A_150, %get3A_151, %get3A_152, %get3A_153, %get3A_154] : memref<1x36x1x64x200xf32, #tpu.memory_space<vmem>>, vector<1x1x1x64x200xf32>
    %get3A_156 = vector.shape_cast %get3A_155 : vector<1x1x1x64x200xf32> to vector<64x200xf32>
    %get3A_157 = arith.constant 0 : index
    %get3A_158 = arith.constant 0 : index
    %get3A_159 = vector.load %arg4[%get3A_157, %get3A_158] : memref<64x64xf32, #tpu.memory_space<vmem>>, vector<64x64xf32>
    %dot_general3A_160 = arith.constant dense<0.000000e+00> : vector<64x200xf32>
    %dot_general3A_161 = tpu.matmul %get3A_159, %get3A_156, %dot_general3A_160 {dimension_numbers = #tpu.dot_dimension_numbers<[1], [0], [0], [1], [0, 0, 1, 1], [], []>, transpose_lhs_hint = false} : vector<64x64xf32>, vector<64x200xf32>, vector<64x200xf32> -> vector<64x200xf32>
    %get3A_162 = arith.constant 0 : index
    %get3A_163 = arith.constant 0 : index
    %get3A_164 = vector.load %arg5[%get3A_162, %get3A_163] : memref<64x1xf32, #tpu.memory_space<vmem>>, vector<64x1xf32>
    %add3A_165 = vector.broadcast %get3A_164 : vector<64x1xf32> to vector<64x200xf32>
    %add3A_166 = arith.addf %dot_general3A_161, %add3A_165 : vector<64x200xf32>
    %max3A_167 = arith.constant 0.000000e+00 : f32
    %max3A_168 = vector.broadcast %max3A_167 : f32 to vector<64x200xf32>
    %max3A_169 = arith.maximumf %add3A_166, %max3A_168 : vector<64x200xf32>
    %get3A_170 = arith.constant 0 : index
    %get3A_171 = arith.constant 0 : index
    %get3A_172 = vector.load %arg6[%get3A_170, %get3A_171] : memref<24x64xf32, #tpu.memory_space<vmem>>, vector<24x64xf32>
    %dot_general3A_173 = arith.constant dense<0.000000e+00> : vector<24x200xf32>
    %dot_general3A_174 = tpu.matmul %get3A_172, %max3A_169, %dot_general3A_173 {dimension_numbers = #tpu.dot_dimension_numbers<[1], [0], [0], [1], [0, 0, 1, 1], [], []>, transpose_lhs_hint = false} : vector<24x64xf32>, vector<64x200xf32>, vector<24x200xf32> -> vector<24x200xf32>
    %get3A_175 = arith.constant 0 : index
    %get3A_176 = arith.constant 0 : index
    %get3A_177 = vector.load %arg7[%get3A_175, %get3A_176] : memref<24x1xf32, #tpu.memory_space<vmem>>, vector<24x1xf32>
    %add3A_178 = vector.broadcast %get3A_177 : vector<24x1xf32> to vector<24x200xf32>
    %add3A_179 = arith.addf %dot_general3A_174, %add3A_178 : vector<24x200xf32>
    %swap3A_180 = arith.constant 0 : index
    %swap3A_181 = arith.constant 1 : index
    %swap3A_182 = arith.constant 0 : index
    %swap3A_183 = arith.constant 0 : index
    %swap3A_184 = arith.constant 0 : index
    %swap3A_185 = vector.load %arg14[%swap3A_180, %swap3A_181, %swap3A_182, %swap3A_183, %swap3A_184] : memref<1x36x1x24x200xf32, #tpu.memory_space<vmem>>, vector<1x1x1x24x200xf32>
    %swap3A_186 = vector.shape_cast %swap3A_185 : vector<1x1x1x24x200xf32> to vector<24x200xf32>
    %swap3A_187 = vector.shape_cast %add3A_179 : vector<24x200xf32> to vector<1x1x1x24x200xf32>
    tpu.vector_store %arg14[%swap3A_180, %swap3A_181, %swap3A_182, %swap3A_183, %swap3A_184], %swap3A_187 {strides = array<i32>} : memref<1x36x1x24x200xf32, #tpu.memory_space<vmem>>, vector<1x1x1x24x200xf32>,
    %get3A_188 = arith.constant 0 : index
    %get3A_189 = arith.constant 0 : index
    %get3A_190 = vector.load %arg8[%get3A_188, %get3A_189] : memref<64x64xf32, #tpu.memory_space<vmem>>, vector<64x64xf32>
    %dot_general3A_191 = arith.constant dense<0.000000e+00> : vector<64x200xf32>
    %dot_general3A_192 = tpu.matmul %get3A_190, %get3A_156, %dot_general3A_191 {dimension_numbers = #tpu.dot_dimension_numbers<[1], [0], [0], [1], [0, 0, 1, 1], [], []>, transpose_lhs_hint = false} : vector<64x64xf32>, vector<64x200xf32>, vector<64x200xf32> -> vector<64x200xf32>
    %get3A_193 = arith.constant 0 : index
    %get3A_194 = arith.constant 0 : index
    %get3A_195 = vector.load %arg9[%get3A_193, %get3A_194] : memref<64x1xf32, #tpu.memory_space<vmem>>, vector<64x1xf32>
    %add3A_196 = vector.broadcast %get3A_195 : vector<64x1xf32> to vector<64x200xf32>
    %add3A_197 = arith.addf %dot_general3A_192, %add3A_196 : vector<64x200xf32>
    %max3A_198 = arith.constant 0.000000e+00 : f32
    %max3A_199 = vector.broadcast %max3A_198 : f32 to vector<64x200xf32>
    %max3A_200 = arith.maximumf %add3A_197, %max3A_199 : vector<64x200xf32>
    %get3A_201 = arith.constant 0 : index
    %get3A_202 = arith.constant 0 : index
    %get3A_203 = vector.load %arg10[%get3A_201, %get3A_202] : memref<42x64xf32, #tpu.memory_space<vmem>>, vector<42x64xf32>
    %dot_general3A_204 = arith.constant dense<0.000000e+00> : vector<42x200xf32>
    %dot_general3A_205 = tpu.matmul %get3A_203, %max3A_200, %dot_general3A_204 {dimension_numbers = #tpu.dot_dimension_numbers<[1], [0], [0], [1], [0, 0, 1, 1], [], []>, transpose_lhs_hint = false} : vector<42x64xf32>, vector<64x200xf32>, vector<42x200xf32> -> vector<42x200xf32>
    %get3A_206 = arith.constant 0 : index
    %get3A_207 = arith.constant 0 : index
    %get3A_208 = vector.load %arg11[%get3A_206, %get3A_207] : memref<42x1xf32, #tpu.memory_space<vmem>>, vector<42x1xf32>
    %add3A_209 = vector.broadcast %get3A_208 : vector<42x1xf32> to vector<42x200xf32>
    %add3A_210 = arith.addf %dot_general3A_205, %add3A_209 : vector<42x200xf32>
    %add3A_211 = arith.constant 1 : i32
    %add3A_212 = arith.addi %mul3A_0, %add3A_211 : i32
    %convert_element_type3A_213 = arith.sitofp %add3A_212 : i32 to f32
    %mul3A_214 = arith.constant 4.000000e-01 : f32
    %mul3A_215 = arith.mulf %mul3A_214, %convert_element_type3A_213 : f32
    %add3A_216 = arith.constant 0.000000e+00 : f32
    %add3A_217 = arith.addf %add3A_216, %mul3A_215 : f32
    %add3A_218 = arith.constant 2.000000e-01 : f32
    %add3A_219 = arith.addf %add3A_217, %add3A_218 : f32
    %slice3A_220 = vector.extract_strided_slice %add3A_210 {offsets = [0, 0], sizes = [36, 200], strides = [1, 1]} : vector<42x200xf32> to vector<36x200xf32>
    %mul3A_221 = vector.broadcast %get3A_17 : vector<36x1xf32> to vector<36x200xf32>
    %mul3A_222 = arith.mulf %slice3A_220, %mul3A_221 : vector<36x200xf32>
    %mul3A_223 = vector.broadcast %add3A_219 : f32 to vector<36x1xf32>
    %mul3A_224 = arith.mulf %mul3A_223, %get3A_38 : vector<36x1xf32>
    %add3A_225 = vector.broadcast %mul3A_224 : vector<36x1xf32> to vector<36x200xf32>
    %add3A_226 = arith.addf %add3A_35, %add3A_225 : vector<36x200xf32>
    %add3A_227 = arith.addf %mul3A_222, %add3A_226 : vector<36x200xf32>
    %exp3A_228 = math.exp %slice3A_220 : vector<36x200xf32>
    %mul3A_229 = vector.broadcast %get3A_17 : vector<36x1xf32> to vector<36x200xf32>
    %mul3A_230 = arith.mulf %exp3A_228, %mul3A_229 : vector<36x200xf32>
    %broadcast_in_dim3A_231 = vector.shape_cast %gt3A_22 : vector<36x1xi1> to vector<36x1xi1>
    %broadcast_in_dim3A_232 = vector.broadcast %broadcast_in_dim3A_231 : vector<36x1xi1> to vector<36x200xi1>
    %select_n3A_233 = arith.select %broadcast_in_dim3A_232, %add3A_227, %mul3A_230 : vector<36x200xi1>, vector<36x200xf32>
    %slice3A_234 = vector.extract_strided_slice %add3A_210 {offsets = [36, 0], sizes = [6, 200], strides = [1, 1]} : vector<42x200xf32> to vector<6x200xf32>
    %logistic3A_235 = arith.negf %slice3A_234 : vector<6x200xf32>
    %logistic3A_236 = math.exp %logistic3A_235 : vector<6x200xf32>
    %logistic3A_237 = arith.constant 1.000000e+00 : f32
    %logistic3A_238 = vector.broadcast %logistic3A_237 : f32 to vector<6x200xf32>
    %logistic3A_239 = arith.addf %logistic3A_238, %logistic3A_236 : vector<6x200xf32>
    %logistic3A_240 = arith.divf %logistic3A_238, %logistic3A_239 : vector<6x200xf32>
    %mul3A_241 = vector.broadcast %get3A_41 : vector<6x1xf32> to vector<6x200xf32>
    %mul3A_242 = arith.mulf %logistic3A_240, %mul3A_241 : vector<6x200xf32>
    %mul3A_243 = arith.mulf %mul3A_242, %mul3A_242 : vector<6x200xf32>
    %sub3A_244 = arith.constant 1.000000e+00 : f32
    %sub3A_245 = vector.broadcast %sub3A_244 : f32 to vector<6x200xf32>
    %sub3A_246 = arith.subf %sub3A_245, %mul3A_243 : vector<6x200xf32>
    %sqrt3A_247 = math.sqrt %sub3A_246 : vector<6x200xf32>
    %atan23A_248 = math.atan2 %mul3A_242, %sqrt3A_247 : vector<6x200xf32>
    %slice3A_249 = vector.extract_strided_slice %select_n3A_233 {offsets = [0, 0], sizes = [6, 200], strides = [1, 1]} : vector<36x200xf32> to vector<6x200xf32>
    %slice3A_250 = vector.extract_strided_slice %atan23A_248 {offsets = [0, 0], sizes = [1, 200], strides = [1, 1]} : vector<6x200xf32> to vector<1x200xf32>
    %slice3A_251 = vector.extract_strided_slice %select_n3A_233 {offsets = [6, 0], sizes = [6, 200], strides = [1, 1]} : vector<36x200xf32> to vector<6x200xf32>
    %slice3A_252 = vector.extract_strided_slice %atan23A_248 {offsets = [1, 0], sizes = [1, 200], strides = [1, 1]} : vector<6x200xf32> to vector<1x200xf32>
    %slice3A_253 = vector.extract_strided_slice %select_n3A_233 {offsets = [12, 0], sizes = [6, 200], strides = [1, 1]} : vector<36x200xf32> to vector<6x200xf32>
    %slice3A_254 = vector.extract_strided_slice %atan23A_248 {offsets = [2, 0], sizes = [1, 200], strides = [1, 1]} : vector<6x200xf32> to vector<1x200xf32>
    %slice3A_255 = vector.extract_strided_slice %select_n3A_233 {offsets = [18, 0], sizes = [6, 200], strides = [1, 1]} : vector<36x200xf32> to vector<6x200xf32>
    %slice3A_256 = vector.extract_strided_slice %atan23A_248 {offsets = [3, 0], sizes = [1, 200], strides = [1, 1]} : vector<6x200xf32> to vector<1x200xf32>
    %slice3A_257 = vector.extract_strided_slice %select_n3A_233 {offsets = [24, 0], sizes = [6, 200], strides = [1, 1]} : vector<36x200xf32> to vector<6x200xf32>
    %slice3A_258 = vector.extract_strided_slice %atan23A_248 {offsets = [4, 0], sizes = [1, 200], strides = [1, 1]} : vector<6x200xf32> to vector<1x200xf32>
    %slice3A_259 = vector.extract_strided_slice %select_n3A_233 {offsets = [30, 0], sizes = [6, 200], strides = [1, 1]} : vector<36x200xf32> to vector<6x200xf32>
    %slice3A_260 = vector.extract_strided_slice %atan23A_248 {offsets = [5, 0], sizes = [1, 200], strides = [1, 1]} : vector<6x200xf32> to vector<1x200xf32>
    %concatenate3A_261 = tpu.concatenate %slice3A_249, %slice3A_250, %slice3A_251, %slice3A_252, %slice3A_253, %slice3A_254, %slice3A_255, %slice3A_256, %slice3A_257, %slice3A_258, %slice3A_259, %slice3A_260 in 0 : vector<6x200xf32>, vector<1x200xf32>, vector<6x200xf32>, vector<1x200xf32>, vector<6x200xf32>, vector<1x200xf32>, vector<6x200xf32>, vector<1x200xf32>, vector<6x200xf32>, vector<1x200xf32>, vector<6x200xf32>, vector<1x200xf32> -> vector<42x200xf32>
    %swap3A_262 = arith.constant 0 : index
    %swap3A_263 = arith.constant 1 : index
    %swap3A_264 = arith.constant 0 : index
    %swap3A_265 = arith.constant 0 : index
    %swap3A_266 = arith.constant 0 : index
    %swap3A_267 = vector.load %arg15[%swap3A_262, %swap3A_263, %swap3A_264, %swap3A_265, %swap3A_266] : memref<1x36x1x42x200xf32, #tpu.memory_space<vmem>>, vector<1x1x1x42x200xf32>
    %swap3A_268 = vector.shape_cast %swap3A_267 : vector<1x1x1x42x200xf32> to vector<42x200xf32>
    %swap3A_269 = vector.shape_cast %concatenate3A_261 : vector<42x200xf32> to vector<1x1x1x42x200xf32>
    tpu.vector_store %arg15[%swap3A_262, %swap3A_263, %swap3A_264, %swap3A_265, %swap3A_266], %swap3A_269 {strides = array<i32>} : memref<1x36x1x42x200xf32, #tpu.memory_space<vmem>>, vector<1x1x1x42x200xf32>,
    %get3A_270 = arith.constant 0 : index
    %get3A_271 = arith.constant 2 : index
    %get3A_272 = arith.constant 0 : index
    %get3A_273 = arith.constant 0 : index
    %get3A_274 = arith.constant 0 : index
    %get3A_275 = vector.load %arg3[%get3A_270, %get3A_271, %get3A_272, %get3A_273, %get3A_274] : memref<1x36x1x64x200xf32, #tpu.memory_space<vmem>>, vector<1x1x1x64x200xf32>
    %get3A_276 = vector.shape_cast %get3A_275 : vector<1x1x1x64x200xf32> to vector<64x200xf32>
    %get3A_277 = arith.constant 0 : index
    %get3A_278 = arith.constant 0 : index
    %get3A_279 = vector.load %arg4[%get3A_277, %get3A_278] : memref<64x64xf32, #tpu.memory_space<vmem>>, vector<64x64xf32>
    %dot_general3A_280 = arith.constant dense<0.000000e+00> : vector<64x200xf32>
    %dot_general3A_281 = tpu.matmul %get3A_279, %get3A_276, %dot_general3A_280 {dimension_numbers = #tpu.dot_dimension_numbers<[1], [0], [0], [1], [0, 0, 1, 1], [], []>, transpose_lhs_hint = false} : vector<64x64xf32>, vector<64x200xf32>, vector<64x200xf32> -> vector<64x200xf32>
    %get3A_282 = arith.constant 0 : index
    %get3A_283 = arith.constant 0 : index
    %get3A_284 = vector.load %arg5[%get3A_282, %get3A_283] : memref<64x1xf32, #tpu.memory_space<vmem>>, vector<64x1xf32>
    %add3A_285 = vector.broadcast %get3A_284 : vector<64x1xf32> to vector<64x200xf32>
    %add3A_286 = arith.addf %dot_general3A_281, %add3A_285 : vector<64x200xf32>
    %max3A_287 = arith.constant 0.000000e+00 : f32
    %max3A_288 = vector.broadcast %max3A_287 : f32 to vector<64x200xf32>
    %max3A_289 = arith.maximumf %add3A_286, %max3A_288 : vector<64x200xf32>
    %get3A_290 = arith.constant 0 : index
    %get3A_291 = arith.constant 0 : index
    %get3A_292 = vector.load %arg6[%get3A_290, %get3A_291] : memref<24x64xf32, #tpu.memory_space<vmem>>, vector<24x64xf32>
    %dot_general3A_293 = arith.constant dense<0.000000e+00> : vector<24x200xf32>
    %dot_general3A_294 = tpu.matmul %get3A_292, %max3A_289, %dot_general3A_293 {dimension_numbers = #tpu.dot_dimension_numbers<[1], [0], [0], [1], [0, 0, 1, 1], [], []>, transpose_lhs_hint = false} : vector<24x64xf32>, vector<64x200xf32>, vector<24x200xf32> -> vector<24x200xf32>
    %get3A_295 = arith.constant 0 : index
    %get3A_296 = arith.constant 0 : index
    %get3A_297 = vector.load %arg7[%get3A_295, %get3A_296] : memref<24x1xf32, #tpu.memory_space<vmem>>, vector<24x1xf32>
    %add3A_298 = vector.broadcast %get3A_297 : vector<24x1xf32> to vector<24x200xf32>
    %add3A_299 = arith.addf %dot_general3A_294, %add3A_298 : vector<24x200xf32>
    %swap3A_300 = arith.constant 0 : index
    %swap3A_301 = arith.constant 2 : index
    %swap3A_302 = arith.constant 0 : index
    %swap3A_303 = arith.constant 0 : index
    %swap3A_304 = arith.constant 0 : index
    %swap3A_305 = vector.load %arg14[%swap3A_300, %swap3A_301, %swap3A_302, %swap3A_303, %swap3A_304] : memref<1x36x1x24x200xf32, #tpu.memory_space<vmem>>, vector<1x1x1x24x200xf32>
    %swap3A_306 = vector.shape_cast %swap3A_305 : vector<1x1x1x24x200xf32> to vector<24x200xf32>
    %swap3A_307 = vector.shape_cast %add3A_299 : vector<24x200xf32> to vector<1x1x1x24x200xf32>
    tpu.vector_store %arg14[%swap3A_300, %swap3A_301, %swap3A_302, %swap3A_303, %swap3A_304], %swap3A_307 {strides = array<i32>} : memref<1x36x1x24x200xf32, #tpu.memory_space<vmem>>, vector<1x1x1x24x200xf32>,
    %get3A_308 = arith.constant 0 : index
    %get3A_309 = arith.constant 0 : index
    %get3A_310 = vector.load %arg8[%get3A_308, %get3A_309] : memref<64x64xf32, #tpu.memory_space<vmem>>, vector<64x64xf32>
    %dot_general3A_311 = arith.constant dense<0.000000e+00> : vector<64x200xf32>
    %dot_general3A_312 = tpu.matmul %get3A_310, %get3A_276, %dot_general3A_311 {dimension_numbers = #tpu.dot_dimension_numbers<[1], [0], [0], [1], [0, 0, 1, 1], [], []>, transpose_lhs_hint = false} : vector<64x64xf32>, vector<64x200xf32>, vector<64x200xf32> -> vector<64x200xf32>
    %get3A_313 = arith.constant 0 : index
    %get3A_314 = arith.constant 0 : index
    %get3A_315 = vector.load %arg9[%get3A_313, %get3A_314] : memref<64x1xf32, #tpu.memory_space<vmem>>, vector<64x1xf32>
    %add3A_316 = vector.broadcast %get3A_315 : vector<64x1xf32> to vector<64x200xf32>
    %add3A_317 = arith.addf %dot_general3A_312, %add3A_316 : vector<64x200xf32>
    %max3A_318 = arith.constant 0.000000e+00 : f32
    %max3A_319 = vector.broadcast %max3A_318 : f32 to vector<64x200xf32>
    %max3A_320 = arith.maximumf %add3A_317, %max3A_319 : vector<64x200xf32>
    %get3A_321 = arith.constant 0 : index
    %get3A_322 = arith.constant 0 : index
    %get3A_323 = vector.load %arg10[%get3A_321, %get3A_322] : memref<42x64xf32, #tpu.memory_space<vmem>>, vector<42x64xf32>
    %dot_general3A_324 = arith.constant dense<0.000000e+00> : vector<42x200xf32>
    %dot_general3A_325 = tpu.matmul %get3A_323, %max3A_320, %dot_general3A_324 {dimension_numbers = #tpu.dot_dimension_numbers<[1], [0], [0], [1], [0, 0, 1, 1], [], []>, transpose_lhs_hint = false} : vector<42x64xf32>, vector<64x200xf32>, vector<42x200xf32> -> vector<42x200xf32>
    %get3A_326 = arith.constant 0 : index
    %get3A_327 = arith.constant 0 : index
    %get3A_328 = vector.load %arg11[%get3A_326, %get3A_327] : memref<42x1xf32, #tpu.memory_space<vmem>>, vector<42x1xf32>
    %add3A_329 = vector.broadcast %get3A_328 : vector<42x1xf32> to vector<42x200xf32>
    %add3A_330 = arith.addf %dot_general3A_325, %add3A_329 : vector<42x200xf32>
    %add3A_331 = arith.constant 2 : i32
    %add3A_332 = arith.addi %mul3A_0, %add3A_331 : i32
    %convert_element_type3A_333 = arith.sitofp %add3A_332 : i32 to f32
    %mul3A_334 = arith.constant 4.000000e-01 : f32
    %mul3A_335 = arith.mulf %mul3A_334, %convert_element_type3A_333 : f32
    %add3A_336 = arith.constant 0.000000e+00 : f32
    %add3A_337 = arith.addf %add3A_336, %mul3A_335 : f32
    %add3A_338 = arith.constant 2.000000e-01 : f32
    %add3A_339 = arith.addf %add3A_337, %add3A_338 : f32
    %slice3A_340 = vector.extract_strided_slice %add3A_330 {offsets = [0, 0], sizes = [36, 200], strides = [1, 1]} : vector<42x200xf32> to vector<36x200xf32>
    %mul3A_341 = vector.broadcast %get3A_17 : vector<36x1xf32> to vector<36x200xf32>
    %mul3A_342 = arith.mulf %slice3A_340, %mul3A_341 : vector<36x200xf32>
    %mul3A_343 = vector.broadcast %add3A_339 : f32 to vector<36x1xf32>
    %mul3A_344 = arith.mulf %mul3A_343, %get3A_38 : vector<36x1xf32>
    %add3A_345 = vector.broadcast %mul3A_344 : vector<36x1xf32> to vector<36x200xf32>
    %add3A_346 = arith.addf %add3A_35, %add3A_345 : vector<36x200xf32>
    %add3A_347 = arith.addf %mul3A_342, %add3A_346 : vector<36x200xf32>
    %exp3A_348 = math.exp %slice3A_340 : vector<36x200xf32>
    %mul3A_349 = vector.broadcast %get3A_17 : vector<36x1xf32> to vector<36x200xf32>
    %mul3A_350 = arith.mulf %exp3A_348, %mul3A_349 : vector<36x200xf32>
    %broadcast_in_dim3A_351 = vector.shape_cast %gt3A_22 : vector<36x1xi1> to vector<36x1xi1>
    %broadcast_in_dim3A_352 = vector.broadcast %broadcast_in_dim3A_351 : vector<36x1xi1> to vector<36x200xi1>
    %select_n3A_353 = arith.select %broadcast_in_dim3A_352, %add3A_347, %mul3A_350 : vector<36x200xi1>, vector<36x200xf32>
    %slice3A_354 = vector.extract_strided_slice %add3A_330 {offsets = [36, 0], sizes = [6, 200], strides = [1, 1]} : vector<42x200xf32> to vector<6x200xf32>
    %logistic3A_355 = arith.negf %slice3A_354 : vector<6x200xf32>
    %logistic3A_356 = math.exp %logistic3A_355 : vector<6x200xf32>
    %logistic3A_357 = arith.constant 1.000000e+00 : f32
    %logistic3A_358 = vector.broadcast %logistic3A_357 : f32 to vector<6x200xf32>
    %logistic3A_359 = arith.addf %logistic3A_358, %logistic3A_356 : vector<6x200xf32>
    %logistic3A_360 = arith.divf %logistic3A_358, %logistic3A_359 : vector<6x200xf32>
    %mul3A_361 = vector.broadcast %get3A_41 : vector<6x1xf32> to vector<6x200xf32>
    %mul3A_362 = arith.mulf %logistic3A_360, %mul3A_361 : vector<6x200xf32>
    %mul3A_363 = arith.mulf %mul3A_362, %mul3A_362 : vector<6x200xf32>
    %sub3A_364 = arith.constant 1.000000e+00 : f32
    %sub3A_365 = vector.broadcast %sub3A_364 : f32 to vector<6x200xf32>
    %sub3A_366 = arith.subf %sub3A_365, %mul3A_363 : vector<6x200xf32>
    %sqrt3A_367 = math.sqrt %sub3A_366 : vector<6x200xf32>
    %atan23A_368 = math.atan2 %mul3A_362, %sqrt3A_367 : vector<6x200xf32>
    %slice3A_369 = vector.extract_strided_slice %select_n3A_353 {offsets = [0, 0], sizes = [6, 200], strides = [1, 1]} : vector<36x200xf32> to vector<6x200xf32>
    %slice3A_370 = vector.extract_strided_slice %atan23A_368 {offsets = [0, 0], sizes = [1, 200], strides = [1, 1]} : vector<6x200xf32> to vector<1x200xf32>
    %slice3A_371 = vector.extract_strided_slice %select_n3A_353 {offsets = [6, 0], sizes = [6, 200], strides = [1, 1]} : vector<36x200xf32> to vector<6x200xf32>
    %slice3A_372 = vector.extract_strided_slice %atan23A_368 {offsets = [1, 0], sizes = [1, 200], strides = [1, 1]} : vector<6x200xf32> to vector<1x200xf32>
    %slice3A_373 = vector.extract_strided_slice %select_n3A_353 {offsets = [12, 0], sizes = [6, 200], strides = [1, 1]} : vector<36x200xf32> to vector<6x200xf32>
    %slice3A_374 = vector.extract_strided_slice %atan23A_368 {offsets = [2, 0], sizes = [1, 200], strides = [1, 1]} : vector<6x200xf32> to vector<1x200xf32>
    %slice3A_375 = vector.extract_strided_slice %select_n3A_353 {offsets = [18, 0], sizes = [6, 200], strides = [1, 1]} : vector<36x200xf32> to vector<6x200xf32>
    %slice3A_376 = vector.extract_strided_slice %atan23A_368 {offsets = [3, 0], sizes = [1, 200], strides = [1, 1]} : vector<6x200xf32> to vector<1x200xf32>
    %slice3A_377 = vector.extract_strided_slice %select_n3A_353 {offsets = [24, 0], sizes = [6, 200], strides = [1, 1]} : vector<36x200xf32> to vector<6x200xf32>
    %slice3A_378 = vector.extract_strided_slice %atan23A_368 {offsets = [4, 0], sizes = [1, 200], strides = [1, 1]} : vector<6x200xf32> to vector<1x200xf32>
    %slice3A_379 = vector.extract_strided_slice %select_n3A_353 {offsets = [30, 0], sizes = [6, 200], strides = [1, 1]} : vector<36x200xf32> to vector<6x200xf32>
    %slice3A_380 = vector.extract_strided_slice %atan23A_368 {offsets = [5, 0], sizes = [1, 200], strides = [1, 1]} : vector<6x200xf32> to vector<1x200xf32>
    %concatenate3A_381 = tpu.concatenate %slice3A_369, %slice3A_370, %slice3A_371, %slice3A_372, %slice3A_373, %slice3A_374, %slice3A_375, %slice3A_376, %slice3A_377, %slice3A_378, %slice3A_379, %slice3A_380 in 0 : vector<6x200xf32>, vector<1x200xf32>, vector<6x200xf32>, vector<1x200xf32>, vector<6x200xf32>, vector<1x200xf32>, vector<6x200xf32>, vector<1x200xf32>, vector<6x200xf32>, vector<1x200xf32>, vector<6x200xf32>, vector<1x200xf32> -> vector<42x200xf32>
    %swap3A_382 = arith.constant 0 : index
    %swap3A_383 = arith.constant 2 : index
    %swap3A_384 = arith.constant 0 : index
    %swap3A_385 = arith.constant 0 : index
    %swap3A_386 = arith.constant 0 : index
    %swap3A_387 = vector.load %arg15[%swap3A_382, %swap3A_383, %swap3A_384, %swap3A_385, %swap3A_386] : memref<1x36x1x42x200xf32, #tpu.memory_space<vmem>>, vector<1x1x1x42x200xf32>
    %swap3A_388 = vector.shape_cast %swap3A_387 : vector<1x1x1x42x200xf32> to vector<42x200xf32>
    %swap3A_389 = vector.shape_cast %concatenate3A_381 : vector<42x200xf32> to vector<1x1x1x42x200xf32>
    tpu.vector_store %arg15[%swap3A_382, %swap3A_383, %swap3A_384, %swap3A_385, %swap3A_386], %swap3A_389 {strides = array<i32>} : memref<1x36x1x42x200xf32, #tpu.memory_space<vmem>>, vector<1x1x1x42x200xf32>,
    %get3A_390 = arith.constant 0 : index
    %get3A_391 = arith.constant 3 : index
    %get3A_392 = arith.constant 0 : index
    %get3A_393 = arith.constant 0 : index
    %get3A_394 = arith.constant 0 : index
    %get3A_395 = vector.load %arg3[%get3A_390, %get3A_391, %get3A_392, %get3A_393, %get3A_394] : memref<1x36x1x64x200xf32, #tpu.memory_space<vmem>>, vector<1x1x1x64x200xf32>
    %get3A_396 = vector.shape_cast %get3A_395 : vector<1x1x1x64x200xf32> to vector<64x200xf32>
    %get3A_397 = arith.constant 0 : index
    %get3A_398 = arith.constant 0 : index
    %get3A_399 = vector.load %arg4[%get3A_397, %get3A_398] : memref<64x64xf32, #tpu.memory_space<vmem>>, vector<64x64xf32>
    %dot_general3A_400 = arith.constant dense<0.000000e+00> : vector<64x200xf32>
    %dot_general3A_401 = tpu.matmul %get3A_399, %get3A_396, %dot_general3A_400 {dimension_numbers = #tpu.dot_dimension_numbers<[1], [0], [0], [1], [0, 0, 1, 1], [], []>, transpose_lhs_hint = false} : vector<64x64xf32>, vector<64x200xf32>, vector<64x200xf32> -> vector<64x200xf32>
    %get3A_402 = arith.constant 0 : index
    %get3A_403 = arith.constant 0 : index
    %get3A_404 = vector.load %arg5[%get3A_402, %get3A_403] : memref<64x1xf32, #tpu.memory_space<vmem>>, vector<64x1xf32>
    %add3A_405 = vector.broadcast %get3A_404 : vector<64x1xf32> to vector<64x200xf32>
    %add3A_406 = arith.addf %dot_general3A_401, %add3A_405 : vector<64x200xf32>
    %max3A_407 = arith.constant 0.000000e+00 : f32
    %max3A_408 = vector.broadcast %max3A_407 : f32 to vector<64x200xf32>
    %max3A_409 = arith.maximumf %add3A_406, %max3A_408 : vector<64x200xf32>
    %get3A_410 = arith.constant 0 : index
    %get3A_411 = arith.constant 0 : index
    %get3A_412 = vector.load %arg6[%get3A_410, %get3A_411] : memref<24x64xf32, #tpu.memory_space<vmem>>, vector<24x64xf32>
    %dot_general3A_413 = arith.constant dense<0.000000e+00> : vector<24x200xf32>
    %dot_general3A_414 = tpu.matmul %get3A_412, %max3A_409, %dot_general3A_413 {dimension_numbers = #tpu.dot_dimension_numbers<[1], [0], [0], [1], [0, 0, 1, 1], [], []>, transpose_lhs_hint = false} : vector<24x64xf32>, vector<64x200xf32>, vector<24x200xf32> -> vector<24x200xf32>
    %get3A_415 = arith.constant 0 : index
    %get3A_416 = arith.constant 0 : index
    %get3A_417 = vector.load %arg7[%get3A_415, %get3A_416] : memref<24x1xf32, #tpu.memory_space<vmem>>, vector<24x1xf32>
    %add3A_418 = vector.broadcast %get3A_417 : vector<24x1xf32> to vector<24x200xf32>
    %add3A_419 = arith.addf %dot_general3A_414, %add3A_418 : vector<24x200xf32>
    %swap3A_420 = arith.constant 0 : index
    %swap3A_421 = arith.constant 3 : index
    %swap3A_422 = arith.constant 0 : index
    %swap3A_423 = arith.constant 0 : index
    %swap3A_424 = arith.constant 0 : index
    %swap3A_425 = vector.load %arg14[%swap3A_420, %swap3A_421, %swap3A_422, %swap3A_423, %swap3A_424] : memref<1x36x1x24x200xf32, #tpu.memory_space<vmem>>, vector<1x1x1x24x200xf32>
    %swap3A_426 = vector.shape_cast %swap3A_425 : vector<1x1x1x24x200xf32> to vector<24x200xf32>
    %swap3A_427 = vector.shape_cast %add3A_419 : vector<24x200xf32> to vector<1x1x1x24x200xf32>
    tpu.vector_store %arg14[%swap3A_420, %swap3A_421, %swap3A_422, %swap3A_423, %swap3A_424], %swap3A_427 {strides = array<i32>} : memref<1x36x1x24x200xf32, #tpu.memory_space<vmem>>, vector<1x1x1x24x200xf32>,
    %get3A_428 = arith.constant 0 : index
    %get3A_429 = arith.constant 0 : index
    %get3A_430 = vector.load %arg8[%get3A_428, %get3A_429] : memref<64x64xf32, #tpu.memory_space<vmem>>, vector<64x64xf32>
    %dot_general3A_431 = arith.constant dense<0.000000e+00> : vector<64x200xf32>
    %dot_general3A_432 = tpu.matmul %get3A_430, %get3A_396, %dot_general3A_431 {dimension_numbers = #tpu.dot_dimension_numbers<[1], [0], [0], [1], [0, 0, 1, 1], [], []>, transpose_lhs_hint = false} : vector<64x64xf32>, vector<64x200xf32>, vector<64x200xf32> -> vector<64x200xf32>
    %get3A_433 = arith.constant 0 : index
    %get3A_434 = arith.constant 0 : index
    %get3A_435 = vector.load %arg9[%get3A_433, %get3A_434] : memref<64x1xf32, #tpu.memory_space<vmem>>, vector<64x1xf32>
    %add3A_436 = vector.broadcast %get3A_435 : vector<64x1xf32> to vector<64x200xf32>
    %add3A_437 = arith.addf %dot_general3A_432, %add3A_436 : vector<64x200xf32>
    %max3A_438 = arith.constant 0.000000e+00 : f32
    %max3A_439 = vector.broadcast %max3A_438 : f32 to vector<64x200xf32>
    %max3A_440 = arith.maximumf %add3A_437, %max3A_439 : vector<64x200xf32>
    %get3A_441 = arith.constant 0 : index
    %get3A_442 = arith.constant 0 : index
    %get3A_443 = vector.load %arg10[%get3A_441, %get3A_442] : memref<42x64xf32, #tpu.memory_space<vmem>>, vector<42x64xf32>
    %dot_general3A_444 = arith.constant dense<0.000000e+00> : vector<42x200xf32>
    %dot_general3A_445 = tpu.matmul %get3A_443, %max3A_440, %dot_general3A_444 {dimension_numbers = #tpu.dot_dimension_numbers<[1], [0], [0], [1], [0, 0, 1, 1], [], []>, transpose_lhs_hint = false} : vector<42x64xf32>, vector<64x200xf32>, vector<42x200xf32> -> vector<42x200xf32>
    %get3A_446 = arith.constant 0 : index
    %get3A_447 = arith.constant 0 : index
    %get3A_448 = vector.load %arg11[%get3A_446, %get3A_447] : memref<42x1xf32, #tpu.memory_space<vmem>>, vector<42x1xf32>
    %add3A_449 = vector.broadcast %get3A_448 : vector<42x1xf32> to vector<42x200xf32>
    %add3A_450 = arith.addf %dot_general3A_445, %add3A_449 : vector<42x200xf32>
    %add3A_451 = arith.constant 3 : i32
    %add3A_452 = arith.addi %mul3A_0, %add3A_451 : i32
    %convert_element_type3A_453 = arith.sitofp %add3A_452 : i32 to f32
    %mul3A_454 = arith.constant 4.000000e-01 : f32
    %mul3A_455 = arith.mulf %mul3A_454, %convert_element_type3A_453 : f32
    %add3A_456 = arith.constant 0.000000e+00 : f32
    %add3A_457 = arith.addf %add3A_456, %mul3A_455 : f32
    %add3A_458 = arith.constant 2.000000e-01 : f32
    %add3A_459 = arith.addf %add3A_457, %add3A_458 : f32
    %slice3A_460 = vector.extract_strided_slice %add3A_450 {offsets = [0, 0], sizes = [36, 200], strides = [1, 1]} : vector<42x200xf32> to vector<36x200xf32>
    %mul3A_461 = vector.broadcast %get3A_17 : vector<36x1xf32> to vector<36x200xf32>
    %mul3A_462 = arith.mulf %slice3A_460, %mul3A_461 : vector<36x200xf32>
    %mul3A_463 = vector.broadcast %add3A_459 : f32 to vector<36x1xf32>
    %mul3A_464 = arith.mulf %mul3A_463, %get3A_38 : vector<36x1xf32>
    %add3A_465 = vector.broadcast %mul3A_464 : vector<36x1xf32> to vector<36x200xf32>
    %add3A_466 = arith.addf %add3A_35, %add3A_465 : vector<36x200xf32>
    %add3A_467 = arith.addf %mul3A_462, %add3A_466 : vector<36x200xf32>
    %exp3A_468 = math.exp %slice3A_460 : vector<36x200xf32>
    %mul3A_469 = vector.broadcast %get3A_17 : vector<36x1xf32> to vector<36x200xf32>
    %mul3A_470 = arith.mulf %exp3A_468, %mul3A_469 : vector<36x200xf32>
    %broadcast_in_dim3A_471 = vector.shape_cast %gt3A_22 : vector<36x1xi1> to vector<36x1xi1>
    %broadcast_in_dim3A_472 = vector.broadcast %broadcast_in_dim3A_471 : vector<36x1xi1> to vector<36x200xi1>
    %select_n3A_473 = arith.select %broadcast_in_dim3A_472, %add3A_467, %mul3A_470 : vector<36x200xi1>, vector<36x200xf32>
    %slice3A_474 = vector.extract_strided_slice %add3A_450 {offsets = [36, 0], sizes = [6, 200], strides = [1, 1]} : vector<42x200xf32> to vector<6x200xf32>
    %logistic3A_475 = arith.negf %slice3A_474 : vector<6x200xf32>
    %logistic3A_476 = math.exp %logistic3A_475 : vector<6x200xf32>
    %logistic3A_477 = arith.constant 1.000000e+00 : f32
    %logistic3A_478 = vector.broadcast %logistic3A_477 : f32 to vector<6x200xf32>
    %logistic3A_479 = arith.addf %logistic3A_478, %logistic3A_476 : vector<6x200xf32>
    %logistic3A_480 = arith.divf %logistic3A_478, %logistic3A_479 : vector<6x200xf32>
    %mul3A_481 = vector.broadcast %get3A_41 : vector<6x1xf32> to vector<6x200xf32>
    %mul3A_482 = arith.mulf %logistic3A_480, %mul3A_481 : vector<6x200xf32>
    %mul3A_483 = arith.mulf %mul3A_482, %mul3A_482 : vector<6x200xf32>
    %sub3A_484 = arith.constant 1.000000e+00 : f32
    %sub3A_485 = vector.broadcast %sub3A_484 : f32 to vector<6x200xf32>
    %sub3A_486 = arith.subf %sub3A_485, %mul3A_483 : vector<6x200xf32>
    %sqrt3A_487 = math.sqrt %sub3A_486 : vector<6x200xf32>
    %atan23A_488 = math.atan2 %mul3A_482, %sqrt3A_487 : vector<6x200xf32>
    %slice3A_489 = vector.extract_strided_slice %select_n3A_473 {offsets = [0, 0], sizes = [6, 200], strides = [1, 1]} : vector<36x200xf32> to vector<6x200xf32>
    %slice3A_490 = vector.extract_strided_slice %atan23A_488 {offsets = [0, 0], sizes = [1, 200], strides = [1, 1]} : vector<6x200xf32> to vector<1x200xf32>
    %slice3A_491 = vector.extract_strided_slice %select_n3A_473 {offsets = [6, 0], sizes = [6, 200], strides = [1, 1]} : vector<36x200xf32> to vector<6x200xf32>
    %slice3A_492 = vector.extract_strided_slice %atan23A_488 {offsets = [1, 0], sizes = [1, 200], strides = [1, 1]} : vector<6x200xf32> to vector<1x200xf32>
    %slice3A_493 = vector.extract_strided_slice %select_n3A_473 {offsets = [12, 0], sizes = [6, 200], strides = [1, 1]} : vector<36x200xf32> to vector<6x200xf32>
    %slice3A_494 = vector.extract_strided_slice %atan23A_488 {offsets = [2, 0], sizes = [1, 200], strides = [1, 1]} : vector<6x200xf32> to vector<1x200xf32>
    %slice3A_495 = vector.extract_strided_slice %select_n3A_473 {offsets = [18, 0], sizes = [6, 200], strides = [1, 1]} : vector<36x200xf32> to vector<6x200xf32>
    %slice3A_496 = vector.extract_strided_slice %atan23A_488 {offsets = [3, 0], sizes = [1, 200], strides = [1, 1]} : vector<6x200xf32> to vector<1x200xf32>
    %slice3A_497 = vector.extract_strided_slice %select_n3A_473 {offsets = [24, 0], sizes = [6, 200], strides = [1, 1]} : vector<36x200xf32> to vector<6x200xf32>
    %slice3A_498 = vector.extract_strided_slice %atan23A_488 {offsets = [4, 0], sizes = [1, 200], strides = [1, 1]} : vector<6x200xf32> to vector<1x200xf32>
    %slice3A_499 = vector.extract_strided_slice %select_n3A_473 {offsets = [30, 0], sizes = [6, 200], strides = [1, 1]} : vector<36x200xf32> to vector<6x200xf32>
    %slice3A_500 = vector.extract_strided_slice %atan23A_488 {offsets = [5, 0], sizes = [1, 200], strides = [1, 1]} : vector<6x200xf32> to vector<1x200xf32>
    %concatenate3A_501 = tpu.concatenate %slice3A_489, %slice3A_490, %slice3A_491, %slice3A_492, %slice3A_493, %slice3A_494, %slice3A_495, %slice3A_496, %slice3A_497, %slice3A_498, %slice3A_499, %slice3A_500 in 0 : vector<6x200xf32>, vector<1x200xf32>, vector<6x200xf32>, vector<1x200xf32>, vector<6x200xf32>, vector<1x200xf32>, vector<6x200xf32>, vector<1x200xf32>, vector<6x200xf32>, vector<1x200xf32>, vector<6x200xf32>, vector<1x200xf32> -> vector<42x200xf32>
    %swap3A_502 = arith.constant 0 : index
    %swap3A_503 = arith.constant 3 : index
    %swap3A_504 = arith.constant 0 : index
    %swap3A_505 = arith.constant 0 : index
    %swap3A_506 = arith.constant 0 : index
    %swap3A_507 = vector.load %arg15[%swap3A_502, %swap3A_503, %swap3A_504, %swap3A_505, %swap3A_506] : memref<1x36x1x42x200xf32, #tpu.memory_space<vmem>>, vector<1x1x1x42x200xf32>
    %swap3A_508 = vector.shape_cast %swap3A_507 : vector<1x1x1x42x200xf32> to vector<42x200xf32>
    %swap3A_509 = vector.shape_cast %concatenate3A_501 : vector<42x200xf32> to vector<1x1x1x42x200xf32>
    tpu.vector_store %arg15[%swap3A_502, %swap3A_503, %swap3A_504, %swap3A_505, %swap3A_506], %swap3A_509 {strides = array<i32>} : memref<1x36x1x42x200xf32, #tpu.memory_space<vmem>>, vector<1x1x1x42x200xf32>,
    %get3A_510 = arith.constant 0 : index
    %get3A_511 = arith.constant 4 : index
    %get3A_512 = arith.constant 0 : index
    %get3A_513 = arith.constant 0 : index
    %get3A_514 = arith.constant 0 : index
    %get3A_515 = vector.load %arg3[%get3A_510, %get3A_511, %get3A_512, %get3A_513, %get3A_514] : memref<1x36x1x64x200xf32, #tpu.memory_space<vmem>>, vector<1x1x1x64x200xf32>
    %get3A_516 = vector.shape_cast %get3A_515 : vector<1x1x1x64x200xf32> to vector<64x200xf32>
    %get3A_517 = arith.constant 0 : index
    %get3A_518 = arith.constant 0 : index
    %get3A_519 = vector.load %arg4[%get3A_517, %get3A_518] : memref<64x64xf32, #tpu.memory_space<vmem>>, vector<64x64xf32>
    %dot_general3A_520 = arith.constant dense<0.000000e+00> : vector<64x200xf32>
    %dot_general3A_521 = tpu.matmul %get3A_519, %get3A_516, %dot_general3A_520 {dimension_numbers = #tpu.dot_dimension_numbers<[1], [0], [0], [1], [0, 0, 1, 1], [], []>, transpose_lhs_hint = false} : vector<64x64xf32>, vector<64x200xf32>, vector<64x200xf32> -> vector<64x200xf32>
    %get3A_522 = arith.constant 0 : index
    %get3A_523 = arith.constant 0 : index
    %get3A_524 = vector.load %arg5[%get3A_522, %get3A_523] : memref<64x1xf32, #tpu.memory_space<vmem>>, vector<64x1xf32>
    %add3A_525 = vector.broadcast %get3A_524 : vector<64x1xf32> to vector<64x200xf32>
    %add3A_526 = arith.addf %dot_general3A_521, %add3A_525 : vector<64x200xf32>
    %max3A_527 = arith.constant 0.000000e+00 : f32
    %max3A_528 = vector.broadcast %max3A_527 : f32 to vector<64x200xf32>
    %max3A_529 = arith.maximumf %add3A_526, %max3A_528 : vector<64x200xf32>
    %get3A_530 = arith.constant 0 : index
    %get3A_531 = arith.constant 0 : index
    %get3A_532 = vector.load %arg6[%get3A_530, %get3A_531] : memref<24x64xf32, #tpu.memory_space<vmem>>, vector<24x64xf32>
    %dot_general3A_533 = arith.constant dense<0.000000e+00> : vector<24x200xf32>
    %dot_general3A_534 = tpu.matmul %get3A_532, %max3A_529, %dot_general3A_533 {dimension_numbers = #tpu.dot_dimension_numbers<[1], [0], [0], [1], [0, 0, 1, 1], [], []>, transpose_lhs_hint = false} : vector<24x64xf32>, vector<64x200xf32>, vector<24x200xf32> -> vector<24x200xf32>
    %get3A_535 = arith.constant 0 : index
    %get3A_536 = arith.constant 0 : index
    %get3A_537 = vector.load %arg7[%get3A_535, %get3A_536] : memref<24x1xf32, #tpu.memory_space<vmem>>, vector<24x1xf32>
    %add3A_538 = vector.broadcast %get3A_537 : vector<24x1xf32> to vector<24x200xf32>
    %add3A_539 = arith.addf %dot_general3A_534, %add3A_538 : vector<24x200xf32>
    %swap3A_540 = arith.constant 0 : index
    %swap3A_541 = arith.constant 4 : index
    %swap3A_542 = arith.constant 0 : index
    %swap3A_543 = arith.constant 0 : index
    %swap3A_544 = arith.constant 0 : index
    %swap3A_545 = vector.load %arg14[%swap3A_540, %swap3A_541, %swap3A_542, %swap3A_543, %swap3A_544] : memref<1x36x1x24x200xf32, #tpu.memory_space<vmem>>, vector<1x1x1x24x200xf32>
    %swap3A_546 = vector.shape_cast %swap3A_545 : vector<1x1x1x24x200xf32> to vector<24x200xf32>
    %swap3A_547 = vector.shape_cast %add3A_539 : vector<24x200xf32> to vector<1x1x1x24x200xf32>
    tpu.vector_store %arg14[%swap3A_540, %swap3A_541, %swap3A_542, %swap3A_543, %swap3A_544], %swap3A_547 {strides = array<i32>} : memref<1x36x1x24x200xf32, #tpu.memory_space<vmem>>, vector<1x1x1x24x200xf32>,
    %get3A_548 = arith.constant 0 : index
    %get3A_549 = arith.constant 0 : index
    %get3A_550 = vector.load %arg8[%get3A_548, %get3A_549] : memref<64x64xf32, #tpu.memory_space<vmem>>, vector<64x64xf32>
    %dot_general3A_551 = arith.constant dense<0.000000e+00> : vector<64x200xf32>
    %dot_general3A_552 = tpu.matmul %get3A_550, %get3A_516, %dot_general3A_551 {dimension_numbers = #tpu.dot_dimension_numbers<[1], [0], [0], [1], [0, 0, 1, 1], [], []>, transpose_lhs_hint = false} : vector<64x64xf32>, vector<64x200xf32>, vector<64x200xf32> -> vector<64x200xf32>
    %get3A_553 = arith.constant 0 : index
    %get3A_554 = arith.constant 0 : index
    %get3A_555 = vector.load %arg9[%get3A_553, %get3A_554] : memref<64x1xf32, #tpu.memory_space<vmem>>, vector<64x1xf32>
    %add3A_556 = vector.broadcast %get3A_555 : vector<64x1xf32> to vector<64x200xf32>
    %add3A_557 = arith.addf %dot_general3A_552, %add3A_556 : vector<64x200xf32>
    %max3A_558 = arith.constant 0.000000e+00 : f32
    %max3A_559 = vector.broadcast %max3A_558 : f32 to vector<64x200xf32>
    %max3A_560 = arith.maximumf %add3A_557, %max3A_559 : vector<64x200xf32>
    %get3A_561 = arith.constant 0 : index
    %get3A_562 = arith.constant 0 : index
    %get3A_563 = vector.load %arg10[%get3A_561, %get3A_562] : memref<42x64xf32, #tpu.memory_space<vmem>>, vector<42x64xf32>
    %dot_general3A_564 = arith.constant dense<0.000000e+00> : vector<42x200xf32>
    %dot_general3A_565 = tpu.matmul %get3A_563, %max3A_560, %dot_general3A_564 {dimension_numbers = #tpu.dot_dimension_numbers<[1], [0], [0], [1], [0, 0, 1, 1], [], []>, transpose_lhs_hint = false} : vector<42x64xf32>, vector<64x200xf32>, vector<42x200xf32> -> vector<42x200xf32>
    %get3A_566 = arith.constant 0 : index
    %get3A_567 = arith.constant 0 : index
    %get3A_568 = vector.load %arg11[%get3A_566, %get3A_567] : memref<42x1xf32, #tpu.memory_space<vmem>>, vector<42x1xf32>
    %add3A_569 = vector.broadcast %get3A_568 : vector<42x1xf32> to vector<42x200xf32>
    %add3A_570 = arith.addf %dot_general3A_565, %add3A_569 : vector<42x200xf32>
    %add3A_571 = arith.constant 4 : i32
    %add3A_572 = arith.addi %mul3A_0, %add3A_571 : i32
    %convert_element_type3A_573 = arith.sitofp %add3A_572 : i32 to f32
    %mul3A_574 = arith.constant 4.000000e-01 : f32
    %mul3A_575 = arith.mulf %mul3A_574, %convert_element_type3A_573 : f32
    %add3A_576 = arith.constant 0.000000e+00 : f32
    %add3A_577 = arith.addf %add3A_576, %mul3A_575 : f32
    %add3A_578 = arith.constant 2.000000e-01 : f32
    %add3A_579 = arith.addf %add3A_577, %add3A_578 : f32
    %slice3A_580 = vector.extract_strided_slice %add3A_570 {offsets = [0, 0], sizes = [36, 200], strides = [1, 1]} : vector<42x200xf32> to vector<36x200xf32>
    %mul3A_581 = vector.broadcast %get3A_17 : vector<36x1xf32> to vector<36x200xf32>
    %mul3A_582 = arith.mulf %slice3A_580, %mul3A_581 : vector<36x200xf32>
    %mul3A_583 = vector.broadcast %add3A_579 : f32 to vector<36x1xf32>
    %mul3A_584 = arith.mulf %mul3A_583, %get3A_38 : vector<36x1xf32>
    %add3A_585 = vector.broadcast %mul3A_584 : vector<36x1xf32> to vector<36x200xf32>
    %add3A_586 = arith.addf %add3A_35, %add3A_585 : vector<36x200xf32>
    %add3A_587 = arith.addf %mul3A_582, %add3A_586 : vector<36x200xf32>
    %exp3A_588 = math.exp %slice3A_580 : vector<36x200xf32>
    %mul3A_589 = vector.broadcast %get3A_17 : vector<36x1xf32> to vector<36x200xf32>
    %mul3A_590 = arith.mulf %exp3A_588, %mul3A_589 : vector<36x200xf32>
    %broadcast_in_dim3A_591 = vector.shape_cast %gt3A_22 : vector<36x1xi1> to vector<36x1xi1>
    %broadcast_in_dim3A_592 = vector.broadcast %broadcast_in_dim3A_591 : vector<36x1xi1> to vector<36x200xi1>
    %select_n3A_593 = arith.select %broadcast_in_dim3A_592, %add3A_587, %mul3A_590 : vector<36x200xi1>, vector<36x200xf32>
    %slice3A_594 = vector.extract_strided_slice %add3A_570 {offsets = [36, 0], sizes = [6, 200], strides = [1, 1]} : vector<42x200xf32> to vector<6x200xf32>
    %logistic3A_595 = arith.negf %slice3A_594 : vector<6x200xf32>
    %logistic3A_596 = math.exp %logistic3A_595 : vector<6x200xf32>
    %logistic3A_597 = arith.constant 1.000000e+00 : f32
    %logistic3A_598 = vector.broadcast %logistic3A_597 : f32 to vector<6x200xf32>
    %logistic3A_599 = arith.addf %logistic3A_598, %logistic3A_596 : vector<6x200xf32>
    %logistic3A_600 = arith.divf %logistic3A_598, %logistic3A_599 : vector<6x200xf32>
    %mul3A_601 = vector.broadcast %get3A_41 : vector<6x1xf32> to vector<6x200xf32>
    %mul3A_602 = arith.mulf %logistic3A_600, %mul3A_601 : vector<6x200xf32>
    %mul3A_603 = arith.mulf %mul3A_602, %mul3A_602 : vector<6x200xf32>
    %sub3A_604 = arith.constant 1.000000e+00 : f32
    %sub3A_605 = vector.broadcast %sub3A_604 : f32 to vector<6x200xf32>
    %sub3A_606 = arith.subf %sub3A_605, %mul3A_603 : vector<6x200xf32>
    %sqrt3A_607 = math.sqrt %sub3A_606 : vector<6x200xf32>
    %atan23A_608 = math.atan2 %mul3A_602, %sqrt3A_607 : vector<6x200xf32>
    %slice3A_609 = vector.extract_strided_slice %select_n3A_593 {offsets = [0, 0], sizes = [6, 200], strides = [1, 1]} : vector<36x200xf32> to vector<6x200xf32>
    %slice3A_610 = vector.extract_strided_slice %atan23A_608 {offsets = [0, 0], sizes = [1, 200], strides = [1, 1]} : vector<6x200xf32> to vector<1x200xf32>
    %slice3A_611 = vector.extract_strided_slice %select_n3A_593 {offsets = [6, 0], sizes = [6, 200], strides = [1, 1]} : vector<36x200xf32> to vector<6x200xf32>
    %slice3A_612 = vector.extract_strided_slice %atan23A_608 {offsets = [1, 0], sizes = [1, 200], strides = [1, 1]} : vector<6x200xf32> to vector<1x200xf32>
    %slice3A_613 = vector.extract_strided_slice %select_n3A_593 {offsets = [12, 0], sizes = [6, 200], strides = [1, 1]} : vector<36x200xf32> to vector<6x200xf32>
    %slice3A_614 = vector.extract_strided_slice %atan23A_608 {offsets = [2, 0], sizes = [1, 200], strides = [1, 1]} : vector<6x200xf32> to vector<1x200xf32>
    %slice3A_615 = vector.extract_strided_slice %select_n3A_593 {offsets = [18, 0], sizes = [6, 200], strides = [1, 1]} : vector<36x200xf32> to vector<6x200xf32>
    %slice3A_616 = vector.extract_strided_slice %atan23A_608 {offsets = [3, 0], sizes = [1, 200], strides = [1, 1]} : vector<6x200xf32> to vector<1x200xf32>
    %slice3A_617 = vector.extract_strided_slice %select_n3A_593 {offsets = [24, 0], sizes = [6, 200], strides = [1, 1]} : vector<36x200xf32> to vector<6x200xf32>
    %slice3A_618 = vector.extract_strided_slice %atan23A_608 {offsets = [4, 0], sizes = [1, 200], strides = [1, 1]} : vector<6x200xf32> to vector<1x200xf32>
    %slice3A_619 = vector.extract_strided_slice %select_n3A_593 {offsets = [30, 0], sizes = [6, 200], strides = [1, 1]} : vector<36x200xf32> to vector<6x200xf32>
    %slice3A_620 = vector.extract_strided_slice %atan23A_608 {offsets = [5, 0], sizes = [1, 200], strides = [1, 1]} : vector<6x200xf32> to vector<1x200xf32>
    %concatenate3A_621 = tpu.concatenate %slice3A_609, %slice3A_610, %slice3A_611, %slice3A_612, %slice3A_613, %slice3A_614, %slice3A_615, %slice3A_616, %slice3A_617, %slice3A_618, %slice3A_619, %slice3A_620 in 0 : vector<6x200xf32>, vector<1x200xf32>, vector<6x200xf32>, vector<1x200xf32>, vector<6x200xf32>, vector<1x200xf32>, vector<6x200xf32>, vector<1x200xf32>, vector<6x200xf32>, vector<1x200xf32>, vector<6x200xf32>, vector<1x200xf32> -> vector<42x200xf32>
    %swap3A_622 = arith.constant 0 : index
    %swap3A_623 = arith.constant 4 : index
    %swap3A_624 = arith.constant 0 : index
    %swap3A_625 = arith.constant 0 : index
    %swap3A_626 = arith.constant 0 : index
    %swap3A_627 = vector.load %arg15[%swap3A_622, %swap3A_623, %swap3A_624, %swap3A_625, %swap3A_626] : memref<1x36x1x42x200xf32, #tpu.memory_space<vmem>>, vector<1x1x1x42x200xf32>
    %swap3A_628 = vector.shape_cast %swap3A_627 : vector<1x1x1x42x200xf32> to vector<42x200xf32>
    %swap3A_629 = vector.shape_cast %concatenate3A_621 : vector<42x200xf32> to vector<1x1x1x42x200xf32>
    tpu.vector_store %arg15[%swap3A_622, %swap3A_623, %swap3A_624, %swap3A_625, %swap3A_626], %swap3A_629 {strides = array<i32>} : memref<1x36x1x42x200xf32, #tpu.memory_space<vmem>>, vector<1x1x1x42x200xf32>,
    %get3A_630 = arith.constant 0 : index
    %get3A_631 = arith.constant 5 : index
    %get3A_632 = arith.constant 0 : index
    %get3A_633 = arith.constant 0 : index
    %get3A_634 = arith.constant 0 : index
    %get3A_635 = vector.load %arg3[%get3A_630, %get3A_631, %get3A_632, %get3A_633, %get3A_634] : memref<1x36x1x64x200xf32, #tpu.memory_space<vmem>>, vector<1x1x1x64x200xf32>
    %get3A_636 = vector.shape_cast %get3A_635 : vector<1x1x1x64x200xf32> to vector<64x200xf32>
    %get3A_637 = arith.constant 0 : index
    %get3A_638 = arith.constant 0 : index
    %get3A_639 = vector.load %arg4[%get3A_637, %get3A_638] : memref<64x64xf32, #tpu.memory_space<vmem>>, vector<64x64xf32>
    %dot_general3A_640 = arith.constant dense<0.000000e+00> : vector<64x200xf32>
    %dot_general3A_641 = tpu.matmul %get3A_639, %get3A_636, %dot_general3A_640 {dimension_numbers = #tpu.dot_dimension_numbers<[1], [0], [0], [1], [0, 0, 1, 1], [], []>, transpose_lhs_hint = false} : vector<64x64xf32>, vector<64x200xf32>, vector<64x200xf32> -> vector<64x200xf32>
    %get3A_642 = arith.constant 0 : index
    %get3A_643 = arith.constant 0 : index
    %get3A_644 = vector.load %arg5[%get3A_642, %get3A_643] : memref<64x1xf32, #tpu.memory_space<vmem>>, vector<64x1xf32>
    %add3A_645 = vector.broadcast %get3A_644 : vector<64x1xf32> to vector<64x200xf32>
    %add3A_646 = arith.addf %dot_general3A_641, %add3A_645 : vector<64x200xf32>
    %max3A_647 = arith.constant 0.000000e+00 : f32
    %max3A_648 = vector.broadcast %max3A_647 : f32 to vector<64x200xf32>
    %max3A_649 = arith.maximumf %add3A_646, %max3A_648 : vector<64x200xf32>
    %get3A_650 = arith.constant 0 : index
    %get3A_651 = arith.constant 0 : index
    %get3A_652 = vector.load %arg6[%get3A_650, %get3A_651] : memref<24x64xf32, #tpu.memory_space<vmem>>, vector<24x64xf32>
    %dot_general3A_653 = arith.constant dense<0.000000e+00> : vector<24x200xf32>
    %dot_general3A_654 = tpu.matmul %get3A_652, %max3A_649, %dot_general3A_653 {dimension_numbers = #tpu.dot_dimension_numbers<[1], [0], [0], [1], [0, 0, 1, 1], [], []>, transpose_lhs_hint = false} : vector<24x64xf32>, vector<64x200xf32>, vector<24x200xf32> -> vector<24x200xf32>
    %get3A_655 = arith.constant 0 : index
    %get3A_656 = arith.constant 0 : index
    %get3A_657 = vector.load %arg7[%get3A_655, %get3A_656] : memref<24x1xf32, #tpu.memory_space<vmem>>, vector<24x1xf32>
    %add3A_658 = vector.broadcast %get3A_657 : vector<24x1xf32> to vector<24x200xf32>
    %add3A_659 = arith.addf %dot_general3A_654, %add3A_658 : vector<24x200xf32>
    %swap3A_660 = arith.constant 0 : index
    %swap3A_661 = arith.constant 5 : index
    %swap3A_662 = arith.constant 0 : index
    %swap3A_663 = arith.constant 0 : index
    %swap3A_664 = arith.constant 0 : index
    %swap3A_665 = vector.load %arg14[%swap3A_660, %swap3A_661, %swap3A_662, %swap3A_663, %swap3A_664] : memref<1x36x1x24x200xf32, #tpu.memory_space<vmem>>, vector<1x1x1x24x200xf32>
    %swap3A_666 = vector.shape_cast %swap3A_665 : vector<1x1x1x24x200xf32> to vector<24x200xf32>
    %swap3A_667 = vector.shape_cast %add3A_659 : vector<24x200xf32> to vector<1x1x1x24x200xf32>
    tpu.vector_store %arg14[%swap3A_660, %swap3A_661, %swap3A_662, %swap3A_663, %swap3A_664], %swap3A_667 {strides = array<i32>} : memref<1x36x1x24x200xf32, #tpu.memory_space<vmem>>, vector<1x1x1x24x200xf32>,
    %get3A_668 = arith.constant 0 : index
    %get3A_669 = arith.constant 0 : index
    %get3A_670 = vector.load %arg8[%get3A_668, %get3A_669] : memref<64x64xf32, #tpu.memory_space<vmem>>, vector<64x64xf32>
    %dot_general3A_671 = arith.constant dense<0.000000e+00> : vector<64x200xf32>
    %dot_general3A_672 = tpu.matmul %get3A_670, %get3A_636, %dot_general3A_671 {dimension_numbers = #tpu.dot_dimension_numbers<[1], [0], [0], [1], [0, 0, 1, 1], [], []>, transpose_lhs_hint = false} : vector<64x64xf32>, vector<64x200xf32>, vector<64x200xf32> -> vector<64x200xf32>
    %get3A_673 = arith.constant 0 : index
    %get3A_674 = arith.constant 0 : index
    %get3A_675 = vector.load %arg9[%get3A_673, %get3A_674] : memref<64x1xf32, #tpu.memory_space<vmem>>, vector<64x1xf32>
    %add3A_676 = vector.broadcast %get3A_675 : vector<64x1xf32> to vector<64x200xf32>
    %add3A_677 = arith.addf %dot_general3A_672, %add3A_676 : vector<64x200xf32>
    %max3A_678 = arith.constant 0.000000e+00 : f32
    %max3A_679 = vector.broadcast %max3A_678 : f32 to vector<64x200xf32>
    %max3A_680 = arith.maximumf %add3A_677, %max3A_679 : vector<64x200xf32>
    %get3A_681 = arith.constant 0 : index
    %get3A_682 = arith.constant 0 : index
    %get3A_683 = vector.load %arg10[%get3A_681, %get3A_682] : memref<42x64xf32, #tpu.memory_space<vmem>>, vector<42x64xf32>
    %dot_general3A_684 = arith.constant dense<0.000000e+00> : vector<42x200xf32>
    %dot_general3A_685 = tpu.matmul %get3A_683, %max3A_680, %dot_general3A_684 {dimension_numbers = #tpu.dot_dimension_numbers<[1], [0], [0], [1], [0, 0, 1, 1], [], []>, transpose_lhs_hint = false} : vector<42x64xf32>, vector<64x200xf32>, vector<42x200xf32> -> vector<42x200xf32>
    %get3A_686 = arith.constant 0 : index
    %get3A_687 = arith.constant 0 : index
    %get3A_688 = vector.load %arg11[%get3A_686, %get3A_687] : memref<42x1xf32, #tpu.memory_space<vmem>>, vector<42x1xf32>
    %add3A_689 = vector.broadcast %get3A_688 : vector<42x1xf32> to vector<42x200xf32>
    %add3A_690 = arith.addf %dot_general3A_685, %add3A_689 : vector<42x200xf32>
    %add3A_691 = arith.constant 5 : i32
    %add3A_692 = arith.addi %mul3A_0, %add3A_691 : i32
    %convert_element_type3A_693 = arith.sitofp %add3A_692 : i32 to f32
    %mul3A_694 = arith.constant 4.000000e-01 : f32
    %mul3A_695 = arith.mulf %mul3A_694, %convert_element_type3A_693 : f32
    %add3A_696 = arith.constant 0.000000e+00 : f32
    %add3A_697 = arith.addf %add3A_696, %mul3A_695 : f32
    %add3A_698 = arith.constant 2.000000e-01 : f32
    %add3A_699 = arith.addf %add3A_697, %add3A_698 : f32
    %slice3A_700 = vector.extract_strided_slice %add3A_690 {offsets = [0, 0], sizes = [36, 200], strides = [1, 1]} : vector<42x200xf32> to vector<36x200xf32>
    %mul3A_701 = vector.broadcast %get3A_17 : vector<36x1xf32> to vector<36x200xf32>
    %mul3A_702 = arith.mulf %slice3A_700, %mul3A_701 : vector<36x200xf32>
    %mul3A_703 = vector.broadcast %add3A_699 : f32 to vector<36x1xf32>
    %mul3A_704 = arith.mulf %mul3A_703, %get3A_38 : vector<36x1xf32>
    %add3A_705 = vector.broadcast %mul3A_704 : vector<36x1xf32> to vector<36x200xf32>
    %add3A_706 = arith.addf %add3A_35, %add3A_705 : vector<36x200xf32>
    %add3A_707 = arith.addf %mul3A_702, %add3A_706 : vector<36x200xf32>
    %exp3A_708 = math.exp %slice3A_700 : vector<36x200xf32>
    %mul3A_709 = vector.broadcast %get3A_17 : vector<36x1xf32> to vector<36x200xf32>
    %mul3A_710 = arith.mulf %exp3A_708, %mul3A_709 : vector<36x200xf32>
    %broadcast_in_dim3A_711 = vector.shape_cast %gt3A_22 : vector<36x1xi1> to vector<36x1xi1>
    %broadcast_in_dim3A_712 = vector.broadcast %broadcast_in_dim3A_711 : vector<36x1xi1> to vector<36x200xi1>
    %select_n3A_713 = arith.select %broadcast_in_dim3A_712, %add3A_707, %mul3A_710 : vector<36x200xi1>, vector<36x200xf32>
    %slice3A_714 = vector.extract_strided_slice %add3A_690 {offsets = [36, 0], sizes = [6, 200], strides = [1, 1]} : vector<42x200xf32> to vector<6x200xf32>
    %logistic3A_715 = arith.negf %slice3A_714 : vector<6x200xf32>
    %logistic3A_716 = math.exp %logistic3A_715 : vector<6x200xf32>
    %logistic3A_717 = arith.constant 1.000000e+00 : f32
    %logistic3A_718 = vector.broadcast %logistic3A_717 : f32 to vector<6x200xf32>
    %logistic3A_719 = arith.addf %logistic3A_718, %logistic3A_716 : vector<6x200xf32>
    %logistic3A_720 = arith.divf %logistic3A_718, %logistic3A_719 : vector<6x200xf32>
    %mul3A_721 = vector.broadcast %get3A_41 : vector<6x1xf32> to vector<6x200xf32>
    %mul3A_722 = arith.mulf %logistic3A_720, %mul3A_721 : vector<6x200xf32>
    %mul3A_723 = arith.mulf %mul3A_722, %mul3A_722 : vector<6x200xf32>
    %sub3A_724 = arith.constant 1.000000e+00 : f32
    %sub3A_725 = vector.broadcast %sub3A_724 : f32 to vector<6x200xf32>
    %sub3A_726 = arith.subf %sub3A_725, %mul3A_723 : vector<6x200xf32>
    %sqrt3A_727 = math.sqrt %sub3A_726 : vector<6x200xf32>
    %atan23A_728 = math.atan2 %mul3A_722, %sqrt3A_727 : vector<6x200xf32>
    %slice3A_729 = vector.extract_strided_slice %select_n3A_713 {offsets = [0, 0], sizes = [6, 200], strides = [1, 1]} : vector<36x200xf32> to vector<6x200xf32>
    %slice3A_730 = vector.extract_strided_slice %atan23A_728 {offsets = [0, 0], sizes = [1, 200], strides = [1, 1]} : vector<6x200xf32> to vector<1x200xf32>
    %slice3A_731 = vector.extract_strided_slice %select_n3A_713 {offsets = [6, 0], sizes = [6, 200], strides = [1, 1]} : vector<36x200xf32> to vector<6x200xf32>
    %slice3A_732 = vector.extract_strided_slice %atan23A_728 {offsets = [1, 0], sizes = [1, 200], strides = [1, 1]} : vector<6x200xf32> to vector<1x200xf32>
    %slice3A_733 = vector.extract_strided_slice %select_n3A_713 {offsets = [12, 0], sizes = [6, 200], strides = [1, 1]} : vector<36x200xf32> to vector<6x200xf32>
    %slice3A_734 = vector.extract_strided_slice %atan23A_728 {offsets = [2, 0], sizes = [1, 200], strides = [1, 1]} : vector<6x200xf32> to vector<1x200xf32>
    %slice3A_735 = vector.extract_strided_slice %select_n3A_713 {offsets = [18, 0], sizes = [6, 200], strides = [1, 1]} : vector<36x200xf32> to vector<6x200xf32>
    %slice3A_736 = vector.extract_strided_slice %atan23A_728 {offsets = [3, 0], sizes = [1, 200], strides = [1, 1]} : vector<6x200xf32> to vector<1x200xf32>
    %slice3A_737 = vector.extract_strided_slice %select_n3A_713 {offsets = [24, 0], sizes = [6, 200], strides = [1, 1]} : vector<36x200xf32> to vector<6x200xf32>
    %slice3A_738 = vector.extract_strided_slice %atan23A_728 {offsets = [4, 0], sizes = [1, 200], strides = [1, 1]} : vector<6x200xf32> to vector<1x200xf32>
    %slice3A_739 = vector.extract_strided_slice %select_n3A_713 {offsets = [30, 0], sizes = [6, 200], strides = [1, 1]} : vector<36x200xf32> to vector<6x200xf32>
    %slice3A_740 = vector.extract_strided_slice %atan23A_728 {offsets = [5, 0], sizes = [1, 200], strides = [1, 1]} : vector<6x200xf32> to vector<1x200xf32>
    %concatenate3A_741 = tpu.concatenate %slice3A_729, %slice3A_730, %slice3A_731, %slice3A_732, %slice3A_733, %slice3A_734, %slice3A_735, %slice3A_736, %slice3A_737, %slice3A_738, %slice3A_739, %slice3A_740 in 0 : vector<6x200xf32>, vector<1x200xf32>, vector<6x200xf32>, vector<1x200xf32>, vector<6x200xf32>, vector<1x200xf32>, vector<6x200xf32>, vector<1x200xf32>, vector<6x200xf32>, vector<1x200xf32>, vector<6x200xf32>, vector<1x200xf32> -> vector<42x200xf32>
    %swap3A_742 = arith.constant 0 : index
    %swap3A_743 = arith.constant 5 : index
    %swap3A_744 = arith.constant 0 : index
    %swap3A_745 = arith.constant 0 : index
    %swap3A_746 = arith.constant 0 : index
    %swap3A_747 = vector.load %arg15[%swap3A_742, %swap3A_743, %swap3A_744, %swap3A_745, %swap3A_746] : memref<1x36x1x42x200xf32, #tpu.memory_space<vmem>>, vector<1x1x1x42x200xf32>
    %swap3A_748 = vector.shape_cast %swap3A_747 : vector<1x1x1x42x200xf32> to vector<42x200xf32>
    %swap3A_749 = vector.shape_cast %concatenate3A_741 : vector<42x200xf32> to vector<1x1x1x42x200xf32>
    tpu.vector_store %arg15[%swap3A_742, %swap3A_743, %swap3A_744, %swap3A_745, %swap3A_746], %swap3A_749 {strides = array<i32>} : memref<1x36x1x42x200xf32, #tpu.memory_space<vmem>>, vector<1x1x1x42x200xf32>,
    %get3A_750 = arith.constant 0 : index
    %get3A_751 = arith.constant 6 : index
    %get3A_752 = arith.constant 0 : index
    %get3A_753 = arith.constant 0 : index
    %get3A_754 = arith.constant 0 : index
    %get3A_755 = vector.load %arg3[%get3A_750, %get3A_751, %get3A_752, %get3A_753, %get3A_754] : memref<1x36x1x64x200xf32, #tpu.memory_space<vmem>>, vector<1x1x1x64x200xf32>
    %get3A_756 = vector.shape_cast %get3A_755 : vector<1x1x1x64x200xf32> to vector<64x200xf32>
    %get3A_757 = arith.constant 0 : index
    %get3A_758 = arith.constant 0 : index
    %get3A_759 = vector.load %arg4[%get3A_757, %get3A_758] : memref<64x64xf32, #tpu.memory_space<vmem>>, vector<64x64xf32>
    %dot_general3A_760 = arith.constant dense<0.000000e+00> : vector<64x200xf32>
    %dot_general3A_761 = tpu.matmul %get3A_759, %get3A_756, %dot_general3A_760 {dimension_numbers = #tpu.dot_dimension_numbers<[1], [0], [0], [1], [0, 0, 1, 1], [], []>, transpose_lhs_hint = false} : vector<64x64xf32>, vector<64x200xf32>, vector<64x200xf32> -> vector<64x200xf32>
    %get3A_762 = arith.constant 0 : index
    %get3A_763 = arith.constant 0 : index
    %get3A_764 = vector.load %arg5[%get3A_762, %get3A_763] : memref<64x1xf32, #tpu.memory_space<vmem>>, vector<64x1xf32>
    %add3A_765 = vector.broadcast %get3A_764 : vector<64x1xf32> to vector<64x200xf32>
    %add3A_766 = arith.addf %dot_general3A_761, %add3A_765 : vector<64x200xf32>
    %max3A_767 = arith.constant 0.000000e+00 : f32
    %max3A_768 = vector.broadcast %max3A_767 : f32 to vector<64x200xf32>
    %max3A_769 = arith.maximumf %add3A_766, %max3A_768 : vector<64x200xf32>
    %get3A_770 = arith.constant 0 : index
    %get3A_771 = arith.constant 0 : index
    %get3A_772 = vector.load %arg6[%get3A_770, %get3A_771] : memref<24x64xf32, #tpu.memory_space<vmem>>, vector<24x64xf32>
    %dot_general3A_773 = arith.constant dense<0.000000e+00> : vector<24x200xf32>
    %dot_general3A_774 = tpu.matmul %get3A_772, %max3A_769, %dot_general3A_773 {dimension_numbers = #tpu.dot_dimension_numbers<[1], [0], [0], [1], [0, 0, 1, 1], [], []>, transpose_lhs_hint = false} : vector<24x64xf32>, vector<64x200xf32>, vector<24x200xf32> -> vector<24x200xf32>
    %get3A_775 = arith.constant 0 : index
    %get3A_776 = arith.constant 0 : index
    %get3A_777 = vector.load %arg7[%get3A_775, %get3A_776] : memref<24x1xf32, #tpu.memory_space<vmem>>, vector<24x1xf32>
    %add3A_778 = vector.broadcast %get3A_777 : vector<24x1xf32> to vector<24x200xf32>
    %add3A_779 = arith.addf %dot_general3A_774, %add3A_778 : vector<24x200xf32>
    %swap3A_780 = arith.constant 0 : index
    %swap3A_781 = arith.constant 6 : index
    %swap3A_782 = arith.constant 0 : index
    %swap3A_783 = arith.constant 0 : index
    %swap3A_784 = arith.constant 0 : index
    %swap3A_785 = vector.load %arg14[%swap3A_780, %swap3A_781, %swap3A_782, %swap3A_783, %swap3A_784] : memref<1x36x1x24x200xf32, #tpu.memory_space<vmem>>, vector<1x1x1x24x200xf32>
    %swap3A_786 = vector.shape_cast %swap3A_785 : vector<1x1x1x24x200xf32> to vector<24x200xf32>
    %swap3A_787 = vector.shape_cast %add3A_779 : vector<24x200xf32> to vector<1x1x1x24x200xf32>
    tpu.vector_store %arg14[%swap3A_780, %swap3A_781, %swap3A_782, %swap3A_783, %swap3A_784], %swap3A_787 {strides = array<i32>} : memref<1x36x1x24x200xf32, #tpu.memory_space<vmem>>, vector<1x1x1x24x200xf32>,
    %get3A_788 = arith.constant 0 : index
    %get3A_789 = arith.constant 0 : index
    %get3A_790 = vector.load %arg8[%get3A_788, %get3A_789] : memref<64x64xf32, #tpu.memory_space<vmem>>, vector<64x64xf32>
    %dot_general3A_791 = arith.constant dense<0.000000e+00> : vector<64x200xf32>
    %dot_general3A_792 = tpu.matmul %get3A_790, %get3A_756, %dot_general3A_791 {dimension_numbers = #tpu.dot_dimension_numbers<[1], [0], [0], [1], [0, 0, 1, 1], [], []>, transpose_lhs_hint = false} : vector<64x64xf32>, vector<64x200xf32>, vector<64x200xf32> -> vector<64x200xf32>
    %get3A_793 = arith.constant 0 : index
    %get3A_794 = arith.constant 0 : index
    %get3A_795 = vector.load %arg9[%get3A_793, %get3A_794] : memref<64x1xf32, #tpu.memory_space<vmem>>, vector<64x1xf32>
    %add3A_796 = vector.broadcast %get3A_795 : vector<64x1xf32> to vector<64x200xf32>
    %add3A_797 = arith.addf %dot_general3A_792, %add3A_796 : vector<64x200xf32>
    %max3A_798 = arith.constant 0.000000e+00 : f32
    %max3A_799 = vector.broadcast %max3A_798 : f32 to vector<64x200xf32>
    %max3A_800 = arith.maximumf %add3A_797, %max3A_799 : vector<64x200xf32>
    %get3A_801 = arith.constant 0 : index
    %get3A_802 = arith.constant 0 : index
    %get3A_803 = vector.load %arg10[%get3A_801, %get3A_802] : memref<42x64xf32, #tpu.memory_space<vmem>>, vector<42x64xf32>
    %dot_general3A_804 = arith.constant dense<0.000000e+00> : vector<42x200xf32>
    %dot_general3A_805 = tpu.matmul %get3A_803, %max3A_800, %dot_general3A_804 {dimension_numbers = #tpu.dot_dimension_numbers<[1], [0], [0], [1], [0, 0, 1, 1], [], []>, transpose_lhs_hint = false} : vector<42x64xf32>, vector<64x200xf32>, vector<42x200xf32> -> vector<42x200xf32>
    %get3A_806 = arith.constant 0 : index
    %get3A_807 = arith.constant 0 : index
    %get3A_808 = vector.load %arg11[%get3A_806, %get3A_807] : memref<42x1xf32, #tpu.memory_space<vmem>>, vector<42x1xf32>
    %add3A_809 = vector.broadcast %get3A_808 : vector<42x1xf32> to vector<42x200xf32>
    %add3A_810 = arith.addf %dot_general3A_805, %add3A_809 : vector<42x200xf32>
    %add3A_811 = arith.constant 6 : i32
    %add3A_812 = arith.addi %mul3A_0, %add3A_811 : i32
    %convert_element_type3A_813 = arith.sitofp %add3A_812 : i32 to f32
    %mul3A_814 = arith.constant 4.000000e-01 : f32
    %mul3A_815 = arith.mulf %mul3A_814, %convert_element_type3A_813 : f32
    %add3A_816 = arith.constant 0.000000e+00 : f32
    %add3A_817 = arith.addf %add3A_816, %mul3A_815 : f32
    %add3A_818 = arith.constant 2.000000e-01 : f32
    %add3A_819 = arith.addf %add3A_817, %add3A_818 : f32
    %slice3A_820 = vector.extract_strided_slice %add3A_810 {offsets = [0, 0], sizes = [36, 200], strides = [1, 1]} : vector<42x200xf32> to vector<36x200xf32>
    %mul3A_821 = vector.broadcast %get3A_17 : vector<36x1xf32> to vector<36x200xf32>
    %mul3A_822 = arith.mulf %slice3A_820, %mul3A_821 : vector<36x200xf32>
    %mul3A_823 = vector.broadcast %add3A_819 : f32 to vector<36x1xf32>
    %mul3A_824 = arith.mulf %mul3A_823, %get3A_38 : vector<36x1xf32>
    %add3A_825 = vector.broadcast %mul3A_824 : vector<36x1xf32> to vector<36x200xf32>
    %add3A_826 = arith.addf %add3A_35, %add3A_825 : vector<36x200xf32>
    %add3A_827 = arith.addf %mul3A_822, %add3A_826 : vector<36x200xf32>
    %exp3A_828 = math.exp %slice3A_820 : vector<36x200xf32>
    %mul3A_829 = vector.broadcast %get3A_17 : vector<36x1xf32> to vector<36x200xf32>
    %mul3A_830 = arith.mulf %exp3A_828, %mul3A_829 : vector<36x200xf32>
    %broadcast_in_dim3A_831 = vector.shape_cast %gt3A_22 : vector<36x1xi1> to vector<36x1xi1>
    %broadcast_in_dim3A_832 = vector.broadcast %broadcast_in_dim3A_831 : vector<36x1xi1> to vector<36x200xi1>
    %select_n3A_833 = arith.select %broadcast_in_dim3A_832, %add3A_827, %mul3A_830 : vector<36x200xi1>, vector<36x200xf32>
    %slice3A_834 = vector.extract_strided_slice %add3A_810 {offsets = [36, 0], sizes = [6, 200], strides = [1, 1]} : vector<42x200xf32> to vector<6x200xf32>
    %logistic3A_835 = arith.negf %slice3A_834 : vector<6x200xf32>
    %logistic3A_836 = math.exp %logistic3A_835 : vector<6x200xf32>
    %logistic3A_837 = arith.constant 1.000000e+00 : f32
    %logistic3A_838 = vector.broadcast %logistic3A_837 : f32 to vector<6x200xf32>
    %logistic3A_839 = arith.addf %logistic3A_838, %logistic3A_836 : vector<6x200xf32>
    %logistic3A_840 = arith.divf %logistic3A_838, %logistic3A_839 : vector<6x200xf32>
    %mul3A_841 = vector.broadcast %get3A_41 : vector<6x1xf32> to vector<6x200xf32>
    %mul3A_842 = arith.mulf %logistic3A_840, %mul3A_841 : vector<6x200xf32>
    %mul3A_843 = arith.mulf %mul3A_842, %mul3A_842 : vector<6x200xf32>
    %sub3A_844 = arith.constant 1.000000e+00 : f32
    %sub3A_845 = vector.broadcast %sub3A_844 : f32 to vector<6x200xf32>
    %sub3A_846 = arith.subf %sub3A_845, %mul3A_843 : vector<6x200xf32>
    %sqrt3A_847 = math.sqrt %sub3A_846 : vector<6x200xf32>
    %atan23A_848 = math.atan2 %mul3A_842, %sqrt3A_847 : vector<6x200xf32>
    %slice3A_849 = vector.extract_strided_slice %select_n3A_833 {offsets = [0, 0], sizes = [6, 200], strides = [1, 1]} : vector<36x200xf32> to vector<6x200xf32>
    %slice3A_850 = vector.extract_strided_slice %atan23A_848 {offsets = [0, 0], sizes = [1, 200], strides = [1, 1]} : vector<6x200xf32> to vector<1x200xf32>
    %slice3A_851 = vector.extract_strided_slice %select_n3A_833 {offsets = [6, 0], sizes = [6, 200], strides = [1, 1]} : vector<36x200xf32> to vector<6x200xf32>
    %slice3A_852 = vector.extract_strided_slice %atan23A_848 {offsets = [1, 0], sizes = [1, 200], strides = [1, 1]} : vector<6x200xf32> to vector<1x200xf32>
    %slice3A_853 = vector.extract_strided_slice %select_n3A_833 {offsets = [12, 0], sizes = [6, 200], strides = [1, 1]} : vector<36x200xf32> to vector<6x200xf32>
    %slice3A_854 = vector.extract_strided_slice %atan23A_848 {offsets = [2, 0], sizes = [1, 200], strides = [1, 1]} : vector<6x200xf32> to vector<1x200xf32>
    %slice3A_855 = vector.extract_strided_slice %select_n3A_833 {offsets = [18, 0], sizes = [6, 200], strides = [1, 1]} : vector<36x200xf32> to vector<6x200xf32>
    %slice3A_856 = vector.extract_strided_slice %atan23A_848 {offsets = [3, 0], sizes = [1, 200], strides = [1, 1]} : vector<6x200xf32> to vector<1x200xf32>
    %slice3A_857 = vector.extract_strided_slice %select_n3A_833 {offsets = [24, 0], sizes = [6, 200], strides = [1, 1]} : vector<36x200xf32> to vector<6x200xf32>
    %slice3A_858 = vector.extract_strided_slice %atan23A_848 {offsets = [4, 0], sizes = [1, 200], strides = [1, 1]} : vector<6x200xf32> to vector<1x200xf32>
    %slice3A_859 = vector.extract_strided_slice %select_n3A_833 {offsets = [30, 0], sizes = [6, 200], strides = [1, 1]} : vector<36x200xf32> to vector<6x200xf32>
    %slice3A_860 = vector.extract_strided_slice %atan23A_848 {offsets = [5, 0], sizes = [1, 200], strides = [1, 1]} : vector<6x200xf32> to vector<1x200xf32>
    %concatenate3A_861 = tpu.concatenate %slice3A_849, %slice3A_850, %slice3A_851, %slice3A_852, %slice3A_853, %slice3A_854, %slice3A_855, %slice3A_856, %slice3A_857, %slice3A_858, %slice3A_859, %slice3A_860 in 0 : vector<6x200xf32>, vector<1x200xf32>, vector<6x200xf32>, vector<1x200xf32>, vector<6x200xf32>, vector<1x200xf32>, vector<6x200xf32>, vector<1x200xf32>, vector<6x200xf32>, vector<1x200xf32>, vector<6x200xf32>, vector<1x200xf32> -> vector<42x200xf32>
    %swap3A_862 = arith.constant 0 : index
    %swap3A_863 = arith.constant 6 : index
    %swap3A_864 = arith.constant 0 : index
    %swap3A_865 = arith.constant 0 : index
    %swap3A_866 = arith.constant 0 : index
    %swap3A_867 = vector.load %arg15[%swap3A_862, %swap3A_863, %swap3A_864, %swap3A_865, %swap3A_866] : memref<1x36x1x42x200xf32, #tpu.memory_space<vmem>>, vector<1x1x1x42x200xf32>
    %swap3A_868 = vector.shape_cast %swap3A_867 : vector<1x1x1x42x200xf32> to vector<42x200xf32>
    %swap3A_869 = vector.shape_cast %concatenate3A_861 : vector<42x200xf32> to vector<1x1x1x42x200xf32>
    tpu.vector_store %arg15[%swap3A_862, %swap3A_863, %swap3A_864, %swap3A_865, %swap3A_866], %swap3A_869 {strides = array<i32>} : memref<1x36x1x42x200xf32, #tpu.memory_space<vmem>>, vector<1x1x1x42x200xf32>,
    %get3A_870 = arith.constant 0 : index
    %get3A_871 = arith.constant 7 : index
    %get3A_872 = arith.constant 0 : index
    %get3A_873 = arith.constant 0 : index
    %get3A_874 = arith.constant 0 : index
    %get3A_875 = vector.load %arg3[%get3A_870, %get3A_871, %get3A_872, %get3A_873, %get3A_874] : memref<1x36x1x64x200xf32, #tpu.memory_space<vmem>>, vector<1x1x1x64x200xf32>
    %get3A_876 = vector.shape_cast %get3A_875 : vector<1x1x1x64x200xf32> to vector<64x200xf32>
    %get3A_877 = arith.constant 0 : index
    %get3A_878 = arith.constant 0 : index
    %get3A_879 = vector.load %arg4[%get3A_877, %get3A_878] : memref<64x64xf32, #tpu.memory_space<vmem>>, vector<64x64xf32>
    %dot_general3A_880 = arith.constant dense<0.000000e+00> : vector<64x200xf32>
    %dot_general3A_881 = tpu.matmul %get3A_879, %get3A_876, %dot_general3A_880 {dimension_numbers = #tpu.dot_dimension_numbers<[1], [0], [0], [1], [0, 0, 1, 1], [], []>, transpose_lhs_hint = false} : vector<64x64xf32>, vector<64x200xf32>, vector<64x200xf32> -> vector<64x200xf32>
    %get3A_882 = arith.constant 0 : index
    %get3A_883 = arith.constant 0 : index
    %get3A_884 = vector.load %arg5[%get3A_882, %get3A_883] : memref<64x1xf32, #tpu.memory_space<vmem>>, vector<64x1xf32>
    %add3A_885 = vector.broadcast %get3A_884 : vector<64x1xf32> to vector<64x200xf32>
    %add3A_886 = arith.addf %dot_general3A_881, %add3A_885 : vector<64x200xf32>
    %max3A_887 = arith.constant 0.000000e+00 : f32
    %max3A_888 = vector.broadcast %max3A_887 : f32 to vector<64x200xf32>
    %max3A_889 = arith.maximumf %add3A_886, %max3A_888 : vector<64x200xf32>
    %get3A_890 = arith.constant 0 : index
    %get3A_891 = arith.constant 0 : index
    %get3A_892 = vector.load %arg6[%get3A_890, %get3A_891] : memref<24x64xf32, #tpu.memory_space<vmem>>, vector<24x64xf32>
    %dot_general3A_893 = arith.constant dense<0.000000e+00> : vector<24x200xf32>
    %dot_general3A_894 = tpu.matmul %get3A_892, %max3A_889, %dot_general3A_893 {dimension_numbers = #tpu.dot_dimension_numbers<[1], [0], [0], [1], [0, 0, 1, 1], [], []>, transpose_lhs_hint = false} : vector<24x64xf32>, vector<64x200xf32>, vector<24x200xf32> -> vector<24x200xf32>
    %get3A_895 = arith.constant 0 : index
    %get3A_896 = arith.constant 0 : index
    %get3A_897 = vector.load %arg7[%get3A_895, %get3A_896] : memref<24x1xf32, #tpu.memory_space<vmem>>, vector<24x1xf32>
    %add3A_898 = vector.broadcast %get3A_897 : vector<24x1xf32> to vector<24x200xf32>
    %add3A_899 = arith.addf %dot_general3A_894, %add3A_898 : vector<24x200xf32>
    %swap3A_900 = arith.constant 0 : index
    %swap3A_901 = arith.constant 7 : index
    %swap3A_902 = arith.constant 0 : index
    %swap3A_903 = arith.constant 0 : index
    %swap3A_904 = arith.constant 0 : index
    %swap3A_905 = vector.load %arg14[%swap3A_900, %swap3A_901, %swap3A_902, %swap3A_903, %swap3A_904] : memref<1x36x1x24x200xf32, #tpu.memory_space<vmem>>, vector<1x1x1x24x200xf32>
    %swap3A_906 = vector.shape_cast %swap3A_905 : vector<1x1x1x24x200xf32> to vector<24x200xf32>
    %swap3A_907 = vector.shape_cast %add3A_899 : vector<24x200xf32> to vector<1x1x1x24x200xf32>
    tpu.vector_store %arg14[%swap3A_900, %swap3A_901, %swap3A_902, %swap3A_903, %swap3A_904], %swap3A_907 {strides = array<i32>} : memref<1x36x1x24x200xf32, #tpu.memory_space<vmem>>, vector<1x1x1x24x200xf32>,
    %get3A_908 = arith.constant 0 : index
    %get3A_909 = arith.constant 0 : index
    %get3A_910 = vector.load %arg8[%get3A_908, %get3A_909] : memref<64x64xf32, #tpu.memory_space<vmem>>, vector<64x64xf32>
    %dot_general3A_911 = arith.constant dense<0.000000e+00> : vector<64x200xf32>
    %dot_general3A_912 = tpu.matmul %get3A_910, %get3A_876, %dot_general3A_911 {dimension_numbers = #tpu.dot_dimension_numbers<[1], [0], [0], [1], [0, 0, 1, 1], [], []>, transpose_lhs_hint = false} : vector<64x64xf32>, vector<64x200xf32>, vector<64x200xf32> -> vector<64x200xf32>
    %get3A_913 = arith.constant 0 : index
    %get3A_914 = arith.constant 0 : index
    %get3A_915 = vector.load %arg9[%get3A_913, %get3A_914] : memref<64x1xf32, #tpu.memory_space<vmem>>, vector<64x1xf32>
    %add3A_916 = vector.broadcast %get3A_915 : vector<64x1xf32> to vector<64x200xf32>
    %add3A_917 = arith.addf %dot_general3A_912, %add3A_916 : vector<64x200xf32>
    %max3A_918 = arith.constant 0.000000e+00 : f32
    %max3A_919 = vector.broadcast %max3A_918 : f32 to vector<64x200xf32>
    %max3A_920 = arith.maximumf %add3A_917, %max3A_919 : vector<64x200xf32>
    %get3A_921 = arith.constant 0 : index
    %get3A_922 = arith.constant 0 : index
    %get3A_923 = vector.load %arg10[%get3A_921, %get3A_922] : memref<42x64xf32, #tpu.memory_space<vmem>>, vector<42x64xf32>
    %dot_general3A_924 = arith.constant dense<0.000000e+00> : vector<42x200xf32>
    %dot_general3A_925 = tpu.matmul %get3A_923, %max3A_920, %dot_general3A_924 {dimension_numbers = #tpu.dot_dimension_numbers<[1], [0], [0], [1], [0, 0, 1, 1], [], []>, transpose_lhs_hint = false} : vector<42x64xf32>, vector<64x200xf32>, vector<42x200xf32> -> vector<42x200xf32>
    %get3A_926 = arith.constant 0 : index
    %get3A_927 = arith.constant 0 : index
    %get3A_928 = vector.load %arg11[%get3A_926, %get3A_927] : memref<42x1xf32, #tpu.memory_space<vmem>>, vector<42x1xf32>
    %add3A_929 = vector.broadcast %get3A_928 : vector<42x1xf32> to vector<42x200xf32>
    %add3A_930 = arith.addf %dot_general3A_925, %add3A_929 : vector<42x200xf32>
    %add3A_931 = arith.constant 7 : i32
    %add3A_932 = arith.addi %mul3A_0, %add3A_931 : i32
    %convert_element_type3A_933 = arith.sitofp %add3A_932 : i32 to f32
    %mul3A_934 = arith.constant 4.000000e-01 : f32
    %mul3A_935 = arith.mulf %mul3A_934, %convert_element_type3A_933 : f32
    %add3A_936 = arith.constant 0.000000e+00 : f32
    %add3A_937 = arith.addf %add3A_936, %mul3A_935 : f32
    %add3A_938 = arith.constant 2.000000e-01 : f32
    %add3A_939 = arith.addf %add3A_937, %add3A_938 : f32
    %slice3A_940 = vector.extract_strided_slice %add3A_930 {offsets = [0, 0], sizes = [36, 200], strides = [1, 1]} : vector<42x200xf32> to vector<36x200xf32>
    %mul3A_941 = vector.broadcast %get3A_17 : vector<36x1xf32> to vector<36x200xf32>
    %mul3A_942 = arith.mulf %slice3A_940, %mul3A_941 : vector<36x200xf32>
    %mul3A_943 = vector.broadcast %add3A_939 : f32 to vector<36x1xf32>
    %mul3A_944 = arith.mulf %mul3A_943, %get3A_38 : vector<36x1xf32>
    %add3A_945 = vector.broadcast %mul3A_944 : vector<36x1xf32> to vector<36x200xf32>
    %add3A_946 = arith.addf %add3A_35, %add3A_945 : vector<36x200xf32>
    %add3A_947 = arith.addf %mul3A_942, %add3A_946 : vector<36x200xf32>
    %exp3A_948 = math.exp %slice3A_940 : vector<36x200xf32>
    %mul3A_949 = vector.broadcast %get3A_17 : vector<36x1xf32> to vector<36x200xf32>
    %mul3A_950 = arith.mulf %exp3A_948, %mul3A_949 : vector<36x200xf32>
    %broadcast_in_dim3A_951 = vector.shape_cast %gt3A_22 : vector<36x1xi1> to vector<36x1xi1>
    %broadcast_in_dim3A_952 = vector.broadcast %broadcast_in_dim3A_951 : vector<36x1xi1> to vector<36x200xi1>
    %select_n3A_953 = arith.select %broadcast_in_dim3A_952, %add3A_947, %mul3A_950 : vector<36x200xi1>, vector<36x200xf32>
    %slice3A_954 = vector.extract_strided_slice %add3A_930 {offsets = [36, 0], sizes = [6, 200], strides = [1, 1]} : vector<42x200xf32> to vector<6x200xf32>
    %logistic3A_955 = arith.negf %slice3A_954 : vector<6x200xf32>
    %logistic3A_956 = math.exp %logistic3A_955 : vector<6x200xf32>
    %logistic3A_957 = arith.constant 1.000000e+00 : f32
    %logistic3A_958 = vector.broadcast %logistic3A_957 : f32 to vector<6x200xf32>
    %logistic3A_959 = arith.addf %logistic3A_958, %logistic3A_956 : vector<6x200xf32>
    %logistic3A_960 = arith.divf %logistic3A_958, %logistic3A_959 : vector<6x200xf32>
    %mul3A_961 = vector.broadcast %get3A_41 : vector<6x1xf32> to vector<6x200xf32>
    %mul3A_962 = arith.mulf %logistic3A_960, %mul3A_961 : vector<6x200xf32>
    %mul3A_963 = arith.mulf %mul3A_962, %mul3A_962 : vector<6x200xf32>
    %sub3A_964 = arith.constant 1.000000e+00 : f32
    %sub3A_965 = vector.broadcast %sub3A_964 : f32 to vector<6x200xf32>
    %sub3A_966 = arith.subf %sub3A_965, %mul3A_963 : vector<6x200xf32>
    %sqrt3A_967 = math.sqrt %sub3A_966 : vector<6x200xf32>
    %atan23A_968 = math.atan2 %mul3A_962, %sqrt3A_967 : vector<6x200xf32>
    %slice3A_969 = vector.extract_strided_slice %select_n3A_953 {offsets = [0, 0], sizes = [6, 200], strides = [1, 1]} : vector<36x200xf32> to vector<6x200xf32>
    %slice3A_970 = vector.extract_strided_slice %atan23A_968 {offsets = [0, 0], sizes = [1, 200], strides = [1, 1]} : vector<6x200xf32> to vector<1x200xf32>
    %slice3A_971 = vector.extract_strided_slice %select_n3A_953 {offsets = [6, 0], sizes = [6, 200], strides = [1, 1]} : vector<36x200xf32> to vector<6x200xf32>
    %slice3A_972 = vector.extract_strided_slice %atan23A_968 {offsets = [1, 0], sizes = [1, 200], strides = [1, 1]} : vector<6x200xf32> to vector<1x200xf32>
    %slice3A_973 = vector.extract_strided_slice %select_n3A_953 {offsets = [12, 0], sizes = [6, 200], strides = [1, 1]} : vector<36x200xf32> to vector<6x200xf32>
    %slice3A_974 = vector.extract_strided_slice %atan23A_968 {offsets = [2, 0], sizes = [1, 200], strides = [1, 1]} : vector<6x200xf32> to vector<1x200xf32>
    %slice3A_975 = vector.extract_strided_slice %select_n3A_953 {offsets = [18, 0], sizes = [6, 200], strides = [1, 1]} : vector<36x200xf32> to vector<6x200xf32>
    %slice3A_976 = vector.extract_strided_slice %atan23A_968 {offsets = [3, 0], sizes = [1, 200], strides = [1, 1]} : vector<6x200xf32> to vector<1x200xf32>
    %slice3A_977 = vector.extract_strided_slice %select_n3A_953 {offsets = [24, 0], sizes = [6, 200], strides = [1, 1]} : vector<36x200xf32> to vector<6x200xf32>
    %slice3A_978 = vector.extract_strided_slice %atan23A_968 {offsets = [4, 0], sizes = [1, 200], strides = [1, 1]} : vector<6x200xf32> to vector<1x200xf32>
    %slice3A_979 = vector.extract_strided_slice %select_n3A_953 {offsets = [30, 0], sizes = [6, 200], strides = [1, 1]} : vector<36x200xf32> to vector<6x200xf32>
    %slice3A_980 = vector.extract_strided_slice %atan23A_968 {offsets = [5, 0], sizes = [1, 200], strides = [1, 1]} : vector<6x200xf32> to vector<1x200xf32>
    %concatenate3A_981 = tpu.concatenate %slice3A_969, %slice3A_970, %slice3A_971, %slice3A_972, %slice3A_973, %slice3A_974, %slice3A_975, %slice3A_976, %slice3A_977, %slice3A_978, %slice3A_979, %slice3A_980 in 0 : vector<6x200xf32>, vector<1x200xf32>, vector<6x200xf32>, vector<1x200xf32>, vector<6x200xf32>, vector<1x200xf32>, vector<6x200xf32>, vector<1x200xf32>, vector<6x200xf32>, vector<1x200xf32>, vector<6x200xf32>, vector<1x200xf32> -> vector<42x200xf32>
    %swap3A_982 = arith.constant 0 : index
    %swap3A_983 = arith.constant 7 : index
    %swap3A_984 = arith.constant 0 : index
    %swap3A_985 = arith.constant 0 : index
    %swap3A_986 = arith.constant 0 : index
    %swap3A_987 = vector.load %arg15[%swap3A_982, %swap3A_983, %swap3A_984, %swap3A_985, %swap3A_986] : memref<1x36x1x42x200xf32, #tpu.memory_space<vmem>>, vector<1x1x1x42x200xf32>
    %swap3A_988 = vector.shape_cast %swap3A_987 : vector<1x1x1x42x200xf32> to vector<42x200xf32>
    %swap3A_989 = vector.shape_cast %concatenate3A_981 : vector<42x200xf32> to vector<1x1x1x42x200xf32>
    tpu.vector_store %arg15[%swap3A_982, %swap3A_983, %swap3A_984, %swap3A_985, %swap3A_986], %swap3A_989 {strides = array<i32>} : memref<1x36x1x42x200xf32, #tpu.memory_space<vmem>>, vector<1x1x1x42x200xf32>,
    %get3A_990 = arith.constant 0 : index
    %get3A_991 = arith.constant 8 : index
    %get3A_992 = arith.constant 0 : index
    %get3A_993 = arith.constant 0 : index
    %get3A_994 = arith.constant 0 : index
    %get3A_995 = vector.load %arg3[%get3A_990, %get3A_991, %get3A_992, %get3A_993, %get3A_994] : memref<1x36x1x64x200xf32, #tpu.memory_space<vmem>>, vector<1x1x1x64x200xf32>
    %get3A_996 = vector.shape_cast %get3A_995 : vector<1x1x1x64x200xf32> to vector<64x200xf32>
    %get3A_997 = arith.constant 0 : index
    %get3A_998 = arith.constant 0 : index
    %get3A_999 = vector.load %arg4[%get3A_997, %get3A_998] : memref<64x64xf32, #tpu.memory_space<vmem>>, vector<64x64xf32>
    %dot_general3A_1000 = arith.constant dense<0.000000e+00> : vector<64x200xf32>
    %dot_general3A_1001 = tpu.matmul %get3A_999, %get3A_996, %dot_general3A_1000 {dimension_numbers = #tpu.dot_dimension_numbers<[1], [0], [0], [1], [0, 0, 1, 1], [], []>, transpose_lhs_hint = false} : vector<64x64xf32>, vector<64x200xf32>, vector<64x200xf32> -> vector<64x200xf32>
    %get3A_1002 = arith.constant 0 : index
    %get3A_1003 = arith.constant 0 : index
    %get3A_1004 = vector.load %arg5[%get3A_1002, %get3A_1003] : memref<64x1xf32, #tpu.memory_space<vmem>>, vector<64x1xf32>
    %add3A_1005 = vector.broadcast %get3A_1004 : vector<64x1xf32> to vector<64x200xf32>
    %add3A_1006 = arith.addf %dot_general3A_1001, %add3A_1005 : vector<64x200xf32>
    %max3A_1007 = arith.constant 0.000000e+00 : f32
    %max3A_1008 = vector.broadcast %max3A_1007 : f32 to vector<64x200xf32>
    %max3A_1009 = arith.maximumf %add3A_1006, %max3A_1008 : vector<64x200xf32>
    %get3A_1010 = arith.constant 0 : index
    %get3A_1011 = arith.constant 0 : index
    %get3A_1012 = vector.load %arg6[%get3A_1010, %get3A_1011] : memref<24x64xf32, #tpu.memory_space<vmem>>, vector<24x64xf32>
    %dot_general3A_1013 = arith.constant dense<0.000000e+00> : vector<24x200xf32>
    %dot_general3A_1014 = tpu.matmul %get3A_1012, %max3A_1009, %dot_general3A_1013 {dimension_numbers = #tpu.dot_dimension_numbers<[1], [0], [0], [1], [0, 0, 1, 1], [], []>, transpose_lhs_hint = false} : vector<24x64xf32>, vector<64x200xf32>, vector<24x200xf32> -> vector<24x200xf32>
    %get3A_1015 = arith.constant 0 : index
    %get3A_1016 = arith.constant 0 : index
    %get3A_1017 = vector.load %arg7[%get3A_1015, %get3A_1016] : memref<24x1xf32, #tpu.memory_space<vmem>>, vector<24x1xf32>
    %add3A_1018 = vector.broadcast %get3A_1017 : vector<24x1xf32> to vector<24x200xf32>
    %add3A_1019 = arith.addf %dot_general3A_1014, %add3A_1018 : vector<24x200xf32>
    %swap3A_1020 = arith.constant 0 : index
    %swap3A_1021 = arith.constant 8 : index
    %swap3A_1022 = arith.constant 0 : index
    %swap3A_1023 = arith.constant 0 : index
    %swap3A_1024 = arith.constant 0 : index
    %swap3A_1025 = vector.load %arg14[%swap3A_1020, %swap3A_1021, %swap3A_1022, %swap3A_1023, %swap3A_1024] : memref<1x36x1x24x200xf32, #tpu.memory_space<vmem>>, vector<1x1x1x24x200xf32>
    %swap3A_1026 = vector.shape_cast %swap3A_1025 : vector<1x1x1x24x200xf32> to vector<24x200xf32>
    %swap3A_1027 = vector.shape_cast %add3A_1019 : vector<24x200xf32> to vector<1x1x1x24x200xf32>
    tpu.vector_store %arg14[%swap3A_1020, %swap3A_1021, %swap3A_1022, %swap3A_1023, %swap3A_1024], %swap3A_1027 {strides = array<i32>} : memref<1x36x1x24x200xf32, #tpu.memory_space<vmem>>, vector<1x1x1x24x200xf32>,
    %get3A_1028 = arith.constant 0 : index
    %get3A_1029 = arith.constant 0 : index
    %get3A_1030 = vector.load %arg8[%get3A_1028, %get3A_1029] : memref<64x64xf32, #tpu.memory_space<vmem>>, vector<64x64xf32>
    %dot_general3A_1031 = arith.constant dense<0.000000e+00> : vector<64x200xf32>
    %dot_general3A_1032 = tpu.matmul %get3A_1030, %get3A_996, %dot_general3A_1031 {dimension_numbers = #tpu.dot_dimension_numbers<[1], [0], [0], [1], [0, 0, 1, 1], [], []>, transpose_lhs_hint = false} : vector<64x64xf32>, vector<64x200xf32>, vector<64x200xf32> -> vector<64x200xf32>
    %get3A_1033 = arith.constant 0 : index
    %get3A_1034 = arith.constant 0 : index
    %get3A_1035 = vector.load %arg9[%get3A_1033, %get3A_1034] : memref<64x1xf32, #tpu.memory_space<vmem>>, vector<64x1xf32>
    %add3A_1036 = vector.broadcast %get3A_1035 : vector<64x1xf32> to vector<64x200xf32>
    %add3A_1037 = arith.addf %dot_general3A_1032, %add3A_1036 : vector<64x200xf32>
    %max3A_1038 = arith.constant 0.000000e+00 : f32
    %max3A_1039 = vector.broadcast %max3A_1038 : f32 to vector<64x200xf32>
    %max3A_1040 = arith.maximumf %add3A_1037, %max3A_1039 : vector<64x200xf32>
    %get3A_1041 = arith.constant 0 : index
    %get3A_1042 = arith.constant 0 : index
    %get3A_1043 = vector.load %arg10[%get3A_1041, %get3A_1042] : memref<42x64xf32, #tpu.memory_space<vmem>>, vector<42x64xf32>
    %dot_general3A_1044 = arith.constant dense<0.000000e+00> : vector<42x200xf32>
    %dot_general3A_1045 = tpu.matmul %get3A_1043, %max3A_1040, %dot_general3A_1044 {dimension_numbers = #tpu.dot_dimension_numbers<[1], [0], [0], [1], [0, 0, 1, 1], [], []>, transpose_lhs_hint = false} : vector<42x64xf32>, vector<64x200xf32>, vector<42x200xf32> -> vector<42x200xf32>
    %get3A_1046 = arith.constant 0 : index
    %get3A_1047 = arith.constant 0 : index
    %get3A_1048 = vector.load %arg11[%get3A_1046, %get3A_1047] : memref<42x1xf32, #tpu.memory_space<vmem>>, vector<42x1xf32>
    %add3A_1049 = vector.broadcast %get3A_1048 : vector<42x1xf32> to vector<42x200xf32>
    %add3A_1050 = arith.addf %dot_general3A_1045, %add3A_1049 : vector<42x200xf32>
    %add3A_1051 = arith.constant 8 : i32
    %add3A_1052 = arith.addi %mul3A_0, %add3A_1051 : i32
    %convert_element_type3A_1053 = arith.sitofp %add3A_1052 : i32 to f32
    %mul3A_1054 = arith.constant 4.000000e-01 : f32
    %mul3A_1055 = arith.mulf %mul3A_1054, %convert_element_type3A_1053 : f32
    %add3A_1056 = arith.constant 0.000000e+00 : f32
    %add3A_1057 = arith.addf %add3A_1056, %mul3A_1055 : f32
    %add3A_1058 = arith.constant 2.000000e-01 : f32
    %add3A_1059 = arith.addf %add3A_1057, %add3A_1058 : f32
    %slice3A_1060 = vector.extract_strided_slice %add3A_1050 {offsets = [0, 0], sizes = [36, 200], strides = [1, 1]} : vector<42x200xf32> to vector<36x200xf32>
    %mul3A_1061 = vector.broadcast %get3A_17 : vector<36x1xf32> to vector<36x200xf32>
    %mul3A_1062 = arith.mulf %slice3A_1060, %mul3A_1061 : vector<36x200xf32>
    %mul3A_1063 = vector.broadcast %add3A_1059 : f32 to vector<36x1xf32>
    %mul3A_1064 = arith.mulf %mul3A_1063, %get3A_38 : vector<36x1xf32>
    %add3A_1065 = vector.broadcast %mul3A_1064 : vector<36x1xf32> to vector<36x200xf32>
    %add3A_1066 = arith.addf %add3A_35, %add3A_1065 : vector<36x200xf32>
    %add3A_1067 = arith.addf %mul3A_1062, %add3A_1066 : vector<36x200xf32>
    %exp3A_1068 = math.exp %slice3A_1060 : vector<36x200xf32>
    %mul3A_1069 = vector.broadcast %get3A_17 : vector<36x1xf32> to vector<36x200xf32>
    %mul3A_1070 = arith.mulf %exp3A_1068, %mul3A_1069 : vector<36x200xf32>
    %broadcast_in_dim3A_1071 = vector.shape_cast %gt3A_22 : vector<36x1xi1> to vector<36x1xi1>
    %broadcast_in_dim3A_1072 = vector.broadcast %broadcast_in_dim3A_1071 : vector<36x1xi1> to vector<36x200xi1>
    %select_n3A_1073 = arith.select %broadcast_in_dim3A_1072, %add3A_1067, %mul3A_1070 : vector<36x200xi1>, vector<36x200xf32>
    %slice3A_1074 = vector.extract_strided_slice %add3A_1050 {offsets = [36, 0], sizes = [6, 200], strides = [1, 1]} : vector<42x200xf32> to vector<6x200xf32>
    %logistic3A_1075 = arith.negf %slice3A_1074 : vector<6x200xf32>
    %logistic3A_1076 = math.exp %logistic3A_1075 : vector<6x200xf32>
    %logistic3A_1077 = arith.constant 1.000000e+00 : f32
    %logistic3A_1078 = vector.broadcast %logistic3A_1077 : f32 to vector<6x200xf32>
    %logistic3A_1079 = arith.addf %logistic3A_1078, %logistic3A_1076 : vector<6x200xf32>
    %logistic3A_1080 = arith.divf %logistic3A_1078, %logistic3A_1079 : vector<6x200xf32>
    %mul3A_1081 = vector.broadcast %get3A_41 : vector<6x1xf32> to vector<6x200xf32>
    %mul3A_1082 = arith.mulf %logistic3A_1080, %mul3A_1081 : vector<6x200xf32>
    %mul3A_1083 = arith.mulf %mul3A_1082, %mul3A_1082 : vector<6x200xf32>
    %sub3A_1084 = arith.constant 1.000000e+00 : f32
    %sub3A_1085 = vector.broadcast %sub3A_1084 : f32 to vector<6x200xf32>
    %sub3A_1086 = arith.subf %sub3A_1085, %mul3A_1083 : vector<6x200xf32>
    %sqrt3A_1087 = math.sqrt %sub3A_1086 : vector<6x200xf32>
    %atan23A_1088 = math.atan2 %mul3A_1082, %sqrt3A_1087 : vector<6x200xf32>
    %slice3A_1089 = vector.extract_strided_slice %select_n3A_1073 {offsets = [0, 0], sizes = [6, 200], strides = [1, 1]} : vector<36x200xf32> to vector<6x200xf32>
    %slice3A_1090 = vector.extract_strided_slice %atan23A_1088 {offsets = [0, 0], sizes = [1, 200], strides = [1, 1]} : vector<6x200xf32> to vector<1x200xf32>
    %slice3A_1091 = vector.extract_strided_slice %select_n3A_1073 {offsets = [6, 0], sizes = [6, 200], strides = [1, 1]} : vector<36x200xf32> to vector<6x200xf32>
    %slice3A_1092 = vector.extract_strided_slice %atan23A_1088 {offsets = [1, 0], sizes = [1, 200], strides = [1, 1]} : vector<6x200xf32> to vector<1x200xf32>
    %slice3A_1093 = vector.extract_strided_slice %select_n3A_1073 {offsets = [12, 0], sizes = [6, 200], strides = [1, 1]} : vector<36x200xf32> to vector<6x200xf32>
    %slice3A_1094 = vector.extract_strided_slice %atan23A_1088 {offsets = [2, 0], sizes = [1, 200], strides = [1, 1]} : vector<6x200xf32> to vector<1x200xf32>
    %slice3A_1095 = vector.extract_strided_slice %select_n3A_1073 {offsets = [18, 0], sizes = [6, 200], strides = [1, 1]} : vector<36x200xf32> to vector<6x200xf32>
    %slice3A_1096 = vector.extract_strided_slice %atan23A_1088 {offsets = [3, 0], sizes = [1, 200], strides = [1, 1]} : vector<6x200xf32> to vector<1x200xf32>
    %slice3A_1097 = vector.extract_strided_slice %select_n3A_1073 {offsets = [24, 0], sizes = [6, 200], strides = [1, 1]} : vector<36x200xf32> to vector<6x200xf32>
    %slice3A_1098 = vector.extract_strided_slice %atan23A_1088 {offsets = [4, 0], sizes = [1, 200], strides = [1, 1]} : vector<6x200xf32> to vector<1x200xf32>
    %slice3A_1099 = vector.extract_strided_slice %select_n3A_1073 {offsets = [30, 0], sizes = [6, 200], strides = [1, 1]} : vector<36x200xf32> to vector<6x200xf32>
    %slice3A_1100 = vector.extract_strided_slice %atan23A_1088 {offsets = [5, 0], sizes = [1, 200], strides = [1, 1]} : vector<6x200xf32> to vector<1x200xf32>
    %concatenate3A_1101 = tpu.concatenate %slice3A_1089, %slice3A_1090, %slice3A_1091, %slice3A_1092, %slice3A_1093, %slice3A_1094, %slice3A_1095, %slice3A_1096, %slice3A_1097, %slice3A_1098, %slice3A_1099, %slice3A_1100 in 0 : vector<6x200xf32>, vector<1x200xf32>, vector<6x200xf32>, vector<1x200xf32>, vector<6x200xf32>, vector<1x200xf32>, vector<6x200xf32>, vector<1x200xf32>, vector<6x200xf32>, vector<1x200xf32>, vector<6x200xf32>, vector<1x200xf32> -> vector<42x200xf32>
    %swap3A_1102 = arith.constant 0 : index
    %swap3A_1103 = arith.constant 8 : index
    %swap3A_1104 = arith.constant 0 : index
    %swap3A_1105 = arith.constant 0 : index
    %swap3A_1106 = arith.constant 0 : index
    %swap3A_1107 = vector.load %arg15[%swap3A_1102, %swap3A_1103, %swap3A_1104, %swap3A_1105, %swap3A_1106] : memref<1x36x1x42x200xf32, #tpu.memory_space<vmem>>, vector<1x1x1x42x200xf32>
    %swap3A_1108 = vector.shape_cast %swap3A_1107 : vector<1x1x1x42x200xf32> to vector<42x200xf32>
    %swap3A_1109 = vector.shape_cast %concatenate3A_1101 : vector<42x200xf32> to vector<1x1x1x42x200xf32>
    tpu.vector_store %arg15[%swap3A_1102, %swap3A_1103, %swap3A_1104, %swap3A_1105, %swap3A_1106], %swap3A_1109 {strides = array<i32>} : memref<1x36x1x42x200xf32, #tpu.memory_space<vmem>>, vector<1x1x1x42x200xf32>,
    %get3A_1110 = arith.constant 0 : index
    %get3A_1111 = arith.constant 9 : index
    %get3A_1112 = arith.constant 0 : index
    %get3A_1113 = arith.constant 0 : index
    %get3A_1114 = arith.constant 0 : index
    %get3A_1115 = vector.load %arg3[%get3A_1110, %get3A_1111, %get3A_1112, %get3A_1113, %get3A_1114] : memref<1x36x1x64x200xf32, #tpu.memory_space<vmem>>, vector<1x1x1x64x200xf32>
    %get3A_1116 = vector.shape_cast %get3A_1115 : vector<1x1x1x64x200xf32> to vector<64x200xf32>
    %get3A_1117 = arith.constant 0 : index
    %get3A_1118 = arith.constant 0 : index
    %get3A_1119 = vector.load %arg4[%get3A_1117, %get3A_1118] : memref<64x64xf32, #tpu.memory_space<vmem>>, vector<64x64xf32>
    %dot_general3A_1120 = arith.constant dense<0.000000e+00> : vector<64x200xf32>
    %dot_general3A_1121 = tpu.matmul %get3A_1119, %get3A_1116, %dot_general3A_1120 {dimension_numbers = #tpu.dot_dimension_numbers<[1], [0], [0], [1], [0, 0, 1, 1], [], []>, transpose_lhs_hint = false} : vector<64x64xf32>, vector<64x200xf32>, vector<64x200xf32> -> vector<64x200xf32>
    %get3A_1122 = arith.constant 0 : index
    %get3A_1123 = arith.constant 0 : index
    %get3A_1124 = vector.load %arg5[%get3A_1122, %get3A_1123] : memref<64x1xf32, #tpu.memory_space<vmem>>, vector<64x1xf32>
    %add3A_1125 = vector.broadcast %get3A_1124 : vector<64x1xf32> to vector<64x200xf32>
    %add3A_1126 = arith.addf %dot_general3A_1121, %add3A_1125 : vector<64x200xf32>
    %max3A_1127 = arith.constant 0.000000e+00 : f32
    %max3A_1128 = vector.broadcast %max3A_1127 : f32 to vector<64x200xf32>
    %max3A_1129 = arith.maximumf %add3A_1126, %max3A_1128 : vector<64x200xf32>
    %get3A_1130 = arith.constant 0 : index
    %get3A_1131 = arith.constant 0 : index
    %get3A_1132 = vector.load %arg6[%get3A_1130, %get3A_1131] : memref<24x64xf32, #tpu.memory_space<vmem>>, vector<24x64xf32>
    %dot_general3A_1133 = arith.constant dense<0.000000e+00> : vector<24x200xf32>
    %dot_general3A_1134 = tpu.matmul %get3A_1132, %max3A_1129, %dot_general3A_1133 {dimension_numbers = #tpu.dot_dimension_numbers<[1], [0], [0], [1], [0, 0, 1, 1], [], []>, transpose_lhs_hint = false} : vector<24x64xf32>, vector<64x200xf32>, vector<24x200xf32> -> vector<24x200xf32>
    %get3A_1135 = arith.constant 0 : index
    %get3A_1136 = arith.constant 0 : index
    %get3A_1137 = vector.load %arg7[%get3A_1135, %get3A_1136] : memref<24x1xf32, #tpu.memory_space<vmem>>, vector<24x1xf32>
    %add3A_1138 = vector.broadcast %get3A_1137 : vector<24x1xf32> to vector<24x200xf32>
    %add3A_1139 = arith.addf %dot_general3A_1134, %add3A_1138 : vector<24x200xf32>
    %swap3A_1140 = arith.constant 0 : index
    %swap3A_1141 = arith.constant 9 : index
    %swap3A_1142 = arith.constant 0 : index
    %swap3A_1143 = arith.constant 0 : index
    %swap3A_1144 = arith.constant 0 : index
    %swap3A_1145 = vector.load %arg14[%swap3A_1140, %swap3A_1141, %swap3A_1142, %swap3A_1143, %swap3A_1144] : memref<1x36x1x24x200xf32, #tpu.memory_space<vmem>>, vector<1x1x1x24x200xf32>
    %swap3A_1146 = vector.shape_cast %swap3A_1145 : vector<1x1x1x24x200xf32> to vector<24x200xf32>
    %swap3A_1147 = vector.shape_cast %add3A_1139 : vector<24x200xf32> to vector<1x1x1x24x200xf32>
    tpu.vector_store %arg14[%swap3A_1140, %swap3A_1141, %swap3A_1142, %swap3A_1143, %swap3A_1144], %swap3A_1147 {strides = array<i32>} : memref<1x36x1x24x200xf32, #tpu.memory_space<vmem>>, vector<1x1x1x24x200xf32>,
    %get3A_1148 = arith.constant 0 : index
    %get3A_1149 = arith.constant 0 : index
    %get3A_1150 = vector.load %arg8[%get3A_1148, %get3A_1149] : memref<64x64xf32, #tpu.memory_space<vmem>>, vector<64x64xf32>
    %dot_general3A_1151 = arith.constant dense<0.000000e+00> : vector<64x200xf32>
    %dot_general3A_1152 = tpu.matmul %get3A_1150, %get3A_1116, %dot_general3A_1151 {dimension_numbers = #tpu.dot_dimension_numbers<[1], [0], [0], [1], [0, 0, 1, 1], [], []>, transpose_lhs_hint = false} : vector<64x64xf32>, vector<64x200xf32>, vector<64x200xf32> -> vector<64x200xf32>
    %get3A_1153 = arith.constant 0 : index
    %get3A_1154 = arith.constant 0 : index
    %get3A_1155 = vector.load %arg9[%get3A_1153, %get3A_1154] : memref<64x1xf32, #tpu.memory_space<vmem>>, vector<64x1xf32>
    %add3A_1156 = vector.broadcast %get3A_1155 : vector<64x1xf32> to vector<64x200xf32>
    %add3A_1157 = arith.addf %dot_general3A_1152, %add3A_1156 : vector<64x200xf32>
    %max3A_1158 = arith.constant 0.000000e+00 : f32
    %max3A_1159 = vector.broadcast %max3A_1158 : f32 to vector<64x200xf32>
    %max3A_1160 = arith.maximumf %add3A_1157, %max3A_1159 : vector<64x200xf32>
    %get3A_1161 = arith.constant 0 : index
    %get3A_1162 = arith.constant 0 : index
    %get3A_1163 = vector.load %arg10[%get3A_1161, %get3A_1162] : memref<42x64xf32, #tpu.memory_space<vmem>>, vector<42x64xf32>
    %dot_general3A_1164 = arith.constant dense<0.000000e+00> : vector<42x200xf32>
    %dot_general3A_1165 = tpu.matmul %get3A_1163, %max3A_1160, %dot_general3A_1164 {dimension_numbers = #tpu.dot_dimension_numbers<[1], [0], [0], [1], [0, 0, 1, 1], [], []>, transpose_lhs_hint = false} : vector<42x64xf32>, vector<64x200xf32>, vector<42x200xf32> -> vector<42x200xf32>
    %get3A_1166 = arith.constant 0 : index
    %get3A_1167 = arith.constant 0 : index
    %get3A_1168 = vector.load %arg11[%get3A_1166, %get3A_1167] : memref<42x1xf32, #tpu.memory_space<vmem>>, vector<42x1xf32>
    %add3A_1169 = vector.broadcast %get3A_1168 : vector<42x1xf32> to vector<42x200xf32>
    %add3A_1170 = arith.addf %dot_general3A_1165, %add3A_1169 : vector<42x200xf32>
    %add3A_1171 = arith.constant 9 : i32
    %add3A_1172 = arith.addi %mul3A_0, %add3A_1171 : i32
    %convert_element_type3A_1173 = arith.sitofp %add3A_1172 : i32 to f32
    %mul3A_1174 = arith.constant 4.000000e-01 : f32
    %mul3A_1175 = arith.mulf %mul3A_1174, %convert_element_type3A_1173 : f32
    %add3A_1176 = arith.constant 0.000000e+00 : f32
    %add3A_1177 = arith.addf %add3A_1176, %mul3A_1175 : f32
    %add3A_1178 = arith.constant 2.000000e-01 : f32
    %add3A_1179 = arith.addf %add3A_1177, %add3A_1178 : f32
    %slice3A_1180 = vector.extract_strided_slice %add3A_1170 {offsets = [0, 0], sizes = [36, 200], strides = [1, 1]} : vector<42x200xf32> to vector<36x200xf32>
    %mul3A_1181 = vector.broadcast %get3A_17 : vector<36x1xf32> to vector<36x200xf32>
    %mul3A_1182 = arith.mulf %slice3A_1180, %mul3A_1181 : vector<36x200xf32>
    %mul3A_1183 = vector.broadcast %add3A_1179 : f32 to vector<36x1xf32>
    %mul3A_1184 = arith.mulf %mul3A_1183, %get3A_38 : vector<36x1xf32>
    %add3A_1185 = vector.broadcast %mul3A_1184 : vector<36x1xf32> to vector<36x200xf32>
    %add3A_1186 = arith.addf %add3A_35, %add3A_1185 : vector<36x200xf32>
    %add3A_1187 = arith.addf %mul3A_1182, %add3A_1186 : vector<36x200xf32>
    %exp3A_1188 = math.exp %slice3A_1180 : vector<36x200xf32>
    %mul3A_1189 = vector.broadcast %get3A_17 : vector<36x1xf32> to vector<36x200xf32>
    %mul3A_1190 = arith.mulf %exp3A_1188, %mul3A_1189 : vector<36x200xf32>
    %broadcast_in_dim3A_1191 = vector.shape_cast %gt3A_22 : vector<36x1xi1> to vector<36x1xi1>
    %broadcast_in_dim3A_1192 = vector.broadcast %broadcast_in_dim3A_1191 : vector<36x1xi1> to vector<36x200xi1>
    %select_n3A_1193 = arith.select %broadcast_in_dim3A_1192, %add3A_1187, %mul3A_1190 : vector<36x200xi1>, vector<36x200xf32>
    %slice3A_1194 = vector.extract_strided_slice %add3A_1170 {offsets = [36, 0], sizes = [6, 200], strides = [1, 1]} : vector<42x200xf32> to vector<6x200xf32>
    %logistic3A_1195 = arith.negf %slice3A_1194 : vector<6x200xf32>
    %logistic3A_1196 = math.exp %logistic3A_1195 : vector<6x200xf32>
    %logistic3A_1197 = arith.constant 1.000000e+00 : f32
    %logistic3A_1198 = vector.broadcast %logistic3A_1197 : f32 to vector<6x200xf32>
    %logistic3A_1199 = arith.addf %logistic3A_1198, %logistic3A_1196 : vector<6x200xf32>
    %logistic3A_1200 = arith.divf %logistic3A_1198, %logistic3A_1199 : vector<6x200xf32>
    %mul3A_1201 = vector.broadcast %get3A_41 : vector<6x1xf32> to vector<6x200xf32>
    %mul3A_1202 = arith.mulf %logistic3A_1200, %mul3A_1201 : vector<6x200xf32>
    %mul3A_1203 = arith.mulf %mul3A_1202, %mul3A_1202 : vector<6x200xf32>
    %sub3A_1204 = arith.constant 1.000000e+00 : f32
    %sub3A_1205 = vector.broadcast %sub3A_1204 : f32 to vector<6x200xf32>
    %sub3A_1206 = arith.subf %sub3A_1205, %mul3A_1203 : vector<6x200xf32>
    %sqrt3A_1207 = math.sqrt %sub3A_1206 : vector<6x200xf32>
    %atan23A_1208 = math.atan2 %mul3A_1202, %sqrt3A_1207 : vector<6x200xf32>
    %slice3A_1209 = vector.extract_strided_slice %select_n3A_1193 {offsets = [0, 0], sizes = [6, 200], strides = [1, 1]} : vector<36x200xf32> to vector<6x200xf32>
    %slice3A_1210 = vector.extract_strided_slice %atan23A_1208 {offsets = [0, 0], sizes = [1, 200], strides = [1, 1]} : vector<6x200xf32> to vector<1x200xf32>
    %slice3A_1211 = vector.extract_strided_slice %select_n3A_1193 {offsets = [6, 0], sizes = [6, 200], strides = [1, 1]} : vector<36x200xf32> to vector<6x200xf32>
    %slice3A_1212 = vector.extract_strided_slice %atan23A_1208 {offsets = [1, 0], sizes = [1, 200], strides = [1, 1]} : vector<6x200xf32> to vector<1x200xf32>
    %slice3A_1213 = vector.extract_strided_slice %select_n3A_1193 {offsets = [12, 0], sizes = [6, 200], strides = [1, 1]} : vector<36x200xf32> to vector<6x200xf32>
    %slice3A_1214 = vector.extract_strided_slice %atan23A_1208 {offsets = [2, 0], sizes = [1, 200], strides = [1, 1]} : vector<6x200xf32> to vector<1x200xf32>
    %slice3A_1215 = vector.extract_strided_slice %select_n3A_1193 {offsets = [18, 0], sizes = [6, 200], strides = [1, 1]} : vector<36x200xf32> to vector<6x200xf32>
    %slice3A_1216 = vector.extract_strided_slice %atan23A_1208 {offsets = [3, 0], sizes = [1, 200], strides = [1, 1]} : vector<6x200xf32> to vector<1x200xf32>
    %slice3A_1217 = vector.extract_strided_slice %select_n3A_1193 {offsets = [24, 0], sizes = [6, 200], strides = [1, 1]} : vector<36x200xf32> to vector<6x200xf32>
    %slice3A_1218 = vector.extract_strided_slice %atan23A_1208 {offsets = [4, 0], sizes = [1, 200], strides = [1, 1]} : vector<6x200xf32> to vector<1x200xf32>
    %slice3A_1219 = vector.extract_strided_slice %select_n3A_1193 {offsets = [30, 0], sizes = [6, 200], strides = [1, 1]} : vector<36x200xf32> to vector<6x200xf32>
    %slice3A_1220 = vector.extract_strided_slice %atan23A_1208 {offsets = [5, 0], sizes = [1, 200], strides = [1, 1]} : vector<6x200xf32> to vector<1x200xf32>
    %concatenate3A_1221 = tpu.concatenate %slice3A_1209, %slice3A_1210, %slice3A_1211, %slice3A_1212, %slice3A_1213, %slice3A_1214, %slice3A_1215, %slice3A_1216, %slice3A_1217, %slice3A_1218, %slice3A_1219, %slice3A_1220 in 0 : vector<6x200xf32>, vector<1x200xf32>, vector<6x200xf32>, vector<1x200xf32>, vector<6x200xf32>, vector<1x200xf32>, vector<6x200xf32>, vector<1x200xf32>, vector<6x200xf32>, vector<1x200xf32>, vector<6x200xf32>, vector<1x200xf32> -> vector<42x200xf32>
    %swap3A_1222 = arith.constant 0 : index
    %swap3A_1223 = arith.constant 9 : index
    %swap3A_1224 = arith.constant 0 : index
    %swap3A_1225 = arith.constant 0 : index
    %swap3A_1226 = arith.constant 0 : index
    %swap3A_1227 = vector.load %arg15[%swap3A_1222, %swap3A_1223, %swap3A_1224, %swap3A_1225, %swap3A_1226] : memref<1x36x1x42x200xf32, #tpu.memory_space<vmem>>, vector<1x1x1x42x200xf32>
    %swap3A_1228 = vector.shape_cast %swap3A_1227 : vector<1x1x1x42x200xf32> to vector<42x200xf32>
    %swap3A_1229 = vector.shape_cast %concatenate3A_1221 : vector<42x200xf32> to vector<1x1x1x42x200xf32>
    tpu.vector_store %arg15[%swap3A_1222, %swap3A_1223, %swap3A_1224, %swap3A_1225, %swap3A_1226], %swap3A_1229 {strides = array<i32>} : memref<1x36x1x42x200xf32, #tpu.memory_space<vmem>>, vector<1x1x1x42x200xf32>,
    %get3A_1230 = arith.constant 0 : index
    %get3A_1231 = arith.constant 10 : index
    %get3A_1232 = arith.constant 0 : index
    %get3A_1233 = arith.constant 0 : index
    %get3A_1234 = arith.constant 0 : index
    %get3A_1235 = vector.load %arg3[%get3A_1230, %get3A_1231, %get3A_1232, %get3A_1233, %get3A_1234] : memref<1x36x1x64x200xf32, #tpu.memory_space<vmem>>, vector<1x1x1x64x200xf32>
    %get3A_1236 = vector.shape_cast %get3A_1235 : vector<1x1x1x64x200xf32> to vector<64x200xf32>
    %get3A_1237 = arith.constant 0 : index
    %get3A_1238 = arith.constant 0 : index
    %get3A_1239 = vector.load %arg4[%get3A_1237, %get3A_1238] : memref<64x64xf32, #tpu.memory_space<vmem>>, vector<64x64xf32>
    %dot_general3A_1240 = arith.constant dense<0.000000e+00> : vector<64x200xf32>
    %dot_general3A_1241 = tpu.matmul %get3A_1239, %get3A_1236, %dot_general3A_1240 {dimension_numbers = #tpu.dot_dimension_numbers<[1], [0], [0], [1], [0, 0, 1, 1], [], []>, transpose_lhs_hint = false} : vector<64x64xf32>, vector<64x200xf32>, vector<64x200xf32> -> vector<64x200xf32>
    %get3A_1242 = arith.constant 0 : index
    %get3A_1243 = arith.constant 0 : index
    %get3A_1244 = vector.load %arg5[%get3A_1242, %get3A_1243] : memref<64x1xf32, #tpu.memory_space<vmem>>, vector<64x1xf32>
    %add3A_1245 = vector.broadcast %get3A_1244 : vector<64x1xf32> to vector<64x200xf32>
    %add3A_1246 = arith.addf %dot_general3A_1241, %add3A_1245 : vector<64x200xf32>
    %max3A_1247 = arith.constant 0.000000e+00 : f32
    %max3A_1248 = vector.broadcast %max3A_1247 : f32 to vector<64x200xf32>
    %max3A_1249 = arith.maximumf %add3A_1246, %max3A_1248 : vector<64x200xf32>
    %get3A_1250 = arith.constant 0 : index
    %get3A_1251 = arith.constant 0 : index
    %get3A_1252 = vector.load %arg6[%get3A_1250, %get3A_1251] : memref<24x64xf32, #tpu.memory_space<vmem>>, vector<24x64xf32>
    %dot_general3A_1253 = arith.constant dense<0.000000e+00> : vector<24x200xf32>
    %dot_general3A_1254 = tpu.matmul %get3A_1252, %max3A_1249, %dot_general3A_1253 {dimension_numbers = #tpu.dot_dimension_numbers<[1], [0], [0], [1], [0, 0, 1, 1], [], []>, transpose_lhs_hint = false} : vector<24x64xf32>, vector<64x200xf32>, vector<24x200xf32> -> vector<24x200xf32>
    %get3A_1255 = arith.constant 0 : index
    %get3A_1256 = arith.constant 0 : index
    %get3A_1257 = vector.load %arg7[%get3A_1255, %get3A_1256] : memref<24x1xf32, #tpu.memory_space<vmem>>, vector<24x1xf32>
    %add3A_1258 = vector.broadcast %get3A_1257 : vector<24x1xf32> to vector<24x200xf32>
    %add3A_1259 = arith.addf %dot_general3A_1254, %add3A_1258 : vector<24x200xf32>
    %swap3A_1260 = arith.constant 0 : index
    %swap3A_1261 = arith.constant 10 : index
    %swap3A_1262 = arith.constant 0 : index
    %swap3A_1263 = arith.constant 0 : index
    %swap3A_1264 = arith.constant 0 : index
    %swap3A_1265 = vector.load %arg14[%swap3A_1260, %swap3A_1261, %swap3A_1262, %swap3A_1263, %swap3A_1264] : memref<1x36x1x24x200xf32, #tpu.memory_space<vmem>>, vector<1x1x1x24x200xf32>
    %swap3A_1266 = vector.shape_cast %swap3A_1265 : vector<1x1x1x24x200xf32> to vector<24x200xf32>
    %swap3A_1267 = vector.shape_cast %add3A_1259 : vector<24x200xf32> to vector<1x1x1x24x200xf32>
    tpu.vector_store %arg14[%swap3A_1260, %swap3A_1261, %swap3A_1262, %swap3A_1263, %swap3A_1264], %swap3A_1267 {strides = array<i32>} : memref<1x36x1x24x200xf32, #tpu.memory_space<vmem>>, vector<1x1x1x24x200xf32>,
    %get3A_1268 = arith.constant 0 : index
    %get3A_1269 = arith.constant 0 : index
    %get3A_1270 = vector.load %arg8[%get3A_1268, %get3A_1269] : memref<64x64xf32, #tpu.memory_space<vmem>>, vector<64x64xf32>
    %dot_general3A_1271 = arith.constant dense<0.000000e+00> : vector<64x200xf32>
    %dot_general3A_1272 = tpu.matmul %get3A_1270, %get3A_1236, %dot_general3A_1271 {dimension_numbers = #tpu.dot_dimension_numbers<[1], [0], [0], [1], [0, 0, 1, 1], [], []>, transpose_lhs_hint = false} : vector<64x64xf32>, vector<64x200xf32>, vector<64x200xf32> -> vector<64x200xf32>
    %get3A_1273 = arith.constant 0 : index
    %get3A_1274 = arith.constant 0 : index
    %get3A_1275 = vector.load %arg9[%get3A_1273, %get3A_1274] : memref<64x1xf32, #tpu.memory_space<vmem>>, vector<64x1xf32>
    %add3A_1276 = vector.broadcast %get3A_1275 : vector<64x1xf32> to vector<64x200xf32>
    %add3A_1277 = arith.addf %dot_general3A_1272, %add3A_1276 : vector<64x200xf32>
    %max3A_1278 = arith.constant 0.000000e+00 : f32
    %max3A_1279 = vector.broadcast %max3A_1278 : f32 to vector<64x200xf32>
    %max3A_1280 = arith.maximumf %add3A_1277, %max3A_1279 : vector<64x200xf32>
    %get3A_1281 = arith.constant 0 : index
    %get3A_1282 = arith.constant 0 : index
    %get3A_1283 = vector.load %arg10[%get3A_1281, %get3A_1282] : memref<42x64xf32, #tpu.memory_space<vmem>>, vector<42x64xf32>
    %dot_general3A_1284 = arith.constant dense<0.000000e+00> : vector<42x200xf32>
    %dot_general3A_1285 = tpu.matmul %get3A_1283, %max3A_1280, %dot_general3A_1284 {dimension_numbers = #tpu.dot_dimension_numbers<[1], [0], [0], [1], [0, 0, 1, 1], [], []>, transpose_lhs_hint = false} : vector<42x64xf32>, vector<64x200xf32>, vector<42x200xf32> -> vector<42x200xf32>
    %get3A_1286 = arith.constant 0 : index
    %get3A_1287 = arith.constant 0 : index
    %get3A_1288 = vector.load %arg11[%get3A_1286, %get3A_1287] : memref<42x1xf32, #tpu.memory_space<vmem>>, vector<42x1xf32>
    %add3A_1289 = vector.broadcast %get3A_1288 : vector<42x1xf32> to vector<42x200xf32>
    %add3A_1290 = arith.addf %dot_general3A_1285, %add3A_1289 : vector<42x200xf32>
    %add3A_1291 = arith.constant 10 : i32
    %add3A_1292 = arith.addi %mul3A_0, %add3A_1291 : i32
    %convert_element_type3A_1293 = arith.sitofp %add3A_1292 : i32 to f32
    %mul3A_1294 = arith.constant 4.000000e-01 : f32
    %mul3A_1295 = arith.mulf %mul3A_1294, %convert_element_type3A_1293 : f32
    %add3A_1296 = arith.constant 0.000000e+00 : f32
    %add3A_1297 = arith.addf %add3A_1296, %mul3A_1295 : f32
    %add3A_1298 = arith.constant 2.000000e-01 : f32
    %add3A_1299 = arith.addf %add3A_1297, %add3A_1298 : f32
    %slice3A_1300 = vector.extract_strided_slice %add3A_1290 {offsets = [0, 0], sizes = [36, 200], strides = [1, 1]} : vector<42x200xf32> to vector<36x200xf32>
    %mul3A_1301 = vector.broadcast %get3A_17 : vector<36x1xf32> to vector<36x200xf32>
    %mul3A_1302 = arith.mulf %slice3A_1300, %mul3A_1301 : vector<36x200xf32>
    %mul3A_1303 = vector.broadcast %add3A_1299 : f32 to vector<36x1xf32>
    %mul3A_1304 = arith.mulf %mul3A_1303, %get3A_38 : vector<36x1xf32>
    %add3A_1305 = vector.broadcast %mul3A_1304 : vector<36x1xf32> to vector<36x200xf32>
    %add3A_1306 = arith.addf %add3A_35, %add3A_1305 : vector<36x200xf32>
    %add3A_1307 = arith.addf %mul3A_1302, %add3A_1306 : vector<36x200xf32>
    %exp3A_1308 = math.exp %slice3A_1300 : vector<36x200xf32>
    %mul3A_1309 = vector.broadcast %get3A_17 : vector<36x1xf32> to vector<36x200xf32>
    %mul3A_1310 = arith.mulf %exp3A_1308, %mul3A_1309 : vector<36x200xf32>
    %broadcast_in_dim3A_1311 = vector.shape_cast %gt3A_22 : vector<36x1xi1> to vector<36x1xi1>
    %broadcast_in_dim3A_1312 = vector.broadcast %broadcast_in_dim3A_1311 : vector<36x1xi1> to vector<36x200xi1>
    %select_n3A_1313 = arith.select %broadcast_in_dim3A_1312, %add3A_1307, %mul3A_1310 : vector<36x200xi1>, vector<36x200xf32>
    %slice3A_1314 = vector.extract_strided_slice %add3A_1290 {offsets = [36, 0], sizes = [6, 200], strides = [1, 1]} : vector<42x200xf32> to vector<6x200xf32>
    %logistic3A_1315 = arith.negf %slice3A_1314 : vector<6x200xf32>
    %logistic3A_1316 = math.exp %logistic3A_1315 : vector<6x200xf32>
    %logistic3A_1317 = arith.constant 1.000000e+00 : f32
    %logistic3A_1318 = vector.broadcast %logistic3A_1317 : f32 to vector<6x200xf32>
    %logistic3A_1319 = arith.addf %logistic3A_1318, %logistic3A_1316 : vector<6x200xf32>
    %logistic3A_1320 = arith.divf %logistic3A_1318, %logistic3A_1319 : vector<6x200xf32>
    %mul3A_1321 = vector.broadcast %get3A_41 : vector<6x1xf32> to vector<6x200xf32>
    %mul3A_1322 = arith.mulf %logistic3A_1320, %mul3A_1321 : vector<6x200xf32>
    %mul3A_1323 = arith.mulf %mul3A_1322, %mul3A_1322 : vector<6x200xf32>
    %sub3A_1324 = arith.constant 1.000000e+00 : f32
    %sub3A_1325 = vector.broadcast %sub3A_1324 : f32 to vector<6x200xf32>
    %sub3A_1326 = arith.subf %sub3A_1325, %mul3A_1323 : vector<6x200xf32>
    %sqrt3A_1327 = math.sqrt %sub3A_1326 : vector<6x200xf32>
    %atan23A_1328 = math.atan2 %mul3A_1322, %sqrt3A_1327 : vector<6x200xf32>
    %slice3A_1329 = vector.extract_strided_slice %select_n3A_1313 {offsets = [0, 0], sizes = [6, 200], strides = [1, 1]} : vector<36x200xf32> to vector<6x200xf32>
    %slice3A_1330 = vector.extract_strided_slice %atan23A_1328 {offsets = [0, 0], sizes = [1, 200], strides = [1, 1]} : vector<6x200xf32> to vector<1x200xf32>
    %slice3A_1331 = vector.extract_strided_slice %select_n3A_1313 {offsets = [6, 0], sizes = [6, 200], strides = [1, 1]} : vector<36x200xf32> to vector<6x200xf32>
    %slice3A_1332 = vector.extract_strided_slice %atan23A_1328 {offsets = [1, 0], sizes = [1, 200], strides = [1, 1]} : vector<6x200xf32> to vector<1x200xf32>
    %slice3A_1333 = vector.extract_strided_slice %select_n3A_1313 {offsets = [12, 0], sizes = [6, 200], strides = [1, 1]} : vector<36x200xf32> to vector<6x200xf32>
    %slice3A_1334 = vector.extract_strided_slice %atan23A_1328 {offsets = [2, 0], sizes = [1, 200], strides = [1, 1]} : vector<6x200xf32> to vector<1x200xf32>
    %slice3A_1335 = vector.extract_strided_slice %select_n3A_1313 {offsets = [18, 0], sizes = [6, 200], strides = [1, 1]} : vector<36x200xf32> to vector<6x200xf32>
    %slice3A_1336 = vector.extract_strided_slice %atan23A_1328 {offsets = [3, 0], sizes = [1, 200], strides = [1, 1]} : vector<6x200xf32> to vector<1x200xf32>
    %slice3A_1337 = vector.extract_strided_slice %select_n3A_1313 {offsets = [24, 0], sizes = [6, 200], strides = [1, 1]} : vector<36x200xf32> to vector<6x200xf32>
    %slice3A_1338 = vector.extract_strided_slice %atan23A_1328 {offsets = [4, 0], sizes = [1, 200], strides = [1, 1]} : vector<6x200xf32> to vector<1x200xf32>
    %slice3A_1339 = vector.extract_strided_slice %select_n3A_1313 {offsets = [30, 0], sizes = [6, 200], strides = [1, 1]} : vector<36x200xf32> to vector<6x200xf32>
    %slice3A_1340 = vector.extract_strided_slice %atan23A_1328 {offsets = [5, 0], sizes = [1, 200], strides = [1, 1]} : vector<6x200xf32> to vector<1x200xf32>
    %concatenate3A_1341 = tpu.concatenate %slice3A_1329, %slice3A_1330, %slice3A_1331, %slice3A_1332, %slice3A_1333, %slice3A_1334, %slice3A_1335, %slice3A_1336, %slice3A_1337, %slice3A_1338, %slice3A_1339, %slice3A_1340 in 0 : vector<6x200xf32>, vector<1x200xf32>, vector<6x200xf32>, vector<1x200xf32>, vector<6x200xf32>, vector<1x200xf32>, vector<6x200xf32>, vector<1x200xf32>, vector<6x200xf32>, vector<1x200xf32>, vector<6x200xf32>, vector<1x200xf32> -> vector<42x200xf32>
    %swap3A_1342 = arith.constant 0 : index
    %swap3A_1343 = arith.constant 10 : index
    %swap3A_1344 = arith.constant 0 : index
    %swap3A_1345 = arith.constant 0 : index
    %swap3A_1346 = arith.constant 0 : index
    %swap3A_1347 = vector.load %arg15[%swap3A_1342, %swap3A_1343, %swap3A_1344, %swap3A_1345, %swap3A_1346] : memref<1x36x1x42x200xf32, #tpu.memory_space<vmem>>, vector<1x1x1x42x200xf32>
    %swap3A_1348 = vector.shape_cast %swap3A_1347 : vector<1x1x1x42x200xf32> to vector<42x200xf32>
    %swap3A_1349 = vector.shape_cast %concatenate3A_1341 : vector<42x200xf32> to vector<1x1x1x42x200xf32>
    tpu.vector_store %arg15[%swap3A_1342, %swap3A_1343, %swap3A_1344, %swap3A_1345, %swap3A_1346], %swap3A_1349 {strides = array<i32>} : memref<1x36x1x42x200xf32, #tpu.memory_space<vmem>>, vector<1x1x1x42x200xf32>,
    %get3A_1350 = arith.constant 0 : index
    %get3A_1351 = arith.constant 11 : index
    %get3A_1352 = arith.constant 0 : index
    %get3A_1353 = arith.constant 0 : index
    %get3A_1354 = arith.constant 0 : index
    %get3A_1355 = vector.load %arg3[%get3A_1350, %get3A_1351, %get3A_1352, %get3A_1353, %get3A_1354] : memref<1x36x1x64x200xf32, #tpu.memory_space<vmem>>, vector<1x1x1x64x200xf32>
    %get3A_1356 = vector.shape_cast %get3A_1355 : vector<1x1x1x64x200xf32> to vector<64x200xf32>
    %get3A_1357 = arith.constant 0 : index
    %get3A_1358 = arith.constant 0 : index
    %get3A_1359 = vector.load %arg4[%get3A_1357, %get3A_1358] : memref<64x64xf32, #tpu.memory_space<vmem>>, vector<64x64xf32>
    %dot_general3A_1360 = arith.constant dense<0.000000e+00> : vector<64x200xf32>
    %dot_general3A_1361 = tpu.matmul %get3A_1359, %get3A_1356, %dot_general3A_1360 {dimension_numbers = #tpu.dot_dimension_numbers<[1], [0], [0], [1], [0, 0, 1, 1], [], []>, transpose_lhs_hint = false} : vector<64x64xf32>, vector<64x200xf32>, vector<64x200xf32> -> vector<64x200xf32>
    %get3A_1362 = arith.constant 0 : index
    %get3A_1363 = arith.constant 0 : index
    %get3A_1364 = vector.load %arg5[%get3A_1362, %get3A_1363] : memref<64x1xf32, #tpu.memory_space<vmem>>, vector<64x1xf32>
    %add3A_1365 = vector.broadcast %get3A_1364 : vector<64x1xf32> to vector<64x200xf32>
    %add3A_1366 = arith.addf %dot_general3A_1361, %add3A_1365 : vector<64x200xf32>
    %max3A_1367 = arith.constant 0.000000e+00 : f32
    %max3A_1368 = vector.broadcast %max3A_1367 : f32 to vector<64x200xf32>
    %max3A_1369 = arith.maximumf %add3A_1366, %max3A_1368 : vector<64x200xf32>
    %get3A_1370 = arith.constant 0 : index
    %get3A_1371 = arith.constant 0 : index
    %get3A_1372 = vector.load %arg6[%get3A_1370, %get3A_1371] : memref<24x64xf32, #tpu.memory_space<vmem>>, vector<24x64xf32>
    %dot_general3A_1373 = arith.constant dense<0.000000e+00> : vector<24x200xf32>
    %dot_general3A_1374 = tpu.matmul %get3A_1372, %max3A_1369, %dot_general3A_1373 {dimension_numbers = #tpu.dot_dimension_numbers<[1], [0], [0], [1], [0, 0, 1, 1], [], []>, transpose_lhs_hint = false} : vector<24x64xf32>, vector<64x200xf32>, vector<24x200xf32> -> vector<24x200xf32>
    %get3A_1375 = arith.constant 0 : index
    %get3A_1376 = arith.constant 0 : index
    %get3A_1377 = vector.load %arg7[%get3A_1375, %get3A_1376] : memref<24x1xf32, #tpu.memory_space<vmem>>, vector<24x1xf32>
    %add3A_1378 = vector.broadcast %get3A_1377 : vector<24x1xf32> to vector<24x200xf32>
    %add3A_1379 = arith.addf %dot_general3A_1374, %add3A_1378 : vector<24x200xf32>
    %swap3A_1380 = arith.constant 0 : index
    %swap3A_1381 = arith.constant 11 : index
    %swap3A_1382 = arith.constant 0 : index
    %swap3A_1383 = arith.constant 0 : index
    %swap3A_1384 = arith.constant 0 : index
    %swap3A_1385 = vector.load %arg14[%swap3A_1380, %swap3A_1381, %swap3A_1382, %swap3A_1383, %swap3A_1384] : memref<1x36x1x24x200xf32, #tpu.memory_space<vmem>>, vector<1x1x1x24x200xf32>
    %swap3A_1386 = vector.shape_cast %swap3A_1385 : vector<1x1x1x24x200xf32> to vector<24x200xf32>
    %swap3A_1387 = vector.shape_cast %add3A_1379 : vector<24x200xf32> to vector<1x1x1x24x200xf32>
    tpu.vector_store %arg14[%swap3A_1380, %swap3A_1381, %swap3A_1382, %swap3A_1383, %swap3A_1384], %swap3A_1387 {strides = array<i32>} : memref<1x36x1x24x200xf32, #tpu.memory_space<vmem>>, vector<1x1x1x24x200xf32>,
    %get3A_1388 = arith.constant 0 : index
    %get3A_1389 = arith.constant 0 : index
    %get3A_1390 = vector.load %arg8[%get3A_1388, %get3A_1389] : memref<64x64xf32, #tpu.memory_space<vmem>>, vector<64x64xf32>
    %dot_general3A_1391 = arith.constant dense<0.000000e+00> : vector<64x200xf32>
    %dot_general3A_1392 = tpu.matmul %get3A_1390, %get3A_1356, %dot_general3A_1391 {dimension_numbers = #tpu.dot_dimension_numbers<[1], [0], [0], [1], [0, 0, 1, 1], [], []>, transpose_lhs_hint = false} : vector<64x64xf32>, vector<64x200xf32>, vector<64x200xf32> -> vector<64x200xf32>
    %get3A_1393 = arith.constant 0 : index
    %get3A_1394 = arith.constant 0 : index
    %get3A_1395 = vector.load %arg9[%get3A_1393, %get3A_1394] : memref<64x1xf32, #tpu.memory_space<vmem>>, vector<64x1xf32>
    %add3A_1396 = vector.broadcast %get3A_1395 : vector<64x1xf32> to vector<64x200xf32>
    %add3A_1397 = arith.addf %dot_general3A_1392, %add3A_1396 : vector<64x200xf32>
    %max3A_1398 = arith.constant 0.000000e+00 : f32
    %max3A_1399 = vector.broadcast %max3A_1398 : f32 to vector<64x200xf32>
    %max3A_1400 = arith.maximumf %add3A_1397, %max3A_1399 : vector<64x200xf32>
    %get3A_1401 = arith.constant 0 : index
    %get3A_1402 = arith.constant 0 : index
    %get3A_1403 = vector.load %arg10[%get3A_1401, %get3A_1402] : memref<42x64xf32, #tpu.memory_space<vmem>>, vector<42x64xf32>
    %dot_general3A_1404 = arith.constant dense<0.000000e+00> : vector<42x200xf32>
    %dot_general3A_1405 = tpu.matmul %get3A_1403, %max3A_1400, %dot_general3A_1404 {dimension_numbers = #tpu.dot_dimension_numbers<[1], [0], [0], [1], [0, 0, 1, 1], [], []>, transpose_lhs_hint = false} : vector<42x64xf32>, vector<64x200xf32>, vector<42x200xf32> -> vector<42x200xf32>
    %get3A_1406 = arith.constant 0 : index
    %get3A_1407 = arith.constant 0 : index
    %get3A_1408 = vector.load %arg11[%get3A_1406, %get3A_1407] : memref<42x1xf32, #tpu.memory_space<vmem>>, vector<42x1xf32>
    %add3A_1409 = vector.broadcast %get3A_1408 : vector<42x1xf32> to vector<42x200xf32>
    %add3A_1410 = arith.addf %dot_general3A_1405, %add3A_1409 : vector<42x200xf32>
    %add3A_1411 = arith.constant 11 : i32
    %add3A_1412 = arith.addi %mul3A_0, %add3A_1411 : i32
    %convert_element_type3A_1413 = arith.sitofp %add3A_1412 : i32 to f32
    %mul3A_1414 = arith.constant 4.000000e-01 : f32
    %mul3A_1415 = arith.mulf %mul3A_1414, %convert_element_type3A_1413 : f32
    %add3A_1416 = arith.constant 0.000000e+00 : f32
    %add3A_1417 = arith.addf %add3A_1416, %mul3A_1415 : f32
    %add3A_1418 = arith.constant 2.000000e-01 : f32
    %add3A_1419 = arith.addf %add3A_1417, %add3A_1418 : f32
    %slice3A_1420 = vector.extract_strided_slice %add3A_1410 {offsets = [0, 0], sizes = [36, 200], strides = [1, 1]} : vector<42x200xf32> to vector<36x200xf32>
    %mul3A_1421 = vector.broadcast %get3A_17 : vector<36x1xf32> to vector<36x200xf32>
    %mul3A_1422 = arith.mulf %slice3A_1420, %mul3A_1421 : vector<36x200xf32>
    %mul3A_1423 = vector.broadcast %add3A_1419 : f32 to vector<36x1xf32>
    %mul3A_1424 = arith.mulf %mul3A_1423, %get3A_38 : vector<36x1xf32>
    %add3A_1425 = vector.broadcast %mul3A_1424 : vector<36x1xf32> to vector<36x200xf32>
    %add3A_1426 = arith.addf %add3A_35, %add3A_1425 : vector<36x200xf32>
    %add3A_1427 = arith.addf %mul3A_1422, %add3A_1426 : vector<36x200xf32>
    %exp3A_1428 = math.exp %slice3A_1420 : vector<36x200xf32>
    %mul3A_1429 = vector.broadcast %get3A_17 : vector<36x1xf32> to vector<36x200xf32>
    %mul3A_1430 = arith.mulf %exp3A_1428, %mul3A_1429 : vector<36x200xf32>
    %broadcast_in_dim3A_1431 = vector.shape_cast %gt3A_22 : vector<36x1xi1> to vector<36x1xi1>
    %broadcast_in_dim3A_1432 = vector.broadcast %broadcast_in_dim3A_1431 : vector<36x1xi1> to vector<36x200xi1>
    %select_n3A_1433 = arith.select %broadcast_in_dim3A_1432, %add3A_1427, %mul3A_1430 : vector<36x200xi1>, vector<36x200xf32>
    %slice3A_1434 = vector.extract_strided_slice %add3A_1410 {offsets = [36, 0], sizes = [6, 200], strides = [1, 1]} : vector<42x200xf32> to vector<6x200xf32>
    %logistic3A_1435 = arith.negf %slice3A_1434 : vector<6x200xf32>
    %logistic3A_1436 = math.exp %logistic3A_1435 : vector<6x200xf32>
    %logistic3A_1437 = arith.constant 1.000000e+00 : f32
    %logistic3A_1438 = vector.broadcast %logistic3A_1437 : f32 to vector<6x200xf32>
    %logistic3A_1439 = arith.addf %logistic3A_1438, %logistic3A_1436 : vector<6x200xf32>
    %logistic3A_1440 = arith.divf %logistic3A_1438, %logistic3A_1439 : vector<6x200xf32>
    %mul3A_1441 = vector.broadcast %get3A_41 : vector<6x1xf32> to vector<6x200xf32>
    %mul3A_1442 = arith.mulf %logistic3A_1440, %mul3A_1441 : vector<6x200xf32>
    %mul3A_1443 = arith.mulf %mul3A_1442, %mul3A_1442 : vector<6x200xf32>
    %sub3A_1444 = arith.constant 1.000000e+00 : f32
    %sub3A_1445 = vector.broadcast %sub3A_1444 : f32 to vector<6x200xf32>
    %sub3A_1446 = arith.subf %sub3A_1445, %mul3A_1443 : vector<6x200xf32>
    %sqrt3A_1447 = math.sqrt %sub3A_1446 : vector<6x200xf32>
    %atan23A_1448 = math.atan2 %mul3A_1442, %sqrt3A_1447 : vector<6x200xf32>
    %slice3A_1449 = vector.extract_strided_slice %select_n3A_1433 {offsets = [0, 0], sizes = [6, 200], strides = [1, 1]} : vector<36x200xf32> to vector<6x200xf32>
    %slice3A_1450 = vector.extract_strided_slice %atan23A_1448 {offsets = [0, 0], sizes = [1, 200], strides = [1, 1]} : vector<6x200xf32> to vector<1x200xf32>
    %slice3A_1451 = vector.extract_strided_slice %select_n3A_1433 {offsets = [6, 0], sizes = [6, 200], strides = [1, 1]} : vector<36x200xf32> to vector<6x200xf32>
    %slice3A_1452 = vector.extract_strided_slice %atan23A_1448 {offsets = [1, 0], sizes = [1, 200], strides = [1, 1]} : vector<6x200xf32> to vector<1x200xf32>
    %slice3A_1453 = vector.extract_strided_slice %select_n3A_1433 {offsets = [12, 0], sizes = [6, 200], strides = [1, 1]} : vector<36x200xf32> to vector<6x200xf32>
    %slice3A_1454 = vector.extract_strided_slice %atan23A_1448 {offsets = [2, 0], sizes = [1, 200], strides = [1, 1]} : vector<6x200xf32> to vector<1x200xf32>
    %slice3A_1455 = vector.extract_strided_slice %select_n3A_1433 {offsets = [18, 0], sizes = [6, 200], strides = [1, 1]} : vector<36x200xf32> to vector<6x200xf32>
    %slice3A_1456 = vector.extract_strided_slice %atan23A_1448 {offsets = [3, 0], sizes = [1, 200], strides = [1, 1]} : vector<6x200xf32> to vector<1x200xf32>
    %slice3A_1457 = vector.extract_strided_slice %select_n3A_1433 {offsets = [24, 0], sizes = [6, 200], strides = [1, 1]} : vector<36x200xf32> to vector<6x200xf32>
    %slice3A_1458 = vector.extract_strided_slice %atan23A_1448 {offsets = [4, 0], sizes = [1, 200], strides = [1, 1]} : vector<6x200xf32> to vector<1x200xf32>
    %slice3A_1459 = vector.extract_strided_slice %select_n3A_1433 {offsets = [30, 0], sizes = [6, 200], strides = [1, 1]} : vector<36x200xf32> to vector<6x200xf32>
    %slice3A_1460 = vector.extract_strided_slice %atan23A_1448 {offsets = [5, 0], sizes = [1, 200], strides = [1, 1]} : vector<6x200xf32> to vector<1x200xf32>
    %concatenate3A_1461 = tpu.concatenate %slice3A_1449, %slice3A_1450, %slice3A_1451, %slice3A_1452, %slice3A_1453, %slice3A_1454, %slice3A_1455, %slice3A_1456, %slice3A_1457, %slice3A_1458, %slice3A_1459, %slice3A_1460 in 0 : vector<6x200xf32>, vector<1x200xf32>, vector<6x200xf32>, vector<1x200xf32>, vector<6x200xf32>, vector<1x200xf32>, vector<6x200xf32>, vector<1x200xf32>, vector<6x200xf32>, vector<1x200xf32>, vector<6x200xf32>, vector<1x200xf32> -> vector<42x200xf32>
    %swap3A_1462 = arith.constant 0 : index
    %swap3A_1463 = arith.constant 11 : index
    %swap3A_1464 = arith.constant 0 : index
    %swap3A_1465 = arith.constant 0 : index
    %swap3A_1466 = arith.constant 0 : index
    %swap3A_1467 = vector.load %arg15[%swap3A_1462, %swap3A_1463, %swap3A_1464, %swap3A_1465, %swap3A_1466] : memref<1x36x1x42x200xf32, #tpu.memory_space<vmem>>, vector<1x1x1x42x200xf32>
    %swap3A_1468 = vector.shape_cast %swap3A_1467 : vector<1x1x1x42x200xf32> to vector<42x200xf32>
    %swap3A_1469 = vector.shape_cast %concatenate3A_1461 : vector<42x200xf32> to vector<1x1x1x42x200xf32>
    tpu.vector_store %arg15[%swap3A_1462, %swap3A_1463, %swap3A_1464, %swap3A_1465, %swap3A_1466], %swap3A_1469 {strides = array<i32>} : memref<1x36x1x42x200xf32, #tpu.memory_space<vmem>>, vector<1x1x1x42x200xf32>,
    %get3A_1470 = arith.constant 0 : index
    %get3A_1471 = arith.constant 12 : index
    %get3A_1472 = arith.constant 0 : index
    %get3A_1473 = arith.constant 0 : index
    %get3A_1474 = arith.constant 0 : index
    %get3A_1475 = vector.load %arg3[%get3A_1470, %get3A_1471, %get3A_1472, %get3A_1473, %get3A_1474] : memref<1x36x1x64x200xf32, #tpu.memory_space<vmem>>, vector<1x1x1x64x200xf32>
    %get3A_1476 = vector.shape_cast %get3A_1475 : vector<1x1x1x64x200xf32> to vector<64x200xf32>
    %get3A_1477 = arith.constant 0 : index
    %get3A_1478 = arith.constant 0 : index
    %get3A_1479 = vector.load %arg4[%get3A_1477, %get3A_1478] : memref<64x64xf32, #tpu.memory_space<vmem>>, vector<64x64xf32>
    %dot_general3A_1480 = arith.constant dense<0.000000e+00> : vector<64x200xf32>
    %dot_general3A_1481 = tpu.matmul %get3A_1479, %get3A_1476, %dot_general3A_1480 {dimension_numbers = #tpu.dot_dimension_numbers<[1], [0], [0], [1], [0, 0, 1, 1], [], []>, transpose_lhs_hint = false} : vector<64x64xf32>, vector<64x200xf32>, vector<64x200xf32> -> vector<64x200xf32>
    %get3A_1482 = arith.constant 0 : index
    %get3A_1483 = arith.constant 0 : index
    %get3A_1484 = vector.load %arg5[%get3A_1482, %get3A_1483] : memref<64x1xf32, #tpu.memory_space<vmem>>, vector<64x1xf32>
    %add3A_1485 = vector.broadcast %get3A_1484 : vector<64x1xf32> to vector<64x200xf32>
    %add3A_1486 = arith.addf %dot_general3A_1481, %add3A_1485 : vector<64x200xf32>
    %max3A_1487 = arith.constant 0.000000e+00 : f32
    %max3A_1488 = vector.broadcast %max3A_1487 : f32 to vector<64x200xf32>
    %max3A_1489 = arith.maximumf %add3A_1486, %max3A_1488 : vector<64x200xf32>
    %get3A_1490 = arith.constant 0 : index
    %get3A_1491 = arith.constant 0 : index
    %get3A_1492 = vector.load %arg6[%get3A_1490, %get3A_1491] : memref<24x64xf32, #tpu.memory_space<vmem>>, vector<24x64xf32>
    %dot_general3A_1493 = arith.constant dense<0.000000e+00> : vector<24x200xf32>
    %dot_general3A_1494 = tpu.matmul %get3A_1492, %max3A_1489, %dot_general3A_1493 {dimension_numbers = #tpu.dot_dimension_numbers<[1], [0], [0], [1], [0, 0, 1, 1], [], []>, transpose_lhs_hint = false} : vector<24x64xf32>, vector<64x200xf32>, vector<24x200xf32> -> vector<24x200xf32>
    %get3A_1495 = arith.constant 0 : index
    %get3A_1496 = arith.constant 0 : index
    %get3A_1497 = vector.load %arg7[%get3A_1495, %get3A_1496] : memref<24x1xf32, #tpu.memory_space<vmem>>, vector<24x1xf32>
    %add3A_1498 = vector.broadcast %get3A_1497 : vector<24x1xf32> to vector<24x200xf32>
    %add3A_1499 = arith.addf %dot_general3A_1494, %add3A_1498 : vector<24x200xf32>
    %swap3A_1500 = arith.constant 0 : index
    %swap3A_1501 = arith.constant 12 : index
    %swap3A_1502 = arith.constant 0 : index
    %swap3A_1503 = arith.constant 0 : index
    %swap3A_1504 = arith.constant 0 : index
    %swap3A_1505 = vector.load %arg14[%swap3A_1500, %swap3A_1501, %swap3A_1502, %swap3A_1503, %swap3A_1504] : memref<1x36x1x24x200xf32, #tpu.memory_space<vmem>>, vector<1x1x1x24x200xf32>
    %swap3A_1506 = vector.shape_cast %swap3A_1505 : vector<1x1x1x24x200xf32> to vector<24x200xf32>
    %swap3A_1507 = vector.shape_cast %add3A_1499 : vector<24x200xf32> to vector<1x1x1x24x200xf32>
    tpu.vector_store %arg14[%swap3A_1500, %swap3A_1501, %swap3A_1502, %swap3A_1503, %swap3A_1504], %swap3A_1507 {strides = array<i32>} : memref<1x36x1x24x200xf32, #tpu.memory_space<vmem>>, vector<1x1x1x24x200xf32>,
    %get3A_1508 = arith.constant 0 : index
    %get3A_1509 = arith.constant 0 : index
    %get3A_1510 = vector.load %arg8[%get3A_1508, %get3A_1509] : memref<64x64xf32, #tpu.memory_space<vmem>>, vector<64x64xf32>
    %dot_general3A_1511 = arith.constant dense<0.000000e+00> : vector<64x200xf32>
    %dot_general3A_1512 = tpu.matmul %get3A_1510, %get3A_1476, %dot_general3A_1511 {dimension_numbers = #tpu.dot_dimension_numbers<[1], [0], [0], [1], [0, 0, 1, 1], [], []>, transpose_lhs_hint = false} : vector<64x64xf32>, vector<64x200xf32>, vector<64x200xf32> -> vector<64x200xf32>
    %get3A_1513 = arith.constant 0 : index
    %get3A_1514 = arith.constant 0 : index
    %get3A_1515 = vector.load %arg9[%get3A_1513, %get3A_1514] : memref<64x1xf32, #tpu.memory_space<vmem>>, vector<64x1xf32>
    %add3A_1516 = vector.broadcast %get3A_1515 : vector<64x1xf32> to vector<64x200xf32>
    %add3A_1517 = arith.addf %dot_general3A_1512, %add3A_1516 : vector<64x200xf32>
    %max3A_1518 = arith.constant 0.000000e+00 : f32
    %max3A_1519 = vector.broadcast %max3A_1518 : f32 to vector<64x200xf32>
    %max3A_1520 = arith.maximumf %add3A_1517, %max3A_1519 : vector<64x200xf32>
    %get3A_1521 = arith.constant 0 : index
    %get3A_1522 = arith.constant 0 : index
    %get3A_1523 = vector.load %arg10[%get3A_1521, %get3A_1522] : memref<42x64xf32, #tpu.memory_space<vmem>>, vector<42x64xf32>
    %dot_general3A_1524 = arith.constant dense<0.000000e+00> : vector<42x200xf32>
    %dot_general3A_1525 = tpu.matmul %get3A_1523, %max3A_1520, %dot_general3A_1524 {dimension_numbers = #tpu.dot_dimension_numbers<[1], [0], [0], [1], [0, 0, 1, 1], [], []>, transpose_lhs_hint = false} : vector<42x64xf32>, vector<64x200xf32>, vector<42x200xf32> -> vector<42x200xf32>
    %get3A_1526 = arith.constant 0 : index
    %get3A_1527 = arith.constant 0 : index
    %get3A_1528 = vector.load %arg11[%get3A_1526, %get3A_1527] : memref<42x1xf32, #tpu.memory_space<vmem>>, vector<42x1xf32>
    %add3A_1529 = vector.broadcast %get3A_1528 : vector<42x1xf32> to vector<42x200xf32>
    %add3A_1530 = arith.addf %dot_general3A_1525, %add3A_1529 : vector<42x200xf32>
    %add3A_1531 = arith.constant 12 : i32
    %add3A_1532 = arith.addi %mul3A_0, %add3A_1531 : i32
    %convert_element_type3A_1533 = arith.sitofp %add3A_1532 : i32 to f32
    %mul3A_1534 = arith.constant 4.000000e-01 : f32
    %mul3A_1535 = arith.mulf %mul3A_1534, %convert_element_type3A_1533 : f32
    %add3A_1536 = arith.constant 0.000000e+00 : f32
    %add3A_1537 = arith.addf %add3A_1536, %mul3A_1535 : f32
    %add3A_1538 = arith.constant 2.000000e-01 : f32
    %add3A_1539 = arith.addf %add3A_1537, %add3A_1538 : f32
    %slice3A_1540 = vector.extract_strided_slice %add3A_1530 {offsets = [0, 0], sizes = [36, 200], strides = [1, 1]} : vector<42x200xf32> to vector<36x200xf32>
    %mul3A_1541 = vector.broadcast %get3A_17 : vector<36x1xf32> to vector<36x200xf32>
    %mul3A_1542 = arith.mulf %slice3A_1540, %mul3A_1541 : vector<36x200xf32>
    %mul3A_1543 = vector.broadcast %add3A_1539 : f32 to vector<36x1xf32>
    %mul3A_1544 = arith.mulf %mul3A_1543, %get3A_38 : vector<36x1xf32>
    %add3A_1545 = vector.broadcast %mul3A_1544 : vector<36x1xf32> to vector<36x200xf32>
    %add3A_1546 = arith.addf %add3A_35, %add3A_1545 : vector<36x200xf32>
    %add3A_1547 = arith.addf %mul3A_1542, %add3A_1546 : vector<36x200xf32>
    %exp3A_1548 = math.exp %slice3A_1540 : vector<36x200xf32>
    %mul3A_1549 = vector.broadcast %get3A_17 : vector<36x1xf32> to vector<36x200xf32>
    %mul3A_1550 = arith.mulf %exp3A_1548, %mul3A_1549 : vector<36x200xf32>
    %broadcast_in_dim3A_1551 = vector.shape_cast %gt3A_22 : vector<36x1xi1> to vector<36x1xi1>
    %broadcast_in_dim3A_1552 = vector.broadcast %broadcast_in_dim3A_1551 : vector<36x1xi1> to vector<36x200xi1>
    %select_n3A_1553 = arith.select %broadcast_in_dim3A_1552, %add3A_1547, %mul3A_1550 : vector<36x200xi1>, vector<36x200xf32>
    %slice3A_1554 = vector.extract_strided_slice %add3A_1530 {offsets = [36, 0], sizes = [6, 200], strides = [1, 1]} : vector<42x200xf32> to vector<6x200xf32>
    %logistic3A_1555 = arith.negf %slice3A_1554 : vector<6x200xf32>
    %logistic3A_1556 = math.exp %logistic3A_1555 : vector<6x200xf32>
    %logistic3A_1557 = arith.constant 1.000000e+00 : f32
    %logistic3A_1558 = vector.broadcast %logistic3A_1557 : f32 to vector<6x200xf32>
    %logistic3A_1559 = arith.addf %logistic3A_1558, %logistic3A_1556 : vector<6x200xf32>
    %logistic3A_1560 = arith.divf %logistic3A_1558, %logistic3A_1559 : vector<6x200xf32>
    %mul3A_1561 = vector.broadcast %get3A_41 : vector<6x1xf32> to vector<6x200xf32>
    %mul3A_1562 = arith.mulf %logistic3A_1560, %mul3A_1561 : vector<6x200xf32>
    %mul3A_1563 = arith.mulf %mul3A_1562, %mul3A_1562 : vector<6x200xf32>
    %sub3A_1564 = arith.constant 1.000000e+00 : f32
    %sub3A_1565 = vector.broadcast %sub3A_1564 : f32 to vector<6x200xf32>
    %sub3A_1566 = arith.subf %sub3A_1565, %mul3A_1563 : vector<6x200xf32>
    %sqrt3A_1567 = math.sqrt %sub3A_1566 : vector<6x200xf32>
    %atan23A_1568 = math.atan2 %mul3A_1562, %sqrt3A_1567 : vector<6x200xf32>
    %slice3A_1569 = vector.extract_strided_slice %select_n3A_1553 {offsets = [0, 0], sizes = [6, 200], strides = [1, 1]} : vector<36x200xf32> to vector<6x200xf32>
    %slice3A_1570 = vector.extract_strided_slice %atan23A_1568 {offsets = [0, 0], sizes = [1, 200], strides = [1, 1]} : vector<6x200xf32> to vector<1x200xf32>
    %slice3A_1571 = vector.extract_strided_slice %select_n3A_1553 {offsets = [6, 0], sizes = [6, 200], strides = [1, 1]} : vector<36x200xf32> to vector<6x200xf32>
    %slice3A_1572 = vector.extract_strided_slice %atan23A_1568 {offsets = [1, 0], sizes = [1, 200], strides = [1, 1]} : vector<6x200xf32> to vector<1x200xf32>
    %slice3A_1573 = vector.extract_strided_slice %select_n3A_1553 {offsets = [12, 0], sizes = [6, 200], strides = [1, 1]} : vector<36x200xf32> to vector<6x200xf32>
    %slice3A_1574 = vector.extract_strided_slice %atan23A_1568 {offsets = [2, 0], sizes = [1, 200], strides = [1, 1]} : vector<6x200xf32> to vector<1x200xf32>
    %slice3A_1575 = vector.extract_strided_slice %select_n3A_1553 {offsets = [18, 0], sizes = [6, 200], strides = [1, 1]} : vector<36x200xf32> to vector<6x200xf32>
    %slice3A_1576 = vector.extract_strided_slice %atan23A_1568 {offsets = [3, 0], sizes = [1, 200], strides = [1, 1]} : vector<6x200xf32> to vector<1x200xf32>
    %slice3A_1577 = vector.extract_strided_slice %select_n3A_1553 {offsets = [24, 0], sizes = [6, 200], strides = [1, 1]} : vector<36x200xf32> to vector<6x200xf32>
    %slice3A_1578 = vector.extract_strided_slice %atan23A_1568 {offsets = [4, 0], sizes = [1, 200], strides = [1, 1]} : vector<6x200xf32> to vector<1x200xf32>
    %slice3A_1579 = vector.extract_strided_slice %select_n3A_1553 {offsets = [30, 0], sizes = [6, 200], strides = [1, 1]} : vector<36x200xf32> to vector<6x200xf32>
    %slice3A_1580 = vector.extract_strided_slice %atan23A_1568 {offsets = [5, 0], sizes = [1, 200], strides = [1, 1]} : vector<6x200xf32> to vector<1x200xf32>
    %concatenate3A_1581 = tpu.concatenate %slice3A_1569, %slice3A_1570, %slice3A_1571, %slice3A_1572, %slice3A_1573, %slice3A_1574, %slice3A_1575, %slice3A_1576, %slice3A_1577, %slice3A_1578, %slice3A_1579, %slice3A_1580 in 0 : vector<6x200xf32>, vector<1x200xf32>, vector<6x200xf32>, vector<1x200xf32>, vector<6x200xf32>, vector<1x200xf32>, vector<6x200xf32>, vector<1x200xf32>, vector<6x200xf32>, vector<1x200xf32>, vector<6x200xf32>, vector<1x200xf32> -> vector<42x200xf32>
    %swap3A_1582 = arith.constant 0 : index
    %swap3A_1583 = arith.constant 12 : index
    %swap3A_1584 = arith.constant 0 : index
    %swap3A_1585 = arith.constant 0 : index
    %swap3A_1586 = arith.constant 0 : index
    %swap3A_1587 = vector.load %arg15[%swap3A_1582, %swap3A_1583, %swap3A_1584, %swap3A_1585, %swap3A_1586] : memref<1x36x1x42x200xf32, #tpu.memory_space<vmem>>, vector<1x1x1x42x200xf32>
    %swap3A_1588 = vector.shape_cast %swap3A_1587 : vector<1x1x1x42x200xf32> to vector<42x200xf32>
    %swap3A_1589 = vector.shape_cast %concatenate3A_1581 : vector<42x200xf32> to vector<1x1x1x42x200xf32>
    tpu.vector_store %arg15[%swap3A_1582, %swap3A_1583, %swap3A_1584, %swap3A_1585, %swap3A_1586], %swap3A_1589 {strides = array<i32>} : memref<1x36x1x42x200xf32, #tpu.memory_space<vmem>>, vector<1x1x1x42x200xf32>,
    %get3A_1590 = arith.constant 0 : index
    %get3A_1591 = arith.constant 13 : index
    %get3A_1592 = arith.constant 0 : index
    %get3A_1593 = arith.constant 0 : index
    %get3A_1594 = arith.constant 0 : index
    %get3A_1595 = vector.load %arg3[%get3A_1590, %get3A_1591, %get3A_1592, %get3A_1593, %get3A_1594] : memref<1x36x1x64x200xf32, #tpu.memory_space<vmem>>, vector<1x1x1x64x200xf32>
    %get3A_1596 = vector.shape_cast %get3A_1595 : vector<1x1x1x64x200xf32> to vector<64x200xf32>
    %get3A_1597 = arith.constant 0 : index
    %get3A_1598 = arith.constant 0 : index
    %get3A_1599 = vector.load %arg4[%get3A_1597, %get3A_1598] : memref<64x64xf32, #tpu.memory_space<vmem>>, vector<64x64xf32>
    %dot_general3A_1600 = arith.constant dense<0.000000e+00> : vector<64x200xf32>
    %dot_general3A_1601 = tpu.matmul %get3A_1599, %get3A_1596, %dot_general3A_1600 {dimension_numbers = #tpu.dot_dimension_numbers<[1], [0], [0], [1], [0, 0, 1, 1], [], []>, transpose_lhs_hint = false} : vector<64x64xf32>, vector<64x200xf32>, vector<64x200xf32> -> vector<64x200xf32>
    %get3A_1602 = arith.constant 0 : index
    %get3A_1603 = arith.constant 0 : index
    %get3A_1604 = vector.load %arg5[%get3A_1602, %get3A_1603] : memref<64x1xf32, #tpu.memory_space<vmem>>, vector<64x1xf32>
    %add3A_1605 = vector.broadcast %get3A_1604 : vector<64x1xf32> to vector<64x200xf32>
    %add3A_1606 = arith.addf %dot_general3A_1601, %add3A_1605 : vector<64x200xf32>
    %max3A_1607 = arith.constant 0.000000e+00 : f32
    %max3A_1608 = vector.broadcast %max3A_1607 : f32 to vector<64x200xf32>
    %max3A_1609 = arith.maximumf %add3A_1606, %max3A_1608 : vector<64x200xf32>
    %get3A_1610 = arith.constant 0 : index
    %get3A_1611 = arith.constant 0 : index
    %get3A_1612 = vector.load %arg6[%get3A_1610, %get3A_1611] : memref<24x64xf32, #tpu.memory_space<vmem>>, vector<24x64xf32>
    %dot_general3A_1613 = arith.constant dense<0.000000e+00> : vector<24x200xf32>
    %dot_general3A_1614 = tpu.matmul %get3A_1612, %max3A_1609, %dot_general3A_1613 {dimension_numbers = #tpu.dot_dimension_numbers<[1], [0], [0], [1], [0, 0, 1, 1], [], []>, transpose_lhs_hint = false} : vector<24x64xf32>, vector<64x200xf32>, vector<24x200xf32> -> vector<24x200xf32>
    %get3A_1615 = arith.constant 0 : index
    %get3A_1616 = arith.constant 0 : index
    %get3A_1617 = vector.load %arg7[%get3A_1615, %get3A_1616] : memref<24x1xf32, #tpu.memory_space<vmem>>, vector<24x1xf32>
    %add3A_1618 = vector.broadcast %get3A_1617 : vector<24x1xf32> to vector<24x200xf32>
    %add3A_1619 = arith.addf %dot_general3A_1614, %add3A_1618 : vector<24x200xf32>
    %swap3A_1620 = arith.constant 0 : index
    %swap3A_1621 = arith.constant 13 : index
    %swap3A_1622 = arith.constant 0 : index
    %swap3A_1623 = arith.constant 0 : index
    %swap3A_1624 = arith.constant 0 : index
    %swap3A_1625 = vector.load %arg14[%swap3A_1620, %swap3A_1621, %swap3A_1622, %swap3A_1623, %swap3A_1624] : memref<1x36x1x24x200xf32, #tpu.memory_space<vmem>>, vector<1x1x1x24x200xf32>
    %swap3A_1626 = vector.shape_cast %swap3A_1625 : vector<1x1x1x24x200xf32> to vector<24x200xf32>
    %swap3A_1627 = vector.shape_cast %add3A_1619 : vector<24x200xf32> to vector<1x1x1x24x200xf32>
    tpu.vector_store %arg14[%swap3A_1620, %swap3A_1621, %swap3A_1622, %swap3A_1623, %swap3A_1624], %swap3A_1627 {strides = array<i32>} : memref<1x36x1x24x200xf32, #tpu.memory_space<vmem>>, vector<1x1x1x24x200xf32>,
    %get3A_1628 = arith.constant 0 : index
    %get3A_1629 = arith.constant 0 : index
    %get3A_1630 = vector.load %arg8[%get3A_1628, %get3A_1629] : memref<64x64xf32, #tpu.memory_space<vmem>>, vector<64x64xf32>
    %dot_general3A_1631 = arith.constant dense<0.000000e+00> : vector<64x200xf32>
    %dot_general3A_1632 = tpu.matmul %get3A_1630, %get3A_1596, %dot_general3A_1631 {dimension_numbers = #tpu.dot_dimension_numbers<[1], [0], [0], [1], [0, 0, 1, 1], [], []>, transpose_lhs_hint = false} : vector<64x64xf32>, vector<64x200xf32>, vector<64x200xf32> -> vector<64x200xf32>
    %get3A_1633 = arith.constant 0 : index
    %get3A_1634 = arith.constant 0 : index
    %get3A_1635 = vector.load %arg9[%get3A_1633, %get3A_1634] : memref<64x1xf32, #tpu.memory_space<vmem>>, vector<64x1xf32>
    %add3A_1636 = vector.broadcast %get3A_1635 : vector<64x1xf32> to vector<64x200xf32>
    %add3A_1637 = arith.addf %dot_general3A_1632, %add3A_1636 : vector<64x200xf32>
    %max3A_1638 = arith.constant 0.000000e+00 : f32
    %max3A_1639 = vector.broadcast %max3A_1638 : f32 to vector<64x200xf32>
    %max3A_1640 = arith.maximumf %add3A_1637, %max3A_1639 : vector<64x200xf32>
    %get3A_1641 = arith.constant 0 : index
    %get3A_1642 = arith.constant 0 : index
    %get3A_1643 = vector.load %arg10[%get3A_1641, %get3A_1642] : memref<42x64xf32, #tpu.memory_space<vmem>>, vector<42x64xf32>
    %dot_general3A_1644 = arith.constant dense<0.000000e+00> : vector<42x200xf32>
    %dot_general3A_1645 = tpu.matmul %get3A_1643, %max3A_1640, %dot_general3A_1644 {dimension_numbers = #tpu.dot_dimension_numbers<[1], [0], [0], [1], [0, 0, 1, 1], [], []>, transpose_lhs_hint = false} : vector<42x64xf32>, vector<64x200xf32>, vector<42x200xf32> -> vector<42x200xf32>
    %get3A_1646 = arith.constant 0 : index
    %get3A_1647 = arith.constant 0 : index
    %get3A_1648 = vector.load %arg11[%get3A_1646, %get3A_1647] : memref<42x1xf32, #tpu.memory_space<vmem>>, vector<42x1xf32>
    %add3A_1649 = vector.broadcast %get3A_1648 : vector<42x1xf32> to vector<42x200xf32>
    %add3A_1650 = arith.addf %dot_general3A_1645, %add3A_1649 : vector<42x200xf32>
    %add3A_1651 = arith.constant 13 : i32
    %add3A_1652 = arith.addi %mul3A_0, %add3A_1651 : i32
    %convert_element_type3A_1653 = arith.sitofp %add3A_1652 : i32 to f32
    %mul3A_1654 = arith.constant 4.000000e-01 : f32
    %mul3A_1655 = arith.mulf %mul3A_1654, %convert_element_type3A_1653 : f32
    %add3A_1656 = arith.constant 0.000000e+00 : f32
    %add3A_1657 = arith.addf %add3A_1656, %mul3A_1655 : f32
    %add3A_1658 = arith.constant 2.000000e-01 : f32
    %add3A_1659 = arith.addf %add3A_1657, %add3A_1658 : f32
    %slice3A_1660 = vector.extract_strided_slice %add3A_1650 {offsets = [0, 0], sizes = [36, 200], strides = [1, 1]} : vector<42x200xf32> to vector<36x200xf32>
    %mul3A_1661 = vector.broadcast %get3A_17 : vector<36x1xf32> to vector<36x200xf32>
    %mul3A_1662 = arith.mulf %slice3A_1660, %mul3A_1661 : vector<36x200xf32>
    %mul3A_1663 = vector.broadcast %add3A_1659 : f32 to vector<36x1xf32>
    %mul3A_1664 = arith.mulf %mul3A_1663, %get3A_38 : vector<36x1xf32>
    %add3A_1665 = vector.broadcast %mul3A_1664 : vector<36x1xf32> to vector<36x200xf32>
    %add3A_1666 = arith.addf %add3A_35, %add3A_1665 : vector<36x200xf32>
    %add3A_1667 = arith.addf %mul3A_1662, %add3A_1666 : vector<36x200xf32>
    %exp3A_1668 = math.exp %slice3A_1660 : vector<36x200xf32>
    %mul3A_1669 = vector.broadcast %get3A_17 : vector<36x1xf32> to vector<36x200xf32>
    %mul3A_1670 = arith.mulf %exp3A_1668, %mul3A_1669 : vector<36x200xf32>
    %broadcast_in_dim3A_1671 = vector.shape_cast %gt3A_22 : vector<36x1xi1> to vector<36x1xi1>
    %broadcast_in_dim3A_1672 = vector.broadcast %broadcast_in_dim3A_1671 : vector<36x1xi1> to vector<36x200xi1>
    %select_n3A_1673 = arith.select %broadcast_in_dim3A_1672, %add3A_1667, %mul3A_1670 : vector<36x200xi1>, vector<36x200xf32>
    %slice3A_1674 = vector.extract_strided_slice %add3A_1650 {offsets = [36, 0], sizes = [6, 200], strides = [1, 1]} : vector<42x200xf32> to vector<6x200xf32>
    %logistic3A_1675 = arith.negf %slice3A_1674 : vector<6x200xf32>
    %logistic3A_1676 = math.exp %logistic3A_1675 : vector<6x200xf32>
    %logistic3A_1677 = arith.constant 1.000000e+00 : f32
    %logistic3A_1678 = vector.broadcast %logistic3A_1677 : f32 to vector<6x200xf32>
    %logistic3A_1679 = arith.addf %logistic3A_1678, %logistic3A_1676 : vector<6x200xf32>
    %logistic3A_1680 = arith.divf %logistic3A_1678, %logistic3A_1679 : vector<6x200xf32>
    %mul3A_1681 = vector.broadcast %get3A_41 : vector<6x1xf32> to vector<6x200xf32>
    %mul3A_1682 = arith.mulf %logistic3A_1680, %mul3A_1681 : vector<6x200xf32>
    %mul3A_1683 = arith.mulf %mul3A_1682, %mul3A_1682 : vector<6x200xf32>
    %sub3A_1684 = arith.constant 1.000000e+00 : f32
    %sub3A_1685 = vector.broadcast %sub3A_1684 : f32 to vector<6x200xf32>
    %sub3A_1686 = arith.subf %sub3A_1685, %mul3A_1683 : vector<6x200xf32>
    %sqrt3A_1687 = math.sqrt %sub3A_1686 : vector<6x200xf32>
    %atan23A_1688 = math.atan2 %mul3A_1682, %sqrt3A_1687 : vector<6x200xf32>
    %slice3A_1689 = vector.extract_strided_slice %select_n3A_1673 {offsets = [0, 0], sizes = [6, 200], strides = [1, 1]} : vector<36x200xf32> to vector<6x200xf32>
    %slice3A_1690 = vector.extract_strided_slice %atan23A_1688 {offsets = [0, 0], sizes = [1, 200], strides = [1, 1]} : vector<6x200xf32> to vector<1x200xf32>
    %slice3A_1691 = vector.extract_strided_slice %select_n3A_1673 {offsets = [6, 0], sizes = [6, 200], strides = [1, 1]} : vector<36x200xf32> to vector<6x200xf32>
    %slice3A_1692 = vector.extract_strided_slice %atan23A_1688 {offsets = [1, 0], sizes = [1, 200], strides = [1, 1]} : vector<6x200xf32> to vector<1x200xf32>
    %slice3A_1693 = vector.extract_strided_slice %select_n3A_1673 {offsets = [12, 0], sizes = [6, 200], strides = [1, 1]} : vector<36x200xf32> to vector<6x200xf32>
    %slice3A_1694 = vector.extract_strided_slice %atan23A_1688 {offsets = [2, 0], sizes = [1, 200], strides = [1, 1]} : vector<6x200xf32> to vector<1x200xf32>
    %slice3A_1695 = vector.extract_strided_slice %select_n3A_1673 {offsets = [18, 0], sizes = [6, 200], strides = [1, 1]} : vector<36x200xf32> to vector<6x200xf32>
    %slice3A_1696 = vector.extract_strided_slice %atan23A_1688 {offsets = [3, 0], sizes = [1, 200], strides = [1, 1]} : vector<6x200xf32> to vector<1x200xf32>
    %slice3A_1697 = vector.extract_strided_slice %select_n3A_1673 {offsets = [24, 0], sizes = [6, 200], strides = [1, 1]} : vector<36x200xf32> to vector<6x200xf32>
    %slice3A_1698 = vector.extract_strided_slice %atan23A_1688 {offsets = [4, 0], sizes = [1, 200], strides = [1, 1]} : vector<6x200xf32> to vector<1x200xf32>
    %slice3A_1699 = vector.extract_strided_slice %select_n3A_1673 {offsets = [30, 0], sizes = [6, 200], strides = [1, 1]} : vector<36x200xf32> to vector<6x200xf32>
    %slice3A_1700 = vector.extract_strided_slice %atan23A_1688 {offsets = [5, 0], sizes = [1, 200], strides = [1, 1]} : vector<6x200xf32> to vector<1x200xf32>
    %concatenate3A_1701 = tpu.concatenate %slice3A_1689, %slice3A_1690, %slice3A_1691, %slice3A_1692, %slice3A_1693, %slice3A_1694, %slice3A_1695, %slice3A_1696, %slice3A_1697, %slice3A_1698, %slice3A_1699, %slice3A_1700 in 0 : vector<6x200xf32>, vector<1x200xf32>, vector<6x200xf32>, vector<1x200xf32>, vector<6x200xf32>, vector<1x200xf32>, vector<6x200xf32>, vector<1x200xf32>, vector<6x200xf32>, vector<1x200xf32>, vector<6x200xf32>, vector<1x200xf32> -> vector<42x200xf32>
    %swap3A_1702 = arith.constant 0 : index
    %swap3A_1703 = arith.constant 13 : index
    %swap3A_1704 = arith.constant 0 : index
    %swap3A_1705 = arith.constant 0 : index
    %swap3A_1706 = arith.constant 0 : index
    %swap3A_1707 = vector.load %arg15[%swap3A_1702, %swap3A_1703, %swap3A_1704, %swap3A_1705, %swap3A_1706] : memref<1x36x1x42x200xf32, #tpu.memory_space<vmem>>, vector<1x1x1x42x200xf32>
    %swap3A_1708 = vector.shape_cast %swap3A_1707 : vector<1x1x1x42x200xf32> to vector<42x200xf32>
    %swap3A_1709 = vector.shape_cast %concatenate3A_1701 : vector<42x200xf32> to vector<1x1x1x42x200xf32>
    tpu.vector_store %arg15[%swap3A_1702, %swap3A_1703, %swap3A_1704, %swap3A_1705, %swap3A_1706], %swap3A_1709 {strides = array<i32>} : memref<1x36x1x42x200xf32, #tpu.memory_space<vmem>>, vector<1x1x1x42x200xf32>,
    %get3A_1710 = arith.constant 0 : index
    %get3A_1711 = arith.constant 14 : index
    %get3A_1712 = arith.constant 0 : index
    %get3A_1713 = arith.constant 0 : index
    %get3A_1714 = arith.constant 0 : index
    %get3A_1715 = vector.load %arg3[%get3A_1710, %get3A_1711, %get3A_1712, %get3A_1713, %get3A_1714] : memref<1x36x1x64x200xf32, #tpu.memory_space<vmem>>, vector<1x1x1x64x200xf32>
    %get3A_1716 = vector.shape_cast %get3A_1715 : vector<1x1x1x64x200xf32> to vector<64x200xf32>
    %get3A_1717 = arith.constant 0 : index
    %get3A_1718 = arith.constant 0 : index
    %get3A_1719 = vector.load %arg4[%get3A_1717, %get3A_1718] : memref<64x64xf32, #tpu.memory_space<vmem>>, vector<64x64xf32>
    %dot_general3A_1720 = arith.constant dense<0.000000e+00> : vector<64x200xf32>
    %dot_general3A_1721 = tpu.matmul %get3A_1719, %get3A_1716, %dot_general3A_1720 {dimension_numbers = #tpu.dot_dimension_numbers<[1], [0], [0], [1], [0, 0, 1, 1], [], []>, transpose_lhs_hint = false} : vector<64x64xf32>, vector<64x200xf32>, vector<64x200xf32> -> vector<64x200xf32>
    %get3A_1722 = arith.constant 0 : index
    %get3A_1723 = arith.constant 0 : index
    %get3A_1724 = vector.load %arg5[%get3A_1722, %get3A_1723] : memref<64x1xf32, #tpu.memory_space<vmem>>, vector<64x1xf32>
    %add3A_1725 = vector.broadcast %get3A_1724 : vector<64x1xf32> to vector<64x200xf32>
    %add3A_1726 = arith.addf %dot_general3A_1721, %add3A_1725 : vector<64x200xf32>
    %max3A_1727 = arith.constant 0.000000e+00 : f32
    %max3A_1728 = vector.broadcast %max3A_1727 : f32 to vector<64x200xf32>
    %max3A_1729 = arith.maximumf %add3A_1726, %max3A_1728 : vector<64x200xf32>
    %get3A_1730 = arith.constant 0 : index
    %get3A_1731 = arith.constant 0 : index
    %get3A_1732 = vector.load %arg6[%get3A_1730, %get3A_1731] : memref<24x64xf32, #tpu.memory_space<vmem>>, vector<24x64xf32>
    %dot_general3A_1733 = arith.constant dense<0.000000e+00> : vector<24x200xf32>
    %dot_general3A_1734 = tpu.matmul %get3A_1732, %max3A_1729, %dot_general3A_1733 {dimension_numbers = #tpu.dot_dimension_numbers<[1], [0], [0], [1], [0, 0, 1, 1], [], []>, transpose_lhs_hint = false} : vector<24x64xf32>, vector<64x200xf32>, vector<24x200xf32> -> vector<24x200xf32>
    %get3A_1735 = arith.constant 0 : index
    %get3A_1736 = arith.constant 0 : index
    %get3A_1737 = vector.load %arg7[%get3A_1735, %get3A_1736] : memref<24x1xf32, #tpu.memory_space<vmem>>, vector<24x1xf32>
    %add3A_1738 = vector.broadcast %get3A_1737 : vector<24x1xf32> to vector<24x200xf32>
    %add3A_1739 = arith.addf %dot_general3A_1734, %add3A_1738 : vector<24x200xf32>
    %swap3A_1740 = arith.constant 0 : index
    %swap3A_1741 = arith.constant 14 : index
    %swap3A_1742 = arith.constant 0 : index
    %swap3A_1743 = arith.constant 0 : index
    %swap3A_1744 = arith.constant 0 : index
    %swap3A_1745 = vector.load %arg14[%swap3A_1740, %swap3A_1741, %swap3A_1742, %swap3A_1743, %swap3A_1744] : memref<1x36x1x24x200xf32, #tpu.memory_space<vmem>>, vector<1x1x1x24x200xf32>
    %swap3A_1746 = vector.shape_cast %swap3A_1745 : vector<1x1x1x24x200xf32> to vector<24x200xf32>
    %swap3A_1747 = vector.shape_cast %add3A_1739 : vector<24x200xf32> to vector<1x1x1x24x200xf32>
    tpu.vector_store %arg14[%swap3A_1740, %swap3A_1741, %swap3A_1742, %swap3A_1743, %swap3A_1744], %swap3A_1747 {strides = array<i32>} : memref<1x36x1x24x200xf32, #tpu.memory_space<vmem>>, vector<1x1x1x24x200xf32>,
    %get3A_1748 = arith.constant 0 : index
    %get3A_1749 = arith.constant 0 : index
    %get3A_1750 = vector.load %arg8[%get3A_1748, %get3A_1749] : memref<64x64xf32, #tpu.memory_space<vmem>>, vector<64x64xf32>
    %dot_general3A_1751 = arith.constant dense<0.000000e+00> : vector<64x200xf32>
    %dot_general3A_1752 = tpu.matmul %get3A_1750, %get3A_1716, %dot_general3A_1751 {dimension_numbers = #tpu.dot_dimension_numbers<[1], [0], [0], [1], [0, 0, 1, 1], [], []>, transpose_lhs_hint = false} : vector<64x64xf32>, vector<64x200xf32>, vector<64x200xf32> -> vector<64x200xf32>
    %get3A_1753 = arith.constant 0 : index
    %get3A_1754 = arith.constant 0 : index
    %get3A_1755 = vector.load %arg9[%get3A_1753, %get3A_1754] : memref<64x1xf32, #tpu.memory_space<vmem>>, vector<64x1xf32>
    %add3A_1756 = vector.broadcast %get3A_1755 : vector<64x1xf32> to vector<64x200xf32>
    %add3A_1757 = arith.addf %dot_general3A_1752, %add3A_1756 : vector<64x200xf32>
    %max3A_1758 = arith.constant 0.000000e+00 : f32
    %max3A_1759 = vector.broadcast %max3A_1758 : f32 to vector<64x200xf32>
    %max3A_1760 = arith.maximumf %add3A_1757, %max3A_1759 : vector<64x200xf32>
    %get3A_1761 = arith.constant 0 : index
    %get3A_1762 = arith.constant 0 : index
    %get3A_1763 = vector.load %arg10[%get3A_1761, %get3A_1762] : memref<42x64xf32, #tpu.memory_space<vmem>>, vector<42x64xf32>
    %dot_general3A_1764 = arith.constant dense<0.000000e+00> : vector<42x200xf32>
    %dot_general3A_1765 = tpu.matmul %get3A_1763, %max3A_1760, %dot_general3A_1764 {dimension_numbers = #tpu.dot_dimension_numbers<[1], [0], [0], [1], [0, 0, 1, 1], [], []>, transpose_lhs_hint = false} : vector<42x64xf32>, vector<64x200xf32>, vector<42x200xf32> -> vector<42x200xf32>
    %get3A_1766 = arith.constant 0 : index
    %get3A_1767 = arith.constant 0 : index
    %get3A_1768 = vector.load %arg11[%get3A_1766, %get3A_1767] : memref<42x1xf32, #tpu.memory_space<vmem>>, vector<42x1xf32>
    %add3A_1769 = vector.broadcast %get3A_1768 : vector<42x1xf32> to vector<42x200xf32>
    %add3A_1770 = arith.addf %dot_general3A_1765, %add3A_1769 : vector<42x200xf32>
    %add3A_1771 = arith.constant 14 : i32
    %add3A_1772 = arith.addi %mul3A_0, %add3A_1771 : i32
    %convert_element_type3A_1773 = arith.sitofp %add3A_1772 : i32 to f32
    %mul3A_1774 = arith.constant 4.000000e-01 : f32
    %mul3A_1775 = arith.mulf %mul3A_1774, %convert_element_type3A_1773 : f32
    %add3A_1776 = arith.constant 0.000000e+00 : f32
    %add3A_1777 = arith.addf %add3A_1776, %mul3A_1775 : f32
    %add3A_1778 = arith.constant 2.000000e-01 : f32
    %add3A_1779 = arith.addf %add3A_1777, %add3A_1778 : f32
    %slice3A_1780 = vector.extract_strided_slice %add3A_1770 {offsets = [0, 0], sizes = [36, 200], strides = [1, 1]} : vector<42x200xf32> to vector<36x200xf32>
    %mul3A_1781 = vector.broadcast %get3A_17 : vector<36x1xf32> to vector<36x200xf32>
    %mul3A_1782 = arith.mulf %slice3A_1780, %mul3A_1781 : vector<36x200xf32>
    %mul3A_1783 = vector.broadcast %add3A_1779 : f32 to vector<36x1xf32>
    %mul3A_1784 = arith.mulf %mul3A_1783, %get3A_38 : vector<36x1xf32>
    %add3A_1785 = vector.broadcast %mul3A_1784 : vector<36x1xf32> to vector<36x200xf32>
    %add3A_1786 = arith.addf %add3A_35, %add3A_1785 : vector<36x200xf32>
    %add3A_1787 = arith.addf %mul3A_1782, %add3A_1786 : vector<36x200xf32>
    %exp3A_1788 = math.exp %slice3A_1780 : vector<36x200xf32>
    %mul3A_1789 = vector.broadcast %get3A_17 : vector<36x1xf32> to vector<36x200xf32>
    %mul3A_1790 = arith.mulf %exp3A_1788, %mul3A_1789 : vector<36x200xf32>
    %broadcast_in_dim3A_1791 = vector.shape_cast %gt3A_22 : vector<36x1xi1> to vector<36x1xi1>
    %broadcast_in_dim3A_1792 = vector.broadcast %broadcast_in_dim3A_1791 : vector<36x1xi1> to vector<36x200xi1>
    %select_n3A_1793 = arith.select %broadcast_in_dim3A_1792, %add3A_1787, %mul3A_1790 : vector<36x200xi1>, vector<36x200xf32>
    %slice3A_1794 = vector.extract_strided_slice %add3A_1770 {offsets = [36, 0], sizes = [6, 200], strides = [1, 1]} : vector<42x200xf32> to vector<6x200xf32>
    %logistic3A_1795 = arith.negf %slice3A_1794 : vector<6x200xf32>
    %logistic3A_1796 = math.exp %logistic3A_1795 : vector<6x200xf32>
    %logistic3A_1797 = arith.constant 1.000000e+00 : f32
    %logistic3A_1798 = vector.broadcast %logistic3A_1797 : f32 to vector<6x200xf32>
    %logistic3A_1799 = arith.addf %logistic3A_1798, %logistic3A_1796 : vector<6x200xf32>
    %logistic3A_1800 = arith.divf %logistic3A_1798, %logistic3A_1799 : vector<6x200xf32>
    %mul3A_1801 = vector.broadcast %get3A_41 : vector<6x1xf32> to vector<6x200xf32>
    %mul3A_1802 = arith.mulf %logistic3A_1800, %mul3A_1801 : vector<6x200xf32>
    %mul3A_1803 = arith.mulf %mul3A_1802, %mul3A_1802 : vector<6x200xf32>
    %sub3A_1804 = arith.constant 1.000000e+00 : f32
    %sub3A_1805 = vector.broadcast %sub3A_1804 : f32 to vector<6x200xf32>
    %sub3A_1806 = arith.subf %sub3A_1805, %mul3A_1803 : vector<6x200xf32>
    %sqrt3A_1807 = math.sqrt %sub3A_1806 : vector<6x200xf32>
    %atan23A_1808 = math.atan2 %mul3A_1802, %sqrt3A_1807 : vector<6x200xf32>
    %slice3A_1809 = vector.extract_strided_slice %select_n3A_1793 {offsets = [0, 0], sizes = [6, 200], strides = [1, 1]} : vector<36x200xf32> to vector<6x200xf32>
    %slice3A_1810 = vector.extract_strided_slice %atan23A_1808 {offsets = [0, 0], sizes = [1, 200], strides = [1, 1]} : vector<6x200xf32> to vector<1x200xf32>
    %slice3A_1811 = vector.extract_strided_slice %select_n3A_1793 {offsets = [6, 0], sizes = [6, 200], strides = [1, 1]} : vector<36x200xf32> to vector<6x200xf32>
    %slice3A_1812 = vector.extract_strided_slice %atan23A_1808 {offsets = [1, 0], sizes = [1, 200], strides = [1, 1]} : vector<6x200xf32> to vector<1x200xf32>
    %slice3A_1813 = vector.extract_strided_slice %select_n3A_1793 {offsets = [12, 0], sizes = [6, 200], strides = [1, 1]} : vector<36x200xf32> to vector<6x200xf32>
    %slice3A_1814 = vector.extract_strided_slice %atan23A_1808 {offsets = [2, 0], sizes = [1, 200], strides = [1, 1]} : vector<6x200xf32> to vector<1x200xf32>
    %slice3A_1815 = vector.extract_strided_slice %select_n3A_1793 {offsets = [18, 0], sizes = [6, 200], strides = [1, 1]} : vector<36x200xf32> to vector<6x200xf32>
    %slice3A_1816 = vector.extract_strided_slice %atan23A_1808 {offsets = [3, 0], sizes = [1, 200], strides = [1, 1]} : vector<6x200xf32> to vector<1x200xf32>
    %slice3A_1817 = vector.extract_strided_slice %select_n3A_1793 {offsets = [24, 0], sizes = [6, 200], strides = [1, 1]} : vector<36x200xf32> to vector<6x200xf32>
    %slice3A_1818 = vector.extract_strided_slice %atan23A_1808 {offsets = [4, 0], sizes = [1, 200], strides = [1, 1]} : vector<6x200xf32> to vector<1x200xf32>
    %slice3A_1819 = vector.extract_strided_slice %select_n3A_1793 {offsets = [30, 0], sizes = [6, 200], strides = [1, 1]} : vector<36x200xf32> to vector<6x200xf32>
    %slice3A_1820 = vector.extract_strided_slice %atan23A_1808 {offsets = [5, 0], sizes = [1, 200], strides = [1, 1]} : vector<6x200xf32> to vector<1x200xf32>
    %concatenate3A_1821 = tpu.concatenate %slice3A_1809, %slice3A_1810, %slice3A_1811, %slice3A_1812, %slice3A_1813, %slice3A_1814, %slice3A_1815, %slice3A_1816, %slice3A_1817, %slice3A_1818, %slice3A_1819, %slice3A_1820 in 0 : vector<6x200xf32>, vector<1x200xf32>, vector<6x200xf32>, vector<1x200xf32>, vector<6x200xf32>, vector<1x200xf32>, vector<6x200xf32>, vector<1x200xf32>, vector<6x200xf32>, vector<1x200xf32>, vector<6x200xf32>, vector<1x200xf32> -> vector<42x200xf32>
    %swap3A_1822 = arith.constant 0 : index
    %swap3A_1823 = arith.constant 14 : index
    %swap3A_1824 = arith.constant 0 : index
    %swap3A_1825 = arith.constant 0 : index
    %swap3A_1826 = arith.constant 0 : index
    %swap3A_1827 = vector.load %arg15[%swap3A_1822, %swap3A_1823, %swap3A_1824, %swap3A_1825, %swap3A_1826] : memref<1x36x1x42x200xf32, #tpu.memory_space<vmem>>, vector<1x1x1x42x200xf32>
    %swap3A_1828 = vector.shape_cast %swap3A_1827 : vector<1x1x1x42x200xf32> to vector<42x200xf32>
    %swap3A_1829 = vector.shape_cast %concatenate3A_1821 : vector<42x200xf32> to vector<1x1x1x42x200xf32>
    tpu.vector_store %arg15[%swap3A_1822, %swap3A_1823, %swap3A_1824, %swap3A_1825, %swap3A_1826], %swap3A_1829 {strides = array<i32>} : memref<1x36x1x42x200xf32, #tpu.memory_space<vmem>>, vector<1x1x1x42x200xf32>,
    %get3A_1830 = arith.constant 0 : index
    %get3A_1831 = arith.constant 15 : index
    %get3A_1832 = arith.constant 0 : index
    %get3A_1833 = arith.constant 0 : index
    %get3A_1834 = arith.constant 0 : index
    %get3A_1835 = vector.load %arg3[%get3A_1830, %get3A_1831, %get3A_1832, %get3A_1833, %get3A_1834] : memref<1x36x1x64x200xf32, #tpu.memory_space<vmem>>, vector<1x1x1x64x200xf32>
    %get3A_1836 = vector.shape_cast %get3A_1835 : vector<1x1x1x64x200xf32> to vector<64x200xf32>
    %get3A_1837 = arith.constant 0 : index
    %get3A_1838 = arith.constant 0 : index
    %get3A_1839 = vector.load %arg4[%get3A_1837, %get3A_1838] : memref<64x64xf32, #tpu.memory_space<vmem>>, vector<64x64xf32>
    %dot_general3A_1840 = arith.constant dense<0.000000e+00> : vector<64x200xf32>
    %dot_general3A_1841 = tpu.matmul %get3A_1839, %get3A_1836, %dot_general3A_1840 {dimension_numbers = #tpu.dot_dimension_numbers<[1], [0], [0], [1], [0, 0, 1, 1], [], []>, transpose_lhs_hint = false} : vector<64x64xf32>, vector<64x200xf32>, vector<64x200xf32> -> vector<64x200xf32>
    %get3A_1842 = arith.constant 0 : index
    %get3A_1843 = arith.constant 0 : index
    %get3A_1844 = vector.load %arg5[%get3A_1842, %get3A_1843] : memref<64x1xf32, #tpu.memory_space<vmem>>, vector<64x1xf32>
    %add3A_1845 = vector.broadcast %get3A_1844 : vector<64x1xf32> to vector<64x200xf32>
    %add3A_1846 = arith.addf %dot_general3A_1841, %add3A_1845 : vector<64x200xf32>
    %max3A_1847 = arith.constant 0.000000e+00 : f32
    %max3A_1848 = vector.broadcast %max3A_1847 : f32 to vector<64x200xf32>
    %max3A_1849 = arith.maximumf %add3A_1846, %max3A_1848 : vector<64x200xf32>
    %get3A_1850 = arith.constant 0 : index
    %get3A_1851 = arith.constant 0 : index
    %get3A_1852 = vector.load %arg6[%get3A_1850, %get3A_1851] : memref<24x64xf32, #tpu.memory_space<vmem>>, vector<24x64xf32>
    %dot_general3A_1853 = arith.constant dense<0.000000e+00> : vector<24x200xf32>
    %dot_general3A_1854 = tpu.matmul %get3A_1852, %max3A_1849, %dot_general3A_1853 {dimension_numbers = #tpu.dot_dimension_numbers<[1], [0], [0], [1], [0, 0, 1, 1], [], []>, transpose_lhs_hint = false} : vector<24x64xf32>, vector<64x200xf32>, vector<24x200xf32> -> vector<24x200xf32>
    %get3A_1855 = arith.constant 0 : index
    %get3A_1856 = arith.constant 0 : index
    %get3A_1857 = vector.load %arg7[%get3A_1855, %get3A_1856] : memref<24x1xf32, #tpu.memory_space<vmem>>, vector<24x1xf32>
    %add3A_1858 = vector.broadcast %get3A_1857 : vector<24x1xf32> to vector<24x200xf32>
    %add3A_1859 = arith.addf %dot_general3A_1854, %add3A_1858 : vector<24x200xf32>
    %swap3A_1860 = arith.constant 0 : index
    %swap3A_1861 = arith.constant 15 : index
    %swap3A_1862 = arith.constant 0 : index
    %swap3A_1863 = arith.constant 0 : index
    %swap3A_1864 = arith.constant 0 : index
    %swap3A_1865 = vector.load %arg14[%swap3A_1860, %swap3A_1861, %swap3A_1862, %swap3A_1863, %swap3A_1864] : memref<1x36x1x24x200xf32, #tpu.memory_space<vmem>>, vector<1x1x1x24x200xf32>
    %swap3A_1866 = vector.shape_cast %swap3A_1865 : vector<1x1x1x24x200xf32> to vector<24x200xf32>
    %swap3A_1867 = vector.shape_cast %add3A_1859 : vector<24x200xf32> to vector<1x1x1x24x200xf32>
    tpu.vector_store %arg14[%swap3A_1860, %swap3A_1861, %swap3A_1862, %swap3A_1863, %swap3A_1864], %swap3A_1867 {strides = array<i32>} : memref<1x36x1x24x200xf32, #tpu.memory_space<vmem>>, vector<1x1x1x24x200xf32>,
    %get3A_1868 = arith.constant 0 : index
    %get3A_1869 = arith.constant 0 : index
    %get3A_1870 = vector.load %arg8[%get3A_1868, %get3A_1869] : memref<64x64xf32, #tpu.memory_space<vmem>>, vector<64x64xf32>
    %dot_general3A_1871 = arith.constant dense<0.000000e+00> : vector<64x200xf32>
    %dot_general3A_1872 = tpu.matmul %get3A_1870, %get3A_1836, %dot_general3A_1871 {dimension_numbers = #tpu.dot_dimension_numbers<[1], [0], [0], [1], [0, 0, 1, 1], [], []>, transpose_lhs_hint = false} : vector<64x64xf32>, vector<64x200xf32>, vector<64x200xf32> -> vector<64x200xf32>
    %get3A_1873 = arith.constant 0 : index
    %get3A_1874 = arith.constant 0 : index
    %get3A_1875 = vector.load %arg9[%get3A_1873, %get3A_1874] : memref<64x1xf32, #tpu.memory_space<vmem>>, vector<64x1xf32>
    %add3A_1876 = vector.broadcast %get3A_1875 : vector<64x1xf32> to vector<64x200xf32>
    %add3A_1877 = arith.addf %dot_general3A_1872, %add3A_1876 : vector<64x200xf32>
    %max3A_1878 = arith.constant 0.000000e+00 : f32
    %max3A_1879 = vector.broadcast %max3A_1878 : f32 to vector<64x200xf32>
    %max3A_1880 = arith.maximumf %add3A_1877, %max3A_1879 : vector<64x200xf32>
    %get3A_1881 = arith.constant 0 : index
    %get3A_1882 = arith.constant 0 : index
    %get3A_1883 = vector.load %arg10[%get3A_1881, %get3A_1882] : memref<42x64xf32, #tpu.memory_space<vmem>>, vector<42x64xf32>
    %dot_general3A_1884 = arith.constant dense<0.000000e+00> : vector<42x200xf32>
    %dot_general3A_1885 = tpu.matmul %get3A_1883, %max3A_1880, %dot_general3A_1884 {dimension_numbers = #tpu.dot_dimension_numbers<[1], [0], [0], [1], [0, 0, 1, 1], [], []>, transpose_lhs_hint = false} : vector<42x64xf32>, vector<64x200xf32>, vector<42x200xf32> -> vector<42x200xf32>
    %get3A_1886 = arith.constant 0 : index
    %get3A_1887 = arith.constant 0 : index
    %get3A_1888 = vector.load %arg11[%get3A_1886, %get3A_1887] : memref<42x1xf32, #tpu.memory_space<vmem>>, vector<42x1xf32>
    %add3A_1889 = vector.broadcast %get3A_1888 : vector<42x1xf32> to vector<42x200xf32>
    %add3A_1890 = arith.addf %dot_general3A_1885, %add3A_1889 : vector<42x200xf32>
    %add3A_1891 = arith.constant 15 : i32
    %add3A_1892 = arith.addi %mul3A_0, %add3A_1891 : i32
    %convert_element_type3A_1893 = arith.sitofp %add3A_1892 : i32 to f32
    %mul3A_1894 = arith.constant 4.000000e-01 : f32
    %mul3A_1895 = arith.mulf %mul3A_1894, %convert_element_type3A_1893 : f32
    %add3A_1896 = arith.constant 0.000000e+00 : f32
    %add3A_1897 = arith.addf %add3A_1896, %mul3A_1895 : f32
    %add3A_1898 = arith.constant 2.000000e-01 : f32
    %add3A_1899 = arith.addf %add3A_1897, %add3A_1898 : f32
    %slice3A_1900 = vector.extract_strided_slice %add3A_1890 {offsets = [0, 0], sizes = [36, 200], strides = [1, 1]} : vector<42x200xf32> to vector<36x200xf32>
    %mul3A_1901 = vector.broadcast %get3A_17 : vector<36x1xf32> to vector<36x200xf32>
    %mul3A_1902 = arith.mulf %slice3A_1900, %mul3A_1901 : vector<36x200xf32>
    %mul3A_1903 = vector.broadcast %add3A_1899 : f32 to vector<36x1xf32>
    %mul3A_1904 = arith.mulf %mul3A_1903, %get3A_38 : vector<36x1xf32>
    %add3A_1905 = vector.broadcast %mul3A_1904 : vector<36x1xf32> to vector<36x200xf32>
    %add3A_1906 = arith.addf %add3A_35, %add3A_1905 : vector<36x200xf32>
    %add3A_1907 = arith.addf %mul3A_1902, %add3A_1906 : vector<36x200xf32>
    %exp3A_1908 = math.exp %slice3A_1900 : vector<36x200xf32>
    %mul3A_1909 = vector.broadcast %get3A_17 : vector<36x1xf32> to vector<36x200xf32>
    %mul3A_1910 = arith.mulf %exp3A_1908, %mul3A_1909 : vector<36x200xf32>
    %broadcast_in_dim3A_1911 = vector.shape_cast %gt3A_22 : vector<36x1xi1> to vector<36x1xi1>
    %broadcast_in_dim3A_1912 = vector.broadcast %broadcast_in_dim3A_1911 : vector<36x1xi1> to vector<36x200xi1>
    %select_n3A_1913 = arith.select %broadcast_in_dim3A_1912, %add3A_1907, %mul3A_1910 : vector<36x200xi1>, vector<36x200xf32>
    %slice3A_1914 = vector.extract_strided_slice %add3A_1890 {offsets = [36, 0], sizes = [6, 200], strides = [1, 1]} : vector<42x200xf32> to vector<6x200xf32>
    %logistic3A_1915 = arith.negf %slice3A_1914 : vector<6x200xf32>
    %logistic3A_1916 = math.exp %logistic3A_1915 : vector<6x200xf32>
    %logistic3A_1917 = arith.constant 1.000000e+00 : f32
    %logistic3A_1918 = vector.broadcast %logistic3A_1917 : f32 to vector<6x200xf32>
    %logistic3A_1919 = arith.addf %logistic3A_1918, %logistic3A_1916 : vector<6x200xf32>
    %logistic3A_1920 = arith.divf %logistic3A_1918, %logistic3A_1919 : vector<6x200xf32>
    %mul3A_1921 = vector.broadcast %get3A_41 : vector<6x1xf32> to vector<6x200xf32>
    %mul3A_1922 = arith.mulf %logistic3A_1920, %mul3A_1921 : vector<6x200xf32>
    %mul3A_1923 = arith.mulf %mul3A_1922, %mul3A_1922 : vector<6x200xf32>
    %sub3A_1924 = arith.constant 1.000000e+00 : f32
    %sub3A_1925 = vector.broadcast %sub3A_1924 : f32 to vector<6x200xf32>
    %sub3A_1926 = arith.subf %sub3A_1925, %mul3A_1923 : vector<6x200xf32>
    %sqrt3A_1927 = math.sqrt %sub3A_1926 : vector<6x200xf32>
    %atan23A_1928 = math.atan2 %mul3A_1922, %sqrt3A_1927 : vector<6x200xf32>
    %slice3A_1929 = vector.extract_strided_slice %select_n3A_1913 {offsets = [0, 0], sizes = [6, 200], strides = [1, 1]} : vector<36x200xf32> to vector<6x200xf32>
    %slice3A_1930 = vector.extract_strided_slice %atan23A_1928 {offsets = [0, 0], sizes = [1, 200], strides = [1, 1]} : vector<6x200xf32> to vector<1x200xf32>
    %slice3A_1931 = vector.extract_strided_slice %select_n3A_1913 {offsets = [6, 0], sizes = [6, 200], strides = [1, 1]} : vector<36x200xf32> to vector<6x200xf32>
    %slice3A_1932 = vector.extract_strided_slice %atan23A_1928 {offsets = [1, 0], sizes = [1, 200], strides = [1, 1]} : vector<6x200xf32> to vector<1x200xf32>
    %slice3A_1933 = vector.extract_strided_slice %select_n3A_1913 {offsets = [12, 0], sizes = [6, 200], strides = [1, 1]} : vector<36x200xf32> to vector<6x200xf32>
    %slice3A_1934 = vector.extract_strided_slice %atan23A_1928 {offsets = [2, 0], sizes = [1, 200], strides = [1, 1]} : vector<6x200xf32> to vector<1x200xf32>
    %slice3A_1935 = vector.extract_strided_slice %select_n3A_1913 {offsets = [18, 0], sizes = [6, 200], strides = [1, 1]} : vector<36x200xf32> to vector<6x200xf32>
    %slice3A_1936 = vector.extract_strided_slice %atan23A_1928 {offsets = [3, 0], sizes = [1, 200], strides = [1, 1]} : vector<6x200xf32> to vector<1x200xf32>
    %slice3A_1937 = vector.extract_strided_slice %select_n3A_1913 {offsets = [24, 0], sizes = [6, 200], strides = [1, 1]} : vector<36x200xf32> to vector<6x200xf32>
    %slice3A_1938 = vector.extract_strided_slice %atan23A_1928 {offsets = [4, 0], sizes = [1, 200], strides = [1, 1]} : vector<6x200xf32> to vector<1x200xf32>
    %slice3A_1939 = vector.extract_strided_slice %select_n3A_1913 {offsets = [30, 0], sizes = [6, 200], strides = [1, 1]} : vector<36x200xf32> to vector<6x200xf32>
    %slice3A_1940 = vector.extract_strided_slice %atan23A_1928 {offsets = [5, 0], sizes = [1, 200], strides = [1, 1]} : vector<6x200xf32> to vector<1x200xf32>
    %concatenate3A_1941 = tpu.concatenate %slice3A_1929, %slice3A_1930, %slice3A_1931, %slice3A_1932, %slice3A_1933, %slice3A_1934, %slice3A_1935, %slice3A_1936, %slice3A_1937, %slice3A_1938, %slice3A_1939, %slice3A_1940 in 0 : vector<6x200xf32>, vector<1x200xf32>, vector<6x200xf32>, vector<1x200xf32>, vector<6x200xf32>, vector<1x200xf32>, vector<6x200xf32>, vector<1x200xf32>, vector<6x200xf32>, vector<1x200xf32>, vector<6x200xf32>, vector<1x200xf32> -> vector<42x200xf32>
    %swap3A_1942 = arith.constant 0 : index
    %swap3A_1943 = arith.constant 15 : index
    %swap3A_1944 = arith.constant 0 : index
    %swap3A_1945 = arith.constant 0 : index
    %swap3A_1946 = arith.constant 0 : index
    %swap3A_1947 = vector.load %arg15[%swap3A_1942, %swap3A_1943, %swap3A_1944, %swap3A_1945, %swap3A_1946] : memref<1x36x1x42x200xf32, #tpu.memory_space<vmem>>, vector<1x1x1x42x200xf32>
    %swap3A_1948 = vector.shape_cast %swap3A_1947 : vector<1x1x1x42x200xf32> to vector<42x200xf32>
    %swap3A_1949 = vector.shape_cast %concatenate3A_1941 : vector<42x200xf32> to vector<1x1x1x42x200xf32>
    tpu.vector_store %arg15[%swap3A_1942, %swap3A_1943, %swap3A_1944, %swap3A_1945, %swap3A_1946], %swap3A_1949 {strides = array<i32>} : memref<1x36x1x42x200xf32, #tpu.memory_space<vmem>>, vector<1x1x1x42x200xf32>,
    %get3A_1950 = arith.constant 0 : index
    %get3A_1951 = arith.constant 16 : index
    %get3A_1952 = arith.constant 0 : index
    %get3A_1953 = arith.constant 0 : index
    %get3A_1954 = arith.constant 0 : index
    %get3A_1955 = vector.load %arg3[%get3A_1950, %get3A_1951, %get3A_1952, %get3A_1953, %get3A_1954] : memref<1x36x1x64x200xf32, #tpu.memory_space<vmem>>, vector<1x1x1x64x200xf32>
    %get3A_1956 = vector.shape_cast %get3A_1955 : vector<1x1x1x64x200xf32> to vector<64x200xf32>
    %get3A_1957 = arith.constant 0 : index
    %get3A_1958 = arith.constant 0 : index
    %get3A_1959 = vector.load %arg4[%get3A_1957, %get3A_1958] : memref<64x64xf32, #tpu.memory_space<vmem>>, vector<64x64xf32>
    %dot_general3A_1960 = arith.constant dense<0.000000e+00> : vector<64x200xf32>
    %dot_general3A_1961 = tpu.matmul %get3A_1959, %get3A_1956, %dot_general3A_1960 {dimension_numbers = #tpu.dot_dimension_numbers<[1], [0], [0], [1], [0, 0, 1, 1], [], []>, transpose_lhs_hint = false} : vector<64x64xf32>, vector<64x200xf32>, vector<64x200xf32> -> vector<64x200xf32>
    %get3A_1962 = arith.constant 0 : index
    %get3A_1963 = arith.constant 0 : index
    %get3A_1964 = vector.load %arg5[%get3A_1962, %get3A_1963] : memref<64x1xf32, #tpu.memory_space<vmem>>, vector<64x1xf32>
    %add3A_1965 = vector.broadcast %get3A_1964 : vector<64x1xf32> to vector<64x200xf32>
    %add3A_1966 = arith.addf %dot_general3A_1961, %add3A_1965 : vector<64x200xf32>
    %max3A_1967 = arith.constant 0.000000e+00 : f32
    %max3A_1968 = vector.broadcast %max3A_1967 : f32 to vector<64x200xf32>
    %max3A_1969 = arith.maximumf %add3A_1966, %max3A_1968 : vector<64x200xf32>
    %get3A_1970 = arith.constant 0 : index
    %get3A_1971 = arith.constant 0 : index
    %get3A_1972 = vector.load %arg6[%get3A_1970, %get3A_1971] : memref<24x64xf32, #tpu.memory_space<vmem>>, vector<24x64xf32>
    %dot_general3A_1973 = arith.constant dense<0.000000e+00> : vector<24x200xf32>
    %dot_general3A_1974 = tpu.matmul %get3A_1972, %max3A_1969, %dot_general3A_1973 {dimension_numbers = #tpu.dot_dimension_numbers<[1], [0], [0], [1], [0, 0, 1, 1], [], []>, transpose_lhs_hint = false} : vector<24x64xf32>, vector<64x200xf32>, vector<24x200xf32> -> vector<24x200xf32>
    %get3A_1975 = arith.constant 0 : index
    %get3A_1976 = arith.constant 0 : index
    %get3A_1977 = vector.load %arg7[%get3A_1975, %get3A_1976] : memref<24x1xf32, #tpu.memory_space<vmem>>, vector<24x1xf32>
    %add3A_1978 = vector.broadcast %get3A_1977 : vector<24x1xf32> to vector<24x200xf32>
    %add3A_1979 = arith.addf %dot_general3A_1974, %add3A_1978 : vector<24x200xf32>
    %swap3A_1980 = arith.constant 0 : index
    %swap3A_1981 = arith.constant 16 : index
    %swap3A_1982 = arith.constant 0 : index
    %swap3A_1983 = arith.constant 0 : index
    %swap3A_1984 = arith.constant 0 : index
    %swap3A_1985 = vector.load %arg14[%swap3A_1980, %swap3A_1981, %swap3A_1982, %swap3A_1983, %swap3A_1984] : memref<1x36x1x24x200xf32, #tpu.memory_space<vmem>>, vector<1x1x1x24x200xf32>
    %swap3A_1986 = vector.shape_cast %swap3A_1985 : vector<1x1x1x24x200xf32> to vector<24x200xf32>
    %swap3A_1987 = vector.shape_cast %add3A_1979 : vector<24x200xf32> to vector<1x1x1x24x200xf32>
    tpu.vector_store %arg14[%swap3A_1980, %swap3A_1981, %swap3A_1982, %swap3A_1983, %swap3A_1984], %swap3A_1987 {strides = array<i32>} : memref<1x36x1x24x200xf32, #tpu.memory_space<vmem>>, vector<1x1x1x24x200xf32>,
    %get3A_1988 = arith.constant 0 : index
    %get3A_1989 = arith.constant 0 : index
    %get3A_1990 = vector.load %arg8[%get3A_1988, %get3A_1989] : memref<64x64xf32, #tpu.memory_space<vmem>>, vector<64x64xf32>
    %dot_general3A_1991 = arith.constant dense<0.000000e+00> : vector<64x200xf32>
    %dot_general3A_1992 = tpu.matmul %get3A_1990, %get3A_1956, %dot_general3A_1991 {dimension_numbers = #tpu.dot_dimension_numbers<[1], [0], [0], [1], [0, 0, 1, 1], [], []>, transpose_lhs_hint = false} : vector<64x64xf32>, vector<64x200xf32>, vector<64x200xf32> -> vector<64x200xf32>
    %get3A_1993 = arith.constant 0 : index
    %get3A_1994 = arith.constant 0 : index
    %get3A_1995 = vector.load %arg9[%get3A_1993, %get3A_1994] : memref<64x1xf32, #tpu.memory_space<vmem>>, vector<64x1xf32>
    %add3A_1996 = vector.broadcast %get3A_1995 : vector<64x1xf32> to vector<64x200xf32>
    %add3A_1997 = arith.addf %dot_general3A_1992, %add3A_1996 : vector<64x200xf32>
    %max3A_1998 = arith.constant 0.000000e+00 : f32
    %max3A_1999 = vector.broadcast %max3A_1998 : f32 to vector<64x200xf32>
    %max3A_2000 = arith.maximumf %add3A_1997, %max3A_1999 : vector<64x200xf32>
    %get3A_2001 = arith.constant 0 : index
    %get3A_2002 = arith.constant 0 : index
    %get3A_2003 = vector.load %arg10[%get3A_2001, %get3A_2002] : memref<42x64xf32, #tpu.memory_space<vmem>>, vector<42x64xf32>
    %dot_general3A_2004 = arith.constant dense<0.000000e+00> : vector<42x200xf32>
    %dot_general3A_2005 = tpu.matmul %get3A_2003, %max3A_2000, %dot_general3A_2004 {dimension_numbers = #tpu.dot_dimension_numbers<[1], [0], [0], [1], [0, 0, 1, 1], [], []>, transpose_lhs_hint = false} : vector<42x64xf32>, vector<64x200xf32>, vector<42x200xf32> -> vector<42x200xf32>
    %get3A_2006 = arith.constant 0 : index
    %get3A_2007 = arith.constant 0 : index
    %get3A_2008 = vector.load %arg11[%get3A_2006, %get3A_2007] : memref<42x1xf32, #tpu.memory_space<vmem>>, vector<42x1xf32>
    %add3A_2009 = vector.broadcast %get3A_2008 : vector<42x1xf32> to vector<42x200xf32>
    %add3A_2010 = arith.addf %dot_general3A_2005, %add3A_2009 : vector<42x200xf32>
    %add3A_2011 = arith.constant 16 : i32
    %add3A_2012 = arith.addi %mul3A_0, %add3A_2011 : i32
    %convert_element_type3A_2013 = arith.sitofp %add3A_2012 : i32 to f32
    %mul3A_2014 = arith.constant 4.000000e-01 : f32
    %mul3A_2015 = arith.mulf %mul3A_2014, %convert_element_type3A_2013 : f32
    %add3A_2016 = arith.constant 0.000000e+00 : f32
    %add3A_2017 = arith.addf %add3A_2016, %mul3A_2015 : f32
    %add3A_2018 = arith.constant 2.000000e-01 : f32
    %add3A_2019 = arith.addf %add3A_2017, %add3A_2018 : f32
    %slice3A_2020 = vector.extract_strided_slice %add3A_2010 {offsets = [0, 0], sizes = [36, 200], strides = [1, 1]} : vector<42x200xf32> to vector<36x200xf32>
    %mul3A_2021 = vector.broadcast %get3A_17 : vector<36x1xf32> to vector<36x200xf32>
    %mul3A_2022 = arith.mulf %slice3A_2020, %mul3A_2021 : vector<36x200xf32>
    %mul3A_2023 = vector.broadcast %add3A_2019 : f32 to vector<36x1xf32>
    %mul3A_2024 = arith.mulf %mul3A_2023, %get3A_38 : vector<36x1xf32>
    %add3A_2025 = vector.broadcast %mul3A_2024 : vector<36x1xf32> to vector<36x200xf32>
    %add3A_2026 = arith.addf %add3A_35, %add3A_2025 : vector<36x200xf32>
    %add3A_2027 = arith.addf %mul3A_2022, %add3A_2026 : vector<36x200xf32>
    %exp3A_2028 = math.exp %slice3A_2020 : vector<36x200xf32>
    %mul3A_2029 = vector.broadcast %get3A_17 : vector<36x1xf32> to vector<36x200xf32>
    %mul3A_2030 = arith.mulf %exp3A_2028, %mul3A_2029 : vector<36x200xf32>
    %broadcast_in_dim3A_2031 = vector.shape_cast %gt3A_22 : vector<36x1xi1> to vector<36x1xi1>
    %broadcast_in_dim3A_2032 = vector.broadcast %broadcast_in_dim3A_2031 : vector<36x1xi1> to vector<36x200xi1>
    %select_n3A_2033 = arith.select %broadcast_in_dim3A_2032, %add3A_2027, %mul3A_2030 : vector<36x200xi1>, vector<36x200xf32>
    %slice3A_2034 = vector.extract_strided_slice %add3A_2010 {offsets = [36, 0], sizes = [6, 200], strides = [1, 1]} : vector<42x200xf32> to vector<6x200xf32>
    %logistic3A_2035 = arith.negf %slice3A_2034 : vector<6x200xf32>
    %logistic3A_2036 = math.exp %logistic3A_2035 : vector<6x200xf32>
    %logistic3A_2037 = arith.constant 1.000000e+00 : f32
    %logistic3A_2038 = vector.broadcast %logistic3A_2037 : f32 to vector<6x200xf32>
    %logistic3A_2039 = arith.addf %logistic3A_2038, %logistic3A_2036 : vector<6x200xf32>
    %logistic3A_2040 = arith.divf %logistic3A_2038, %logistic3A_2039 : vector<6x200xf32>
    %mul3A_2041 = vector.broadcast %get3A_41 : vector<6x1xf32> to vector<6x200xf32>
    %mul3A_2042 = arith.mulf %logistic3A_2040, %mul3A_2041 : vector<6x200xf32>
    %mul3A_2043 = arith.mulf %mul3A_2042, %mul3A_2042 : vector<6x200xf32>
    %sub3A_2044 = arith.constant 1.000000e+00 : f32
    %sub3A_2045 = vector.broadcast %sub3A_2044 : f32 to vector<6x200xf32>
    %sub3A_2046 = arith.subf %sub3A_2045, %mul3A_2043 : vector<6x200xf32>
    %sqrt3A_2047 = math.sqrt %sub3A_2046 : vector<6x200xf32>
    %atan23A_2048 = math.atan2 %mul3A_2042, %sqrt3A_2047 : vector<6x200xf32>
    %slice3A_2049 = vector.extract_strided_slice %select_n3A_2033 {offsets = [0, 0], sizes = [6, 200], strides = [1, 1]} : vector<36x200xf32> to vector<6x200xf32>
    %slice3A_2050 = vector.extract_strided_slice %atan23A_2048 {offsets = [0, 0], sizes = [1, 200], strides = [1, 1]} : vector<6x200xf32> to vector<1x200xf32>
    %slice3A_2051 = vector.extract_strided_slice %select_n3A_2033 {offsets = [6, 0], sizes = [6, 200], strides = [1, 1]} : vector<36x200xf32> to vector<6x200xf32>
    %slice3A_2052 = vector.extract_strided_slice %atan23A_2048 {offsets = [1, 0], sizes = [1, 200], strides = [1, 1]} : vector<6x200xf32> to vector<1x200xf32>
    %slice3A_2053 = vector.extract_strided_slice %select_n3A_2033 {offsets = [12, 0], sizes = [6, 200], strides = [1, 1]} : vector<36x200xf32> to vector<6x200xf32>
    %slice3A_2054 = vector.extract_strided_slice %atan23A_2048 {offsets = [2, 0], sizes = [1, 200], strides = [1, 1]} : vector<6x200xf32> to vector<1x200xf32>
    %slice3A_2055 = vector.extract_strided_slice %select_n3A_2033 {offsets = [18, 0], sizes = [6, 200], strides = [1, 1]} : vector<36x200xf32> to vector<6x200xf32>
    %slice3A_2056 = vector.extract_strided_slice %atan23A_2048 {offsets = [3, 0], sizes = [1, 200], strides = [1, 1]} : vector<6x200xf32> to vector<1x200xf32>
    %slice3A_2057 = vector.extract_strided_slice %select_n3A_2033 {offsets = [24, 0], sizes = [6, 200], strides = [1, 1]} : vector<36x200xf32> to vector<6x200xf32>
    %slice3A_2058 = vector.extract_strided_slice %atan23A_2048 {offsets = [4, 0], sizes = [1, 200], strides = [1, 1]} : vector<6x200xf32> to vector<1x200xf32>
    %slice3A_2059 = vector.extract_strided_slice %select_n3A_2033 {offsets = [30, 0], sizes = [6, 200], strides = [1, 1]} : vector<36x200xf32> to vector<6x200xf32>
    %slice3A_2060 = vector.extract_strided_slice %atan23A_2048 {offsets = [5, 0], sizes = [1, 200], strides = [1, 1]} : vector<6x200xf32> to vector<1x200xf32>
    %concatenate3A_2061 = tpu.concatenate %slice3A_2049, %slice3A_2050, %slice3A_2051, %slice3A_2052, %slice3A_2053, %slice3A_2054, %slice3A_2055, %slice3A_2056, %slice3A_2057, %slice3A_2058, %slice3A_2059, %slice3A_2060 in 0 : vector<6x200xf32>, vector<1x200xf32>, vector<6x200xf32>, vector<1x200xf32>, vector<6x200xf32>, vector<1x200xf32>, vector<6x200xf32>, vector<1x200xf32>, vector<6x200xf32>, vector<1x200xf32>, vector<6x200xf32>, vector<1x200xf32> -> vector<42x200xf32>
    %swap3A_2062 = arith.constant 0 : index
    %swap3A_2063 = arith.constant 16 : index
    %swap3A_2064 = arith.constant 0 : index
    %swap3A_2065 = arith.constant 0 : index
    %swap3A_2066 = arith.constant 0 : index
    %swap3A_2067 = vector.load %arg15[%swap3A_2062, %swap3A_2063, %swap3A_2064, %swap3A_2065, %swap3A_2066] : memref<1x36x1x42x200xf32, #tpu.memory_space<vmem>>, vector<1x1x1x42x200xf32>
    %swap3A_2068 = vector.shape_cast %swap3A_2067 : vector<1x1x1x42x200xf32> to vector<42x200xf32>
    %swap3A_2069 = vector.shape_cast %concatenate3A_2061 : vector<42x200xf32> to vector<1x1x1x42x200xf32>
    tpu.vector_store %arg15[%swap3A_2062, %swap3A_2063, %swap3A_2064, %swap3A_2065, %swap3A_2066], %swap3A_2069 {strides = array<i32>} : memref<1x36x1x42x200xf32, #tpu.memory_space<vmem>>, vector<1x1x1x42x200xf32>,
    %get3A_2070 = arith.constant 0 : index
    %get3A_2071 = arith.constant 17 : index
    %get3A_2072 = arith.constant 0 : index
    %get3A_2073 = arith.constant 0 : index
    %get3A_2074 = arith.constant 0 : index
    %get3A_2075 = vector.load %arg3[%get3A_2070, %get3A_2071, %get3A_2072, %get3A_2073, %get3A_2074] : memref<1x36x1x64x200xf32, #tpu.memory_space<vmem>>, vector<1x1x1x64x200xf32>
    %get3A_2076 = vector.shape_cast %get3A_2075 : vector<1x1x1x64x200xf32> to vector<64x200xf32>
    %get3A_2077 = arith.constant 0 : index
    %get3A_2078 = arith.constant 0 : index
    %get3A_2079 = vector.load %arg4[%get3A_2077, %get3A_2078] : memref<64x64xf32, #tpu.memory_space<vmem>>, vector<64x64xf32>
    %dot_general3A_2080 = arith.constant dense<0.000000e+00> : vector<64x200xf32>
    %dot_general3A_2081 = tpu.matmul %get3A_2079, %get3A_2076, %dot_general3A_2080 {dimension_numbers = #tpu.dot_dimension_numbers<[1], [0], [0], [1], [0, 0, 1, 1], [], []>, transpose_lhs_hint = false} : vector<64x64xf32>, vector<64x200xf32>, vector<64x200xf32> -> vector<64x200xf32>
    %get3A_2082 = arith.constant 0 : index
    %get3A_2083 = arith.constant 0 : index
    %get3A_2084 = vector.load %arg5[%get3A_2082, %get3A_2083] : memref<64x1xf32, #tpu.memory_space<vmem>>, vector<64x1xf32>
    %add3A_2085 = vector.broadcast %get3A_2084 : vector<64x1xf32> to vector<64x200xf32>
    %add3A_2086 = arith.addf %dot_general3A_2081, %add3A_2085 : vector<64x200xf32>
    %max3A_2087 = arith.constant 0.000000e+00 : f32
    %max3A_2088 = vector.broadcast %max3A_2087 : f32 to vector<64x200xf32>
    %max3A_2089 = arith.maximumf %add3A_2086, %max3A_2088 : vector<64x200xf32>
    %get3A_2090 = arith.constant 0 : index
    %get3A_2091 = arith.constant 0 : index
    %get3A_2092 = vector.load %arg6[%get3A_2090, %get3A_2091] : memref<24x64xf32, #tpu.memory_space<vmem>>, vector<24x64xf32>
    %dot_general3A_2093 = arith.constant dense<0.000000e+00> : vector<24x200xf32>
    %dot_general3A_2094 = tpu.matmul %get3A_2092, %max3A_2089, %dot_general3A_2093 {dimension_numbers = #tpu.dot_dimension_numbers<[1], [0], [0], [1], [0, 0, 1, 1], [], []>, transpose_lhs_hint = false} : vector<24x64xf32>, vector<64x200xf32>, vector<24x200xf32> -> vector<24x200xf32>
    %get3A_2095 = arith.constant 0 : index
    %get3A_2096 = arith.constant 0 : index
    %get3A_2097 = vector.load %arg7[%get3A_2095, %get3A_2096] : memref<24x1xf32, #tpu.memory_space<vmem>>, vector<24x1xf32>
    %add3A_2098 = vector.broadcast %get3A_2097 : vector<24x1xf32> to vector<24x200xf32>
    %add3A_2099 = arith.addf %dot_general3A_2094, %add3A_2098 : vector<24x200xf32>
    %swap3A_2100 = arith.constant 0 : index
    %swap3A_2101 = arith.constant 17 : index
    %swap3A_2102 = arith.constant 0 : index
    %swap3A_2103 = arith.constant 0 : index
    %swap3A_2104 = arith.constant 0 : index
    %swap3A_2105 = vector.load %arg14[%swap3A_2100, %swap3A_2101, %swap3A_2102, %swap3A_2103, %swap3A_2104] : memref<1x36x1x24x200xf32, #tpu.memory_space<vmem>>, vector<1x1x1x24x200xf32>
    %swap3A_2106 = vector.shape_cast %swap3A_2105 : vector<1x1x1x24x200xf32> to vector<24x200xf32>
    %swap3A_2107 = vector.shape_cast %add3A_2099 : vector<24x200xf32> to vector<1x1x1x24x200xf32>
    tpu.vector_store %arg14[%swap3A_2100, %swap3A_2101, %swap3A_2102, %swap3A_2103, %swap3A_2104], %swap3A_2107 {strides = array<i32>} : memref<1x36x1x24x200xf32, #tpu.memory_space<vmem>>, vector<1x1x1x24x200xf32>,
    %get3A_2108 = arith.constant 0 : index
    %get3A_2109 = arith.constant 0 : index
    %get3A_2110 = vector.load %arg8[%get3A_2108, %get3A_2109] : memref<64x64xf32, #tpu.memory_space<vmem>>, vector<64x64xf32>
    %dot_general3A_2111 = arith.constant dense<0.000000e+00> : vector<64x200xf32>
    %dot_general3A_2112 = tpu.matmul %get3A_2110, %get3A_2076, %dot_general3A_2111 {dimension_numbers = #tpu.dot_dimension_numbers<[1], [0], [0], [1], [0, 0, 1, 1], [], []>, transpose_lhs_hint = false} : vector<64x64xf32>, vector<64x200xf32>, vector<64x200xf32> -> vector<64x200xf32>
    %get3A_2113 = arith.constant 0 : index
    %get3A_2114 = arith.constant 0 : index
    %get3A_2115 = vector.load %arg9[%get3A_2113, %get3A_2114] : memref<64x1xf32, #tpu.memory_space<vmem>>, vector<64x1xf32>
    %add3A_2116 = vector.broadcast %get3A_2115 : vector<64x1xf32> to vector<64x200xf32>
    %add3A_2117 = arith.addf %dot_general3A_2112, %add3A_2116 : vector<64x200xf32>
    %max3A_2118 = arith.constant 0.000000e+00 : f32
    %max3A_2119 = vector.broadcast %max3A_2118 : f32 to vector<64x200xf32>
    %max3A_2120 = arith.maximumf %add3A_2117, %max3A_2119 : vector<64x200xf32>
    %get3A_2121 = arith.constant 0 : index
    %get3A_2122 = arith.constant 0 : index
    %get3A_2123 = vector.load %arg10[%get3A_2121, %get3A_2122] : memref<42x64xf32, #tpu.memory_space<vmem>>, vector<42x64xf32>
    %dot_general3A_2124 = arith.constant dense<0.000000e+00> : vector<42x200xf32>
    %dot_general3A_2125 = tpu.matmul %get3A_2123, %max3A_2120, %dot_general3A_2124 {dimension_numbers = #tpu.dot_dimension_numbers<[1], [0], [0], [1], [0, 0, 1, 1], [], []>, transpose_lhs_hint = false} : vector<42x64xf32>, vector<64x200xf32>, vector<42x200xf32> -> vector<42x200xf32>
    %get3A_2126 = arith.constant 0 : index
    %get3A_2127 = arith.constant 0 : index
    %get3A_2128 = vector.load %arg11[%get3A_2126, %get3A_2127] : memref<42x1xf32, #tpu.memory_space<vmem>>, vector<42x1xf32>
    %add3A_2129 = vector.broadcast %get3A_2128 : vector<42x1xf32> to vector<42x200xf32>
    %add3A_2130 = arith.addf %dot_general3A_2125, %add3A_2129 : vector<42x200xf32>
    %add3A_2131 = arith.constant 17 : i32
    %add3A_2132 = arith.addi %mul3A_0, %add3A_2131 : i32
    %convert_element_type3A_2133 = arith.sitofp %add3A_2132 : i32 to f32
    %mul3A_2134 = arith.constant 4.000000e-01 : f32
    %mul3A_2135 = arith.mulf %mul3A_2134, %convert_element_type3A_2133 : f32
    %add3A_2136 = arith.constant 0.000000e+00 : f32
    %add3A_2137 = arith.addf %add3A_2136, %mul3A_2135 : f32
    %add3A_2138 = arith.constant 2.000000e-01 : f32
    %add3A_2139 = arith.addf %add3A_2137, %add3A_2138 : f32
    %slice3A_2140 = vector.extract_strided_slice %add3A_2130 {offsets = [0, 0], sizes = [36, 200], strides = [1, 1]} : vector<42x200xf32> to vector<36x200xf32>
    %mul3A_2141 = vector.broadcast %get3A_17 : vector<36x1xf32> to vector<36x200xf32>
    %mul3A_2142 = arith.mulf %slice3A_2140, %mul3A_2141 : vector<36x200xf32>
    %mul3A_2143 = vector.broadcast %add3A_2139 : f32 to vector<36x1xf32>
    %mul3A_2144 = arith.mulf %mul3A_2143, %get3A_38 : vector<36x1xf32>
    %add3A_2145 = vector.broadcast %mul3A_2144 : vector<36x1xf32> to vector<36x200xf32>
    %add3A_2146 = arith.addf %add3A_35, %add3A_2145 : vector<36x200xf32>
    %add3A_2147 = arith.addf %mul3A_2142, %add3A_2146 : vector<36x200xf32>
    %exp3A_2148 = math.exp %slice3A_2140 : vector<36x200xf32>
    %mul3A_2149 = vector.broadcast %get3A_17 : vector<36x1xf32> to vector<36x200xf32>
    %mul3A_2150 = arith.mulf %exp3A_2148, %mul3A_2149 : vector<36x200xf32>
    %broadcast_in_dim3A_2151 = vector.shape_cast %gt3A_22 : vector<36x1xi1> to vector<36x1xi1>
    %broadcast_in_dim3A_2152 = vector.broadcast %broadcast_in_dim3A_2151 : vector<36x1xi1> to vector<36x200xi1>
    %select_n3A_2153 = arith.select %broadcast_in_dim3A_2152, %add3A_2147, %mul3A_2150 : vector<36x200xi1>, vector<36x200xf32>
    %slice3A_2154 = vector.extract_strided_slice %add3A_2130 {offsets = [36, 0], sizes = [6, 200], strides = [1, 1]} : vector<42x200xf32> to vector<6x200xf32>
    %logistic3A_2155 = arith.negf %slice3A_2154 : vector<6x200xf32>
    %logistic3A_2156 = math.exp %logistic3A_2155 : vector<6x200xf32>
    %logistic3A_2157 = arith.constant 1.000000e+00 : f32
    %logistic3A_2158 = vector.broadcast %logistic3A_2157 : f32 to vector<6x200xf32>
    %logistic3A_2159 = arith.addf %logistic3A_2158, %logistic3A_2156 : vector<6x200xf32>
    %logistic3A_2160 = arith.divf %logistic3A_2158, %logistic3A_2159 : vector<6x200xf32>
    %mul3A_2161 = vector.broadcast %get3A_41 : vector<6x1xf32> to vector<6x200xf32>
    %mul3A_2162 = arith.mulf %logistic3A_2160, %mul3A_2161 : vector<6x200xf32>
    %mul3A_2163 = arith.mulf %mul3A_2162, %mul3A_2162 : vector<6x200xf32>
    %sub3A_2164 = arith.constant 1.000000e+00 : f32
    %sub3A_2165 = vector.broadcast %sub3A_2164 : f32 to vector<6x200xf32>
    %sub3A_2166 = arith.subf %sub3A_2165, %mul3A_2163 : vector<6x200xf32>
    %sqrt3A_2167 = math.sqrt %sub3A_2166 : vector<6x200xf32>
    %atan23A_2168 = math.atan2 %mul3A_2162, %sqrt3A_2167 : vector<6x200xf32>
    %slice3A_2169 = vector.extract_strided_slice %select_n3A_2153 {offsets = [0, 0], sizes = [6, 200], strides = [1, 1]} : vector<36x200xf32> to vector<6x200xf32>
    %slice3A_2170 = vector.extract_strided_slice %atan23A_2168 {offsets = [0, 0], sizes = [1, 200], strides = [1, 1]} : vector<6x200xf32> to vector<1x200xf32>
    %slice3A_2171 = vector.extract_strided_slice %select_n3A_2153 {offsets = [6, 0], sizes = [6, 200], strides = [1, 1]} : vector<36x200xf32> to vector<6x200xf32>
    %slice3A_2172 = vector.extract_strided_slice %atan23A_2168 {offsets = [1, 0], sizes = [1, 200], strides = [1, 1]} : vector<6x200xf32> to vector<1x200xf32>
    %slice3A_2173 = vector.extract_strided_slice %select_n3A_2153 {offsets = [12, 0], sizes = [6, 200], strides = [1, 1]} : vector<36x200xf32> to vector<6x200xf32>
    %slice3A_2174 = vector.extract_strided_slice %atan23A_2168 {offsets = [2, 0], sizes = [1, 200], strides = [1, 1]} : vector<6x200xf32> to vector<1x200xf32>
    %slice3A_2175 = vector.extract_strided_slice %select_n3A_2153 {offsets = [18, 0], sizes = [6, 200], strides = [1, 1]} : vector<36x200xf32> to vector<6x200xf32>
    %slice3A_2176 = vector.extract_strided_slice %atan23A_2168 {offsets = [3, 0], sizes = [1, 200], strides = [1, 1]} : vector<6x200xf32> to vector<1x200xf32>
    %slice3A_2177 = vector.extract_strided_slice %select_n3A_2153 {offsets = [24, 0], sizes = [6, 200], strides = [1, 1]} : vector<36x200xf32> to vector<6x200xf32>
    %slice3A_2178 = vector.extract_strided_slice %atan23A_2168 {offsets = [4, 0], sizes = [1, 200], strides = [1, 1]} : vector<6x200xf32> to vector<1x200xf32>
    %slice3A_2179 = vector.extract_strided_slice %select_n3A_2153 {offsets = [30, 0], sizes = [6, 200], strides = [1, 1]} : vector<36x200xf32> to vector<6x200xf32>
    %slice3A_2180 = vector.extract_strided_slice %atan23A_2168 {offsets = [5, 0], sizes = [1, 200], strides = [1, 1]} : vector<6x200xf32> to vector<1x200xf32>
    %concatenate3A_2181 = tpu.concatenate %slice3A_2169, %slice3A_2170, %slice3A_2171, %slice3A_2172, %slice3A_2173, %slice3A_2174, %slice3A_2175, %slice3A_2176, %slice3A_2177, %slice3A_2178, %slice3A_2179, %slice3A_2180 in 0 : vector<6x200xf32>, vector<1x200xf32>, vector<6x200xf32>, vector<1x200xf32>, vector<6x200xf32>, vector<1x200xf32>, vector<6x200xf32>, vector<1x200xf32>, vector<6x200xf32>, vector<1x200xf32>, vector<6x200xf32>, vector<1x200xf32> -> vector<42x200xf32>
    %swap3A_2182 = arith.constant 0 : index
    %swap3A_2183 = arith.constant 17 : index
    %swap3A_2184 = arith.constant 0 : index
    %swap3A_2185 = arith.constant 0 : index
    %swap3A_2186 = arith.constant 0 : index
    %swap3A_2187 = vector.load %arg15[%swap3A_2182, %swap3A_2183, %swap3A_2184, %swap3A_2185, %swap3A_2186] : memref<1x36x1x42x200xf32, #tpu.memory_space<vmem>>, vector<1x1x1x42x200xf32>
    %swap3A_2188 = vector.shape_cast %swap3A_2187 : vector<1x1x1x42x200xf32> to vector<42x200xf32>
    %swap3A_2189 = vector.shape_cast %concatenate3A_2181 : vector<42x200xf32> to vector<1x1x1x42x200xf32>
    tpu.vector_store %arg15[%swap3A_2182, %swap3A_2183, %swap3A_2184, %swap3A_2185, %swap3A_2186], %swap3A_2189 {strides = array<i32>} : memref<1x36x1x42x200xf32, #tpu.memory_space<vmem>>, vector<1x1x1x42x200xf32>,
    %get3A_2190 = arith.constant 0 : index
    %get3A_2191 = arith.constant 18 : index
    %get3A_2192 = arith.constant 0 : index
    %get3A_2193 = arith.constant 0 : index
    %get3A_2194 = arith.constant 0 : index
    %get3A_2195 = vector.load %arg3[%get3A_2190, %get3A_2191, %get3A_2192, %get3A_2193, %get3A_2194] : memref<1x36x1x64x200xf32, #tpu.memory_space<vmem>>, vector<1x1x1x64x200xf32>
    %get3A_2196 = vector.shape_cast %get3A_2195 : vector<1x1x1x64x200xf32> to vector<64x200xf32>
    %get3A_2197 = arith.constant 0 : index
    %get3A_2198 = arith.constant 0 : index
    %get3A_2199 = vector.load %arg4[%get3A_2197, %get3A_2198] : memref<64x64xf32, #tpu.memory_space<vmem>>, vector<64x64xf32>
    %dot_general3A_2200 = arith.constant dense<0.000000e+00> : vector<64x200xf32>
    %dot_general3A_2201 = tpu.matmul %get3A_2199, %get3A_2196, %dot_general3A_2200 {dimension_numbers = #tpu.dot_dimension_numbers<[1], [0], [0], [1], [0, 0, 1, 1], [], []>, transpose_lhs_hint = false} : vector<64x64xf32>, vector<64x200xf32>, vector<64x200xf32> -> vector<64x200xf32>
    %get3A_2202 = arith.constant 0 : index
    %get3A_2203 = arith.constant 0 : index
    %get3A_2204 = vector.load %arg5[%get3A_2202, %get3A_2203] : memref<64x1xf32, #tpu.memory_space<vmem>>, vector<64x1xf32>
    %add3A_2205 = vector.broadcast %get3A_2204 : vector<64x1xf32> to vector<64x200xf32>
    %add3A_2206 = arith.addf %dot_general3A_2201, %add3A_2205 : vector<64x200xf32>
    %max3A_2207 = arith.constant 0.000000e+00 : f32
    %max3A_2208 = vector.broadcast %max3A_2207 : f32 to vector<64x200xf32>
    %max3A_2209 = arith.maximumf %add3A_2206, %max3A_2208 : vector<64x200xf32>
    %get3A_2210 = arith.constant 0 : index
    %get3A_2211 = arith.constant 0 : index
    %get3A_2212 = vector.load %arg6[%get3A_2210, %get3A_2211] : memref<24x64xf32, #tpu.memory_space<vmem>>, vector<24x64xf32>
    %dot_general3A_2213 = arith.constant dense<0.000000e+00> : vector<24x200xf32>
    %dot_general3A_2214 = tpu.matmul %get3A_2212, %max3A_2209, %dot_general3A_2213 {dimension_numbers = #tpu.dot_dimension_numbers<[1], [0], [0], [1], [0, 0, 1, 1], [], []>, transpose_lhs_hint = false} : vector<24x64xf32>, vector<64x200xf32>, vector<24x200xf32> -> vector<24x200xf32>
    %get3A_2215 = arith.constant 0 : index
    %get3A_2216 = arith.constant 0 : index
    %get3A_2217 = vector.load %arg7[%get3A_2215, %get3A_2216] : memref<24x1xf32, #tpu.memory_space<vmem>>, vector<24x1xf32>
    %add3A_2218 = vector.broadcast %get3A_2217 : vector<24x1xf32> to vector<24x200xf32>
    %add3A_2219 = arith.addf %dot_general3A_2214, %add3A_2218 : vector<24x200xf32>
    %swap3A_2220 = arith.constant 0 : index
    %swap3A_2221 = arith.constant 18 : index
    %swap3A_2222 = arith.constant 0 : index
    %swap3A_2223 = arith.constant 0 : index
    %swap3A_2224 = arith.constant 0 : index
    %swap3A_2225 = vector.load %arg14[%swap3A_2220, %swap3A_2221, %swap3A_2222, %swap3A_2223, %swap3A_2224] : memref<1x36x1x24x200xf32, #tpu.memory_space<vmem>>, vector<1x1x1x24x200xf32>
    %swap3A_2226 = vector.shape_cast %swap3A_2225 : vector<1x1x1x24x200xf32> to vector<24x200xf32>
    %swap3A_2227 = vector.shape_cast %add3A_2219 : vector<24x200xf32> to vector<1x1x1x24x200xf32>
    tpu.vector_store %arg14[%swap3A_2220, %swap3A_2221, %swap3A_2222, %swap3A_2223, %swap3A_2224], %swap3A_2227 {strides = array<i32>} : memref<1x36x1x24x200xf32, #tpu.memory_space<vmem>>, vector<1x1x1x24x200xf32>,
    %get3A_2228 = arith.constant 0 : index
    %get3A_2229 = arith.constant 0 : index
    %get3A_2230 = vector.load %arg8[%get3A_2228, %get3A_2229] : memref<64x64xf32, #tpu.memory_space<vmem>>, vector<64x64xf32>
    %dot_general3A_2231 = arith.constant dense<0.000000e+00> : vector<64x200xf32>
    %dot_general3A_2232 = tpu.matmul %get3A_2230, %get3A_2196, %dot_general3A_2231 {dimension_numbers = #tpu.dot_dimension_numbers<[1], [0], [0], [1], [0, 0, 1, 1], [], []>, transpose_lhs_hint = false} : vector<64x64xf32>, vector<64x200xf32>, vector<64x200xf32> -> vector<64x200xf32>
    %get3A_2233 = arith.constant 0 : index
    %get3A_2234 = arith.constant 0 : index
    %get3A_2235 = vector.load %arg9[%get3A_2233, %get3A_2234] : memref<64x1xf32, #tpu.memory_space<vmem>>, vector<64x1xf32>
    %add3A_2236 = vector.broadcast %get3A_2235 : vector<64x1xf32> to vector<64x200xf32>
    %add3A_2237 = arith.addf %dot_general3A_2232, %add3A_2236 : vector<64x200xf32>
    %max3A_2238 = arith.constant 0.000000e+00 : f32
    %max3A_2239 = vector.broadcast %max3A_2238 : f32 to vector<64x200xf32>
    %max3A_2240 = arith.maximumf %add3A_2237, %max3A_2239 : vector<64x200xf32>
    %get3A_2241 = arith.constant 0 : index
    %get3A_2242 = arith.constant 0 : index
    %get3A_2243 = vector.load %arg10[%get3A_2241, %get3A_2242] : memref<42x64xf32, #tpu.memory_space<vmem>>, vector<42x64xf32>
    %dot_general3A_2244 = arith.constant dense<0.000000e+00> : vector<42x200xf32>
    %dot_general3A_2245 = tpu.matmul %get3A_2243, %max3A_2240, %dot_general3A_2244 {dimension_numbers = #tpu.dot_dimension_numbers<[1], [0], [0], [1], [0, 0, 1, 1], [], []>, transpose_lhs_hint = false} : vector<42x64xf32>, vector<64x200xf32>, vector<42x200xf32> -> vector<42x200xf32>
    %get3A_2246 = arith.constant 0 : index
    %get3A_2247 = arith.constant 0 : index
    %get3A_2248 = vector.load %arg11[%get3A_2246, %get3A_2247] : memref<42x1xf32, #tpu.memory_space<vmem>>, vector<42x1xf32>
    %add3A_2249 = vector.broadcast %get3A_2248 : vector<42x1xf32> to vector<42x200xf32>
    %add3A_2250 = arith.addf %dot_general3A_2245, %add3A_2249 : vector<42x200xf32>
    %add3A_2251 = arith.constant 18 : i32
    %add3A_2252 = arith.addi %mul3A_0, %add3A_2251 : i32
    %convert_element_type3A_2253 = arith.sitofp %add3A_2252 : i32 to f32
    %mul3A_2254 = arith.constant 4.000000e-01 : f32
    %mul3A_2255 = arith.mulf %mul3A_2254, %convert_element_type3A_2253 : f32
    %add3A_2256 = arith.constant 0.000000e+00 : f32
    %add3A_2257 = arith.addf %add3A_2256, %mul3A_2255 : f32
    %add3A_2258 = arith.constant 2.000000e-01 : f32
    %add3A_2259 = arith.addf %add3A_2257, %add3A_2258 : f32
    %slice3A_2260 = vector.extract_strided_slice %add3A_2250 {offsets = [0, 0], sizes = [36, 200], strides = [1, 1]} : vector<42x200xf32> to vector<36x200xf32>
    %mul3A_2261 = vector.broadcast %get3A_17 : vector<36x1xf32> to vector<36x200xf32>
    %mul3A_2262 = arith.mulf %slice3A_2260, %mul3A_2261 : vector<36x200xf32>
    %mul3A_2263 = vector.broadcast %add3A_2259 : f32 to vector<36x1xf32>
    %mul3A_2264 = arith.mulf %mul3A_2263, %get3A_38 : vector<36x1xf32>
    %add3A_2265 = vector.broadcast %mul3A_2264 : vector<36x1xf32> to vector<36x200xf32>
    %add3A_2266 = arith.addf %add3A_35, %add3A_2265 : vector<36x200xf32>
    %add3A_2267 = arith.addf %mul3A_2262, %add3A_2266 : vector<36x200xf32>
    %exp3A_2268 = math.exp %slice3A_2260 : vector<36x200xf32>
    %mul3A_2269 = vector.broadcast %get3A_17 : vector<36x1xf32> to vector<36x200xf32>
    %mul3A_2270 = arith.mulf %exp3A_2268, %mul3A_2269 : vector<36x200xf32>
    %broadcast_in_dim3A_2271 = vector.shape_cast %gt3A_22 : vector<36x1xi1> to vector<36x1xi1>
    %broadcast_in_dim3A_2272 = vector.broadcast %broadcast_in_dim3A_2271 : vector<36x1xi1> to vector<36x200xi1>
    %select_n3A_2273 = arith.select %broadcast_in_dim3A_2272, %add3A_2267, %mul3A_2270 : vector<36x200xi1>, vector<36x200xf32>
    %slice3A_2274 = vector.extract_strided_slice %add3A_2250 {offsets = [36, 0], sizes = [6, 200], strides = [1, 1]} : vector<42x200xf32> to vector<6x200xf32>
    %logistic3A_2275 = arith.negf %slice3A_2274 : vector<6x200xf32>
    %logistic3A_2276 = math.exp %logistic3A_2275 : vector<6x200xf32>
    %logistic3A_2277 = arith.constant 1.000000e+00 : f32
    %logistic3A_2278 = vector.broadcast %logistic3A_2277 : f32 to vector<6x200xf32>
    %logistic3A_2279 = arith.addf %logistic3A_2278, %logistic3A_2276 : vector<6x200xf32>
    %logistic3A_2280 = arith.divf %logistic3A_2278, %logistic3A_2279 : vector<6x200xf32>
    %mul3A_2281 = vector.broadcast %get3A_41 : vector<6x1xf32> to vector<6x200xf32>
    %mul3A_2282 = arith.mulf %logistic3A_2280, %mul3A_2281 : vector<6x200xf32>
    %mul3A_2283 = arith.mulf %mul3A_2282, %mul3A_2282 : vector<6x200xf32>
    %sub3A_2284 = arith.constant 1.000000e+00 : f32
    %sub3A_2285 = vector.broadcast %sub3A_2284 : f32 to vector<6x200xf32>
    %sub3A_2286 = arith.subf %sub3A_2285, %mul3A_2283 : vector<6x200xf32>
    %sqrt3A_2287 = math.sqrt %sub3A_2286 : vector<6x200xf32>
    %atan23A_2288 = math.atan2 %mul3A_2282, %sqrt3A_2287 : vector<6x200xf32>
    %slice3A_2289 = vector.extract_strided_slice %select_n3A_2273 {offsets = [0, 0], sizes = [6, 200], strides = [1, 1]} : vector<36x200xf32> to vector<6x200xf32>
    %slice3A_2290 = vector.extract_strided_slice %atan23A_2288 {offsets = [0, 0], sizes = [1, 200], strides = [1, 1]} : vector<6x200xf32> to vector<1x200xf32>
    %slice3A_2291 = vector.extract_strided_slice %select_n3A_2273 {offsets = [6, 0], sizes = [6, 200], strides = [1, 1]} : vector<36x200xf32> to vector<6x200xf32>
    %slice3A_2292 = vector.extract_strided_slice %atan23A_2288 {offsets = [1, 0], sizes = [1, 200], strides = [1, 1]} : vector<6x200xf32> to vector<1x200xf32>
    %slice3A_2293 = vector.extract_strided_slice %select_n3A_2273 {offsets = [12, 0], sizes = [6, 200], strides = [1, 1]} : vector<36x200xf32> to vector<6x200xf32>
    %slice3A_2294 = vector.extract_strided_slice %atan23A_2288 {offsets = [2, 0], sizes = [1, 200], strides = [1, 1]} : vector<6x200xf32> to vector<1x200xf32>
    %slice3A_2295 = vector.extract_strided_slice %select_n3A_2273 {offsets = [18, 0], sizes = [6, 200], strides = [1, 1]} : vector<36x200xf32> to vector<6x200xf32>
    %slice3A_2296 = vector.extract_strided_slice %atan23A_2288 {offsets = [3, 0], sizes = [1, 200], strides = [1, 1]} : vector<6x200xf32> to vector<1x200xf32>
    %slice3A_2297 = vector.extract_strided_slice %select_n3A_2273 {offsets = [24, 0], sizes = [6, 200], strides = [1, 1]} : vector<36x200xf32> to vector<6x200xf32>
    %slice3A_2298 = vector.extract_strided_slice %atan23A_2288 {offsets = [4, 0], sizes = [1, 200], strides = [1, 1]} : vector<6x200xf32> to vector<1x200xf32>
    %slice3A_2299 = vector.extract_strided_slice %select_n3A_2273 {offsets = [30, 0], sizes = [6, 200], strides = [1, 1]} : vector<36x200xf32> to vector<6x200xf32>
    %slice3A_2300 = vector.extract_strided_slice %atan23A_2288 {offsets = [5, 0], sizes = [1, 200], strides = [1, 1]} : vector<6x200xf32> to vector<1x200xf32>
    %concatenate3A_2301 = tpu.concatenate %slice3A_2289, %slice3A_2290, %slice3A_2291, %slice3A_2292, %slice3A_2293, %slice3A_2294, %slice3A_2295, %slice3A_2296, %slice3A_2297, %slice3A_2298, %slice3A_2299, %slice3A_2300 in 0 : vector<6x200xf32>, vector<1x200xf32>, vector<6x200xf32>, vector<1x200xf32>, vector<6x200xf32>, vector<1x200xf32>, vector<6x200xf32>, vector<1x200xf32>, vector<6x200xf32>, vector<1x200xf32>, vector<6x200xf32>, vector<1x200xf32> -> vector<42x200xf32>
    %swap3A_2302 = arith.constant 0 : index
    %swap3A_2303 = arith.constant 18 : index
    %swap3A_2304 = arith.constant 0 : index
    %swap3A_2305 = arith.constant 0 : index
    %swap3A_2306 = arith.constant 0 : index
    %swap3A_2307 = vector.load %arg15[%swap3A_2302, %swap3A_2303, %swap3A_2304, %swap3A_2305, %swap3A_2306] : memref<1x36x1x42x200xf32, #tpu.memory_space<vmem>>, vector<1x1x1x42x200xf32>
    %swap3A_2308 = vector.shape_cast %swap3A_2307 : vector<1x1x1x42x200xf32> to vector<42x200xf32>
    %swap3A_2309 = vector.shape_cast %concatenate3A_2301 : vector<42x200xf32> to vector<1x1x1x42x200xf32>
    tpu.vector_store %arg15[%swap3A_2302, %swap3A_2303, %swap3A_2304, %swap3A_2305, %swap3A_2306], %swap3A_2309 {strides = array<i32>} : memref<1x36x1x42x200xf32, #tpu.memory_space<vmem>>, vector<1x1x1x42x200xf32>,
    %get3A_2310 = arith.constant 0 : index
    %get3A_2311 = arith.constant 19 : index
    %get3A_2312 = arith.constant 0 : index
    %get3A_2313 = arith.constant 0 : index
    %get3A_2314 = arith.constant 0 : index
    %get3A_2315 = vector.load %arg3[%get3A_2310, %get3A_2311, %get3A_2312, %get3A_2313, %get3A_2314] : memref<1x36x1x64x200xf32, #tpu.memory_space<vmem>>, vector<1x1x1x64x200xf32>
    %get3A_2316 = vector.shape_cast %get3A_2315 : vector<1x1x1x64x200xf32> to vector<64x200xf32>
    %get3A_2317 = arith.constant 0 : index
    %get3A_2318 = arith.constant 0 : index
    %get3A_2319 = vector.load %arg4[%get3A_2317, %get3A_2318] : memref<64x64xf32, #tpu.memory_space<vmem>>, vector<64x64xf32>
    %dot_general3A_2320 = arith.constant dense<0.000000e+00> : vector<64x200xf32>
    %dot_general3A_2321 = tpu.matmul %get3A_2319, %get3A_2316, %dot_general3A_2320 {dimension_numbers = #tpu.dot_dimension_numbers<[1], [0], [0], [1], [0, 0, 1, 1], [], []>, transpose_lhs_hint = false} : vector<64x64xf32>, vector<64x200xf32>, vector<64x200xf32> -> vector<64x200xf32>
    %get3A_2322 = arith.constant 0 : index
    %get3A_2323 = arith.constant 0 : index
    %get3A_2324 = vector.load %arg5[%get3A_2322, %get3A_2323] : memref<64x1xf32, #tpu.memory_space<vmem>>, vector<64x1xf32>
    %add3A_2325 = vector.broadcast %get3A_2324 : vector<64x1xf32> to vector<64x200xf32>
    %add3A_2326 = arith.addf %dot_general3A_2321, %add3A_2325 : vector<64x200xf32>
    %max3A_2327 = arith.constant 0.000000e+00 : f32
    %max3A_2328 = vector.broadcast %max3A_2327 : f32 to vector<64x200xf32>
    %max3A_2329 = arith.maximumf %add3A_2326, %max3A_2328 : vector<64x200xf32>
    %get3A_2330 = arith.constant 0 : index
    %get3A_2331 = arith.constant 0 : index
    %get3A_2332 = vector.load %arg6[%get3A_2330, %get3A_2331] : memref<24x64xf32, #tpu.memory_space<vmem>>, vector<24x64xf32>
    %dot_general3A_2333 = arith.constant dense<0.000000e+00> : vector<24x200xf32>
    %dot_general3A_2334 = tpu.matmul %get3A_2332, %max3A_2329, %dot_general3A_2333 {dimension_numbers = #tpu.dot_dimension_numbers<[1], [0], [0], [1], [0, 0, 1, 1], [], []>, transpose_lhs_hint = false} : vector<24x64xf32>, vector<64x200xf32>, vector<24x200xf32> -> vector<24x200xf32>
    %get3A_2335 = arith.constant 0 : index
    %get3A_2336 = arith.constant 0 : index
    %get3A_2337 = vector.load %arg7[%get3A_2335, %get3A_2336] : memref<24x1xf32, #tpu.memory_space<vmem>>, vector<24x1xf32>
    %add3A_2338 = vector.broadcast %get3A_2337 : vector<24x1xf32> to vector<24x200xf32>
    %add3A_2339 = arith.addf %dot_general3A_2334, %add3A_2338 : vector<24x200xf32>
    %swap3A_2340 = arith.constant 0 : index
    %swap3A_2341 = arith.constant 19 : index
    %swap3A_2342 = arith.constant 0 : index
    %swap3A_2343 = arith.constant 0 : index
    %swap3A_2344 = arith.constant 0 : index
    %swap3A_2345 = vector.load %arg14[%swap3A_2340, %swap3A_2341, %swap3A_2342, %swap3A_2343, %swap3A_2344] : memref<1x36x1x24x200xf32, #tpu.memory_space<vmem>>, vector<1x1x1x24x200xf32>
    %swap3A_2346 = vector.shape_cast %swap3A_2345 : vector<1x1x1x24x200xf32> to vector<24x200xf32>
    %swap3A_2347 = vector.shape_cast %add3A_2339 : vector<24x200xf32> to vector<1x1x1x24x200xf32>
    tpu.vector_store %arg14[%swap3A_2340, %swap3A_2341, %swap3A_2342, %swap3A_2343, %swap3A_2344], %swap3A_2347 {strides = array<i32>} : memref<1x36x1x24x200xf32, #tpu.memory_space<vmem>>, vector<1x1x1x24x200xf32>,
    %get3A_2348 = arith.constant 0 : index
    %get3A_2349 = arith.constant 0 : index
    %get3A_2350 = vector.load %arg8[%get3A_2348, %get3A_2349] : memref<64x64xf32, #tpu.memory_space<vmem>>, vector<64x64xf32>
    %dot_general3A_2351 = arith.constant dense<0.000000e+00> : vector<64x200xf32>
    %dot_general3A_2352 = tpu.matmul %get3A_2350, %get3A_2316, %dot_general3A_2351 {dimension_numbers = #tpu.dot_dimension_numbers<[1], [0], [0], [1], [0, 0, 1, 1], [], []>, transpose_lhs_hint = false} : vector<64x64xf32>, vector<64x200xf32>, vector<64x200xf32> -> vector<64x200xf32>
    %get3A_2353 = arith.constant 0 : index
    %get3A_2354 = arith.constant 0 : index
    %get3A_2355 = vector.load %arg9[%get3A_2353, %get3A_2354] : memref<64x1xf32, #tpu.memory_space<vmem>>, vector<64x1xf32>
    %add3A_2356 = vector.broadcast %get3A_2355 : vector<64x1xf32> to vector<64x200xf32>
    %add3A_2357 = arith.addf %dot_general3A_2352, %add3A_2356 : vector<64x200xf32>
    %max3A_2358 = arith.constant 0.000000e+00 : f32
    %max3A_2359 = vector.broadcast %max3A_2358 : f32 to vector<64x200xf32>
    %max3A_2360 = arith.maximumf %add3A_2357, %max3A_2359 : vector<64x200xf32>
    %get3A_2361 = arith.constant 0 : index
    %get3A_2362 = arith.constant 0 : index
    %get3A_2363 = vector.load %arg10[%get3A_2361, %get3A_2362] : memref<42x64xf32, #tpu.memory_space<vmem>>, vector<42x64xf32>
    %dot_general3A_2364 = arith.constant dense<0.000000e+00> : vector<42x200xf32>
    %dot_general3A_2365 = tpu.matmul %get3A_2363, %max3A_2360, %dot_general3A_2364 {dimension_numbers = #tpu.dot_dimension_numbers<[1], [0], [0], [1], [0, 0, 1, 1], [], []>, transpose_lhs_hint = false} : vector<42x64xf32>, vector<64x200xf32>, vector<42x200xf32> -> vector<42x200xf32>
    %get3A_2366 = arith.constant 0 : index
    %get3A_2367 = arith.constant 0 : index
    %get3A_2368 = vector.load %arg11[%get3A_2366, %get3A_2367] : memref<42x1xf32, #tpu.memory_space<vmem>>, vector<42x1xf32>
    %add3A_2369 = vector.broadcast %get3A_2368 : vector<42x1xf32> to vector<42x200xf32>
    %add3A_2370 = arith.addf %dot_general3A_2365, %add3A_2369 : vector<42x200xf32>
    %add3A_2371 = arith.constant 19 : i32
    %add3A_2372 = arith.addi %mul3A_0, %add3A_2371 : i32
    %convert_element_type3A_2373 = arith.sitofp %add3A_2372 : i32 to f32
    %mul3A_2374 = arith.constant 4.000000e-01 : f32
    %mul3A_2375 = arith.mulf %mul3A_2374, %convert_element_type3A_2373 : f32
    %add3A_2376 = arith.constant 0.000000e+00 : f32
    %add3A_2377 = arith.addf %add3A_2376, %mul3A_2375 : f32
    %add3A_2378 = arith.constant 2.000000e-01 : f32
    %add3A_2379 = arith.addf %add3A_2377, %add3A_2378 : f32
    %slice3A_2380 = vector.extract_strided_slice %add3A_2370 {offsets = [0, 0], sizes = [36, 200], strides = [1, 1]} : vector<42x200xf32> to vector<36x200xf32>
    %mul3A_2381 = vector.broadcast %get3A_17 : vector<36x1xf32> to vector<36x200xf32>
    %mul3A_2382 = arith.mulf %slice3A_2380, %mul3A_2381 : vector<36x200xf32>
    %mul3A_2383 = vector.broadcast %add3A_2379 : f32 to vector<36x1xf32>
    %mul3A_2384 = arith.mulf %mul3A_2383, %get3A_38 : vector<36x1xf32>
    %add3A_2385 = vector.broadcast %mul3A_2384 : vector<36x1xf32> to vector<36x200xf32>
    %add3A_2386 = arith.addf %add3A_35, %add3A_2385 : vector<36x200xf32>
    %add3A_2387 = arith.addf %mul3A_2382, %add3A_2386 : vector<36x200xf32>
    %exp3A_2388 = math.exp %slice3A_2380 : vector<36x200xf32>
    %mul3A_2389 = vector.broadcast %get3A_17 : vector<36x1xf32> to vector<36x200xf32>
    %mul3A_2390 = arith.mulf %exp3A_2388, %mul3A_2389 : vector<36x200xf32>
    %broadcast_in_dim3A_2391 = vector.shape_cast %gt3A_22 : vector<36x1xi1> to vector<36x1xi1>
    %broadcast_in_dim3A_2392 = vector.broadcast %broadcast_in_dim3A_2391 : vector<36x1xi1> to vector<36x200xi1>
    %select_n3A_2393 = arith.select %broadcast_in_dim3A_2392, %add3A_2387, %mul3A_2390 : vector<36x200xi1>, vector<36x200xf32>
    %slice3A_2394 = vector.extract_strided_slice %add3A_2370 {offsets = [36, 0], sizes = [6, 200], strides = [1, 1]} : vector<42x200xf32> to vector<6x200xf32>
    %logistic3A_2395 = arith.negf %slice3A_2394 : vector<6x200xf32>
    %logistic3A_2396 = math.exp %logistic3A_2395 : vector<6x200xf32>
    %logistic3A_2397 = arith.constant 1.000000e+00 : f32
    %logistic3A_2398 = vector.broadcast %logistic3A_2397 : f32 to vector<6x200xf32>
    %logistic3A_2399 = arith.addf %logistic3A_2398, %logistic3A_2396 : vector<6x200xf32>
    %logistic3A_2400 = arith.divf %logistic3A_2398, %logistic3A_2399 : vector<6x200xf32>
    %mul3A_2401 = vector.broadcast %get3A_41 : vector<6x1xf32> to vector<6x200xf32>
    %mul3A_2402 = arith.mulf %logistic3A_2400, %mul3A_2401 : vector<6x200xf32>
    %mul3A_2403 = arith.mulf %mul3A_2402, %mul3A_2402 : vector<6x200xf32>
    %sub3A_2404 = arith.constant 1.000000e+00 : f32
    %sub3A_2405 = vector.broadcast %sub3A_2404 : f32 to vector<6x200xf32>
    %sub3A_2406 = arith.subf %sub3A_2405, %mul3A_2403 : vector<6x200xf32>
    %sqrt3A_2407 = math.sqrt %sub3A_2406 : vector<6x200xf32>
    %atan23A_2408 = math.atan2 %mul3A_2402, %sqrt3A_2407 : vector<6x200xf32>
    %slice3A_2409 = vector.extract_strided_slice %select_n3A_2393 {offsets = [0, 0], sizes = [6, 200], strides = [1, 1]} : vector<36x200xf32> to vector<6x200xf32>
    %slice3A_2410 = vector.extract_strided_slice %atan23A_2408 {offsets = [0, 0], sizes = [1, 200], strides = [1, 1]} : vector<6x200xf32> to vector<1x200xf32>
    %slice3A_2411 = vector.extract_strided_slice %select_n3A_2393 {offsets = [6, 0], sizes = [6, 200], strides = [1, 1]} : vector<36x200xf32> to vector<6x200xf32>
    %slice3A_2412 = vector.extract_strided_slice %atan23A_2408 {offsets = [1, 0], sizes = [1, 200], strides = [1, 1]} : vector<6x200xf32> to vector<1x200xf32>
    %slice3A_2413 = vector.extract_strided_slice %select_n3A_2393 {offsets = [12, 0], sizes = [6, 200], strides = [1, 1]} : vector<36x200xf32> to vector<6x200xf32>
    %slice3A_2414 = vector.extract_strided_slice %atan23A_2408 {offsets = [2, 0], sizes = [1, 200], strides = [1, 1]} : vector<6x200xf32> to vector<1x200xf32>
    %slice3A_2415 = vector.extract_strided_slice %select_n3A_2393 {offsets = [18, 0], sizes = [6, 200], strides = [1, 1]} : vector<36x200xf32> to vector<6x200xf32>
    %slice3A_2416 = vector.extract_strided_slice %atan23A_2408 {offsets = [3, 0], sizes = [1, 200], strides = [1, 1]} : vector<6x200xf32> to vector<1x200xf32>
    %slice3A_2417 = vector.extract_strided_slice %select_n3A_2393 {offsets = [24, 0], sizes = [6, 200], strides = [1, 1]} : vector<36x200xf32> to vector<6x200xf32>
    %slice3A_2418 = vector.extract_strided_slice %atan23A_2408 {offsets = [4, 0], sizes = [1, 200], strides = [1, 1]} : vector<6x200xf32> to vector<1x200xf32>
    %slice3A_2419 = vector.extract_strided_slice %select_n3A_2393 {offsets = [30, 0], sizes = [6, 200], strides = [1, 1]} : vector<36x200xf32> to vector<6x200xf32>
    %slice3A_2420 = vector.extract_strided_slice %atan23A_2408 {offsets = [5, 0], sizes = [1, 200], strides = [1, 1]} : vector<6x200xf32> to vector<1x200xf32>
    %concatenate3A_2421 = tpu.concatenate %slice3A_2409, %slice3A_2410, %slice3A_2411, %slice3A_2412, %slice3A_2413, %slice3A_2414, %slice3A_2415, %slice3A_2416, %slice3A_2417, %slice3A_2418, %slice3A_2419, %slice3A_2420 in 0 : vector<6x200xf32>, vector<1x200xf32>, vector<6x200xf32>, vector<1x200xf32>, vector<6x200xf32>, vector<1x200xf32>, vector<6x200xf32>, vector<1x200xf32>, vector<6x200xf32>, vector<1x200xf32>, vector<6x200xf32>, vector<1x200xf32> -> vector<42x200xf32>
    %swap3A_2422 = arith.constant 0 : index
    %swap3A_2423 = arith.constant 19 : index
    %swap3A_2424 = arith.constant 0 : index
    %swap3A_2425 = arith.constant 0 : index
    %swap3A_2426 = arith.constant 0 : index
    %swap3A_2427 = vector.load %arg15[%swap3A_2422, %swap3A_2423, %swap3A_2424, %swap3A_2425, %swap3A_2426] : memref<1x36x1x42x200xf32, #tpu.memory_space<vmem>>, vector<1x1x1x42x200xf32>
    %swap3A_2428 = vector.shape_cast %swap3A_2427 : vector<1x1x1x42x200xf32> to vector<42x200xf32>
    %swap3A_2429 = vector.shape_cast %concatenate3A_2421 : vector<42x200xf32> to vector<1x1x1x42x200xf32>
    tpu.vector_store %arg15[%swap3A_2422, %swap3A_2423, %swap3A_2424, %swap3A_2425, %swap3A_2426], %swap3A_2429 {strides = array<i32>} : memref<1x36x1x42x200xf32, #tpu.memory_space<vmem>>, vector<1x1x1x42x200xf32>,
    %get3A_2430 = arith.constant 0 : index
    %get3A_2431 = arith.constant 20 : index
    %get3A_2432 = arith.constant 0 : index
    %get3A_2433 = arith.constant 0 : index
    %get3A_2434 = arith.constant 0 : index
    %get3A_2435 = vector.load %arg3[%get3A_2430, %get3A_2431, %get3A_2432, %get3A_2433, %get3A_2434] : memref<1x36x1x64x200xf32, #tpu.memory_space<vmem>>, vector<1x1x1x64x200xf32>
    %get3A_2436 = vector.shape_cast %get3A_2435 : vector<1x1x1x64x200xf32> to vector<64x200xf32>
    %get3A_2437 = arith.constant 0 : index
    %get3A_2438 = arith.constant 0 : index
    %get3A_2439 = vector.load %arg4[%get3A_2437, %get3A_2438] : memref<64x64xf32, #tpu.memory_space<vmem>>, vector<64x64xf32>
    %dot_general3A_2440 = arith.constant dense<0.000000e+00> : vector<64x200xf32>
    %dot_general3A_2441 = tpu.matmul %get3A_2439, %get3A_2436, %dot_general3A_2440 {dimension_numbers = #tpu.dot_dimension_numbers<[1], [0], [0], [1], [0, 0, 1, 1], [], []>, transpose_lhs_hint = false} : vector<64x64xf32>, vector<64x200xf32>, vector<64x200xf32> -> vector<64x200xf32>
    %get3A_2442 = arith.constant 0 : index
    %get3A_2443 = arith.constant 0 : index
    %get3A_2444 = vector.load %arg5[%get3A_2442, %get3A_2443] : memref<64x1xf32, #tpu.memory_space<vmem>>, vector<64x1xf32>
    %add3A_2445 = vector.broadcast %get3A_2444 : vector<64x1xf32> to vector<64x200xf32>
    %add3A_2446 = arith.addf %dot_general3A_2441, %add3A_2445 : vector<64x200xf32>
    %max3A_2447 = arith.constant 0.000000e+00 : f32
    %max3A_2448 = vector.broadcast %max3A_2447 : f32 to vector<64x200xf32>
    %max3A_2449 = arith.maximumf %add3A_2446, %max3A_2448 : vector<64x200xf32>
    %get3A_2450 = arith.constant 0 : index
    %get3A_2451 = arith.constant 0 : index
    %get3A_2452 = vector.load %arg6[%get3A_2450, %get3A_2451] : memref<24x64xf32, #tpu.memory_space<vmem>>, vector<24x64xf32>
    %dot_general3A_2453 = arith.constant dense<0.000000e+00> : vector<24x200xf32>
    %dot_general3A_2454 = tpu.matmul %get3A_2452, %max3A_2449, %dot_general3A_2453 {dimension_numbers = #tpu.dot_dimension_numbers<[1], [0], [0], [1], [0, 0, 1, 1], [], []>, transpose_lhs_hint = false} : vector<24x64xf32>, vector<64x200xf32>, vector<24x200xf32> -> vector<24x200xf32>
    %get3A_2455 = arith.constant 0 : index
    %get3A_2456 = arith.constant 0 : index
    %get3A_2457 = vector.load %arg7[%get3A_2455, %get3A_2456] : memref<24x1xf32, #tpu.memory_space<vmem>>, vector<24x1xf32>
    %add3A_2458 = vector.broadcast %get3A_2457 : vector<24x1xf32> to vector<24x200xf32>
    %add3A_2459 = arith.addf %dot_general3A_2454, %add3A_2458 : vector<24x200xf32>
    %swap3A_2460 = arith.constant 0 : index
    %swap3A_2461 = arith.constant 20 : index
    %swap3A_2462 = arith.constant 0 : index
    %swap3A_2463 = arith.constant 0 : index
    %swap3A_2464 = arith.constant 0 : index
    %swap3A_2465 = vector.load %arg14[%swap3A_2460, %swap3A_2461, %swap3A_2462, %swap3A_2463, %swap3A_2464] : memref<1x36x1x24x200xf32, #tpu.memory_space<vmem>>, vector<1x1x1x24x200xf32>
    %swap3A_2466 = vector.shape_cast %swap3A_2465 : vector<1x1x1x24x200xf32> to vector<24x200xf32>
    %swap3A_2467 = vector.shape_cast %add3A_2459 : vector<24x200xf32> to vector<1x1x1x24x200xf32>
    tpu.vector_store %arg14[%swap3A_2460, %swap3A_2461, %swap3A_2462, %swap3A_2463, %swap3A_2464], %swap3A_2467 {strides = array<i32>} : memref<1x36x1x24x200xf32, #tpu.memory_space<vmem>>, vector<1x1x1x24x200xf32>,
    %get3A_2468 = arith.constant 0 : index
    %get3A_2469 = arith.constant 0 : index
    %get3A_2470 = vector.load %arg8[%get3A_2468, %get3A_2469] : memref<64x64xf32, #tpu.memory_space<vmem>>, vector<64x64xf32>
    %dot_general3A_2471 = arith.constant dense<0.000000e+00> : vector<64x200xf32>
    %dot_general3A_2472 = tpu.matmul %get3A_2470, %get3A_2436, %dot_general3A_2471 {dimension_numbers = #tpu.dot_dimension_numbers<[1], [0], [0], [1], [0, 0, 1, 1], [], []>, transpose_lhs_hint = false} : vector<64x64xf32>, vector<64x200xf32>, vector<64x200xf32> -> vector<64x200xf32>
    %get3A_2473 = arith.constant 0 : index
    %get3A_2474 = arith.constant 0 : index
    %get3A_2475 = vector.load %arg9[%get3A_2473, %get3A_2474] : memref<64x1xf32, #tpu.memory_space<vmem>>, vector<64x1xf32>
    %add3A_2476 = vector.broadcast %get3A_2475 : vector<64x1xf32> to vector<64x200xf32>
    %add3A_2477 = arith.addf %dot_general3A_2472, %add3A_2476 : vector<64x200xf32>
    %max3A_2478 = arith.constant 0.000000e+00 : f32
    %max3A_2479 = vector.broadcast %max3A_2478 : f32 to vector<64x200xf32>
    %max3A_2480 = arith.maximumf %add3A_2477, %max3A_2479 : vector<64x200xf32>
    %get3A_2481 = arith.constant 0 : index
    %get3A_2482 = arith.constant 0 : index
    %get3A_2483 = vector.load %arg10[%get3A_2481, %get3A_2482] : memref<42x64xf32, #tpu.memory_space<vmem>>, vector<42x64xf32>
    %dot_general3A_2484 = arith.constant dense<0.000000e+00> : vector<42x200xf32>
    %dot_general3A_2485 = tpu.matmul %get3A_2483, %max3A_2480, %dot_general3A_2484 {dimension_numbers = #tpu.dot_dimension_numbers<[1], [0], [0], [1], [0, 0, 1, 1], [], []>, transpose_lhs_hint = false} : vector<42x64xf32>, vector<64x200xf32>, vector<42x200xf32> -> vector<42x200xf32>
    %get3A_2486 = arith.constant 0 : index
    %get3A_2487 = arith.constant 0 : index
    %get3A_2488 = vector.load %arg11[%get3A_2486, %get3A_2487] : memref<42x1xf32, #tpu.memory_space<vmem>>, vector<42x1xf32>
    %add3A_2489 = vector.broadcast %get3A_2488 : vector<42x1xf32> to vector<42x200xf32>
    %add3A_2490 = arith.addf %dot_general3A_2485, %add3A_2489 : vector<42x200xf32>
    %add3A_2491 = arith.constant 20 : i32
    %add3A_2492 = arith.addi %mul3A_0, %add3A_2491 : i32
    %convert_element_type3A_2493 = arith.sitofp %add3A_2492 : i32 to f32
    %mul3A_2494 = arith.constant 4.000000e-01 : f32
    %mul3A_2495 = arith.mulf %mul3A_2494, %convert_element_type3A_2493 : f32
    %add3A_2496 = arith.constant 0.000000e+00 : f32
    %add3A_2497 = arith.addf %add3A_2496, %mul3A_2495 : f32
    %add3A_2498 = arith.constant 2.000000e-01 : f32
    %add3A_2499 = arith.addf %add3A_2497, %add3A_2498 : f32
    %slice3A_2500 = vector.extract_strided_slice %add3A_2490 {offsets = [0, 0], sizes = [36, 200], strides = [1, 1]} : vector<42x200xf32> to vector<36x200xf32>
    %mul3A_2501 = vector.broadcast %get3A_17 : vector<36x1xf32> to vector<36x200xf32>
    %mul3A_2502 = arith.mulf %slice3A_2500, %mul3A_2501 : vector<36x200xf32>
    %mul3A_2503 = vector.broadcast %add3A_2499 : f32 to vector<36x1xf32>
    %mul3A_2504 = arith.mulf %mul3A_2503, %get3A_38 : vector<36x1xf32>
    %add3A_2505 = vector.broadcast %mul3A_2504 : vector<36x1xf32> to vector<36x200xf32>
    %add3A_2506 = arith.addf %add3A_35, %add3A_2505 : vector<36x200xf32>
    %add3A_2507 = arith.addf %mul3A_2502, %add3A_2506 : vector<36x200xf32>
    %exp3A_2508 = math.exp %slice3A_2500 : vector<36x200xf32>
    %mul3A_2509 = vector.broadcast %get3A_17 : vector<36x1xf32> to vector<36x200xf32>
    %mul3A_2510 = arith.mulf %exp3A_2508, %mul3A_2509 : vector<36x200xf32>
    %broadcast_in_dim3A_2511 = vector.shape_cast %gt3A_22 : vector<36x1xi1> to vector<36x1xi1>
    %broadcast_in_dim3A_2512 = vector.broadcast %broadcast_in_dim3A_2511 : vector<36x1xi1> to vector<36x200xi1>
    %select_n3A_2513 = arith.select %broadcast_in_dim3A_2512, %add3A_2507, %mul3A_2510 : vector<36x200xi1>, vector<36x200xf32>
    %slice3A_2514 = vector.extract_strided_slice %add3A_2490 {offsets = [36, 0], sizes = [6, 200], strides = [1, 1]} : vector<42x200xf32> to vector<6x200xf32>
    %logistic3A_2515 = arith.negf %slice3A_2514 : vector<6x200xf32>
    %logistic3A_2516 = math.exp %logistic3A_2515 : vector<6x200xf32>
    %logistic3A_2517 = arith.constant 1.000000e+00 : f32
    %logistic3A_2518 = vector.broadcast %logistic3A_2517 : f32 to vector<6x200xf32>
    %logistic3A_2519 = arith.addf %logistic3A_2518, %logistic3A_2516 : vector<6x200xf32>
    %logistic3A_2520 = arith.divf %logistic3A_2518, %logistic3A_2519 : vector<6x200xf32>
    %mul3A_2521 = vector.broadcast %get3A_41 : vector<6x1xf32> to vector<6x200xf32>
    %mul3A_2522 = arith.mulf %logistic3A_2520, %mul3A_2521 : vector<6x200xf32>
    %mul3A_2523 = arith.mulf %mul3A_2522, %mul3A_2522 : vector<6x200xf32>
    %sub3A_2524 = arith.constant 1.000000e+00 : f32
    %sub3A_2525 = vector.broadcast %sub3A_2524 : f32 to vector<6x200xf32>
    %sub3A_2526 = arith.subf %sub3A_2525, %mul3A_2523 : vector<6x200xf32>
    %sqrt3A_2527 = math.sqrt %sub3A_2526 : vector<6x200xf32>
    %atan23A_2528 = math.atan2 %mul3A_2522, %sqrt3A_2527 : vector<6x200xf32>
    %slice3A_2529 = vector.extract_strided_slice %select_n3A_2513 {offsets = [0, 0], sizes = [6, 200], strides = [1, 1]} : vector<36x200xf32> to vector<6x200xf32>
    %slice3A_2530 = vector.extract_strided_slice %atan23A_2528 {offsets = [0, 0], sizes = [1, 200], strides = [1, 1]} : vector<6x200xf32> to vector<1x200xf32>
    %slice3A_2531 = vector.extract_strided_slice %select_n3A_2513 {offsets = [6, 0], sizes = [6, 200], strides = [1, 1]} : vector<36x200xf32> to vector<6x200xf32>
    %slice3A_2532 = vector.extract_strided_slice %atan23A_2528 {offsets = [1, 0], sizes = [1, 200], strides = [1, 1]} : vector<6x200xf32> to vector<1x200xf32>
    %slice3A_2533 = vector.extract_strided_slice %select_n3A_2513 {offsets = [12, 0], sizes = [6, 200], strides = [1, 1]} : vector<36x200xf32> to vector<6x200xf32>
    %slice3A_2534 = vector.extract_strided_slice %atan23A_2528 {offsets = [2, 0], sizes = [1, 200], strides = [1, 1]} : vector<6x200xf32> to vector<1x200xf32>
    %slice3A_2535 = vector.extract_strided_slice %select_n3A_2513 {offsets = [18, 0], sizes = [6, 200], strides = [1, 1]} : vector<36x200xf32> to vector<6x200xf32>
    %slice3A_2536 = vector.extract_strided_slice %atan23A_2528 {offsets = [3, 0], sizes = [1, 200], strides = [1, 1]} : vector<6x200xf32> to vector<1x200xf32>
    %slice3A_2537 = vector.extract_strided_slice %select_n3A_2513 {offsets = [24, 0], sizes = [6, 200], strides = [1, 1]} : vector<36x200xf32> to vector<6x200xf32>
    %slice3A_2538 = vector.extract_strided_slice %atan23A_2528 {offsets = [4, 0], sizes = [1, 200], strides = [1, 1]} : vector<6x200xf32> to vector<1x200xf32>
    %slice3A_2539 = vector.extract_strided_slice %select_n3A_2513 {offsets = [30, 0], sizes = [6, 200], strides = [1, 1]} : vector<36x200xf32> to vector<6x200xf32>
    %slice3A_2540 = vector.extract_strided_slice %atan23A_2528 {offsets = [5, 0], sizes = [1, 200], strides = [1, 1]} : vector<6x200xf32> to vector<1x200xf32>
    %concatenate3A_2541 = tpu.concatenate %slice3A_2529, %slice3A_2530, %slice3A_2531, %slice3A_2532, %slice3A_2533, %slice3A_2534, %slice3A_2535, %slice3A_2536, %slice3A_2537, %slice3A_2538, %slice3A_2539, %slice3A_2540 in 0 : vector<6x200xf32>, vector<1x200xf32>, vector<6x200xf32>, vector<1x200xf32>, vector<6x200xf32>, vector<1x200xf32>, vector<6x200xf32>, vector<1x200xf32>, vector<6x200xf32>, vector<1x200xf32>, vector<6x200xf32>, vector<1x200xf32> -> vector<42x200xf32>
    %swap3A_2542 = arith.constant 0 : index
    %swap3A_2543 = arith.constant 20 : index
    %swap3A_2544 = arith.constant 0 : index
    %swap3A_2545 = arith.constant 0 : index
    %swap3A_2546 = arith.constant 0 : index
    %swap3A_2547 = vector.load %arg15[%swap3A_2542, %swap3A_2543, %swap3A_2544, %swap3A_2545, %swap3A_2546] : memref<1x36x1x42x200xf32, #tpu.memory_space<vmem>>, vector<1x1x1x42x200xf32>
    %swap3A_2548 = vector.shape_cast %swap3A_2547 : vector<1x1x1x42x200xf32> to vector<42x200xf32>
    %swap3A_2549 = vector.shape_cast %concatenate3A_2541 : vector<42x200xf32> to vector<1x1x1x42x200xf32>
    tpu.vector_store %arg15[%swap3A_2542, %swap3A_2543, %swap3A_2544, %swap3A_2545, %swap3A_2546], %swap3A_2549 {strides = array<i32>} : memref<1x36x1x42x200xf32, #tpu.memory_space<vmem>>, vector<1x1x1x42x200xf32>,
    %get3A_2550 = arith.constant 0 : index
    %get3A_2551 = arith.constant 21 : index
    %get3A_2552 = arith.constant 0 : index
    %get3A_2553 = arith.constant 0 : index
    %get3A_2554 = arith.constant 0 : index
    %get3A_2555 = vector.load %arg3[%get3A_2550, %get3A_2551, %get3A_2552, %get3A_2553, %get3A_2554] : memref<1x36x1x64x200xf32, #tpu.memory_space<vmem>>, vector<1x1x1x64x200xf32>
    %get3A_2556 = vector.shape_cast %get3A_2555 : vector<1x1x1x64x200xf32> to vector<64x200xf32>
    %get3A_2557 = arith.constant 0 : index
    %get3A_2558 = arith.constant 0 : index
    %get3A_2559 = vector.load %arg4[%get3A_2557, %get3A_2558] : memref<64x64xf32, #tpu.memory_space<vmem>>, vector<64x64xf32>
    %dot_general3A_2560 = arith.constant dense<0.000000e+00> : vector<64x200xf32>
    %dot_general3A_2561 = tpu.matmul %get3A_2559, %get3A_2556, %dot_general3A_2560 {dimension_numbers = #tpu.dot_dimension_numbers<[1], [0], [0], [1], [0, 0, 1, 1], [], []>, transpose_lhs_hint = false} : vector<64x64xf32>, vector<64x200xf32>, vector<64x200xf32> -> vector<64x200xf32>
    %get3A_2562 = arith.constant 0 : index
    %get3A_2563 = arith.constant 0 : index
    %get3A_2564 = vector.load %arg5[%get3A_2562, %get3A_2563] : memref<64x1xf32, #tpu.memory_space<vmem>>, vector<64x1xf32>
    %add3A_2565 = vector.broadcast %get3A_2564 : vector<64x1xf32> to vector<64x200xf32>
    %add3A_2566 = arith.addf %dot_general3A_2561, %add3A_2565 : vector<64x200xf32>
    %max3A_2567 = arith.constant 0.000000e+00 : f32
    %max3A_2568 = vector.broadcast %max3A_2567 : f32 to vector<64x200xf32>
    %max3A_2569 = arith.maximumf %add3A_2566, %max3A_2568 : vector<64x200xf32>
    %get3A_2570 = arith.constant 0 : index
    %get3A_2571 = arith.constant 0 : index
    %get3A_2572 = vector.load %arg6[%get3A_2570, %get3A_2571] : memref<24x64xf32, #tpu.memory_space<vmem>>, vector<24x64xf32>
    %dot_general3A_2573 = arith.constant dense<0.000000e+00> : vector<24x200xf32>
    %dot_general3A_2574 = tpu.matmul %get3A_2572, %max3A_2569, %dot_general3A_2573 {dimension_numbers = #tpu.dot_dimension_numbers<[1], [0], [0], [1], [0, 0, 1, 1], [], []>, transpose_lhs_hint = false} : vector<24x64xf32>, vector<64x200xf32>, vector<24x200xf32> -> vector<24x200xf32>
    %get3A_2575 = arith.constant 0 : index
    %get3A_2576 = arith.constant 0 : index
    %get3A_2577 = vector.load %arg7[%get3A_2575, %get3A_2576] : memref<24x1xf32, #tpu.memory_space<vmem>>, vector<24x1xf32>
    %add3A_2578 = vector.broadcast %get3A_2577 : vector<24x1xf32> to vector<24x200xf32>
    %add3A_2579 = arith.addf %dot_general3A_2574, %add3A_2578 : vector<24x200xf32>
    %swap3A_2580 = arith.constant 0 : index
    %swap3A_2581 = arith.constant 21 : index
    %swap3A_2582 = arith.constant 0 : index
    %swap3A_2583 = arith.constant 0 : index
    %swap3A_2584 = arith.constant 0 : index
    %swap3A_2585 = vector.load %arg14[%swap3A_2580, %swap3A_2581, %swap3A_2582, %swap3A_2583, %swap3A_2584] : memref<1x36x1x24x200xf32, #tpu.memory_space<vmem>>, vector<1x1x1x24x200xf32>
    %swap3A_2586 = vector.shape_cast %swap3A_2585 : vector<1x1x1x24x200xf32> to vector<24x200xf32>
    %swap3A_2587 = vector.shape_cast %add3A_2579 : vector<24x200xf32> to vector<1x1x1x24x200xf32>
    tpu.vector_store %arg14[%swap3A_2580, %swap3A_2581, %swap3A_2582, %swap3A_2583, %swap3A_2584], %swap3A_2587 {strides = array<i32>} : memref<1x36x1x24x200xf32, #tpu.memory_space<vmem>>, vector<1x1x1x24x200xf32>,
    %get3A_2588 = arith.constant 0 : index
    %get3A_2589 = arith.constant 0 : index
    %get3A_2590 = vector.load %arg8[%get3A_2588, %get3A_2589] : memref<64x64xf32, #tpu.memory_space<vmem>>, vector<64x64xf32>
    %dot_general3A_2591 = arith.constant dense<0.000000e+00> : vector<64x200xf32>
    %dot_general3A_2592 = tpu.matmul %get3A_2590, %get3A_2556, %dot_general3A_2591 {dimension_numbers = #tpu.dot_dimension_numbers<[1], [0], [0], [1], [0, 0, 1, 1], [], []>, transpose_lhs_hint = false} : vector<64x64xf32>, vector<64x200xf32>, vector<64x200xf32> -> vector<64x200xf32>
    %get3A_2593 = arith.constant 0 : index
    %get3A_2594 = arith.constant 0 : index
    %get3A_2595 = vector.load %arg9[%get3A_2593, %get3A_2594] : memref<64x1xf32, #tpu.memory_space<vmem>>, vector<64x1xf32>
    %add3A_2596 = vector.broadcast %get3A_2595 : vector<64x1xf32> to vector<64x200xf32>
    %add3A_2597 = arith.addf %dot_general3A_2592, %add3A_2596 : vector<64x200xf32>
    %max3A_2598 = arith.constant 0.000000e+00 : f32
    %max3A_2599 = vector.broadcast %max3A_2598 : f32 to vector<64x200xf32>
    %max3A_2600 = arith.maximumf %add3A_2597, %max3A_2599 : vector<64x200xf32>
    %get3A_2601 = arith.constant 0 : index
    %get3A_2602 = arith.constant 0 : index
    %get3A_2603 = vector.load %arg10[%get3A_2601, %get3A_2602] : memref<42x64xf32, #tpu.memory_space<vmem>>, vector<42x64xf32>
    %dot_general3A_2604 = arith.constant dense<0.000000e+00> : vector<42x200xf32>
    %dot_general3A_2605 = tpu.matmul %get3A_2603, %max3A_2600, %dot_general3A_2604 {dimension_numbers = #tpu.dot_dimension_numbers<[1], [0], [0], [1], [0, 0, 1, 1], [], []>, transpose_lhs_hint = false} : vector<42x64xf32>, vector<64x200xf32>, vector<42x200xf32> -> vector<42x200xf32>
    %get3A_2606 = arith.constant 0 : index
    %get3A_2607 = arith.constant 0 : index
    %get3A_2608 = vector.load %arg11[%get3A_2606, %get3A_2607] : memref<42x1xf32, #tpu.memory_space<vmem>>, vector<42x1xf32>
    %add3A_2609 = vector.broadcast %get3A_2608 : vector<42x1xf32> to vector<42x200xf32>
    %add3A_2610 = arith.addf %dot_general3A_2605, %add3A_2609 : vector<42x200xf32>
    %add3A_2611 = arith.constant 21 : i32
    %add3A_2612 = arith.addi %mul3A_0, %add3A_2611 : i32
    %convert_element_type3A_2613 = arith.sitofp %add3A_2612 : i32 to f32
    %mul3A_2614 = arith.constant 4.000000e-01 : f32
    %mul3A_2615 = arith.mulf %mul3A_2614, %convert_element_type3A_2613 : f32
    %add3A_2616 = arith.constant 0.000000e+00 : f32
    %add3A_2617 = arith.addf %add3A_2616, %mul3A_2615 : f32
    %add3A_2618 = arith.constant 2.000000e-01 : f32
    %add3A_2619 = arith.addf %add3A_2617, %add3A_2618 : f32
    %slice3A_2620 = vector.extract_strided_slice %add3A_2610 {offsets = [0, 0], sizes = [36, 200], strides = [1, 1]} : vector<42x200xf32> to vector<36x200xf32>
    %mul3A_2621 = vector.broadcast %get3A_17 : vector<36x1xf32> to vector<36x200xf32>
    %mul3A_2622 = arith.mulf %slice3A_2620, %mul3A_2621 : vector<36x200xf32>
    %mul3A_2623 = vector.broadcast %add3A_2619 : f32 to vector<36x1xf32>
    %mul3A_2624 = arith.mulf %mul3A_2623, %get3A_38 : vector<36x1xf32>
    %add3A_2625 = vector.broadcast %mul3A_2624 : vector<36x1xf32> to vector<36x200xf32>
    %add3A_2626 = arith.addf %add3A_35, %add3A_2625 : vector<36x200xf32>
    %add3A_2627 = arith.addf %mul3A_2622, %add3A_2626 : vector<36x200xf32>
    %exp3A_2628 = math.exp %slice3A_2620 : vector<36x200xf32>
    %mul3A_2629 = vector.broadcast %get3A_17 : vector<36x1xf32> to vector<36x200xf32>
    %mul3A_2630 = arith.mulf %exp3A_2628, %mul3A_2629 : vector<36x200xf32>
    %broadcast_in_dim3A_2631 = vector.shape_cast %gt3A_22 : vector<36x1xi1> to vector<36x1xi1>
    %broadcast_in_dim3A_2632 = vector.broadcast %broadcast_in_dim3A_2631 : vector<36x1xi1> to vector<36x200xi1>
    %select_n3A_2633 = arith.select %broadcast_in_dim3A_2632, %add3A_2627, %mul3A_2630 : vector<36x200xi1>, vector<36x200xf32>
    %slice3A_2634 = vector.extract_strided_slice %add3A_2610 {offsets = [36, 0], sizes = [6, 200], strides = [1, 1]} : vector<42x200xf32> to vector<6x200xf32>
    %logistic3A_2635 = arith.negf %slice3A_2634 : vector<6x200xf32>
    %logistic3A_2636 = math.exp %logistic3A_2635 : vector<6x200xf32>
    %logistic3A_2637 = arith.constant 1.000000e+00 : f32
    %logistic3A_2638 = vector.broadcast %logistic3A_2637 : f32 to vector<6x200xf32>
    %logistic3A_2639 = arith.addf %logistic3A_2638, %logistic3A_2636 : vector<6x200xf32>
    %logistic3A_2640 = arith.divf %logistic3A_2638, %logistic3A_2639 : vector<6x200xf32>
    %mul3A_2641 = vector.broadcast %get3A_41 : vector<6x1xf32> to vector<6x200xf32>
    %mul3A_2642 = arith.mulf %logistic3A_2640, %mul3A_2641 : vector<6x200xf32>
    %mul3A_2643 = arith.mulf %mul3A_2642, %mul3A_2642 : vector<6x200xf32>
    %sub3A_2644 = arith.constant 1.000000e+00 : f32
    %sub3A_2645 = vector.broadcast %sub3A_2644 : f32 to vector<6x200xf32>
    %sub3A_2646 = arith.subf %sub3A_2645, %mul3A_2643 : vector<6x200xf32>
    %sqrt3A_2647 = math.sqrt %sub3A_2646 : vector<6x200xf32>
    %atan23A_2648 = math.atan2 %mul3A_2642, %sqrt3A_2647 : vector<6x200xf32>
    %slice3A_2649 = vector.extract_strided_slice %select_n3A_2633 {offsets = [0, 0], sizes = [6, 200], strides = [1, 1]} : vector<36x200xf32> to vector<6x200xf32>
    %slice3A_2650 = vector.extract_strided_slice %atan23A_2648 {offsets = [0, 0], sizes = [1, 200], strides = [1, 1]} : vector<6x200xf32> to vector<1x200xf32>
    %slice3A_2651 = vector.extract_strided_slice %select_n3A_2633 {offsets = [6, 0], sizes = [6, 200], strides = [1, 1]} : vector<36x200xf32> to vector<6x200xf32>
    %slice3A_2652 = vector.extract_strided_slice %atan23A_2648 {offsets = [1, 0], sizes = [1, 200], strides = [1, 1]} : vector<6x200xf32> to vector<1x200xf32>
    %slice3A_2653 = vector.extract_strided_slice %select_n3A_2633 {offsets = [12, 0], sizes = [6, 200], strides = [1, 1]} : vector<36x200xf32> to vector<6x200xf32>
    %slice3A_2654 = vector.extract_strided_slice %atan23A_2648 {offsets = [2, 0], sizes = [1, 200], strides = [1, 1]} : vector<6x200xf32> to vector<1x200xf32>
    %slice3A_2655 = vector.extract_strided_slice %select_n3A_2633 {offsets = [18, 0], sizes = [6, 200], strides = [1, 1]} : vector<36x200xf32> to vector<6x200xf32>
    %slice3A_2656 = vector.extract_strided_slice %atan23A_2648 {offsets = [3, 0], sizes = [1, 200], strides = [1, 1]} : vector<6x200xf32> to vector<1x200xf32>
    %slice3A_2657 = vector.extract_strided_slice %select_n3A_2633 {offsets = [24, 0], sizes = [6, 200], strides = [1, 1]} : vector<36x200xf32> to vector<6x200xf32>
    %slice3A_2658 = vector.extract_strided_slice %atan23A_2648 {offsets = [4, 0], sizes = [1, 200], strides = [1, 1]} : vector<6x200xf32> to vector<1x200xf32>
    %slice3A_2659 = vector.extract_strided_slice %select_n3A_2633 {offsets = [30, 0], sizes = [6, 200], strides = [1, 1]} : vector<36x200xf32> to vector<6x200xf32>
    %slice3A_2660 = vector.extract_strided_slice %atan23A_2648 {offsets = [5, 0], sizes = [1, 200], strides = [1, 1]} : vector<6x200xf32> to vector<1x200xf32>
    %concatenate3A_2661 = tpu.concatenate %slice3A_2649, %slice3A_2650, %slice3A_2651, %slice3A_2652, %slice3A_2653, %slice3A_2654, %slice3A_2655, %slice3A_2656, %slice3A_2657, %slice3A_2658, %slice3A_2659, %slice3A_2660 in 0 : vector<6x200xf32>, vector<1x200xf32>, vector<6x200xf32>, vector<1x200xf32>, vector<6x200xf32>, vector<1x200xf32>, vector<6x200xf32>, vector<1x200xf32>, vector<6x200xf32>, vector<1x200xf32>, vector<6x200xf32>, vector<1x200xf32> -> vector<42x200xf32>
    %swap3A_2662 = arith.constant 0 : index
    %swap3A_2663 = arith.constant 21 : index
    %swap3A_2664 = arith.constant 0 : index
    %swap3A_2665 = arith.constant 0 : index
    %swap3A_2666 = arith.constant 0 : index
    %swap3A_2667 = vector.load %arg15[%swap3A_2662, %swap3A_2663, %swap3A_2664, %swap3A_2665, %swap3A_2666] : memref<1x36x1x42x200xf32, #tpu.memory_space<vmem>>, vector<1x1x1x42x200xf32>
    %swap3A_2668 = vector.shape_cast %swap3A_2667 : vector<1x1x1x42x200xf32> to vector<42x200xf32>
    %swap3A_2669 = vector.shape_cast %concatenate3A_2661 : vector<42x200xf32> to vector<1x1x1x42x200xf32>
    tpu.vector_store %arg15[%swap3A_2662, %swap3A_2663, %swap3A_2664, %swap3A_2665, %swap3A_2666], %swap3A_2669 {strides = array<i32>} : memref<1x36x1x42x200xf32, #tpu.memory_space<vmem>>, vector<1x1x1x42x200xf32>,
    %get3A_2670 = arith.constant 0 : index
    %get3A_2671 = arith.constant 22 : index
    %get3A_2672 = arith.constant 0 : index
    %get3A_2673 = arith.constant 0 : index
    %get3A_2674 = arith.constant 0 : index
    %get3A_2675 = vector.load %arg3[%get3A_2670, %get3A_2671, %get3A_2672, %get3A_2673, %get3A_2674] : memref<1x36x1x64x200xf32, #tpu.memory_space<vmem>>, vector<1x1x1x64x200xf32>
    %get3A_2676 = vector.shape_cast %get3A_2675 : vector<1x1x1x64x200xf32> to vector<64x200xf32>
    %get3A_2677 = arith.constant 0 : index
    %get3A_2678 = arith.constant 0 : index
    %get3A_2679 = vector.load %arg4[%get3A_2677, %get3A_2678] : memref<64x64xf32, #tpu.memory_space<vmem>>, vector<64x64xf32>
    %dot_general3A_2680 = arith.constant dense<0.000000e+00> : vector<64x200xf32>
    %dot_general3A_2681 = tpu.matmul %get3A_2679, %get3A_2676, %dot_general3A_2680 {dimension_numbers = #tpu.dot_dimension_numbers<[1], [0], [0], [1], [0, 0, 1, 1], [], []>, transpose_lhs_hint = false} : vector<64x64xf32>, vector<64x200xf32>, vector<64x200xf32> -> vector<64x200xf32>
    %get3A_2682 = arith.constant 0 : index
    %get3A_2683 = arith.constant 0 : index
    %get3A_2684 = vector.load %arg5[%get3A_2682, %get3A_2683] : memref<64x1xf32, #tpu.memory_space<vmem>>, vector<64x1xf32>
    %add3A_2685 = vector.broadcast %get3A_2684 : vector<64x1xf32> to vector<64x200xf32>
    %add3A_2686 = arith.addf %dot_general3A_2681, %add3A_2685 : vector<64x200xf32>
    %max3A_2687 = arith.constant 0.000000e+00 : f32
    %max3A_2688 = vector.broadcast %max3A_2687 : f32 to vector<64x200xf32>
    %max3A_2689 = arith.maximumf %add3A_2686, %max3A_2688 : vector<64x200xf32>
    %get3A_2690 = arith.constant 0 : index
    %get3A_2691 = arith.constant 0 : index
    %get3A_2692 = vector.load %arg6[%get3A_2690, %get3A_2691] : memref<24x64xf32, #tpu.memory_space<vmem>>, vector<24x64xf32>
    %dot_general3A_2693 = arith.constant dense<0.000000e+00> : vector<24x200xf32>
    %dot_general3A_2694 = tpu.matmul %get3A_2692, %max3A_2689, %dot_general3A_2693 {dimension_numbers = #tpu.dot_dimension_numbers<[1], [0], [0], [1], [0, 0, 1, 1], [], []>, transpose_lhs_hint = false} : vector<24x64xf32>, vector<64x200xf32>, vector<24x200xf32> -> vector<24x200xf32>
    %get3A_2695 = arith.constant 0 : index
    %get3A_2696 = arith.constant 0 : index
    %get3A_2697 = vector.load %arg7[%get3A_2695, %get3A_2696] : memref<24x1xf32, #tpu.memory_space<vmem>>, vector<24x1xf32>
    %add3A_2698 = vector.broadcast %get3A_2697 : vector<24x1xf32> to vector<24x200xf32>
    %add3A_2699 = arith.addf %dot_general3A_2694, %add3A_2698 : vector<24x200xf32>
    %swap3A_2700 = arith.constant 0 : index
    %swap3A_2701 = arith.constant 22 : index
    %swap3A_2702 = arith.constant 0 : index
    %swap3A_2703 = arith.constant 0 : index
    %swap3A_2704 = arith.constant 0 : index
    %swap3A_2705 = vector.load %arg14[%swap3A_2700, %swap3A_2701, %swap3A_2702, %swap3A_2703, %swap3A_2704] : memref<1x36x1x24x200xf32, #tpu.memory_space<vmem>>, vector<1x1x1x24x200xf32>
    %swap3A_2706 = vector.shape_cast %swap3A_2705 : vector<1x1x1x24x200xf32> to vector<24x200xf32>
    %swap3A_2707 = vector.shape_cast %add3A_2699 : vector<24x200xf32> to vector<1x1x1x24x200xf32>
    tpu.vector_store %arg14[%swap3A_2700, %swap3A_2701, %swap3A_2702, %swap3A_2703, %swap3A_2704], %swap3A_2707 {strides = array<i32>} : memref<1x36x1x24x200xf32, #tpu.memory_space<vmem>>, vector<1x1x1x24x200xf32>,
    %get3A_2708 = arith.constant 0 : index
    %get3A_2709 = arith.constant 0 : index
    %get3A_2710 = vector.load %arg8[%get3A_2708, %get3A_2709] : memref<64x64xf32, #tpu.memory_space<vmem>>, vector<64x64xf32>
    %dot_general3A_2711 = arith.constant dense<0.000000e+00> : vector<64x200xf32>
    %dot_general3A_2712 = tpu.matmul %get3A_2710, %get3A_2676, %dot_general3A_2711 {dimension_numbers = #tpu.dot_dimension_numbers<[1], [0], [0], [1], [0, 0, 1, 1], [], []>, transpose_lhs_hint = false} : vector<64x64xf32>, vector<64x200xf32>, vector<64x200xf32> -> vector<64x200xf32>
    %get3A_2713 = arith.constant 0 : index
    %get3A_2714 = arith.constant 0 : index
    %get3A_2715 = vector.load %arg9[%get3A_2713, %get3A_2714] : memref<64x1xf32, #tpu.memory_space<vmem>>, vector<64x1xf32>
    %add3A_2716 = vector.broadcast %get3A_2715 : vector<64x1xf32> to vector<64x200xf32>
    %add3A_2717 = arith.addf %dot_general3A_2712, %add3A_2716 : vector<64x200xf32>
    %max3A_2718 = arith.constant 0.000000e+00 : f32
    %max3A_2719 = vector.broadcast %max3A_2718 : f32 to vector<64x200xf32>
    %max3A_2720 = arith.maximumf %add3A_2717, %max3A_2719 : vector<64x200xf32>
    %get3A_2721 = arith.constant 0 : index
    %get3A_2722 = arith.constant 0 : index
    %get3A_2723 = vector.load %arg10[%get3A_2721, %get3A_2722] : memref<42x64xf32, #tpu.memory_space<vmem>>, vector<42x64xf32>
    %dot_general3A_2724 = arith.constant dense<0.000000e+00> : vector<42x200xf32>
    %dot_general3A_2725 = tpu.matmul %get3A_2723, %max3A_2720, %dot_general3A_2724 {dimension_numbers = #tpu.dot_dimension_numbers<[1], [0], [0], [1], [0, 0, 1, 1], [], []>, transpose_lhs_hint = false} : vector<42x64xf32>, vector<64x200xf32>, vector<42x200xf32> -> vector<42x200xf32>
    %get3A_2726 = arith.constant 0 : index
    %get3A_2727 = arith.constant 0 : index
    %get3A_2728 = vector.load %arg11[%get3A_2726, %get3A_2727] : memref<42x1xf32, #tpu.memory_space<vmem>>, vector<42x1xf32>
    %add3A_2729 = vector.broadcast %get3A_2728 : vector<42x1xf32> to vector<42x200xf32>
    %add3A_2730 = arith.addf %dot_general3A_2725, %add3A_2729 : vector<42x200xf32>
    %add3A_2731 = arith.constant 22 : i32
    %add3A_2732 = arith.addi %mul3A_0, %add3A_2731 : i32
    %convert_element_type3A_2733 = arith.sitofp %add3A_2732 : i32 to f32
    %mul3A_2734 = arith.constant 4.000000e-01 : f32
    %mul3A_2735 = arith.mulf %mul3A_2734, %convert_element_type3A_2733 : f32
    %add3A_2736 = arith.constant 0.000000e+00 : f32
    %add3A_2737 = arith.addf %add3A_2736, %mul3A_2735 : f32
    %add3A_2738 = arith.constant 2.000000e-01 : f32
    %add3A_2739 = arith.addf %add3A_2737, %add3A_2738 : f32
    %slice3A_2740 = vector.extract_strided_slice %add3A_2730 {offsets = [0, 0], sizes = [36, 200], strides = [1, 1]} : vector<42x200xf32> to vector<36x200xf32>
    %mul3A_2741 = vector.broadcast %get3A_17 : vector<36x1xf32> to vector<36x200xf32>
    %mul3A_2742 = arith.mulf %slice3A_2740, %mul3A_2741 : vector<36x200xf32>
    %mul3A_2743 = vector.broadcast %add3A_2739 : f32 to vector<36x1xf32>
    %mul3A_2744 = arith.mulf %mul3A_2743, %get3A_38 : vector<36x1xf32>
    %add3A_2745 = vector.broadcast %mul3A_2744 : vector<36x1xf32> to vector<36x200xf32>
    %add3A_2746 = arith.addf %add3A_35, %add3A_2745 : vector<36x200xf32>
    %add3A_2747 = arith.addf %mul3A_2742, %add3A_2746 : vector<36x200xf32>
    %exp3A_2748 = math.exp %slice3A_2740 : vector<36x200xf32>
    %mul3A_2749 = vector.broadcast %get3A_17 : vector<36x1xf32> to vector<36x200xf32>
    %mul3A_2750 = arith.mulf %exp3A_2748, %mul3A_2749 : vector<36x200xf32>
    %broadcast_in_dim3A_2751 = vector.shape_cast %gt3A_22 : vector<36x1xi1> to vector<36x1xi1>
    %broadcast_in_dim3A_2752 = vector.broadcast %broadcast_in_dim3A_2751 : vector<36x1xi1> to vector<36x200xi1>
    %select_n3A_2753 = arith.select %broadcast_in_dim3A_2752, %add3A_2747, %mul3A_2750 : vector<36x200xi1>, vector<36x200xf32>
    %slice3A_2754 = vector.extract_strided_slice %add3A_2730 {offsets = [36, 0], sizes = [6, 200], strides = [1, 1]} : vector<42x200xf32> to vector<6x200xf32>
    %logistic3A_2755 = arith.negf %slice3A_2754 : vector<6x200xf32>
    %logistic3A_2756 = math.exp %logistic3A_2755 : vector<6x200xf32>
    %logistic3A_2757 = arith.constant 1.000000e+00 : f32
    %logistic3A_2758 = vector.broadcast %logistic3A_2757 : f32 to vector<6x200xf32>
    %logistic3A_2759 = arith.addf %logistic3A_2758, %logistic3A_2756 : vector<6x200xf32>
    %logistic3A_2760 = arith.divf %logistic3A_2758, %logistic3A_2759 : vector<6x200xf32>
    %mul3A_2761 = vector.broadcast %get3A_41 : vector<6x1xf32> to vector<6x200xf32>
    %mul3A_2762 = arith.mulf %logistic3A_2760, %mul3A_2761 : vector<6x200xf32>
    %mul3A_2763 = arith.mulf %mul3A_2762, %mul3A_2762 : vector<6x200xf32>
    %sub3A_2764 = arith.constant 1.000000e+00 : f32
    %sub3A_2765 = vector.broadcast %sub3A_2764 : f32 to vector<6x200xf32>
    %sub3A_2766 = arith.subf %sub3A_2765, %mul3A_2763 : vector<6x200xf32>
    %sqrt3A_2767 = math.sqrt %sub3A_2766 : vector<6x200xf32>
    %atan23A_2768 = math.atan2 %mul3A_2762, %sqrt3A_2767 : vector<6x200xf32>
    %slice3A_2769 = vector.extract_strided_slice %select_n3A_2753 {offsets = [0, 0], sizes = [6, 200], strides = [1, 1]} : vector<36x200xf32> to vector<6x200xf32>
    %slice3A_2770 = vector.extract_strided_slice %atan23A_2768 {offsets = [0, 0], sizes = [1, 200], strides = [1, 1]} : vector<6x200xf32> to vector<1x200xf32>
    %slice3A_2771 = vector.extract_strided_slice %select_n3A_2753 {offsets = [6, 0], sizes = [6, 200], strides = [1, 1]} : vector<36x200xf32> to vector<6x200xf32>
    %slice3A_2772 = vector.extract_strided_slice %atan23A_2768 {offsets = [1, 0], sizes = [1, 200], strides = [1, 1]} : vector<6x200xf32> to vector<1x200xf32>
    %slice3A_2773 = vector.extract_strided_slice %select_n3A_2753 {offsets = [12, 0], sizes = [6, 200], strides = [1, 1]} : vector<36x200xf32> to vector<6x200xf32>
    %slice3A_2774 = vector.extract_strided_slice %atan23A_2768 {offsets = [2, 0], sizes = [1, 200], strides = [1, 1]} : vector<6x200xf32> to vector<1x200xf32>
    %slice3A_2775 = vector.extract_strided_slice %select_n3A_2753 {offsets = [18, 0], sizes = [6, 200], strides = [1, 1]} : vector<36x200xf32> to vector<6x200xf32>
    %slice3A_2776 = vector.extract_strided_slice %atan23A_2768 {offsets = [3, 0], sizes = [1, 200], strides = [1, 1]} : vector<6x200xf32> to vector<1x200xf32>
    %slice3A_2777 = vector.extract_strided_slice %select_n3A_2753 {offsets = [24, 0], sizes = [6, 200], strides = [1, 1]} : vector<36x200xf32> to vector<6x200xf32>
    %slice3A_2778 = vector.extract_strided_slice %atan23A_2768 {offsets = [4, 0], sizes = [1, 200], strides = [1, 1]} : vector<6x200xf32> to vector<1x200xf32>
    %slice3A_2779 = vector.extract_strided_slice %select_n3A_2753 {offsets = [30, 0], sizes = [6, 200], strides = [1, 1]} : vector<36x200xf32> to vector<6x200xf32>
    %slice3A_2780 = vector.extract_strided_slice %atan23A_2768 {offsets = [5, 0], sizes = [1, 200], strides = [1, 1]} : vector<6x200xf32> to vector<1x200xf32>
    %concatenate3A_2781 = tpu.concatenate %slice3A_2769, %slice3A_2770, %slice3A_2771, %slice3A_2772, %slice3A_2773, %slice3A_2774, %slice3A_2775, %slice3A_2776, %slice3A_2777, %slice3A_2778, %slice3A_2779, %slice3A_2780 in 0 : vector<6x200xf32>, vector<1x200xf32>, vector<6x200xf32>, vector<1x200xf32>, vector<6x200xf32>, vector<1x200xf32>, vector<6x200xf32>, vector<1x200xf32>, vector<6x200xf32>, vector<1x200xf32>, vector<6x200xf32>, vector<1x200xf32> -> vector<42x200xf32>
    %swap3A_2782 = arith.constant 0 : index
    %swap3A_2783 = arith.constant 22 : index
    %swap3A_2784 = arith.constant 0 : index
    %swap3A_2785 = arith.constant 0 : index
    %swap3A_2786 = arith.constant 0 : index
    %swap3A_2787 = vector.load %arg15[%swap3A_2782, %swap3A_2783, %swap3A_2784, %swap3A_2785, %swap3A_2786] : memref<1x36x1x42x200xf32, #tpu.memory_space<vmem>>, vector<1x1x1x42x200xf32>
    %swap3A_2788 = vector.shape_cast %swap3A_2787 : vector<1x1x1x42x200xf32> to vector<42x200xf32>
    %swap3A_2789 = vector.shape_cast %concatenate3A_2781 : vector<42x200xf32> to vector<1x1x1x42x200xf32>
    tpu.vector_store %arg15[%swap3A_2782, %swap3A_2783, %swap3A_2784, %swap3A_2785, %swap3A_2786], %swap3A_2789 {strides = array<i32>} : memref<1x36x1x42x200xf32, #tpu.memory_space<vmem>>, vector<1x1x1x42x200xf32>,
    %get3A_2790 = arith.constant 0 : index
    %get3A_2791 = arith.constant 23 : index
    %get3A_2792 = arith.constant 0 : index
    %get3A_2793 = arith.constant 0 : index
    %get3A_2794 = arith.constant 0 : index
    %get3A_2795 = vector.load %arg3[%get3A_2790, %get3A_2791, %get3A_2792, %get3A_2793, %get3A_2794] : memref<1x36x1x64x200xf32, #tpu.memory_space<vmem>>, vector<1x1x1x64x200xf32>
    %get3A_2796 = vector.shape_cast %get3A_2795 : vector<1x1x1x64x200xf32> to vector<64x200xf32>
    %get3A_2797 = arith.constant 0 : index
    %get3A_2798 = arith.constant 0 : index
    %get3A_2799 = vector.load %arg4[%get3A_2797, %get3A_2798] : memref<64x64xf32, #tpu.memory_space<vmem>>, vector<64x64xf32>
    %dot_general3A_2800 = arith.constant dense<0.000000e+00> : vector<64x200xf32>
    %dot_general3A_2801 = tpu.matmul %get3A_2799, %get3A_2796, %dot_general3A_2800 {dimension_numbers = #tpu.dot_dimension_numbers<[1], [0], [0], [1], [0, 0, 1, 1], [], []>, transpose_lhs_hint = false} : vector<64x64xf32>, vector<64x200xf32>, vector<64x200xf32> -> vector<64x200xf32>
    %get3A_2802 = arith.constant 0 : index
    %get3A_2803 = arith.constant 0 : index
    %get3A_2804 = vector.load %arg5[%get3A_2802, %get3A_2803] : memref<64x1xf32, #tpu.memory_space<vmem>>, vector<64x1xf32>
    %add3A_2805 = vector.broadcast %get3A_2804 : vector<64x1xf32> to vector<64x200xf32>
    %add3A_2806 = arith.addf %dot_general3A_2801, %add3A_2805 : vector<64x200xf32>
    %max3A_2807 = arith.constant 0.000000e+00 : f32
    %max3A_2808 = vector.broadcast %max3A_2807 : f32 to vector<64x200xf32>
    %max3A_2809 = arith.maximumf %add3A_2806, %max3A_2808 : vector<64x200xf32>
    %get3A_2810 = arith.constant 0 : index
    %get3A_2811 = arith.constant 0 : index
    %get3A_2812 = vector.load %arg6[%get3A_2810, %get3A_2811] : memref<24x64xf32, #tpu.memory_space<vmem>>, vector<24x64xf32>
    %dot_general3A_2813 = arith.constant dense<0.000000e+00> : vector<24x200xf32>
    %dot_general3A_2814 = tpu.matmul %get3A_2812, %max3A_2809, %dot_general3A_2813 {dimension_numbers = #tpu.dot_dimension_numbers<[1], [0], [0], [1], [0, 0, 1, 1], [], []>, transpose_lhs_hint = false} : vector<24x64xf32>, vector<64x200xf32>, vector<24x200xf32> -> vector<24x200xf32>
    %get3A_2815 = arith.constant 0 : index
    %get3A_2816 = arith.constant 0 : index
    %get3A_2817 = vector.load %arg7[%get3A_2815, %get3A_2816] : memref<24x1xf32, #tpu.memory_space<vmem>>, vector<24x1xf32>
    %add3A_2818 = vector.broadcast %get3A_2817 : vector<24x1xf32> to vector<24x200xf32>
    %add3A_2819 = arith.addf %dot_general3A_2814, %add3A_2818 : vector<24x200xf32>
    %swap3A_2820 = arith.constant 0 : index
    %swap3A_2821 = arith.constant 23 : index
    %swap3A_2822 = arith.constant 0 : index
    %swap3A_2823 = arith.constant 0 : index
    %swap3A_2824 = arith.constant 0 : index
    %swap3A_2825 = vector.load %arg14[%swap3A_2820, %swap3A_2821, %swap3A_2822, %swap3A_2823, %swap3A_2824] : memref<1x36x1x24x200xf32, #tpu.memory_space<vmem>>, vector<1x1x1x24x200xf32>
    %swap3A_2826 = vector.shape_cast %swap3A_2825 : vector<1x1x1x24x200xf32> to vector<24x200xf32>
    %swap3A_2827 = vector.shape_cast %add3A_2819 : vector<24x200xf32> to vector<1x1x1x24x200xf32>
    tpu.vector_store %arg14[%swap3A_2820, %swap3A_2821, %swap3A_2822, %swap3A_2823, %swap3A_2824], %swap3A_2827 {strides = array<i32>} : memref<1x36x1x24x200xf32, #tpu.memory_space<vmem>>, vector<1x1x1x24x200xf32>,
    %get3A_2828 = arith.constant 0 : index
    %get3A_2829 = arith.constant 0 : index
    %get3A_2830 = vector.load %arg8[%get3A_2828, %get3A_2829] : memref<64x64xf32, #tpu.memory_space<vmem>>, vector<64x64xf32>
    %dot_general3A_2831 = arith.constant dense<0.000000e+00> : vector<64x200xf32>
    %dot_general3A_2832 = tpu.matmul %get3A_2830, %get3A_2796, %dot_general3A_2831 {dimension_numbers = #tpu.dot_dimension_numbers<[1], [0], [0], [1], [0, 0, 1, 1], [], []>, transpose_lhs_hint = false} : vector<64x64xf32>, vector<64x200xf32>, vector<64x200xf32> -> vector<64x200xf32>
    %get3A_2833 = arith.constant 0 : index
    %get3A_2834 = arith.constant 0 : index
    %get3A_2835 = vector.load %arg9[%get3A_2833, %get3A_2834] : memref<64x1xf32, #tpu.memory_space<vmem>>, vector<64x1xf32>
    %add3A_2836 = vector.broadcast %get3A_2835 : vector<64x1xf32> to vector<64x200xf32>
    %add3A_2837 = arith.addf %dot_general3A_2832, %add3A_2836 : vector<64x200xf32>
    %max3A_2838 = arith.constant 0.000000e+00 : f32
    %max3A_2839 = vector.broadcast %max3A_2838 : f32 to vector<64x200xf32>
    %max3A_2840 = arith.maximumf %add3A_2837, %max3A_2839 : vector<64x200xf32>
    %get3A_2841 = arith.constant 0 : index
    %get3A_2842 = arith.constant 0 : index
    %get3A_2843 = vector.load %arg10[%get3A_2841, %get3A_2842] : memref<42x64xf32, #tpu.memory_space<vmem>>, vector<42x64xf32>
    %dot_general3A_2844 = arith.constant dense<0.000000e+00> : vector<42x200xf32>
    %dot_general3A_2845 = tpu.matmul %get3A_2843, %max3A_2840, %dot_general3A_2844 {dimension_numbers = #tpu.dot_dimension_numbers<[1], [0], [0], [1], [0, 0, 1, 1], [], []>, transpose_lhs_hint = false} : vector<42x64xf32>, vector<64x200xf32>, vector<42x200xf32> -> vector<42x200xf32>
    %get3A_2846 = arith.constant 0 : index
    %get3A_2847 = arith.constant 0 : index
    %get3A_2848 = vector.load %arg11[%get3A_2846, %get3A_2847] : memref<42x1xf32, #tpu.memory_space<vmem>>, vector<42x1xf32>
    %add3A_2849 = vector.broadcast %get3A_2848 : vector<42x1xf32> to vector<42x200xf32>
    %add3A_2850 = arith.addf %dot_general3A_2845, %add3A_2849 : vector<42x200xf32>
    %add3A_2851 = arith.constant 23 : i32
    %add3A_2852 = arith.addi %mul3A_0, %add3A_2851 : i32
    %convert_element_type3A_2853 = arith.sitofp %add3A_2852 : i32 to f32
    %mul3A_2854 = arith.constant 4.000000e-01 : f32
    %mul3A_2855 = arith.mulf %mul3A_2854, %convert_element_type3A_2853 : f32
    %add3A_2856 = arith.constant 0.000000e+00 : f32
    %add3A_2857 = arith.addf %add3A_2856, %mul3A_2855 : f32
    %add3A_2858 = arith.constant 2.000000e-01 : f32
    %add3A_2859 = arith.addf %add3A_2857, %add3A_2858 : f32
    %slice3A_2860 = vector.extract_strided_slice %add3A_2850 {offsets = [0, 0], sizes = [36, 200], strides = [1, 1]} : vector<42x200xf32> to vector<36x200xf32>
    %mul3A_2861 = vector.broadcast %get3A_17 : vector<36x1xf32> to vector<36x200xf32>
    %mul3A_2862 = arith.mulf %slice3A_2860, %mul3A_2861 : vector<36x200xf32>
    %mul3A_2863 = vector.broadcast %add3A_2859 : f32 to vector<36x1xf32>
    %mul3A_2864 = arith.mulf %mul3A_2863, %get3A_38 : vector<36x1xf32>
    %add3A_2865 = vector.broadcast %mul3A_2864 : vector<36x1xf32> to vector<36x200xf32>
    %add3A_2866 = arith.addf %add3A_35, %add3A_2865 : vector<36x200xf32>
    %add3A_2867 = arith.addf %mul3A_2862, %add3A_2866 : vector<36x200xf32>
    %exp3A_2868 = math.exp %slice3A_2860 : vector<36x200xf32>
    %mul3A_2869 = vector.broadcast %get3A_17 : vector<36x1xf32> to vector<36x200xf32>
    %mul3A_2870 = arith.mulf %exp3A_2868, %mul3A_2869 : vector<36x200xf32>
    %broadcast_in_dim3A_2871 = vector.shape_cast %gt3A_22 : vector<36x1xi1> to vector<36x1xi1>
    %broadcast_in_dim3A_2872 = vector.broadcast %broadcast_in_dim3A_2871 : vector<36x1xi1> to vector<36x200xi1>
    %select_n3A_2873 = arith.select %broadcast_in_dim3A_2872, %add3A_2867, %mul3A_2870 : vector<36x200xi1>, vector<36x200xf32>
    %slice3A_2874 = vector.extract_strided_slice %add3A_2850 {offsets = [36, 0], sizes = [6, 200], strides = [1, 1]} : vector<42x200xf32> to vector<6x200xf32>
    %logistic3A_2875 = arith.negf %slice3A_2874 : vector<6x200xf32>
    %logistic3A_2876 = math.exp %logistic3A_2875 : vector<6x200xf32>
    %logistic3A_2877 = arith.constant 1.000000e+00 : f32
    %logistic3A_2878 = vector.broadcast %logistic3A_2877 : f32 to vector<6x200xf32>
    %logistic3A_2879 = arith.addf %logistic3A_2878, %logistic3A_2876 : vector<6x200xf32>
    %logistic3A_2880 = arith.divf %logistic3A_2878, %logistic3A_2879 : vector<6x200xf32>
    %mul3A_2881 = vector.broadcast %get3A_41 : vector<6x1xf32> to vector<6x200xf32>
    %mul3A_2882 = arith.mulf %logistic3A_2880, %mul3A_2881 : vector<6x200xf32>
    %mul3A_2883 = arith.mulf %mul3A_2882, %mul3A_2882 : vector<6x200xf32>
    %sub3A_2884 = arith.constant 1.000000e+00 : f32
    %sub3A_2885 = vector.broadcast %sub3A_2884 : f32 to vector<6x200xf32>
    %sub3A_2886 = arith.subf %sub3A_2885, %mul3A_2883 : vector<6x200xf32>
    %sqrt3A_2887 = math.sqrt %sub3A_2886 : vector<6x200xf32>
    %atan23A_2888 = math.atan2 %mul3A_2882, %sqrt3A_2887 : vector<6x200xf32>
    %slice3A_2889 = vector.extract_strided_slice %select_n3A_2873 {offsets = [0, 0], sizes = [6, 200], strides = [1, 1]} : vector<36x200xf32> to vector<6x200xf32>
    %slice3A_2890 = vector.extract_strided_slice %atan23A_2888 {offsets = [0, 0], sizes = [1, 200], strides = [1, 1]} : vector<6x200xf32> to vector<1x200xf32>
    %slice3A_2891 = vector.extract_strided_slice %select_n3A_2873 {offsets = [6, 0], sizes = [6, 200], strides = [1, 1]} : vector<36x200xf32> to vector<6x200xf32>
    %slice3A_2892 = vector.extract_strided_slice %atan23A_2888 {offsets = [1, 0], sizes = [1, 200], strides = [1, 1]} : vector<6x200xf32> to vector<1x200xf32>
    %slice3A_2893 = vector.extract_strided_slice %select_n3A_2873 {offsets = [12, 0], sizes = [6, 200], strides = [1, 1]} : vector<36x200xf32> to vector<6x200xf32>
    %slice3A_2894 = vector.extract_strided_slice %atan23A_2888 {offsets = [2, 0], sizes = [1, 200], strides = [1, 1]} : vector<6x200xf32> to vector<1x200xf32>
    %slice3A_2895 = vector.extract_strided_slice %select_n3A_2873 {offsets = [18, 0], sizes = [6, 200], strides = [1, 1]} : vector<36x200xf32> to vector<6x200xf32>
    %slice3A_2896 = vector.extract_strided_slice %atan23A_2888 {offsets = [3, 0], sizes = [1, 200], strides = [1, 1]} : vector<6x200xf32> to vector<1x200xf32>
    %slice3A_2897 = vector.extract_strided_slice %select_n3A_2873 {offsets = [24, 0], sizes = [6, 200], strides = [1, 1]} : vector<36x200xf32> to vector<6x200xf32>
    %slice3A_2898 = vector.extract_strided_slice %atan23A_2888 {offsets = [4, 0], sizes = [1, 200], strides = [1, 1]} : vector<6x200xf32> to vector<1x200xf32>
    %slice3A_2899 = vector.extract_strided_slice %select_n3A_2873 {offsets = [30, 0], sizes = [6, 200], strides = [1, 1]} : vector<36x200xf32> to vector<6x200xf32>
    %slice3A_2900 = vector.extract_strided_slice %atan23A_2888 {offsets = [5, 0], sizes = [1, 200], strides = [1, 1]} : vector<6x200xf32> to vector<1x200xf32>
    %concatenate3A_2901 = tpu.concatenate %slice3A_2889, %slice3A_2890, %slice3A_2891, %slice3A_2892, %slice3A_2893, %slice3A_2894, %slice3A_2895, %slice3A_2896, %slice3A_2897, %slice3A_2898, %slice3A_2899, %slice3A_2900 in 0 : vector<6x200xf32>, vector<1x200xf32>, vector<6x200xf32>, vector<1x200xf32>, vector<6x200xf32>, vector<1x200xf32>, vector<6x200xf32>, vector<1x200xf32>, vector<6x200xf32>, vector<1x200xf32>, vector<6x200xf32>, vector<1x200xf32> -> vector<42x200xf32>
    %swap3A_2902 = arith.constant 0 : index
    %swap3A_2903 = arith.constant 23 : index
    %swap3A_2904 = arith.constant 0 : index
    %swap3A_2905 = arith.constant 0 : index
    %swap3A_2906 = arith.constant 0 : index
    %swap3A_2907 = vector.load %arg15[%swap3A_2902, %swap3A_2903, %swap3A_2904, %swap3A_2905, %swap3A_2906] : memref<1x36x1x42x200xf32, #tpu.memory_space<vmem>>, vector<1x1x1x42x200xf32>
    %swap3A_2908 = vector.shape_cast %swap3A_2907 : vector<1x1x1x42x200xf32> to vector<42x200xf32>
    %swap3A_2909 = vector.shape_cast %concatenate3A_2901 : vector<42x200xf32> to vector<1x1x1x42x200xf32>
    tpu.vector_store %arg15[%swap3A_2902, %swap3A_2903, %swap3A_2904, %swap3A_2905, %swap3A_2906], %swap3A_2909 {strides = array<i32>} : memref<1x36x1x42x200xf32, #tpu.memory_space<vmem>>, vector<1x1x1x42x200xf32>,
    %get3A_2910 = arith.constant 0 : index
    %get3A_2911 = arith.constant 24 : index
    %get3A_2912 = arith.constant 0 : index
    %get3A_2913 = arith.constant 0 : index
    %get3A_2914 = arith.constant 0 : index
    %get3A_2915 = vector.load %arg3[%get3A_2910, %get3A_2911, %get3A_2912, %get3A_2913, %get3A_2914] : memref<1x36x1x64x200xf32, #tpu.memory_space<vmem>>, vector<1x1x1x64x200xf32>
    %get3A_2916 = vector.shape_cast %get3A_2915 : vector<1x1x1x64x200xf32> to vector<64x200xf32>
    %get3A_2917 = arith.constant 0 : index
    %get3A_2918 = arith.constant 0 : index
    %get3A_2919 = vector.load %arg4[%get3A_2917, %get3A_2918] : memref<64x64xf32, #tpu.memory_space<vmem>>, vector<64x64xf32>
    %dot_general3A_2920 = arith.constant dense<0.000000e+00> : vector<64x200xf32>
    %dot_general3A_2921 = tpu.matmul %get3A_2919, %get3A_2916, %dot_general3A_2920 {dimension_numbers = #tpu.dot_dimension_numbers<[1], [0], [0], [1], [0, 0, 1, 1], [], []>, transpose_lhs_hint = false} : vector<64x64xf32>, vector<64x200xf32>, vector<64x200xf32> -> vector<64x200xf32>
    %get3A_2922 = arith.constant 0 : index
    %get3A_2923 = arith.constant 0 : index
    %get3A_2924 = vector.load %arg5[%get3A_2922, %get3A_2923] : memref<64x1xf32, #tpu.memory_space<vmem>>, vector<64x1xf32>
    %add3A_2925 = vector.broadcast %get3A_2924 : vector<64x1xf32> to vector<64x200xf32>
    %add3A_2926 = arith.addf %dot_general3A_2921, %add3A_2925 : vector<64x200xf32>
    %max3A_2927 = arith.constant 0.000000e+00 : f32
    %max3A_2928 = vector.broadcast %max3A_2927 : f32 to vector<64x200xf32>
    %max3A_2929 = arith.maximumf %add3A_2926, %max3A_2928 : vector<64x200xf32>
    %get3A_2930 = arith.constant 0 : index
    %get3A_2931 = arith.constant 0 : index
    %get3A_2932 = vector.load %arg6[%get3A_2930, %get3A_2931] : memref<24x64xf32, #tpu.memory_space<vmem>>, vector<24x64xf32>
    %dot_general3A_2933 = arith.constant dense<0.000000e+00> : vector<24x200xf32>
    %dot_general3A_2934 = tpu.matmul %get3A_2932, %max3A_2929, %dot_general3A_2933 {dimension_numbers = #tpu.dot_dimension_numbers<[1], [0], [0], [1], [0, 0, 1, 1], [], []>, transpose_lhs_hint = false} : vector<24x64xf32>, vector<64x200xf32>, vector<24x200xf32> -> vector<24x200xf32>
    %get3A_2935 = arith.constant 0 : index
    %get3A_2936 = arith.constant 0 : index
    %get3A_2937 = vector.load %arg7[%get3A_2935, %get3A_2936] : memref<24x1xf32, #tpu.memory_space<vmem>>, vector<24x1xf32>
    %add3A_2938 = vector.broadcast %get3A_2937 : vector<24x1xf32> to vector<24x200xf32>
    %add3A_2939 = arith.addf %dot_general3A_2934, %add3A_2938 : vector<24x200xf32>
    %swap3A_2940 = arith.constant 0 : index
    %swap3A_2941 = arith.constant 24 : index
    %swap3A_2942 = arith.constant 0 : index
    %swap3A_2943 = arith.constant 0 : index
    %swap3A_2944 = arith.constant 0 : index
    %swap3A_2945 = vector.load %arg14[%swap3A_2940, %swap3A_2941, %swap3A_2942, %swap3A_2943, %swap3A_2944] : memref<1x36x1x24x200xf32, #tpu.memory_space<vmem>>, vector<1x1x1x24x200xf32>
    %swap3A_2946 = vector.shape_cast %swap3A_2945 : vector<1x1x1x24x200xf32> to vector<24x200xf32>
    %swap3A_2947 = vector.shape_cast %add3A_2939 : vector<24x200xf32> to vector<1x1x1x24x200xf32>
    tpu.vector_store %arg14[%swap3A_2940, %swap3A_2941, %swap3A_2942, %swap3A_2943, %swap3A_2944], %swap3A_2947 {strides = array<i32>} : memref<1x36x1x24x200xf32, #tpu.memory_space<vmem>>, vector<1x1x1x24x200xf32>,
    %get3A_2948 = arith.constant 0 : index
    %get3A_2949 = arith.constant 0 : index
    %get3A_2950 = vector.load %arg8[%get3A_2948, %get3A_2949] : memref<64x64xf32, #tpu.memory_space<vmem>>, vector<64x64xf32>
    %dot_general3A_2951 = arith.constant dense<0.000000e+00> : vector<64x200xf32>
    %dot_general3A_2952 = tpu.matmul %get3A_2950, %get3A_2916, %dot_general3A_2951 {dimension_numbers = #tpu.dot_dimension_numbers<[1], [0], [0], [1], [0, 0, 1, 1], [], []>, transpose_lhs_hint = false} : vector<64x64xf32>, vector<64x200xf32>, vector<64x200xf32> -> vector<64x200xf32>
    %get3A_2953 = arith.constant 0 : index
    %get3A_2954 = arith.constant 0 : index
    %get3A_2955 = vector.load %arg9[%get3A_2953, %get3A_2954] : memref<64x1xf32, #tpu.memory_space<vmem>>, vector<64x1xf32>
    %add3A_2956 = vector.broadcast %get3A_2955 : vector<64x1xf32> to vector<64x200xf32>
    %add3A_2957 = arith.addf %dot_general3A_2952, %add3A_2956 : vector<64x200xf32>
    %max3A_2958 = arith.constant 0.000000e+00 : f32
    %max3A_2959 = vector.broadcast %max3A_2958 : f32 to vector<64x200xf32>
    %max3A_2960 = arith.maximumf %add3A_2957, %max3A_2959 : vector<64x200xf32>
    %get3A_2961 = arith.constant 0 : index
    %get3A_2962 = arith.constant 0 : index
    %get3A_2963 = vector.load %arg10[%get3A_2961, %get3A_2962] : memref<42x64xf32, #tpu.memory_space<vmem>>, vector<42x64xf32>
    %dot_general3A_2964 = arith.constant dense<0.000000e+00> : vector<42x200xf32>
    %dot_general3A_2965 = tpu.matmul %get3A_2963, %max3A_2960, %dot_general3A_2964 {dimension_numbers = #tpu.dot_dimension_numbers<[1], [0], [0], [1], [0, 0, 1, 1], [], []>, transpose_lhs_hint = false} : vector<42x64xf32>, vector<64x200xf32>, vector<42x200xf32> -> vector<42x200xf32>
    %get3A_2966 = arith.constant 0 : index
    %get3A_2967 = arith.constant 0 : index
    %get3A_2968 = vector.load %arg11[%get3A_2966, %get3A_2967] : memref<42x1xf32, #tpu.memory_space<vmem>>, vector<42x1xf32>
    %add3A_2969 = vector.broadcast %get3A_2968 : vector<42x1xf32> to vector<42x200xf32>
    %add3A_2970 = arith.addf %dot_general3A_2965, %add3A_2969 : vector<42x200xf32>
    %add3A_2971 = arith.constant 24 : i32
    %add3A_2972 = arith.addi %mul3A_0, %add3A_2971 : i32
    %convert_element_type3A_2973 = arith.sitofp %add3A_2972 : i32 to f32
    %mul3A_2974 = arith.constant 4.000000e-01 : f32
    %mul3A_2975 = arith.mulf %mul3A_2974, %convert_element_type3A_2973 : f32
    %add3A_2976 = arith.constant 0.000000e+00 : f32
    %add3A_2977 = arith.addf %add3A_2976, %mul3A_2975 : f32
    %add3A_2978 = arith.constant 2.000000e-01 : f32
    %add3A_2979 = arith.addf %add3A_2977, %add3A_2978 : f32
    %slice3A_2980 = vector.extract_strided_slice %add3A_2970 {offsets = [0, 0], sizes = [36, 200], strides = [1, 1]} : vector<42x200xf32> to vector<36x200xf32>
    %mul3A_2981 = vector.broadcast %get3A_17 : vector<36x1xf32> to vector<36x200xf32>
    %mul3A_2982 = arith.mulf %slice3A_2980, %mul3A_2981 : vector<36x200xf32>
    %mul3A_2983 = vector.broadcast %add3A_2979 : f32 to vector<36x1xf32>
    %mul3A_2984 = arith.mulf %mul3A_2983, %get3A_38 : vector<36x1xf32>
    %add3A_2985 = vector.broadcast %mul3A_2984 : vector<36x1xf32> to vector<36x200xf32>
    %add3A_2986 = arith.addf %add3A_35, %add3A_2985 : vector<36x200xf32>
    %add3A_2987 = arith.addf %mul3A_2982, %add3A_2986 : vector<36x200xf32>
    %exp3A_2988 = math.exp %slice3A_2980 : vector<36x200xf32>
    %mul3A_2989 = vector.broadcast %get3A_17 : vector<36x1xf32> to vector<36x200xf32>
    %mul3A_2990 = arith.mulf %exp3A_2988, %mul3A_2989 : vector<36x200xf32>
    %broadcast_in_dim3A_2991 = vector.shape_cast %gt3A_22 : vector<36x1xi1> to vector<36x1xi1>
    %broadcast_in_dim3A_2992 = vector.broadcast %broadcast_in_dim3A_2991 : vector<36x1xi1> to vector<36x200xi1>
    %select_n3A_2993 = arith.select %broadcast_in_dim3A_2992, %add3A_2987, %mul3A_2990 : vector<36x200xi1>, vector<36x200xf32>
    %slice3A_2994 = vector.extract_strided_slice %add3A_2970 {offsets = [36, 0], sizes = [6, 200], strides = [1, 1]} : vector<42x200xf32> to vector<6x200xf32>
    %logistic3A_2995 = arith.negf %slice3A_2994 : vector<6x200xf32>
    %logistic3A_2996 = math.exp %logistic3A_2995 : vector<6x200xf32>
    %logistic3A_2997 = arith.constant 1.000000e+00 : f32
    %logistic3A_2998 = vector.broadcast %logistic3A_2997 : f32 to vector<6x200xf32>
    %logistic3A_2999 = arith.addf %logistic3A_2998, %logistic3A_2996 : vector<6x200xf32>
    %logistic3A_3000 = arith.divf %logistic3A_2998, %logistic3A_2999 : vector<6x200xf32>
    %mul3A_3001 = vector.broadcast %get3A_41 : vector<6x1xf32> to vector<6x200xf32>
    %mul3A_3002 = arith.mulf %logistic3A_3000, %mul3A_3001 : vector<6x200xf32>
    %mul3A_3003 = arith.mulf %mul3A_3002, %mul3A_3002 : vector<6x200xf32>
    %sub3A_3004 = arith.constant 1.000000e+00 : f32
    %sub3A_3005 = vector.broadcast %sub3A_3004 : f32 to vector<6x200xf32>
    %sub3A_3006 = arith.subf %sub3A_3005, %mul3A_3003 : vector<6x200xf32>
    %sqrt3A_3007 = math.sqrt %sub3A_3006 : vector<6x200xf32>
    %atan23A_3008 = math.atan2 %mul3A_3002, %sqrt3A_3007 : vector<6x200xf32>
    %slice3A_3009 = vector.extract_strided_slice %select_n3A_2993 {offsets = [0, 0], sizes = [6, 200], strides = [1, 1]} : vector<36x200xf32> to vector<6x200xf32>
    %slice3A_3010 = vector.extract_strided_slice %atan23A_3008 {offsets = [0, 0], sizes = [1, 200], strides = [1, 1]} : vector<6x200xf32> to vector<1x200xf32>
    %slice3A_3011 = vector.extract_strided_slice %select_n3A_2993 {offsets = [6, 0], sizes = [6, 200], strides = [1, 1]} : vector<36x200xf32> to vector<6x200xf32>
    %slice3A_3012 = vector.extract_strided_slice %atan23A_3008 {offsets = [1, 0], sizes = [1, 200], strides = [1, 1]} : vector<6x200xf32> to vector<1x200xf32>
    %slice3A_3013 = vector.extract_strided_slice %select_n3A_2993 {offsets = [12, 0], sizes = [6, 200], strides = [1, 1]} : vector<36x200xf32> to vector<6x200xf32>
    %slice3A_3014 = vector.extract_strided_slice %atan23A_3008 {offsets = [2, 0], sizes = [1, 200], strides = [1, 1]} : vector<6x200xf32> to vector<1x200xf32>
    %slice3A_3015 = vector.extract_strided_slice %select_n3A_2993 {offsets = [18, 0], sizes = [6, 200], strides = [1, 1]} : vector<36x200xf32> to vector<6x200xf32>
    %slice3A_3016 = vector.extract_strided_slice %atan23A_3008 {offsets = [3, 0], sizes = [1, 200], strides = [1, 1]} : vector<6x200xf32> to vector<1x200xf32>
    %slice3A_3017 = vector.extract_strided_slice %select_n3A_2993 {offsets = [24, 0], sizes = [6, 200], strides = [1, 1]} : vector<36x200xf32> to vector<6x200xf32>
    %slice3A_3018 = vector.extract_strided_slice %atan23A_3008 {offsets = [4, 0], sizes = [1, 200], strides = [1, 1]} : vector<6x200xf32> to vector<1x200xf32>
    %slice3A_3019 = vector.extract_strided_slice %select_n3A_2993 {offsets = [30, 0], sizes = [6, 200], strides = [1, 1]} : vector<36x200xf32> to vector<6x200xf32>
    %slice3A_3020 = vector.extract_strided_slice %atan23A_3008 {offsets = [5, 0], sizes = [1, 200], strides = [1, 1]} : vector<6x200xf32> to vector<1x200xf32>
    %concatenate3A_3021 = tpu.concatenate %slice3A_3009, %slice3A_3010, %slice3A_3011, %slice3A_3012, %slice3A_3013, %slice3A_3014, %slice3A_3015, %slice3A_3016, %slice3A_3017, %slice3A_3018, %slice3A_3019, %slice3A_3020 in 0 : vector<6x200xf32>, vector<1x200xf32>, vector<6x200xf32>, vector<1x200xf32>, vector<6x200xf32>, vector<1x200xf32>, vector<6x200xf32>, vector<1x200xf32>, vector<6x200xf32>, vector<1x200xf32>, vector<6x200xf32>, vector<1x200xf32> -> vector<42x200xf32>
    %swap3A_3022 = arith.constant 0 : index
    %swap3A_3023 = arith.constant 24 : index
    %swap3A_3024 = arith.constant 0 : index
    %swap3A_3025 = arith.constant 0 : index
    %swap3A_3026 = arith.constant 0 : index
    %swap3A_3027 = vector.load %arg15[%swap3A_3022, %swap3A_3023, %swap3A_3024, %swap3A_3025, %swap3A_3026] : memref<1x36x1x42x200xf32, #tpu.memory_space<vmem>>, vector<1x1x1x42x200xf32>
    %swap3A_3028 = vector.shape_cast %swap3A_3027 : vector<1x1x1x42x200xf32> to vector<42x200xf32>
    %swap3A_3029 = vector.shape_cast %concatenate3A_3021 : vector<42x200xf32> to vector<1x1x1x42x200xf32>
    tpu.vector_store %arg15[%swap3A_3022, %swap3A_3023, %swap3A_3024, %swap3A_3025, %swap3A_3026], %swap3A_3029 {strides = array<i32>} : memref<1x36x1x42x200xf32, #tpu.memory_space<vmem>>, vector<1x1x1x42x200xf32>,
    %get3A_3030 = arith.constant 0 : index
    %get3A_3031 = arith.constant 25 : index
    %get3A_3032 = arith.constant 0 : index
    %get3A_3033 = arith.constant 0 : index
    %get3A_3034 = arith.constant 0 : index
    %get3A_3035 = vector.load %arg3[%get3A_3030, %get3A_3031, %get3A_3032, %get3A_3033, %get3A_3034] : memref<1x36x1x64x200xf32, #tpu.memory_space<vmem>>, vector<1x1x1x64x200xf32>
    %get3A_3036 = vector.shape_cast %get3A_3035 : vector<1x1x1x64x200xf32> to vector<64x200xf32>
    %get3A_3037 = arith.constant 0 : index
    %get3A_3038 = arith.constant 0 : index
    %get3A_3039 = vector.load %arg4[%get3A_3037, %get3A_3038] : memref<64x64xf32, #tpu.memory_space<vmem>>, vector<64x64xf32>
    %dot_general3A_3040 = arith.constant dense<0.000000e+00> : vector<64x200xf32>
    %dot_general3A_3041 = tpu.matmul %get3A_3039, %get3A_3036, %dot_general3A_3040 {dimension_numbers = #tpu.dot_dimension_numbers<[1], [0], [0], [1], [0, 0, 1, 1], [], []>, transpose_lhs_hint = false} : vector<64x64xf32>, vector<64x200xf32>, vector<64x200xf32> -> vector<64x200xf32>
    %get3A_3042 = arith.constant 0 : index
    %get3A_3043 = arith.constant 0 : index
    %get3A_3044 = vector.load %arg5[%get3A_3042, %get3A_3043] : memref<64x1xf32, #tpu.memory_space<vmem>>, vector<64x1xf32>
    %add3A_3045 = vector.broadcast %get3A_3044 : vector<64x1xf32> to vector<64x200xf32>
    %add3A_3046 = arith.addf %dot_general3A_3041, %add3A_3045 : vector<64x200xf32>
    %max3A_3047 = arith.constant 0.000000e+00 : f32
    %max3A_3048 = vector.broadcast %max3A_3047 : f32 to vector<64x200xf32>
    %max3A_3049 = arith.maximumf %add3A_3046, %max3A_3048 : vector<64x200xf32>
    %get3A_3050 = arith.constant 0 : index
    %get3A_3051 = arith.constant 0 : index
    %get3A_3052 = vector.load %arg6[%get3A_3050, %get3A_3051] : memref<24x64xf32, #tpu.memory_space<vmem>>, vector<24x64xf32>
    %dot_general3A_3053 = arith.constant dense<0.000000e+00> : vector<24x200xf32>
    %dot_general3A_3054 = tpu.matmul %get3A_3052, %max3A_3049, %dot_general3A_3053 {dimension_numbers = #tpu.dot_dimension_numbers<[1], [0], [0], [1], [0, 0, 1, 1], [], []>, transpose_lhs_hint = false} : vector<24x64xf32>, vector<64x200xf32>, vector<24x200xf32> -> vector<24x200xf32>
    %get3A_3055 = arith.constant 0 : index
    %get3A_3056 = arith.constant 0 : index
    %get3A_3057 = vector.load %arg7[%get3A_3055, %get3A_3056] : memref<24x1xf32, #tpu.memory_space<vmem>>, vector<24x1xf32>
    %add3A_3058 = vector.broadcast %get3A_3057 : vector<24x1xf32> to vector<24x200xf32>
    %add3A_3059 = arith.addf %dot_general3A_3054, %add3A_3058 : vector<24x200xf32>
    %swap3A_3060 = arith.constant 0 : index
    %swap3A_3061 = arith.constant 25 : index
    %swap3A_3062 = arith.constant 0 : index
    %swap3A_3063 = arith.constant 0 : index
    %swap3A_3064 = arith.constant 0 : index
    %swap3A_3065 = vector.load %arg14[%swap3A_3060, %swap3A_3061, %swap3A_3062, %swap3A_3063, %swap3A_3064] : memref<1x36x1x24x200xf32, #tpu.memory_space<vmem>>, vector<1x1x1x24x200xf32>
    %swap3A_3066 = vector.shape_cast %swap3A_3065 : vector<1x1x1x24x200xf32> to vector<24x200xf32>
    %swap3A_3067 = vector.shape_cast %add3A_3059 : vector<24x200xf32> to vector<1x1x1x24x200xf32>
    tpu.vector_store %arg14[%swap3A_3060, %swap3A_3061, %swap3A_3062, %swap3A_3063, %swap3A_3064], %swap3A_3067 {strides = array<i32>} : memref<1x36x1x24x200xf32, #tpu.memory_space<vmem>>, vector<1x1x1x24x200xf32>,
    %get3A_3068 = arith.constant 0 : index
    %get3A_3069 = arith.constant 0 : index
    %get3A_3070 = vector.load %arg8[%get3A_3068, %get3A_3069] : memref<64x64xf32, #tpu.memory_space<vmem>>, vector<64x64xf32>
    %dot_general3A_3071 = arith.constant dense<0.000000e+00> : vector<64x200xf32>
    %dot_general3A_3072 = tpu.matmul %get3A_3070, %get3A_3036, %dot_general3A_3071 {dimension_numbers = #tpu.dot_dimension_numbers<[1], [0], [0], [1], [0, 0, 1, 1], [], []>, transpose_lhs_hint = false} : vector<64x64xf32>, vector<64x200xf32>, vector<64x200xf32> -> vector<64x200xf32>
    %get3A_3073 = arith.constant 0 : index
    %get3A_3074 = arith.constant 0 : index
    %get3A_3075 = vector.load %arg9[%get3A_3073, %get3A_3074] : memref<64x1xf32, #tpu.memory_space<vmem>>, vector<64x1xf32>
    %add3A_3076 = vector.broadcast %get3A_3075 : vector<64x1xf32> to vector<64x200xf32>
    %add3A_3077 = arith.addf %dot_general3A_3072, %add3A_3076 : vector<64x200xf32>
    %max3A_3078 = arith.constant 0.000000e+00 : f32
    %max3A_3079 = vector.broadcast %max3A_3078 : f32 to vector<64x200xf32>
    %max3A_3080 = arith.maximumf %add3A_3077, %max3A_3079 : vector<64x200xf32>
    %get3A_3081 = arith.constant 0 : index
    %get3A_3082 = arith.constant 0 : index
    %get3A_3083 = vector.load %arg10[%get3A_3081, %get3A_3082] : memref<42x64xf32, #tpu.memory_space<vmem>>, vector<42x64xf32>
    %dot_general3A_3084 = arith.constant dense<0.000000e+00> : vector<42x200xf32>
    %dot_general3A_3085 = tpu.matmul %get3A_3083, %max3A_3080, %dot_general3A_3084 {dimension_numbers = #tpu.dot_dimension_numbers<[1], [0], [0], [1], [0, 0, 1, 1], [], []>, transpose_lhs_hint = false} : vector<42x64xf32>, vector<64x200xf32>, vector<42x200xf32> -> vector<42x200xf32>
    %get3A_3086 = arith.constant 0 : index
    %get3A_3087 = arith.constant 0 : index
    %get3A_3088 = vector.load %arg11[%get3A_3086, %get3A_3087] : memref<42x1xf32, #tpu.memory_space<vmem>>, vector<42x1xf32>
    %add3A_3089 = vector.broadcast %get3A_3088 : vector<42x1xf32> to vector<42x200xf32>
    %add3A_3090 = arith.addf %dot_general3A_3085, %add3A_3089 : vector<42x200xf32>
    %add3A_3091 = arith.constant 25 : i32
    %add3A_3092 = arith.addi %mul3A_0, %add3A_3091 : i32
    %convert_element_type3A_3093 = arith.sitofp %add3A_3092 : i32 to f32
    %mul3A_3094 = arith.constant 4.000000e-01 : f32
    %mul3A_3095 = arith.mulf %mul3A_3094, %convert_element_type3A_3093 : f32
    %add3A_3096 = arith.constant 0.000000e+00 : f32
    %add3A_3097 = arith.addf %add3A_3096, %mul3A_3095 : f32
    %add3A_3098 = arith.constant 2.000000e-01 : f32
    %add3A_3099 = arith.addf %add3A_3097, %add3A_3098 : f32
    %slice3A_3100 = vector.extract_strided_slice %add3A_3090 {offsets = [0, 0], sizes = [36, 200], strides = [1, 1]} : vector<42x200xf32> to vector<36x200xf32>
    %mul3A_3101 = vector.broadcast %get3A_17 : vector<36x1xf32> to vector<36x200xf32>
    %mul3A_3102 = arith.mulf %slice3A_3100, %mul3A_3101 : vector<36x200xf32>
    %mul3A_3103 = vector.broadcast %add3A_3099 : f32 to vector<36x1xf32>
    %mul3A_3104 = arith.mulf %mul3A_3103, %get3A_38 : vector<36x1xf32>
    %add3A_3105 = vector.broadcast %mul3A_3104 : vector<36x1xf32> to vector<36x200xf32>
    %add3A_3106 = arith.addf %add3A_35, %add3A_3105 : vector<36x200xf32>
    %add3A_3107 = arith.addf %mul3A_3102, %add3A_3106 : vector<36x200xf32>
    %exp3A_3108 = math.exp %slice3A_3100 : vector<36x200xf32>
    %mul3A_3109 = vector.broadcast %get3A_17 : vector<36x1xf32> to vector<36x200xf32>
    %mul3A_3110 = arith.mulf %exp3A_3108, %mul3A_3109 : vector<36x200xf32>
    %broadcast_in_dim3A_3111 = vector.shape_cast %gt3A_22 : vector<36x1xi1> to vector<36x1xi1>
    %broadcast_in_dim3A_3112 = vector.broadcast %broadcast_in_dim3A_3111 : vector<36x1xi1> to vector<36x200xi1>
    %select_n3A_3113 = arith.select %broadcast_in_dim3A_3112, %add3A_3107, %mul3A_3110 : vector<36x200xi1>, vector<36x200xf32>
    %slice3A_3114 = vector.extract_strided_slice %add3A_3090 {offsets = [36, 0], sizes = [6, 200], strides = [1, 1]} : vector<42x200xf32> to vector<6x200xf32>
    %logistic3A_3115 = arith.negf %slice3A_3114 : vector<6x200xf32>
    %logistic3A_3116 = math.exp %logistic3A_3115 : vector<6x200xf32>
    %logistic3A_3117 = arith.constant 1.000000e+00 : f32
    %logistic3A_3118 = vector.broadcast %logistic3A_3117 : f32 to vector<6x200xf32>
    %logistic3A_3119 = arith.addf %logistic3A_3118, %logistic3A_3116 : vector<6x200xf32>
    %logistic3A_3120 = arith.divf %logistic3A_3118, %logistic3A_3119 : vector<6x200xf32>
    %mul3A_3121 = vector.broadcast %get3A_41 : vector<6x1xf32> to vector<6x200xf32>
    %mul3A_3122 = arith.mulf %logistic3A_3120, %mul3A_3121 : vector<6x200xf32>
    %mul3A_3123 = arith.mulf %mul3A_3122, %mul3A_3122 : vector<6x200xf32>
    %sub3A_3124 = arith.constant 1.000000e+00 : f32
    %sub3A_3125 = vector.broadcast %sub3A_3124 : f32 to vector<6x200xf32>
    %sub3A_3126 = arith.subf %sub3A_3125, %mul3A_3123 : vector<6x200xf32>
    %sqrt3A_3127 = math.sqrt %sub3A_3126 : vector<6x200xf32>
    %atan23A_3128 = math.atan2 %mul3A_3122, %sqrt3A_3127 : vector<6x200xf32>
    %slice3A_3129 = vector.extract_strided_slice %select_n3A_3113 {offsets = [0, 0], sizes = [6, 200], strides = [1, 1]} : vector<36x200xf32> to vector<6x200xf32>
    %slice3A_3130 = vector.extract_strided_slice %atan23A_3128 {offsets = [0, 0], sizes = [1, 200], strides = [1, 1]} : vector<6x200xf32> to vector<1x200xf32>
    %slice3A_3131 = vector.extract_strided_slice %select_n3A_3113 {offsets = [6, 0], sizes = [6, 200], strides = [1, 1]} : vector<36x200xf32> to vector<6x200xf32>
    %slice3A_3132 = vector.extract_strided_slice %atan23A_3128 {offsets = [1, 0], sizes = [1, 200], strides = [1, 1]} : vector<6x200xf32> to vector<1x200xf32>
    %slice3A_3133 = vector.extract_strided_slice %select_n3A_3113 {offsets = [12, 0], sizes = [6, 200], strides = [1, 1]} : vector<36x200xf32> to vector<6x200xf32>
    %slice3A_3134 = vector.extract_strided_slice %atan23A_3128 {offsets = [2, 0], sizes = [1, 200], strides = [1, 1]} : vector<6x200xf32> to vector<1x200xf32>
    %slice3A_3135 = vector.extract_strided_slice %select_n3A_3113 {offsets = [18, 0], sizes = [6, 200], strides = [1, 1]} : vector<36x200xf32> to vector<6x200xf32>
    %slice3A_3136 = vector.extract_strided_slice %atan23A_3128 {offsets = [3, 0], sizes = [1, 200], strides = [1, 1]} : vector<6x200xf32> to vector<1x200xf32>
    %slice3A_3137 = vector.extract_strided_slice %select_n3A_3113 {offsets = [24, 0], sizes = [6, 200], strides = [1, 1]} : vector<36x200xf32> to vector<6x200xf32>
    %slice3A_3138 = vector.extract_strided_slice %atan23A_3128 {offsets = [4, 0], sizes = [1, 200], strides = [1, 1]} : vector<6x200xf32> to vector<1x200xf32>
    %slice3A_3139 = vector.extract_strided_slice %select_n3A_3113 {offsets = [30, 0], sizes = [6, 200], strides = [1, 1]} : vector<36x200xf32> to vector<6x200xf32>
    %slice3A_3140 = vector.extract_strided_slice %atan23A_3128 {offsets = [5, 0], sizes = [1, 200], strides = [1, 1]} : vector<6x200xf32> to vector<1x200xf32>
    %concatenate3A_3141 = tpu.concatenate %slice3A_3129, %slice3A_3130, %slice3A_3131, %slice3A_3132, %slice3A_3133, %slice3A_3134, %slice3A_3135, %slice3A_3136, %slice3A_3137, %slice3A_3138, %slice3A_3139, %slice3A_3140 in 0 : vector<6x200xf32>, vector<1x200xf32>, vector<6x200xf32>, vector<1x200xf32>, vector<6x200xf32>, vector<1x200xf32>, vector<6x200xf32>, vector<1x200xf32>, vector<6x200xf32>, vector<1x200xf32>, vector<6x200xf32>, vector<1x200xf32> -> vector<42x200xf32>
    %swap3A_3142 = arith.constant 0 : index
    %swap3A_3143 = arith.constant 25 : index
    %swap3A_3144 = arith.constant 0 : index
    %swap3A_3145 = arith.constant 0 : index
    %swap3A_3146 = arith.constant 0 : index
    %swap3A_3147 = vector.load %arg15[%swap3A_3142, %swap3A_3143, %swap3A_3144, %swap3A_3145, %swap3A_3146] : memref<1x36x1x42x200xf32, #tpu.memory_space<vmem>>, vector<1x1x1x42x200xf32>
    %swap3A_3148 = vector.shape_cast %swap3A_3147 : vector<1x1x1x42x200xf32> to vector<42x200xf32>
    %swap3A_3149 = vector.shape_cast %concatenate3A_3141 : vector<42x200xf32> to vector<1x1x1x42x200xf32>
    tpu.vector_store %arg15[%swap3A_3142, %swap3A_3143, %swap3A_3144, %swap3A_3145, %swap3A_3146], %swap3A_3149 {strides = array<i32>} : memref<1x36x1x42x200xf32, #tpu.memory_space<vmem>>, vector<1x1x1x42x200xf32>,
    %get3A_3150 = arith.constant 0 : index
    %get3A_3151 = arith.constant 26 : index
    %get3A_3152 = arith.constant 0 : index
    %get3A_3153 = arith.constant 0 : index
    %get3A_3154 = arith.constant 0 : index
    %get3A_3155 = vector.load %arg3[%get3A_3150, %get3A_3151, %get3A_3152, %get3A_3153, %get3A_3154] : memref<1x36x1x64x200xf32, #tpu.memory_space<vmem>>, vector<1x1x1x64x200xf32>
    %get3A_3156 = vector.shape_cast %get3A_3155 : vector<1x1x1x64x200xf32> to vector<64x200xf32>
    %get3A_3157 = arith.constant 0 : index
    %get3A_3158 = arith.constant 0 : index
    %get3A_3159 = vector.load %arg4[%get3A_3157, %get3A_3158] : memref<64x64xf32, #tpu.memory_space<vmem>>, vector<64x64xf32>
    %dot_general3A_3160 = arith.constant dense<0.000000e+00> : vector<64x200xf32>
    %dot_general3A_3161 = tpu.matmul %get3A_3159, %get3A_3156, %dot_general3A_3160 {dimension_numbers = #tpu.dot_dimension_numbers<[1], [0], [0], [1], [0, 0, 1, 1], [], []>, transpose_lhs_hint = false} : vector<64x64xf32>, vector<64x200xf32>, vector<64x200xf32> -> vector<64x200xf32>
    %get3A_3162 = arith.constant 0 : index
    %get3A_3163 = arith.constant 0 : index
    %get3A_3164 = vector.load %arg5[%get3A_3162, %get3A_3163] : memref<64x1xf32, #tpu.memory_space<vmem>>, vector<64x1xf32>
    %add3A_3165 = vector.broadcast %get3A_3164 : vector<64x1xf32> to vector<64x200xf32>
    %add3A_3166 = arith.addf %dot_general3A_3161, %add3A_3165 : vector<64x200xf32>
    %max3A_3167 = arith.constant 0.000000e+00 : f32
    %max3A_3168 = vector.broadcast %max3A_3167 : f32 to vector<64x200xf32>
    %max3A_3169 = arith.maximumf %add3A_3166, %max3A_3168 : vector<64x200xf32>
    %get3A_3170 = arith.constant 0 : index
    %get3A_3171 = arith.constant 0 : index
    %get3A_3172 = vector.load %arg6[%get3A_3170, %get3A_3171] : memref<24x64xf32, #tpu.memory_space<vmem>>, vector<24x64xf32>
    %dot_general3A_3173 = arith.constant dense<0.000000e+00> : vector<24x200xf32>
    %dot_general3A_3174 = tpu.matmul %get3A_3172, %max3A_3169, %dot_general3A_3173 {dimension_numbers = #tpu.dot_dimension_numbers<[1], [0], [0], [1], [0, 0, 1, 1], [], []>, transpose_lhs_hint = false} : vector<24x64xf32>, vector<64x200xf32>, vector<24x200xf32> -> vector<24x200xf32>
    %get3A_3175 = arith.constant 0 : index
    %get3A_3176 = arith.constant 0 : index
    %get3A_3177 = vector.load %arg7[%get3A_3175, %get3A_3176] : memref<24x1xf32, #tpu.memory_space<vmem>>, vector<24x1xf32>
    %add3A_3178 = vector.broadcast %get3A_3177 : vector<24x1xf32> to vector<24x200xf32>
    %add3A_3179 = arith.addf %dot_general3A_3174, %add3A_3178 : vector<24x200xf32>
    %swap3A_3180 = arith.constant 0 : index
    %swap3A_3181 = arith.constant 26 : index
    %swap3A_3182 = arith.constant 0 : index
    %swap3A_3183 = arith.constant 0 : index
    %swap3A_3184 = arith.constant 0 : index
    %swap3A_3185 = vector.load %arg14[%swap3A_3180, %swap3A_3181, %swap3A_3182, %swap3A_3183, %swap3A_3184] : memref<1x36x1x24x200xf32, #tpu.memory_space<vmem>>, vector<1x1x1x24x200xf32>
    %swap3A_3186 = vector.shape_cast %swap3A_3185 : vector<1x1x1x24x200xf32> to vector<24x200xf32>
    %swap3A_3187 = vector.shape_cast %add3A_3179 : vector<24x200xf32> to vector<1x1x1x24x200xf32>
    tpu.vector_store %arg14[%swap3A_3180, %swap3A_3181, %swap3A_3182, %swap3A_3183, %swap3A_3184], %swap3A_3187 {strides = array<i32>} : memref<1x36x1x24x200xf32, #tpu.memory_space<vmem>>, vector<1x1x1x24x200xf32>,
    %get3A_3188 = arith.constant 0 : index
    %get3A_3189 = arith.constant 0 : index
    %get3A_3190 = vector.load %arg8[%get3A_3188, %get3A_3189] : memref<64x64xf32, #tpu.memory_space<vmem>>, vector<64x64xf32>
    %dot_general3A_3191 = arith.constant dense<0.000000e+00> : vector<64x200xf32>
    %dot_general3A_3192 = tpu.matmul %get3A_3190, %get3A_3156, %dot_general3A_3191 {dimension_numbers = #tpu.dot_dimension_numbers<[1], [0], [0], [1], [0, 0, 1, 1], [], []>, transpose_lhs_hint = false} : vector<64x64xf32>, vector<64x200xf32>, vector<64x200xf32> -> vector<64x200xf32>
    %get3A_3193 = arith.constant 0 : index
    %get3A_3194 = arith.constant 0 : index
    %get3A_3195 = vector.load %arg9[%get3A_3193, %get3A_3194] : memref<64x1xf32, #tpu.memory_space<vmem>>, vector<64x1xf32>
    %add3A_3196 = vector.broadcast %get3A_3195 : vector<64x1xf32> to vector<64x200xf32>
    %add3A_3197 = arith.addf %dot_general3A_3192, %add3A_3196 : vector<64x200xf32>
    %max3A_3198 = arith.constant 0.000000e+00 : f32
    %max3A_3199 = vector.broadcast %max3A_3198 : f32 to vector<64x200xf32>
    %max3A_3200 = arith.maximumf %add3A_3197, %max3A_3199 : vector<64x200xf32>
    %get3A_3201 = arith.constant 0 : index
    %get3A_3202 = arith.constant 0 : index
    %get3A_3203 = vector.load %arg10[%get3A_3201, %get3A_3202] : memref<42x64xf32, #tpu.memory_space<vmem>>, vector<42x64xf32>
    %dot_general3A_3204 = arith.constant dense<0.000000e+00> : vector<42x200xf32>
    %dot_general3A_3205 = tpu.matmul %get3A_3203, %max3A_3200, %dot_general3A_3204 {dimension_numbers = #tpu.dot_dimension_numbers<[1], [0], [0], [1], [0, 0, 1, 1], [], []>, transpose_lhs_hint = false} : vector<42x64xf32>, vector<64x200xf32>, vector<42x200xf32> -> vector<42x200xf32>
    %get3A_3206 = arith.constant 0 : index
    %get3A_3207 = arith.constant 0 : index
    %get3A_3208 = vector.load %arg11[%get3A_3206, %get3A_3207] : memref<42x1xf32, #tpu.memory_space<vmem>>, vector<42x1xf32>
    %add3A_3209 = vector.broadcast %get3A_3208 : vector<42x1xf32> to vector<42x200xf32>
    %add3A_3210 = arith.addf %dot_general3A_3205, %add3A_3209 : vector<42x200xf32>
    %add3A_3211 = arith.constant 26 : i32
    %add3A_3212 = arith.addi %mul3A_0, %add3A_3211 : i32
    %convert_element_type3A_3213 = arith.sitofp %add3A_3212 : i32 to f32
    %mul3A_3214 = arith.constant 4.000000e-01 : f32
    %mul3A_3215 = arith.mulf %mul3A_3214, %convert_element_type3A_3213 : f32
    %add3A_3216 = arith.constant 0.000000e+00 : f32
    %add3A_3217 = arith.addf %add3A_3216, %mul3A_3215 : f32
    %add3A_3218 = arith.constant 2.000000e-01 : f32
    %add3A_3219 = arith.addf %add3A_3217, %add3A_3218 : f32
    %slice3A_3220 = vector.extract_strided_slice %add3A_3210 {offsets = [0, 0], sizes = [36, 200], strides = [1, 1]} : vector<42x200xf32> to vector<36x200xf32>
    %mul3A_3221 = vector.broadcast %get3A_17 : vector<36x1xf32> to vector<36x200xf32>
    %mul3A_3222 = arith.mulf %slice3A_3220, %mul3A_3221 : vector<36x200xf32>
    %mul3A_3223 = vector.broadcast %add3A_3219 : f32 to vector<36x1xf32>
    %mul3A_3224 = arith.mulf %mul3A_3223, %get3A_38 : vector<36x1xf32>
    %add3A_3225 = vector.broadcast %mul3A_3224 : vector<36x1xf32> to vector<36x200xf32>
    %add3A_3226 = arith.addf %add3A_35, %add3A_3225 : vector<36x200xf32>
    %add3A_3227 = arith.addf %mul3A_3222, %add3A_3226 : vector<36x200xf32>
    %exp3A_3228 = math.exp %slice3A_3220 : vector<36x200xf32>
    %mul3A_3229 = vector.broadcast %get3A_17 : vector<36x1xf32> to vector<36x200xf32>
    %mul3A_3230 = arith.mulf %exp3A_3228, %mul3A_3229 : vector<36x200xf32>
    %broadcast_in_dim3A_3231 = vector.shape_cast %gt3A_22 : vector<36x1xi1> to vector<36x1xi1>
    %broadcast_in_dim3A_3232 = vector.broadcast %broadcast_in_dim3A_3231 : vector<36x1xi1> to vector<36x200xi1>
    %select_n3A_3233 = arith.select %broadcast_in_dim3A_3232, %add3A_3227, %mul3A_3230 : vector<36x200xi1>, vector<36x200xf32>
    %slice3A_3234 = vector.extract_strided_slice %add3A_3210 {offsets = [36, 0], sizes = [6, 200], strides = [1, 1]} : vector<42x200xf32> to vector<6x200xf32>
    %logistic3A_3235 = arith.negf %slice3A_3234 : vector<6x200xf32>
    %logistic3A_3236 = math.exp %logistic3A_3235 : vector<6x200xf32>
    %logistic3A_3237 = arith.constant 1.000000e+00 : f32
    %logistic3A_3238 = vector.broadcast %logistic3A_3237 : f32 to vector<6x200xf32>
    %logistic3A_3239 = arith.addf %logistic3A_3238, %logistic3A_3236 : vector<6x200xf32>
    %logistic3A_3240 = arith.divf %logistic3A_3238, %logistic3A_3239 : vector<6x200xf32>
    %mul3A_3241 = vector.broadcast %get3A_41 : vector<6x1xf32> to vector<6x200xf32>
    %mul3A_3242 = arith.mulf %logistic3A_3240, %mul3A_3241 : vector<6x200xf32>
    %mul3A_3243 = arith.mulf %mul3A_3242, %mul3A_3242 : vector<6x200xf32>
    %sub3A_3244 = arith.constant 1.000000e+00 : f32
    %sub3A_3245 = vector.broadcast %sub3A_3244 : f32 to vector<6x200xf32>
    %sub3A_3246 = arith.subf %sub3A_3245, %mul3A_3243 : vector<6x200xf32>
    %sqrt3A_3247 = math.sqrt %sub3A_3246 : vector<6x200xf32>
    %atan23A_3248 = math.atan2 %mul3A_3242, %sqrt3A_3247 : vector<6x200xf32>
    %slice3A_3249 = vector.extract_strided_slice %select_n3A_3233 {offsets = [0, 0], sizes = [6, 200], strides = [1, 1]} : vector<36x200xf32> to vector<6x200xf32>
    %slice3A_3250 = vector.extract_strided_slice %atan23A_3248 {offsets = [0, 0], sizes = [1, 200], strides = [1, 1]} : vector<6x200xf32> to vector<1x200xf32>
    %slice3A_3251 = vector.extract_strided_slice %select_n3A_3233 {offsets = [6, 0], sizes = [6, 200], strides = [1, 1]} : vector<36x200xf32> to vector<6x200xf32>
    %slice3A_3252 = vector.extract_strided_slice %atan23A_3248 {offsets = [1, 0], sizes = [1, 200], strides = [1, 1]} : vector<6x200xf32> to vector<1x200xf32>
    %slice3A_3253 = vector.extract_strided_slice %select_n3A_3233 {offsets = [12, 0], sizes = [6, 200], strides = [1, 1]} : vector<36x200xf32> to vector<6x200xf32>
    %slice3A_3254 = vector.extract_strided_slice %atan23A_3248 {offsets = [2, 0], sizes = [1, 200], strides = [1, 1]} : vector<6x200xf32> to vector<1x200xf32>
    %slice3A_3255 = vector.extract_strided_slice %select_n3A_3233 {offsets = [18, 0], sizes = [6, 200], strides = [1, 1]} : vector<36x200xf32> to vector<6x200xf32>
    %slice3A_3256 = vector.extract_strided_slice %atan23A_3248 {offsets = [3, 0], sizes = [1, 200], strides = [1, 1]} : vector<6x200xf32> to vector<1x200xf32>
    %slice3A_3257 = vector.extract_strided_slice %select_n3A_3233 {offsets = [24, 0], sizes = [6, 200], strides = [1, 1]} : vector<36x200xf32> to vector<6x200xf32>
    %slice3A_3258 = vector.extract_strided_slice %atan23A_3248 {offsets = [4, 0], sizes = [1, 200], strides = [1, 1]} : vector<6x200xf32> to vector<1x200xf32>
    %slice3A_3259 = vector.extract_strided_slice %select_n3A_3233 {offsets = [30, 0], sizes = [6, 200], strides = [1, 1]} : vector<36x200xf32> to vector<6x200xf32>
    %slice3A_3260 = vector.extract_strided_slice %atan23A_3248 {offsets = [5, 0], sizes = [1, 200], strides = [1, 1]} : vector<6x200xf32> to vector<1x200xf32>
    %concatenate3A_3261 = tpu.concatenate %slice3A_3249, %slice3A_3250, %slice3A_3251, %slice3A_3252, %slice3A_3253, %slice3A_3254, %slice3A_3255, %slice3A_3256, %slice3A_3257, %slice3A_3258, %slice3A_3259, %slice3A_3260 in 0 : vector<6x200xf32>, vector<1x200xf32>, vector<6x200xf32>, vector<1x200xf32>, vector<6x200xf32>, vector<1x200xf32>, vector<6x200xf32>, vector<1x200xf32>, vector<6x200xf32>, vector<1x200xf32>, vector<6x200xf32>, vector<1x200xf32> -> vector<42x200xf32>
    %swap3A_3262 = arith.constant 0 : index
    %swap3A_3263 = arith.constant 26 : index
    %swap3A_3264 = arith.constant 0 : index
    %swap3A_3265 = arith.constant 0 : index
    %swap3A_3266 = arith.constant 0 : index
    %swap3A_3267 = vector.load %arg15[%swap3A_3262, %swap3A_3263, %swap3A_3264, %swap3A_3265, %swap3A_3266] : memref<1x36x1x42x200xf32, #tpu.memory_space<vmem>>, vector<1x1x1x42x200xf32>
    %swap3A_3268 = vector.shape_cast %swap3A_3267 : vector<1x1x1x42x200xf32> to vector<42x200xf32>
    %swap3A_3269 = vector.shape_cast %concatenate3A_3261 : vector<42x200xf32> to vector<1x1x1x42x200xf32>
    tpu.vector_store %arg15[%swap3A_3262, %swap3A_3263, %swap3A_3264, %swap3A_3265, %swap3A_3266], %swap3A_3269 {strides = array<i32>} : memref<1x36x1x42x200xf32, #tpu.memory_space<vmem>>, vector<1x1x1x42x200xf32>,
    %get3A_3270 = arith.constant 0 : index
    %get3A_3271 = arith.constant 27 : index
    %get3A_3272 = arith.constant 0 : index
    %get3A_3273 = arith.constant 0 : index
    %get3A_3274 = arith.constant 0 : index
    %get3A_3275 = vector.load %arg3[%get3A_3270, %get3A_3271, %get3A_3272, %get3A_3273, %get3A_3274] : memref<1x36x1x64x200xf32, #tpu.memory_space<vmem>>, vector<1x1x1x64x200xf32>
    %get3A_3276 = vector.shape_cast %get3A_3275 : vector<1x1x1x64x200xf32> to vector<64x200xf32>
    %get3A_3277 = arith.constant 0 : index
    %get3A_3278 = arith.constant 0 : index
    %get3A_3279 = vector.load %arg4[%get3A_3277, %get3A_3278] : memref<64x64xf32, #tpu.memory_space<vmem>>, vector<64x64xf32>
    %dot_general3A_3280 = arith.constant dense<0.000000e+00> : vector<64x200xf32>
    %dot_general3A_3281 = tpu.matmul %get3A_3279, %get3A_3276, %dot_general3A_3280 {dimension_numbers = #tpu.dot_dimension_numbers<[1], [0], [0], [1], [0, 0, 1, 1], [], []>, transpose_lhs_hint = false} : vector<64x64xf32>, vector<64x200xf32>, vector<64x200xf32> -> vector<64x200xf32>
    %get3A_3282 = arith.constant 0 : index
    %get3A_3283 = arith.constant 0 : index
    %get3A_3284 = vector.load %arg5[%get3A_3282, %get3A_3283] : memref<64x1xf32, #tpu.memory_space<vmem>>, vector<64x1xf32>
    %add3A_3285 = vector.broadcast %get3A_3284 : vector<64x1xf32> to vector<64x200xf32>
    %add3A_3286 = arith.addf %dot_general3A_3281, %add3A_3285 : vector<64x200xf32>
    %max3A_3287 = arith.constant 0.000000e+00 : f32
    %max3A_3288 = vector.broadcast %max3A_3287 : f32 to vector<64x200xf32>
    %max3A_3289 = arith.maximumf %add3A_3286, %max3A_3288 : vector<64x200xf32>
    %get3A_3290 = arith.constant 0 : index
    %get3A_3291 = arith.constant 0 : index
    %get3A_3292 = vector.load %arg6[%get3A_3290, %get3A_3291] : memref<24x64xf32, #tpu.memory_space<vmem>>, vector<24x64xf32>
    %dot_general3A_3293 = arith.constant dense<0.000000e+00> : vector<24x200xf32>
    %dot_general3A_3294 = tpu.matmul %get3A_3292, %max3A_3289, %dot_general3A_3293 {dimension_numbers = #tpu.dot_dimension_numbers<[1], [0], [0], [1], [0, 0, 1, 1], [], []>, transpose_lhs_hint = false} : vector<24x64xf32>, vector<64x200xf32>, vector<24x200xf32> -> vector<24x200xf32>
    %get3A_3295 = arith.constant 0 : index
    %get3A_3296 = arith.constant 0 : index
    %get3A_3297 = vector.load %arg7[%get3A_3295, %get3A_3296] : memref<24x1xf32, #tpu.memory_space<vmem>>, vector<24x1xf32>
    %add3A_3298 = vector.broadcast %get3A_3297 : vector<24x1xf32> to vector<24x200xf32>
    %add3A_3299 = arith.addf %dot_general3A_3294, %add3A_3298 : vector<24x200xf32>
    %swap3A_3300 = arith.constant 0 : index
    %swap3A_3301 = arith.constant 27 : index
    %swap3A_3302 = arith.constant 0 : index
    %swap3A_3303 = arith.constant 0 : index
    %swap3A_3304 = arith.constant 0 : index
    %swap3A_3305 = vector.load %arg14[%swap3A_3300, %swap3A_3301, %swap3A_3302, %swap3A_3303, %swap3A_3304] : memref<1x36x1x24x200xf32, #tpu.memory_space<vmem>>, vector<1x1x1x24x200xf32>
    %swap3A_3306 = vector.shape_cast %swap3A_3305 : vector<1x1x1x24x200xf32> to vector<24x200xf32>
    %swap3A_3307 = vector.shape_cast %add3A_3299 : vector<24x200xf32> to vector<1x1x1x24x200xf32>
    tpu.vector_store %arg14[%swap3A_3300, %swap3A_3301, %swap3A_3302, %swap3A_3303, %swap3A_3304], %swap3A_3307 {strides = array<i32>} : memref<1x36x1x24x200xf32, #tpu.memory_space<vmem>>, vector<1x1x1x24x200xf32>,
    %get3A_3308 = arith.constant 0 : index
    %get3A_3309 = arith.constant 0 : index
    %get3A_3310 = vector.load %arg8[%get3A_3308, %get3A_3309] : memref<64x64xf32, #tpu.memory_space<vmem>>, vector<64x64xf32>
    %dot_general3A_3311 = arith.constant dense<0.000000e+00> : vector<64x200xf32>
    %dot_general3A_3312 = tpu.matmul %get3A_3310, %get3A_3276, %dot_general3A_3311 {dimension_numbers = #tpu.dot_dimension_numbers<[1], [0], [0], [1], [0, 0, 1, 1], [], []>, transpose_lhs_hint = false} : vector<64x64xf32>, vector<64x200xf32>, vector<64x200xf32> -> vector<64x200xf32>
    %get3A_3313 = arith.constant 0 : index
    %get3A_3314 = arith.constant 0 : index
    %get3A_3315 = vector.load %arg9[%get3A_3313, %get3A_3314] : memref<64x1xf32, #tpu.memory_space<vmem>>, vector<64x1xf32>
    %add3A_3316 = vector.broadcast %get3A_3315 : vector<64x1xf32> to vector<64x200xf32>
    %add3A_3317 = arith.addf %dot_general3A_3312, %add3A_3316 : vector<64x200xf32>
    %max3A_3318 = arith.constant 0.000000e+00 : f32
    %max3A_3319 = vector.broadcast %max3A_3318 : f32 to vector<64x200xf32>
    %max3A_3320 = arith.maximumf %add3A_3317, %max3A_3319 : vector<64x200xf32>
    %get3A_3321 = arith.constant 0 : index
    %get3A_3322 = arith.constant 0 : index
    %get3A_3323 = vector.load %arg10[%get3A_3321, %get3A_3322] : memref<42x64xf32, #tpu.memory_space<vmem>>, vector<42x64xf32>
    %dot_general3A_3324 = arith.constant dense<0.000000e+00> : vector<42x200xf32>
    %dot_general3A_3325 = tpu.matmul %get3A_3323, %max3A_3320, %dot_general3A_3324 {dimension_numbers = #tpu.dot_dimension_numbers<[1], [0], [0], [1], [0, 0, 1, 1], [], []>, transpose_lhs_hint = false} : vector<42x64xf32>, vector<64x200xf32>, vector<42x200xf32> -> vector<42x200xf32>
    %get3A_3326 = arith.constant 0 : index
    %get3A_3327 = arith.constant 0 : index
    %get3A_3328 = vector.load %arg11[%get3A_3326, %get3A_3327] : memref<42x1xf32, #tpu.memory_space<vmem>>, vector<42x1xf32>
    %add3A_3329 = vector.broadcast %get3A_3328 : vector<42x1xf32> to vector<42x200xf32>
    %add3A_3330 = arith.addf %dot_general3A_3325, %add3A_3329 : vector<42x200xf32>
    %add3A_3331 = arith.constant 27 : i32
    %add3A_3332 = arith.addi %mul3A_0, %add3A_3331 : i32
    %convert_element_type3A_3333 = arith.sitofp %add3A_3332 : i32 to f32
    %mul3A_3334 = arith.constant 4.000000e-01 : f32
    %mul3A_3335 = arith.mulf %mul3A_3334, %convert_element_type3A_3333 : f32
    %add3A_3336 = arith.constant 0.000000e+00 : f32
    %add3A_3337 = arith.addf %add3A_3336, %mul3A_3335 : f32
    %add3A_3338 = arith.constant 2.000000e-01 : f32
    %add3A_3339 = arith.addf %add3A_3337, %add3A_3338 : f32
    %slice3A_3340 = vector.extract_strided_slice %add3A_3330 {offsets = [0, 0], sizes = [36, 200], strides = [1, 1]} : vector<42x200xf32> to vector<36x200xf32>
    %mul3A_3341 = vector.broadcast %get3A_17 : vector<36x1xf32> to vector<36x200xf32>
    %mul3A_3342 = arith.mulf %slice3A_3340, %mul3A_3341 : vector<36x200xf32>
    %mul3A_3343 = vector.broadcast %add3A_3339 : f32 to vector<36x1xf32>
    %mul3A_3344 = arith.mulf %mul3A_3343, %get3A_38 : vector<36x1xf32>
    %add3A_3345 = vector.broadcast %mul3A_3344 : vector<36x1xf32> to vector<36x200xf32>
    %add3A_3346 = arith.addf %add3A_35, %add3A_3345 : vector<36x200xf32>
    %add3A_3347 = arith.addf %mul3A_3342, %add3A_3346 : vector<36x200xf32>
    %exp3A_3348 = math.exp %slice3A_3340 : vector<36x200xf32>
    %mul3A_3349 = vector.broadcast %get3A_17 : vector<36x1xf32> to vector<36x200xf32>
    %mul3A_3350 = arith.mulf %exp3A_3348, %mul3A_3349 : vector<36x200xf32>
    %broadcast_in_dim3A_3351 = vector.shape_cast %gt3A_22 : vector<36x1xi1> to vector<36x1xi1>
    %broadcast_in_dim3A_3352 = vector.broadcast %broadcast_in_dim3A_3351 : vector<36x1xi1> to vector<36x200xi1>
    %select_n3A_3353 = arith.select %broadcast_in_dim3A_3352, %add3A_3347, %mul3A_3350 : vector<36x200xi1>, vector<36x200xf32>
    %slice3A_3354 = vector.extract_strided_slice %add3A_3330 {offsets = [36, 0], sizes = [6, 200], strides = [1, 1]} : vector<42x200xf32> to vector<6x200xf32>
    %logistic3A_3355 = arith.negf %slice3A_3354 : vector<6x200xf32>
    %logistic3A_3356 = math.exp %logistic3A_3355 : vector<6x200xf32>
    %logistic3A_3357 = arith.constant 1.000000e+00 : f32
    %logistic3A_3358 = vector.broadcast %logistic3A_3357 : f32 to vector<6x200xf32>
    %logistic3A_3359 = arith.addf %logistic3A_3358, %logistic3A_3356 : vector<6x200xf32>
    %logistic3A_3360 = arith.divf %logistic3A_3358, %logistic3A_3359 : vector<6x200xf32>
    %mul3A_3361 = vector.broadcast %get3A_41 : vector<6x1xf32> to vector<6x200xf32>
    %mul3A_3362 = arith.mulf %logistic3A_3360, %mul3A_3361 : vector<6x200xf32>
    %mul3A_3363 = arith.mulf %mul3A_3362, %mul3A_3362 : vector<6x200xf32>
    %sub3A_3364 = arith.constant 1.000000e+00 : f32
    %sub3A_3365 = vector.broadcast %sub3A_3364 : f32 to vector<6x200xf32>
    %sub3A_3366 = arith.subf %sub3A_3365, %mul3A_3363 : vector<6x200xf32>
    %sqrt3A_3367 = math.sqrt %sub3A_3366 : vector<6x200xf32>
    %atan23A_3368 = math.atan2 %mul3A_3362, %sqrt3A_3367 : vector<6x200xf32>
    %slice3A_3369 = vector.extract_strided_slice %select_n3A_3353 {offsets = [0, 0], sizes = [6, 200], strides = [1, 1]} : vector<36x200xf32> to vector<6x200xf32>
    %slice3A_3370 = vector.extract_strided_slice %atan23A_3368 {offsets = [0, 0], sizes = [1, 200], strides = [1, 1]} : vector<6x200xf32> to vector<1x200xf32>
    %slice3A_3371 = vector.extract_strided_slice %select_n3A_3353 {offsets = [6, 0], sizes = [6, 200], strides = [1, 1]} : vector<36x200xf32> to vector<6x200xf32>
    %slice3A_3372 = vector.extract_strided_slice %atan23A_3368 {offsets = [1, 0], sizes = [1, 200], strides = [1, 1]} : vector<6x200xf32> to vector<1x200xf32>
    %slice3A_3373 = vector.extract_strided_slice %select_n3A_3353 {offsets = [12, 0], sizes = [6, 200], strides = [1, 1]} : vector<36x200xf32> to vector<6x200xf32>
    %slice3A_3374 = vector.extract_strided_slice %atan23A_3368 {offsets = [2, 0], sizes = [1, 200], strides = [1, 1]} : vector<6x200xf32> to vector<1x200xf32>
    %slice3A_3375 = vector.extract_strided_slice %select_n3A_3353 {offsets = [18, 0], sizes = [6, 200], strides = [1, 1]} : vector<36x200xf32> to vector<6x200xf32>
    %slice3A_3376 = vector.extract_strided_slice %atan23A_3368 {offsets = [3, 0], sizes = [1, 200], strides = [1, 1]} : vector<6x200xf32> to vector<1x200xf32>
    %slice3A_3377 = vector.extract_strided_slice %select_n3A_3353 {offsets = [24, 0], sizes = [6, 200], strides = [1, 1]} : vector<36x200xf32> to vector<6x200xf32>
    %slice3A_3378 = vector.extract_strided_slice %atan23A_3368 {offsets = [4, 0], sizes = [1, 200], strides = [1, 1]} : vector<6x200xf32> to vector<1x200xf32>
    %slice3A_3379 = vector.extract_strided_slice %select_n3A_3353 {offsets = [30, 0], sizes = [6, 200], strides = [1, 1]} : vector<36x200xf32> to vector<6x200xf32>
    %slice3A_3380 = vector.extract_strided_slice %atan23A_3368 {offsets = [5, 0], sizes = [1, 200], strides = [1, 1]} : vector<6x200xf32> to vector<1x200xf32>
    %concatenate3A_3381 = tpu.concatenate %slice3A_3369, %slice3A_3370, %slice3A_3371, %slice3A_3372, %slice3A_3373, %slice3A_3374, %slice3A_3375, %slice3A_3376, %slice3A_3377, %slice3A_3378, %slice3A_3379, %slice3A_3380 in 0 : vector<6x200xf32>, vector<1x200xf32>, vector<6x200xf32>, vector<1x200xf32>, vector<6x200xf32>, vector<1x200xf32>, vector<6x200xf32>, vector<1x200xf32>, vector<6x200xf32>, vector<1x200xf32>, vector<6x200xf32>, vector<1x200xf32> -> vector<42x200xf32>
    %swap3A_3382 = arith.constant 0 : index
    %swap3A_3383 = arith.constant 27 : index
    %swap3A_3384 = arith.constant 0 : index
    %swap3A_3385 = arith.constant 0 : index
    %swap3A_3386 = arith.constant 0 : index
    %swap3A_3387 = vector.load %arg15[%swap3A_3382, %swap3A_3383, %swap3A_3384, %swap3A_3385, %swap3A_3386] : memref<1x36x1x42x200xf32, #tpu.memory_space<vmem>>, vector<1x1x1x42x200xf32>
    %swap3A_3388 = vector.shape_cast %swap3A_3387 : vector<1x1x1x42x200xf32> to vector<42x200xf32>
    %swap3A_3389 = vector.shape_cast %concatenate3A_3381 : vector<42x200xf32> to vector<1x1x1x42x200xf32>
    tpu.vector_store %arg15[%swap3A_3382, %swap3A_3383, %swap3A_3384, %swap3A_3385, %swap3A_3386], %swap3A_3389 {strides = array<i32>} : memref<1x36x1x42x200xf32, #tpu.memory_space<vmem>>, vector<1x1x1x42x200xf32>,
    %get3A_3390 = arith.constant 0 : index
    %get3A_3391 = arith.constant 28 : index
    %get3A_3392 = arith.constant 0 : index
    %get3A_3393 = arith.constant 0 : index
    %get3A_3394 = arith.constant 0 : index
    %get3A_3395 = vector.load %arg3[%get3A_3390, %get3A_3391, %get3A_3392, %get3A_3393, %get3A_3394] : memref<1x36x1x64x200xf32, #tpu.memory_space<vmem>>, vector<1x1x1x64x200xf32>
    %get3A_3396 = vector.shape_cast %get3A_3395 : vector<1x1x1x64x200xf32> to vector<64x200xf32>
    %get3A_3397 = arith.constant 0 : index
    %get3A_3398 = arith.constant 0 : index
    %get3A_3399 = vector.load %arg4[%get3A_3397, %get3A_3398] : memref<64x64xf32, #tpu.memory_space<vmem>>, vector<64x64xf32>
    %dot_general3A_3400 = arith.constant dense<0.000000e+00> : vector<64x200xf32>
    %dot_general3A_3401 = tpu.matmul %get3A_3399, %get3A_3396, %dot_general3A_3400 {dimension_numbers = #tpu.dot_dimension_numbers<[1], [0], [0], [1], [0, 0, 1, 1], [], []>, transpose_lhs_hint = false} : vector<64x64xf32>, vector<64x200xf32>, vector<64x200xf32> -> vector<64x200xf32>
    %get3A_3402 = arith.constant 0 : index
    %get3A_3403 = arith.constant 0 : index
    %get3A_3404 = vector.load %arg5[%get3A_3402, %get3A_3403] : memref<64x1xf32, #tpu.memory_space<vmem>>, vector<64x1xf32>
    %add3A_3405 = vector.broadcast %get3A_3404 : vector<64x1xf32> to vector<64x200xf32>
    %add3A_3406 = arith.addf %dot_general3A_3401, %add3A_3405 : vector<64x200xf32>
    %max3A_3407 = arith.constant 0.000000e+00 : f32
    %max3A_3408 = vector.broadcast %max3A_3407 : f32 to vector<64x200xf32>
    %max3A_3409 = arith.maximumf %add3A_3406, %max3A_3408 : vector<64x200xf32>
    %get3A_3410 = arith.constant 0 : index
    %get3A_3411 = arith.constant 0 : index
    %get3A_3412 = vector.load %arg6[%get3A_3410, %get3A_3411] : memref<24x64xf32, #tpu.memory_space<vmem>>, vector<24x64xf32>
    %dot_general3A_3413 = arith.constant dense<0.000000e+00> : vector<24x200xf32>
    %dot_general3A_3414 = tpu.matmul %get3A_3412, %max3A_3409, %dot_general3A_3413 {dimension_numbers = #tpu.dot_dimension_numbers<[1], [0], [0], [1], [0, 0, 1, 1], [], []>, transpose_lhs_hint = false} : vector<24x64xf32>, vector<64x200xf32>, vector<24x200xf32> -> vector<24x200xf32>
    %get3A_3415 = arith.constant 0 : index
    %get3A_3416 = arith.constant 0 : index
    %get3A_3417 = vector.load %arg7[%get3A_3415, %get3A_3416] : memref<24x1xf32, #tpu.memory_space<vmem>>, vector<24x1xf32>
    %add3A_3418 = vector.broadcast %get3A_3417 : vector<24x1xf32> to vector<24x200xf32>
    %add3A_3419 = arith.addf %dot_general3A_3414, %add3A_3418 : vector<24x200xf32>
    %swap3A_3420 = arith.constant 0 : index
    %swap3A_3421 = arith.constant 28 : index
    %swap3A_3422 = arith.constant 0 : index
    %swap3A_3423 = arith.constant 0 : index
    %swap3A_3424 = arith.constant 0 : index
    %swap3A_3425 = vector.load %arg14[%swap3A_3420, %swap3A_3421, %swap3A_3422, %swap3A_3423, %swap3A_3424] : memref<1x36x1x24x200xf32, #tpu.memory_space<vmem>>, vector<1x1x1x24x200xf32>
    %swap3A_3426 = vector.shape_cast %swap3A_3425 : vector<1x1x1x24x200xf32> to vector<24x200xf32>
    %swap3A_3427 = vector.shape_cast %add3A_3419 : vector<24x200xf32> to vector<1x1x1x24x200xf32>
    tpu.vector_store %arg14[%swap3A_3420, %swap3A_3421, %swap3A_3422, %swap3A_3423, %swap3A_3424], %swap3A_3427 {strides = array<i32>} : memref<1x36x1x24x200xf32, #tpu.memory_space<vmem>>, vector<1x1x1x24x200xf32>,
    %get3A_3428 = arith.constant 0 : index
    %get3A_3429 = arith.constant 0 : index
    %get3A_3430 = vector.load %arg8[%get3A_3428, %get3A_3429] : memref<64x64xf32, #tpu.memory_space<vmem>>, vector<64x64xf32>
    %dot_general3A_3431 = arith.constant dense<0.000000e+00> : vector<64x200xf32>
    %dot_general3A_3432 = tpu.matmul %get3A_3430, %get3A_3396, %dot_general3A_3431 {dimension_numbers = #tpu.dot_dimension_numbers<[1], [0], [0], [1], [0, 0, 1, 1], [], []>, transpose_lhs_hint = false} : vector<64x64xf32>, vector<64x200xf32>, vector<64x200xf32> -> vector<64x200xf32>
    %get3A_3433 = arith.constant 0 : index
    %get3A_3434 = arith.constant 0 : index
    %get3A_3435 = vector.load %arg9[%get3A_3433, %get3A_3434] : memref<64x1xf32, #tpu.memory_space<vmem>>, vector<64x1xf32>
    %add3A_3436 = vector.broadcast %get3A_3435 : vector<64x1xf32> to vector<64x200xf32>
    %add3A_3437 = arith.addf %dot_general3A_3432, %add3A_3436 : vector<64x200xf32>
    %max3A_3438 = arith.constant 0.000000e+00 : f32
    %max3A_3439 = vector.broadcast %max3A_3438 : f32 to vector<64x200xf32>
    %max3A_3440 = arith.maximumf %add3A_3437, %max3A_3439 : vector<64x200xf32>
    %get3A_3441 = arith.constant 0 : index
    %get3A_3442 = arith.constant 0 : index
    %get3A_3443 = vector.load %arg10[%get3A_3441, %get3A_3442] : memref<42x64xf32, #tpu.memory_space<vmem>>, vector<42x64xf32>
    %dot_general3A_3444 = arith.constant dense<0.000000e+00> : vector<42x200xf32>
    %dot_general3A_3445 = tpu.matmul %get3A_3443, %max3A_3440, %dot_general3A_3444 {dimension_numbers = #tpu.dot_dimension_numbers<[1], [0], [0], [1], [0, 0, 1, 1], [], []>, transpose_lhs_hint = false} : vector<42x64xf32>, vector<64x200xf32>, vector<42x200xf32> -> vector<42x200xf32>
    %get3A_3446 = arith.constant 0 : index
    %get3A_3447 = arith.constant 0 : index
    %get3A_3448 = vector.load %arg11[%get3A_3446, %get3A_3447] : memref<42x1xf32, #tpu.memory_space<vmem>>, vector<42x1xf32>
    %add3A_3449 = vector.broadcast %get3A_3448 : vector<42x1xf32> to vector<42x200xf32>
    %add3A_3450 = arith.addf %dot_general3A_3445, %add3A_3449 : vector<42x200xf32>
    %add3A_3451 = arith.constant 28 : i32
    %add3A_3452 = arith.addi %mul3A_0, %add3A_3451 : i32
    %convert_element_type3A_3453 = arith.sitofp %add3A_3452 : i32 to f32
    %mul3A_3454 = arith.constant 4.000000e-01 : f32
    %mul3A_3455 = arith.mulf %mul3A_3454, %convert_element_type3A_3453 : f32
    %add3A_3456 = arith.constant 0.000000e+00 : f32
    %add3A_3457 = arith.addf %add3A_3456, %mul3A_3455 : f32
    %add3A_3458 = arith.constant 2.000000e-01 : f32
    %add3A_3459 = arith.addf %add3A_3457, %add3A_3458 : f32
    %slice3A_3460 = vector.extract_strided_slice %add3A_3450 {offsets = [0, 0], sizes = [36, 200], strides = [1, 1]} : vector<42x200xf32> to vector<36x200xf32>
    %mul3A_3461 = vector.broadcast %get3A_17 : vector<36x1xf32> to vector<36x200xf32>
    %mul3A_3462 = arith.mulf %slice3A_3460, %mul3A_3461 : vector<36x200xf32>
    %mul3A_3463 = vector.broadcast %add3A_3459 : f32 to vector<36x1xf32>
    %mul3A_3464 = arith.mulf %mul3A_3463, %get3A_38 : vector<36x1xf32>
    %add3A_3465 = vector.broadcast %mul3A_3464 : vector<36x1xf32> to vector<36x200xf32>
    %add3A_3466 = arith.addf %add3A_35, %add3A_3465 : vector<36x200xf32>
    %add3A_3467 = arith.addf %mul3A_3462, %add3A_3466 : vector<36x200xf32>
    %exp3A_3468 = math.exp %slice3A_3460 : vector<36x200xf32>
    %mul3A_3469 = vector.broadcast %get3A_17 : vector<36x1xf32> to vector<36x200xf32>
    %mul3A_3470 = arith.mulf %exp3A_3468, %mul3A_3469 : vector<36x200xf32>
    %broadcast_in_dim3A_3471 = vector.shape_cast %gt3A_22 : vector<36x1xi1> to vector<36x1xi1>
    %broadcast_in_dim3A_3472 = vector.broadcast %broadcast_in_dim3A_3471 : vector<36x1xi1> to vector<36x200xi1>
    %select_n3A_3473 = arith.select %broadcast_in_dim3A_3472, %add3A_3467, %mul3A_3470 : vector<36x200xi1>, vector<36x200xf32>
    %slice3A_3474 = vector.extract_strided_slice %add3A_3450 {offsets = [36, 0], sizes = [6, 200], strides = [1, 1]} : vector<42x200xf32> to vector<6x200xf32>
    %logistic3A_3475 = arith.negf %slice3A_3474 : vector<6x200xf32>
    %logistic3A_3476 = math.exp %logistic3A_3475 : vector<6x200xf32>
    %logistic3A_3477 = arith.constant 1.000000e+00 : f32
    %logistic3A_3478 = vector.broadcast %logistic3A_3477 : f32 to vector<6x200xf32>
    %logistic3A_3479 = arith.addf %logistic3A_3478, %logistic3A_3476 : vector<6x200xf32>
    %logistic3A_3480 = arith.divf %logistic3A_3478, %logistic3A_3479 : vector<6x200xf32>
    %mul3A_3481 = vector.broadcast %get3A_41 : vector<6x1xf32> to vector<6x200xf32>
    %mul3A_3482 = arith.mulf %logistic3A_3480, %mul3A_3481 : vector<6x200xf32>
    %mul3A_3483 = arith.mulf %mul3A_3482, %mul3A_3482 : vector<6x200xf32>
    %sub3A_3484 = arith.constant 1.000000e+00 : f32
    %sub3A_3485 = vector.broadcast %sub3A_3484 : f32 to vector<6x200xf32>
    %sub3A_3486 = arith.subf %sub3A_3485, %mul3A_3483 : vector<6x200xf32>
    %sqrt3A_3487 = math.sqrt %sub3A_3486 : vector<6x200xf32>
    %atan23A_3488 = math.atan2 %mul3A_3482, %sqrt3A_3487 : vector<6x200xf32>
    %slice3A_3489 = vector.extract_strided_slice %select_n3A_3473 {offsets = [0, 0], sizes = [6, 200], strides = [1, 1]} : vector<36x200xf32> to vector<6x200xf32>
    %slice3A_3490 = vector.extract_strided_slice %atan23A_3488 {offsets = [0, 0], sizes = [1, 200], strides = [1, 1]} : vector<6x200xf32> to vector<1x200xf32>
    %slice3A_3491 = vector.extract_strided_slice %select_n3A_3473 {offsets = [6, 0], sizes = [6, 200], strides = [1, 1]} : vector<36x200xf32> to vector<6x200xf32>
    %slice3A_3492 = vector.extract_strided_slice %atan23A_3488 {offsets = [1, 0], sizes = [1, 200], strides = [1, 1]} : vector<6x200xf32> to vector<1x200xf32>
    %slice3A_3493 = vector.extract_strided_slice %select_n3A_3473 {offsets = [12, 0], sizes = [6, 200], strides = [1, 1]} : vector<36x200xf32> to vector<6x200xf32>
    %slice3A_3494 = vector.extract_strided_slice %atan23A_3488 {offsets = [2, 0], sizes = [1, 200], strides = [1, 1]} : vector<6x200xf32> to vector<1x200xf32>
    %slice3A_3495 = vector.extract_strided_slice %select_n3A_3473 {offsets = [18, 0], sizes = [6, 200], strides = [1, 1]} : vector<36x200xf32> to vector<6x200xf32>
    %slice3A_3496 = vector.extract_strided_slice %atan23A_3488 {offsets = [3, 0], sizes = [1, 200], strides = [1, 1]} : vector<6x200xf32> to vector<1x200xf32>
    %slice3A_3497 = vector.extract_strided_slice %select_n3A_3473 {offsets = [24, 0], sizes = [6, 200], strides = [1, 1]} : vector<36x200xf32> to vector<6x200xf32>
    %slice3A_3498 = vector.extract_strided_slice %atan23A_3488 {offsets = [4, 0], sizes = [1, 200], strides = [1, 1]} : vector<6x200xf32> to vector<1x200xf32>
    %slice3A_3499 = vector.extract_strided_slice %select_n3A_3473 {offsets = [30, 0], sizes = [6, 200], strides = [1, 1]} : vector<36x200xf32> to vector<6x200xf32>
    %slice3A_3500 = vector.extract_strided_slice %atan23A_3488 {offsets = [5, 0], sizes = [1, 200], strides = [1, 1]} : vector<6x200xf32> to vector<1x200xf32>
    %concatenate3A_3501 = tpu.concatenate %slice3A_3489, %slice3A_3490, %slice3A_3491, %slice3A_3492, %slice3A_3493, %slice3A_3494, %slice3A_3495, %slice3A_3496, %slice3A_3497, %slice3A_3498, %slice3A_3499, %slice3A_3500 in 0 : vector<6x200xf32>, vector<1x200xf32>, vector<6x200xf32>, vector<1x200xf32>, vector<6x200xf32>, vector<1x200xf32>, vector<6x200xf32>, vector<1x200xf32>, vector<6x200xf32>, vector<1x200xf32>, vector<6x200xf32>, vector<1x200xf32> -> vector<42x200xf32>
    %swap3A_3502 = arith.constant 0 : index
    %swap3A_3503 = arith.constant 28 : index
    %swap3A_3504 = arith.constant 0 : index
    %swap3A_3505 = arith.constant 0 : index
    %swap3A_3506 = arith.constant 0 : index
    %swap3A_3507 = vector.load %arg15[%swap3A_3502, %swap3A_3503, %swap3A_3504, %swap3A_3505, %swap3A_3506] : memref<1x36x1x42x200xf32, #tpu.memory_space<vmem>>, vector<1x1x1x42x200xf32>
    %swap3A_3508 = vector.shape_cast %swap3A_3507 : vector<1x1x1x42x200xf32> to vector<42x200xf32>
    %swap3A_3509 = vector.shape_cast %concatenate3A_3501 : vector<42x200xf32> to vector<1x1x1x42x200xf32>
    tpu.vector_store %arg15[%swap3A_3502, %swap3A_3503, %swap3A_3504, %swap3A_3505, %swap3A_3506], %swap3A_3509 {strides = array<i32>} : memref<1x36x1x42x200xf32, #tpu.memory_space<vmem>>, vector<1x1x1x42x200xf32>,
    %get3A_3510 = arith.constant 0 : index
    %get3A_3511 = arith.constant 29 : index
    %get3A_3512 = arith.constant 0 : index
    %get3A_3513 = arith.constant 0 : index
    %get3A_3514 = arith.constant 0 : index
    %get3A_3515 = vector.load %arg3[%get3A_3510, %get3A_3511, %get3A_3512, %get3A_3513, %get3A_3514] : memref<1x36x1x64x200xf32, #tpu.memory_space<vmem>>, vector<1x1x1x64x200xf32>
    %get3A_3516 = vector.shape_cast %get3A_3515 : vector<1x1x1x64x200xf32> to vector<64x200xf32>
    %get3A_3517 = arith.constant 0 : index
    %get3A_3518 = arith.constant 0 : index
    %get3A_3519 = vector.load %arg4[%get3A_3517, %get3A_3518] : memref<64x64xf32, #tpu.memory_space<vmem>>, vector<64x64xf32>
    %dot_general3A_3520 = arith.constant dense<0.000000e+00> : vector<64x200xf32>
    %dot_general3A_3521 = tpu.matmul %get3A_3519, %get3A_3516, %dot_general3A_3520 {dimension_numbers = #tpu.dot_dimension_numbers<[1], [0], [0], [1], [0, 0, 1, 1], [], []>, transpose_lhs_hint = false} : vector<64x64xf32>, vector<64x200xf32>, vector<64x200xf32> -> vector<64x200xf32>
    %get3A_3522 = arith.constant 0 : index
    %get3A_3523 = arith.constant 0 : index
    %get3A_3524 = vector.load %arg5[%get3A_3522, %get3A_3523] : memref<64x1xf32, #tpu.memory_space<vmem>>, vector<64x1xf32>
    %add3A_3525 = vector.broadcast %get3A_3524 : vector<64x1xf32> to vector<64x200xf32>
    %add3A_3526 = arith.addf %dot_general3A_3521, %add3A_3525 : vector<64x200xf32>
    %max3A_3527 = arith.constant 0.000000e+00 : f32
    %max3A_3528 = vector.broadcast %max3A_3527 : f32 to vector<64x200xf32>
    %max3A_3529 = arith.maximumf %add3A_3526, %max3A_3528 : vector<64x200xf32>
    %get3A_3530 = arith.constant 0 : index
    %get3A_3531 = arith.constant 0 : index
    %get3A_3532 = vector.load %arg6[%get3A_3530, %get3A_3531] : memref<24x64xf32, #tpu.memory_space<vmem>>, vector<24x64xf32>
    %dot_general3A_3533 = arith.constant dense<0.000000e+00> : vector<24x200xf32>
    %dot_general3A_3534 = tpu.matmul %get3A_3532, %max3A_3529, %dot_general3A_3533 {dimension_numbers = #tpu.dot_dimension_numbers<[1], [0], [0], [1], [0, 0, 1, 1], [], []>, transpose_lhs_hint = false} : vector<24x64xf32>, vector<64x200xf32>, vector<24x200xf32> -> vector<24x200xf32>
    %get3A_3535 = arith.constant 0 : index
    %get3A_3536 = arith.constant 0 : index
    %get3A_3537 = vector.load %arg7[%get3A_3535, %get3A_3536] : memref<24x1xf32, #tpu.memory_space<vmem>>, vector<24x1xf32>
    %add3A_3538 = vector.broadcast %get3A_3537 : vector<24x1xf32> to vector<24x200xf32>
    %add3A_3539 = arith.addf %dot_general3A_3534, %add3A_3538 : vector<24x200xf32>
    %swap3A_3540 = arith.constant 0 : index
    %swap3A_3541 = arith.constant 29 : index
    %swap3A_3542 = arith.constant 0 : index
    %swap3A_3543 = arith.constant 0 : index
    %swap3A_3544 = arith.constant 0 : index
    %swap3A_3545 = vector.load %arg14[%swap3A_3540, %swap3A_3541, %swap3A_3542, %swap3A_3543, %swap3A_3544] : memref<1x36x1x24x200xf32, #tpu.memory_space<vmem>>, vector<1x1x1x24x200xf32>
    %swap3A_3546 = vector.shape_cast %swap3A_3545 : vector<1x1x1x24x200xf32> to vector<24x200xf32>
    %swap3A_3547 = vector.shape_cast %add3A_3539 : vector<24x200xf32> to vector<1x1x1x24x200xf32>
    tpu.vector_store %arg14[%swap3A_3540, %swap3A_3541, %swap3A_3542, %swap3A_3543, %swap3A_3544], %swap3A_3547 {strides = array<i32>} : memref<1x36x1x24x200xf32, #tpu.memory_space<vmem>>, vector<1x1x1x24x200xf32>,
    %get3A_3548 = arith.constant 0 : index
    %get3A_3549 = arith.constant 0 : index
    %get3A_3550 = vector.load %arg8[%get3A_3548, %get3A_3549] : memref<64x64xf32, #tpu.memory_space<vmem>>, vector<64x64xf32>
    %dot_general3A_3551 = arith.constant dense<0.000000e+00> : vector<64x200xf32>
    %dot_general3A_3552 = tpu.matmul %get3A_3550, %get3A_3516, %dot_general3A_3551 {dimension_numbers = #tpu.dot_dimension_numbers<[1], [0], [0], [1], [0, 0, 1, 1], [], []>, transpose_lhs_hint = false} : vector<64x64xf32>, vector<64x200xf32>, vector<64x200xf32> -> vector<64x200xf32>
    %get3A_3553 = arith.constant 0 : index
    %get3A_3554 = arith.constant 0 : index
    %get3A_3555 = vector.load %arg9[%get3A_3553, %get3A_3554] : memref<64x1xf32, #tpu.memory_space<vmem>>, vector<64x1xf32>
    %add3A_3556 = vector.broadcast %get3A_3555 : vector<64x1xf32> to vector<64x200xf32>
    %add3A_3557 = arith.addf %dot_general3A_3552, %add3A_3556 : vector<64x200xf32>
    %max3A_3558 = arith.constant 0.000000e+00 : f32
    %max3A_3559 = vector.broadcast %max3A_3558 : f32 to vector<64x200xf32>
    %max3A_3560 = arith.maximumf %add3A_3557, %max3A_3559 : vector<64x200xf32>
    %get3A_3561 = arith.constant 0 : index
    %get3A_3562 = arith.constant 0 : index
    %get3A_3563 = vector.load %arg10[%get3A_3561, %get3A_3562] : memref<42x64xf32, #tpu.memory_space<vmem>>, vector<42x64xf32>
    %dot_general3A_3564 = arith.constant dense<0.000000e+00> : vector<42x200xf32>
    %dot_general3A_3565 = tpu.matmul %get3A_3563, %max3A_3560, %dot_general3A_3564 {dimension_numbers = #tpu.dot_dimension_numbers<[1], [0], [0], [1], [0, 0, 1, 1], [], []>, transpose_lhs_hint = false} : vector<42x64xf32>, vector<64x200xf32>, vector<42x200xf32> -> vector<42x200xf32>
    %get3A_3566 = arith.constant 0 : index
    %get3A_3567 = arith.constant 0 : index
    %get3A_3568 = vector.load %arg11[%get3A_3566, %get3A_3567] : memref<42x1xf32, #tpu.memory_space<vmem>>, vector<42x1xf32>
    %add3A_3569 = vector.broadcast %get3A_3568 : vector<42x1xf32> to vector<42x200xf32>
    %add3A_3570 = arith.addf %dot_general3A_3565, %add3A_3569 : vector<42x200xf32>
    %add3A_3571 = arith.constant 29 : i32
    %add3A_3572 = arith.addi %mul3A_0, %add3A_3571 : i32
    %convert_element_type3A_3573 = arith.sitofp %add3A_3572 : i32 to f32
    %mul3A_3574 = arith.constant 4.000000e-01 : f32
    %mul3A_3575 = arith.mulf %mul3A_3574, %convert_element_type3A_3573 : f32
    %add3A_3576 = arith.constant 0.000000e+00 : f32
    %add3A_3577 = arith.addf %add3A_3576, %mul3A_3575 : f32
    %add3A_3578 = arith.constant 2.000000e-01 : f32
    %add3A_3579 = arith.addf %add3A_3577, %add3A_3578 : f32
    %slice3A_3580 = vector.extract_strided_slice %add3A_3570 {offsets = [0, 0], sizes = [36, 200], strides = [1, 1]} : vector<42x200xf32> to vector<36x200xf32>
    %mul3A_3581 = vector.broadcast %get3A_17 : vector<36x1xf32> to vector<36x200xf32>
    %mul3A_3582 = arith.mulf %slice3A_3580, %mul3A_3581 : vector<36x200xf32>
    %mul3A_3583 = vector.broadcast %add3A_3579 : f32 to vector<36x1xf32>
    %mul3A_3584 = arith.mulf %mul3A_3583, %get3A_38 : vector<36x1xf32>
    %add3A_3585 = vector.broadcast %mul3A_3584 : vector<36x1xf32> to vector<36x200xf32>
    %add3A_3586 = arith.addf %add3A_35, %add3A_3585 : vector<36x200xf32>
    %add3A_3587 = arith.addf %mul3A_3582, %add3A_3586 : vector<36x200xf32>
    %exp3A_3588 = math.exp %slice3A_3580 : vector<36x200xf32>
    %mul3A_3589 = vector.broadcast %get3A_17 : vector<36x1xf32> to vector<36x200xf32>
    %mul3A_3590 = arith.mulf %exp3A_3588, %mul3A_3589 : vector<36x200xf32>
    %broadcast_in_dim3A_3591 = vector.shape_cast %gt3A_22 : vector<36x1xi1> to vector<36x1xi1>
    %broadcast_in_dim3A_3592 = vector.broadcast %broadcast_in_dim3A_3591 : vector<36x1xi1> to vector<36x200xi1>
    %select_n3A_3593 = arith.select %broadcast_in_dim3A_3592, %add3A_3587, %mul3A_3590 : vector<36x200xi1>, vector<36x200xf32>
    %slice3A_3594 = vector.extract_strided_slice %add3A_3570 {offsets = [36, 0], sizes = [6, 200], strides = [1, 1]} : vector<42x200xf32> to vector<6x200xf32>
    %logistic3A_3595 = arith.negf %slice3A_3594 : vector<6x200xf32>
    %logistic3A_3596 = math.exp %logistic3A_3595 : vector<6x200xf32>
    %logistic3A_3597 = arith.constant 1.000000e+00 : f32
    %logistic3A_3598 = vector.broadcast %logistic3A_3597 : f32 to vector<6x200xf32>
    %logistic3A_3599 = arith.addf %logistic3A_3598, %logistic3A_3596 : vector<6x200xf32>
    %logistic3A_3600 = arith.divf %logistic3A_3598, %logistic3A_3599 : vector<6x200xf32>
    %mul3A_3601 = vector.broadcast %get3A_41 : vector<6x1xf32> to vector<6x200xf32>
    %mul3A_3602 = arith.mulf %logistic3A_3600, %mul3A_3601 : vector<6x200xf32>
    %mul3A_3603 = arith.mulf %mul3A_3602, %mul3A_3602 : vector<6x200xf32>
    %sub3A_3604 = arith.constant 1.000000e+00 : f32
    %sub3A_3605 = vector.broadcast %sub3A_3604 : f32 to vector<6x200xf32>
    %sub3A_3606 = arith.subf %sub3A_3605, %mul3A_3603 : vector<6x200xf32>
    %sqrt3A_3607 = math.sqrt %sub3A_3606 : vector<6x200xf32>
    %atan23A_3608 = math.atan2 %mul3A_3602, %sqrt3A_3607 : vector<6x200xf32>
    %slice3A_3609 = vector.extract_strided_slice %select_n3A_3593 {offsets = [0, 0], sizes = [6, 200], strides = [1, 1]} : vector<36x200xf32> to vector<6x200xf32>
    %slice3A_3610 = vector.extract_strided_slice %atan23A_3608 {offsets = [0, 0], sizes = [1, 200], strides = [1, 1]} : vector<6x200xf32> to vector<1x200xf32>
    %slice3A_3611 = vector.extract_strided_slice %select_n3A_3593 {offsets = [6, 0], sizes = [6, 200], strides = [1, 1]} : vector<36x200xf32> to vector<6x200xf32>
    %slice3A_3612 = vector.extract_strided_slice %atan23A_3608 {offsets = [1, 0], sizes = [1, 200], strides = [1, 1]} : vector<6x200xf32> to vector<1x200xf32>
    %slice3A_3613 = vector.extract_strided_slice %select_n3A_3593 {offsets = [12, 0], sizes = [6, 200], strides = [1, 1]} : vector<36x200xf32> to vector<6x200xf32>
    %slice3A_3614 = vector.extract_strided_slice %atan23A_3608 {offsets = [2, 0], sizes = [1, 200], strides = [1, 1]} : vector<6x200xf32> to vector<1x200xf32>
    %slice3A_3615 = vector.extract_strided_slice %select_n3A_3593 {offsets = [18, 0], sizes = [6, 200], strides = [1, 1]} : vector<36x200xf32> to vector<6x200xf32>
    %slice3A_3616 = vector.extract_strided_slice %atan23A_3608 {offsets = [3, 0], sizes = [1, 200], strides = [1, 1]} : vector<6x200xf32> to vector<1x200xf32>
    %slice3A_3617 = vector.extract_strided_slice %select_n3A_3593 {offsets = [24, 0], sizes = [6, 200], strides = [1, 1]} : vector<36x200xf32> to vector<6x200xf32>
    %slice3A_3618 = vector.extract_strided_slice %atan23A_3608 {offsets = [4, 0], sizes = [1, 200], strides = [1, 1]} : vector<6x200xf32> to vector<1x200xf32>
    %slice3A_3619 = vector.extract_strided_slice %select_n3A_3593 {offsets = [30, 0], sizes = [6, 200], strides = [1, 1]} : vector<36x200xf32> to vector<6x200xf32>
    %slice3A_3620 = vector.extract_strided_slice %atan23A_3608 {offsets = [5, 0], sizes = [1, 200], strides = [1, 1]} : vector<6x200xf32> to vector<1x200xf32>
    %concatenate3A_3621 = tpu.concatenate %slice3A_3609, %slice3A_3610, %slice3A_3611, %slice3A_3612, %slice3A_3613, %slice3A_3614, %slice3A_3615, %slice3A_3616, %slice3A_3617, %slice3A_3618, %slice3A_3619, %slice3A_3620 in 0 : vector<6x200xf32>, vector<1x200xf32>, vector<6x200xf32>, vector<1x200xf32>, vector<6x200xf32>, vector<1x200xf32>, vector<6x200xf32>, vector<1x200xf32>, vector<6x200xf32>, vector<1x200xf32>, vector<6x200xf32>, vector<1x200xf32> -> vector<42x200xf32>
    %swap3A_3622 = arith.constant 0 : index
    %swap3A_3623 = arith.constant 29 : index
    %swap3A_3624 = arith.constant 0 : index
    %swap3A_3625 = arith.constant 0 : index
    %swap3A_3626 = arith.constant 0 : index
    %swap3A_3627 = vector.load %arg15[%swap3A_3622, %swap3A_3623, %swap3A_3624, %swap3A_3625, %swap3A_3626] : memref<1x36x1x42x200xf32, #tpu.memory_space<vmem>>, vector<1x1x1x42x200xf32>
    %swap3A_3628 = vector.shape_cast %swap3A_3627 : vector<1x1x1x42x200xf32> to vector<42x200xf32>
    %swap3A_3629 = vector.shape_cast %concatenate3A_3621 : vector<42x200xf32> to vector<1x1x1x42x200xf32>
    tpu.vector_store %arg15[%swap3A_3622, %swap3A_3623, %swap3A_3624, %swap3A_3625, %swap3A_3626], %swap3A_3629 {strides = array<i32>} : memref<1x36x1x42x200xf32, #tpu.memory_space<vmem>>, vector<1x1x1x42x200xf32>,
    %get3A_3630 = arith.constant 0 : index
    %get3A_3631 = arith.constant 30 : index
    %get3A_3632 = arith.constant 0 : index
    %get3A_3633 = arith.constant 0 : index
    %get3A_3634 = arith.constant 0 : index
    %get3A_3635 = vector.load %arg3[%get3A_3630, %get3A_3631, %get3A_3632, %get3A_3633, %get3A_3634] : memref<1x36x1x64x200xf32, #tpu.memory_space<vmem>>, vector<1x1x1x64x200xf32>
    %get3A_3636 = vector.shape_cast %get3A_3635 : vector<1x1x1x64x200xf32> to vector<64x200xf32>
    %get3A_3637 = arith.constant 0 : index
    %get3A_3638 = arith.constant 0 : index
    %get3A_3639 = vector.load %arg4[%get3A_3637, %get3A_3638] : memref<64x64xf32, #tpu.memory_space<vmem>>, vector<64x64xf32>
    %dot_general3A_3640 = arith.constant dense<0.000000e+00> : vector<64x200xf32>
    %dot_general3A_3641 = tpu.matmul %get3A_3639, %get3A_3636, %dot_general3A_3640 {dimension_numbers = #tpu.dot_dimension_numbers<[1], [0], [0], [1], [0, 0, 1, 1], [], []>, transpose_lhs_hint = false} : vector<64x64xf32>, vector<64x200xf32>, vector<64x200xf32> -> vector<64x200xf32>
    %get3A_3642 = arith.constant 0 : index
    %get3A_3643 = arith.constant 0 : index
    %get3A_3644 = vector.load %arg5[%get3A_3642, %get3A_3643] : memref<64x1xf32, #tpu.memory_space<vmem>>, vector<64x1xf32>
    %add3A_3645 = vector.broadcast %get3A_3644 : vector<64x1xf32> to vector<64x200xf32>
    %add3A_3646 = arith.addf %dot_general3A_3641, %add3A_3645 : vector<64x200xf32>
    %max3A_3647 = arith.constant 0.000000e+00 : f32
    %max3A_3648 = vector.broadcast %max3A_3647 : f32 to vector<64x200xf32>
    %max3A_3649 = arith.maximumf %add3A_3646, %max3A_3648 : vector<64x200xf32>
    %get3A_3650 = arith.constant 0 : index
    %get3A_3651 = arith.constant 0 : index
    %get3A_3652 = vector.load %arg6[%get3A_3650, %get3A_3651] : memref<24x64xf32, #tpu.memory_space<vmem>>, vector<24x64xf32>
    %dot_general3A_3653 = arith.constant dense<0.000000e+00> : vector<24x200xf32>
    %dot_general3A_3654 = tpu.matmul %get3A_3652, %max3A_3649, %dot_general3A_3653 {dimension_numbers = #tpu.dot_dimension_numbers<[1], [0], [0], [1], [0, 0, 1, 1], [], []>, transpose_lhs_hint = false} : vector<24x64xf32>, vector<64x200xf32>, vector<24x200xf32> -> vector<24x200xf32>
    %get3A_3655 = arith.constant 0 : index
    %get3A_3656 = arith.constant 0 : index
    %get3A_3657 = vector.load %arg7[%get3A_3655, %get3A_3656] : memref<24x1xf32, #tpu.memory_space<vmem>>, vector<24x1xf32>
    %add3A_3658 = vector.broadcast %get3A_3657 : vector<24x1xf32> to vector<24x200xf32>
    %add3A_3659 = arith.addf %dot_general3A_3654, %add3A_3658 : vector<24x200xf32>
    %swap3A_3660 = arith.constant 0 : index
    %swap3A_3661 = arith.constant 30 : index
    %swap3A_3662 = arith.constant 0 : index
    %swap3A_3663 = arith.constant 0 : index
    %swap3A_3664 = arith.constant 0 : index
    %swap3A_3665 = vector.load %arg14[%swap3A_3660, %swap3A_3661, %swap3A_3662, %swap3A_3663, %swap3A_3664] : memref<1x36x1x24x200xf32, #tpu.memory_space<vmem>>, vector<1x1x1x24x200xf32>
    %swap3A_3666 = vector.shape_cast %swap3A_3665 : vector<1x1x1x24x200xf32> to vector<24x200xf32>
    %swap3A_3667 = vector.shape_cast %add3A_3659 : vector<24x200xf32> to vector<1x1x1x24x200xf32>
    tpu.vector_store %arg14[%swap3A_3660, %swap3A_3661, %swap3A_3662, %swap3A_3663, %swap3A_3664], %swap3A_3667 {strides = array<i32>} : memref<1x36x1x24x200xf32, #tpu.memory_space<vmem>>, vector<1x1x1x24x200xf32>,
    %get3A_3668 = arith.constant 0 : index
    %get3A_3669 = arith.constant 0 : index
    %get3A_3670 = vector.load %arg8[%get3A_3668, %get3A_3669] : memref<64x64xf32, #tpu.memory_space<vmem>>, vector<64x64xf32>
    %dot_general3A_3671 = arith.constant dense<0.000000e+00> : vector<64x200xf32>
    %dot_general3A_3672 = tpu.matmul %get3A_3670, %get3A_3636, %dot_general3A_3671 {dimension_numbers = #tpu.dot_dimension_numbers<[1], [0], [0], [1], [0, 0, 1, 1], [], []>, transpose_lhs_hint = false} : vector<64x64xf32>, vector<64x200xf32>, vector<64x200xf32> -> vector<64x200xf32>
    %get3A_3673 = arith.constant 0 : index
    %get3A_3674 = arith.constant 0 : index
    %get3A_3675 = vector.load %arg9[%get3A_3673, %get3A_3674] : memref<64x1xf32, #tpu.memory_space<vmem>>, vector<64x1xf32>
    %add3A_3676 = vector.broadcast %get3A_3675 : vector<64x1xf32> to vector<64x200xf32>
    %add3A_3677 = arith.addf %dot_general3A_3672, %add3A_3676 : vector<64x200xf32>
    %max3A_3678 = arith.constant 0.000000e+00 : f32
    %max3A_3679 = vector.broadcast %max3A_3678 : f32 to vector<64x200xf32>
    %max3A_3680 = arith.maximumf %add3A_3677, %max3A_3679 : vector<64x200xf32>
    %get3A_3681 = arith.constant 0 : index
    %get3A_3682 = arith.constant 0 : index
    %get3A_3683 = vector.load %arg10[%get3A_3681, %get3A_3682] : memref<42x64xf32, #tpu.memory_space<vmem>>, vector<42x64xf32>
    %dot_general3A_3684 = arith.constant dense<0.000000e+00> : vector<42x200xf32>
    %dot_general3A_3685 = tpu.matmul %get3A_3683, %max3A_3680, %dot_general3A_3684 {dimension_numbers = #tpu.dot_dimension_numbers<[1], [0], [0], [1], [0, 0, 1, 1], [], []>, transpose_lhs_hint = false} : vector<42x64xf32>, vector<64x200xf32>, vector<42x200xf32> -> vector<42x200xf32>
    %get3A_3686 = arith.constant 0 : index
    %get3A_3687 = arith.constant 0 : index
    %get3A_3688 = vector.load %arg11[%get3A_3686, %get3A_3687] : memref<42x1xf32, #tpu.memory_space<vmem>>, vector<42x1xf32>
    %add3A_3689 = vector.broadcast %get3A_3688 : vector<42x1xf32> to vector<42x200xf32>
    %add3A_3690 = arith.addf %dot_general3A_3685, %add3A_3689 : vector<42x200xf32>
    %add3A_3691 = arith.constant 30 : i32
    %add3A_3692 = arith.addi %mul3A_0, %add3A_3691 : i32
    %convert_element_type3A_3693 = arith.sitofp %add3A_3692 : i32 to f32
    %mul3A_3694 = arith.constant 4.000000e-01 : f32
    %mul3A_3695 = arith.mulf %mul3A_3694, %convert_element_type3A_3693 : f32
    %add3A_3696 = arith.constant 0.000000e+00 : f32
    %add3A_3697 = arith.addf %add3A_3696, %mul3A_3695 : f32
    %add3A_3698 = arith.constant 2.000000e-01 : f32
    %add3A_3699 = arith.addf %add3A_3697, %add3A_3698 : f32
    %slice3A_3700 = vector.extract_strided_slice %add3A_3690 {offsets = [0, 0], sizes = [36, 200], strides = [1, 1]} : vector<42x200xf32> to vector<36x200xf32>
    %mul3A_3701 = vector.broadcast %get3A_17 : vector<36x1xf32> to vector<36x200xf32>
    %mul3A_3702 = arith.mulf %slice3A_3700, %mul3A_3701 : vector<36x200xf32>
    %mul3A_3703 = vector.broadcast %add3A_3699 : f32 to vector<36x1xf32>
    %mul3A_3704 = arith.mulf %mul3A_3703, %get3A_38 : vector<36x1xf32>
    %add3A_3705 = vector.broadcast %mul3A_3704 : vector<36x1xf32> to vector<36x200xf32>
    %add3A_3706 = arith.addf %add3A_35, %add3A_3705 : vector<36x200xf32>
    %add3A_3707 = arith.addf %mul3A_3702, %add3A_3706 : vector<36x200xf32>
    %exp3A_3708 = math.exp %slice3A_3700 : vector<36x200xf32>
    %mul3A_3709 = vector.broadcast %get3A_17 : vector<36x1xf32> to vector<36x200xf32>
    %mul3A_3710 = arith.mulf %exp3A_3708, %mul3A_3709 : vector<36x200xf32>
    %broadcast_in_dim3A_3711 = vector.shape_cast %gt3A_22 : vector<36x1xi1> to vector<36x1xi1>
    %broadcast_in_dim3A_3712 = vector.broadcast %broadcast_in_dim3A_3711 : vector<36x1xi1> to vector<36x200xi1>
    %select_n3A_3713 = arith.select %broadcast_in_dim3A_3712, %add3A_3707, %mul3A_3710 : vector<36x200xi1>, vector<36x200xf32>
    %slice3A_3714 = vector.extract_strided_slice %add3A_3690 {offsets = [36, 0], sizes = [6, 200], strides = [1, 1]} : vector<42x200xf32> to vector<6x200xf32>
    %logistic3A_3715 = arith.negf %slice3A_3714 : vector<6x200xf32>
    %logistic3A_3716 = math.exp %logistic3A_3715 : vector<6x200xf32>
    %logistic3A_3717 = arith.constant 1.000000e+00 : f32
    %logistic3A_3718 = vector.broadcast %logistic3A_3717 : f32 to vector<6x200xf32>
    %logistic3A_3719 = arith.addf %logistic3A_3718, %logistic3A_3716 : vector<6x200xf32>
    %logistic3A_3720 = arith.divf %logistic3A_3718, %logistic3A_3719 : vector<6x200xf32>
    %mul3A_3721 = vector.broadcast %get3A_41 : vector<6x1xf32> to vector<6x200xf32>
    %mul3A_3722 = arith.mulf %logistic3A_3720, %mul3A_3721 : vector<6x200xf32>
    %mul3A_3723 = arith.mulf %mul3A_3722, %mul3A_3722 : vector<6x200xf32>
    %sub3A_3724 = arith.constant 1.000000e+00 : f32
    %sub3A_3725 = vector.broadcast %sub3A_3724 : f32 to vector<6x200xf32>
    %sub3A_3726 = arith.subf %sub3A_3725, %mul3A_3723 : vector<6x200xf32>
    %sqrt3A_3727 = math.sqrt %sub3A_3726 : vector<6x200xf32>
    %atan23A_3728 = math.atan2 %mul3A_3722, %sqrt3A_3727 : vector<6x200xf32>
    %slice3A_3729 = vector.extract_strided_slice %select_n3A_3713 {offsets = [0, 0], sizes = [6, 200], strides = [1, 1]} : vector<36x200xf32> to vector<6x200xf32>
    %slice3A_3730 = vector.extract_strided_slice %atan23A_3728 {offsets = [0, 0], sizes = [1, 200], strides = [1, 1]} : vector<6x200xf32> to vector<1x200xf32>
    %slice3A_3731 = vector.extract_strided_slice %select_n3A_3713 {offsets = [6, 0], sizes = [6, 200], strides = [1, 1]} : vector<36x200xf32> to vector<6x200xf32>
    %slice3A_3732 = vector.extract_strided_slice %atan23A_3728 {offsets = [1, 0], sizes = [1, 200], strides = [1, 1]} : vector<6x200xf32> to vector<1x200xf32>
    %slice3A_3733 = vector.extract_strided_slice %select_n3A_3713 {offsets = [12, 0], sizes = [6, 200], strides = [1, 1]} : vector<36x200xf32> to vector<6x200xf32>
    %slice3A_3734 = vector.extract_strided_slice %atan23A_3728 {offsets = [2, 0], sizes = [1, 200], strides = [1, 1]} : vector<6x200xf32> to vector<1x200xf32>
    %slice3A_3735 = vector.extract_strided_slice %select_n3A_3713 {offsets = [18, 0], sizes = [6, 200], strides = [1, 1]} : vector<36x200xf32> to vector<6x200xf32>
    %slice3A_3736 = vector.extract_strided_slice %atan23A_3728 {offsets = [3, 0], sizes = [1, 200], strides = [1, 1]} : vector<6x200xf32> to vector<1x200xf32>
    %slice3A_3737 = vector.extract_strided_slice %select_n3A_3713 {offsets = [24, 0], sizes = [6, 200], strides = [1, 1]} : vector<36x200xf32> to vector<6x200xf32>
    %slice3A_3738 = vector.extract_strided_slice %atan23A_3728 {offsets = [4, 0], sizes = [1, 200], strides = [1, 1]} : vector<6x200xf32> to vector<1x200xf32>
    %slice3A_3739 = vector.extract_strided_slice %select_n3A_3713 {offsets = [30, 0], sizes = [6, 200], strides = [1, 1]} : vector<36x200xf32> to vector<6x200xf32>
    %slice3A_3740 = vector.extract_strided_slice %atan23A_3728 {offsets = [5, 0], sizes = [1, 200], strides = [1, 1]} : vector<6x200xf32> to vector<1x200xf32>
    %concatenate3A_3741 = tpu.concatenate %slice3A_3729, %slice3A_3730, %slice3A_3731, %slice3A_3732, %slice3A_3733, %slice3A_3734, %slice3A_3735, %slice3A_3736, %slice3A_3737, %slice3A_3738, %slice3A_3739, %slice3A_3740 in 0 : vector<6x200xf32>, vector<1x200xf32>, vector<6x200xf32>, vector<1x200xf32>, vector<6x200xf32>, vector<1x200xf32>, vector<6x200xf32>, vector<1x200xf32>, vector<6x200xf32>, vector<1x200xf32>, vector<6x200xf32>, vector<1x200xf32> -> vector<42x200xf32>
    %swap3A_3742 = arith.constant 0 : index
    %swap3A_3743 = arith.constant 30 : index
    %swap3A_3744 = arith.constant 0 : index
    %swap3A_3745 = arith.constant 0 : index
    %swap3A_3746 = arith.constant 0 : index
    %swap3A_3747 = vector.load %arg15[%swap3A_3742, %swap3A_3743, %swap3A_3744, %swap3A_3745, %swap3A_3746] : memref<1x36x1x42x200xf32, #tpu.memory_space<vmem>>, vector<1x1x1x42x200xf32>
    %swap3A_3748 = vector.shape_cast %swap3A_3747 : vector<1x1x1x42x200xf32> to vector<42x200xf32>
    %swap3A_3749 = vector.shape_cast %concatenate3A_3741 : vector<42x200xf32> to vector<1x1x1x42x200xf32>
    tpu.vector_store %arg15[%swap3A_3742, %swap3A_3743, %swap3A_3744, %swap3A_3745, %swap3A_3746], %swap3A_3749 {strides = array<i32>} : memref<1x36x1x42x200xf32, #tpu.memory_space<vmem>>, vector<1x1x1x42x200xf32>,
    %get3A_3750 = arith.constant 0 : index
    %get3A_3751 = arith.constant 31 : index
    %get3A_3752 = arith.constant 0 : index
    %get3A_3753 = arith.constant 0 : index
    %get3A_3754 = arith.constant 0 : index
    %get3A_3755 = vector.load %arg3[%get3A_3750, %get3A_3751, %get3A_3752, %get3A_3753, %get3A_3754] : memref<1x36x1x64x200xf32, #tpu.memory_space<vmem>>, vector<1x1x1x64x200xf32>
    %get3A_3756 = vector.shape_cast %get3A_3755 : vector<1x1x1x64x200xf32> to vector<64x200xf32>
    %get3A_3757 = arith.constant 0 : index
    %get3A_3758 = arith.constant 0 : index
    %get3A_3759 = vector.load %arg4[%get3A_3757, %get3A_3758] : memref<64x64xf32, #tpu.memory_space<vmem>>, vector<64x64xf32>
    %dot_general3A_3760 = arith.constant dense<0.000000e+00> : vector<64x200xf32>
    %dot_general3A_3761 = tpu.matmul %get3A_3759, %get3A_3756, %dot_general3A_3760 {dimension_numbers = #tpu.dot_dimension_numbers<[1], [0], [0], [1], [0, 0, 1, 1], [], []>, transpose_lhs_hint = false} : vector<64x64xf32>, vector<64x200xf32>, vector<64x200xf32> -> vector<64x200xf32>
    %get3A_3762 = arith.constant 0 : index
    %get3A_3763 = arith.constant 0 : index
    %get3A_3764 = vector.load %arg5[%get3A_3762, %get3A_3763] : memref<64x1xf32, #tpu.memory_space<vmem>>, vector<64x1xf32>
    %add3A_3765 = vector.broadcast %get3A_3764 : vector<64x1xf32> to vector<64x200xf32>
    %add3A_3766 = arith.addf %dot_general3A_3761, %add3A_3765 : vector<64x200xf32>
    %max3A_3767 = arith.constant 0.000000e+00 : f32
    %max3A_3768 = vector.broadcast %max3A_3767 : f32 to vector<64x200xf32>
    %max3A_3769 = arith.maximumf %add3A_3766, %max3A_3768 : vector<64x200xf32>
    %get3A_3770 = arith.constant 0 : index
    %get3A_3771 = arith.constant 0 : index
    %get3A_3772 = vector.load %arg6[%get3A_3770, %get3A_3771] : memref<24x64xf32, #tpu.memory_space<vmem>>, vector<24x64xf32>
    %dot_general3A_3773 = arith.constant dense<0.000000e+00> : vector<24x200xf32>
    %dot_general3A_3774 = tpu.matmul %get3A_3772, %max3A_3769, %dot_general3A_3773 {dimension_numbers = #tpu.dot_dimension_numbers<[1], [0], [0], [1], [0, 0, 1, 1], [], []>, transpose_lhs_hint = false} : vector<24x64xf32>, vector<64x200xf32>, vector<24x200xf32> -> vector<24x200xf32>
    %get3A_3775 = arith.constant 0 : index
    %get3A_3776 = arith.constant 0 : index
    %get3A_3777 = vector.load %arg7[%get3A_3775, %get3A_3776] : memref<24x1xf32, #tpu.memory_space<vmem>>, vector<24x1xf32>
    %add3A_3778 = vector.broadcast %get3A_3777 : vector<24x1xf32> to vector<24x200xf32>
    %add3A_3779 = arith.addf %dot_general3A_3774, %add3A_3778 : vector<24x200xf32>
    %swap3A_3780 = arith.constant 0 : index
    %swap3A_3781 = arith.constant 31 : index
    %swap3A_3782 = arith.constant 0 : index
    %swap3A_3783 = arith.constant 0 : index
    %swap3A_3784 = arith.constant 0 : index
    %swap3A_3785 = vector.load %arg14[%swap3A_3780, %swap3A_3781, %swap3A_3782, %swap3A_3783, %swap3A_3784] : memref<1x36x1x24x200xf32, #tpu.memory_space<vmem>>, vector<1x1x1x24x200xf32>
    %swap3A_3786 = vector.shape_cast %swap3A_3785 : vector<1x1x1x24x200xf32> to vector<24x200xf32>
    %swap3A_3787 = vector.shape_cast %add3A_3779 : vector<24x200xf32> to vector<1x1x1x24x200xf32>
    tpu.vector_store %arg14[%swap3A_3780, %swap3A_3781, %swap3A_3782, %swap3A_3783, %swap3A_3784], %swap3A_3787 {strides = array<i32>} : memref<1x36x1x24x200xf32, #tpu.memory_space<vmem>>, vector<1x1x1x24x200xf32>,
    %get3A_3788 = arith.constant 0 : index
    %get3A_3789 = arith.constant 0 : index
    %get3A_3790 = vector.load %arg8[%get3A_3788, %get3A_3789] : memref<64x64xf32, #tpu.memory_space<vmem>>, vector<64x64xf32>
    %dot_general3A_3791 = arith.constant dense<0.000000e+00> : vector<64x200xf32>
    %dot_general3A_3792 = tpu.matmul %get3A_3790, %get3A_3756, %dot_general3A_3791 {dimension_numbers = #tpu.dot_dimension_numbers<[1], [0], [0], [1], [0, 0, 1, 1], [], []>, transpose_lhs_hint = false} : vector<64x64xf32>, vector<64x200xf32>, vector<64x200xf32> -> vector<64x200xf32>
    %get3A_3793 = arith.constant 0 : index
    %get3A_3794 = arith.constant 0 : index
    %get3A_3795 = vector.load %arg9[%get3A_3793, %get3A_3794] : memref<64x1xf32, #tpu.memory_space<vmem>>, vector<64x1xf32>
    %add3A_3796 = vector.broadcast %get3A_3795 : vector<64x1xf32> to vector<64x200xf32>
    %add3A_3797 = arith.addf %dot_general3A_3792, %add3A_3796 : vector<64x200xf32>
    %max3A_3798 = arith.constant 0.000000e+00 : f32
    %max3A_3799 = vector.broadcast %max3A_3798 : f32 to vector<64x200xf32>
    %max3A_3800 = arith.maximumf %add3A_3797, %max3A_3799 : vector<64x200xf32>
    %get3A_3801 = arith.constant 0 : index
    %get3A_3802 = arith.constant 0 : index
    %get3A_3803 = vector.load %arg10[%get3A_3801, %get3A_3802] : memref<42x64xf32, #tpu.memory_space<vmem>>, vector<42x64xf32>
    %dot_general3A_3804 = arith.constant dense<0.000000e+00> : vector<42x200xf32>
    %dot_general3A_3805 = tpu.matmul %get3A_3803, %max3A_3800, %dot_general3A_3804 {dimension_numbers = #tpu.dot_dimension_numbers<[1], [0], [0], [1], [0, 0, 1, 1], [], []>, transpose_lhs_hint = false} : vector<42x64xf32>, vector<64x200xf32>, vector<42x200xf32> -> vector<42x200xf32>
    %get3A_3806 = arith.constant 0 : index
    %get3A_3807 = arith.constant 0 : index
    %get3A_3808 = vector.load %arg11[%get3A_3806, %get3A_3807] : memref<42x1xf32, #tpu.memory_space<vmem>>, vector<42x1xf32>
    %add3A_3809 = vector.broadcast %get3A_3808 : vector<42x1xf32> to vector<42x200xf32>
    %add3A_3810 = arith.addf %dot_general3A_3805, %add3A_3809 : vector<42x200xf32>
    %add3A_3811 = arith.constant 31 : i32
    %add3A_3812 = arith.addi %mul3A_0, %add3A_3811 : i32
    %convert_element_type3A_3813 = arith.sitofp %add3A_3812 : i32 to f32
    %mul3A_3814 = arith.constant 4.000000e-01 : f32
    %mul3A_3815 = arith.mulf %mul3A_3814, %convert_element_type3A_3813 : f32
    %add3A_3816 = arith.constant 0.000000e+00 : f32
    %add3A_3817 = arith.addf %add3A_3816, %mul3A_3815 : f32
    %add3A_3818 = arith.constant 2.000000e-01 : f32
    %add3A_3819 = arith.addf %add3A_3817, %add3A_3818 : f32
    %slice3A_3820 = vector.extract_strided_slice %add3A_3810 {offsets = [0, 0], sizes = [36, 200], strides = [1, 1]} : vector<42x200xf32> to vector<36x200xf32>
    %mul3A_3821 = vector.broadcast %get3A_17 : vector<36x1xf32> to vector<36x200xf32>
    %mul3A_3822 = arith.mulf %slice3A_3820, %mul3A_3821 : vector<36x200xf32>
    %mul3A_3823 = vector.broadcast %add3A_3819 : f32 to vector<36x1xf32>
    %mul3A_3824 = arith.mulf %mul3A_3823, %get3A_38 : vector<36x1xf32>
    %add3A_3825 = vector.broadcast %mul3A_3824 : vector<36x1xf32> to vector<36x200xf32>
    %add3A_3826 = arith.addf %add3A_35, %add3A_3825 : vector<36x200xf32>
    %add3A_3827 = arith.addf %mul3A_3822, %add3A_3826 : vector<36x200xf32>
    %exp3A_3828 = math.exp %slice3A_3820 : vector<36x200xf32>
    %mul3A_3829 = vector.broadcast %get3A_17 : vector<36x1xf32> to vector<36x200xf32>
    %mul3A_3830 = arith.mulf %exp3A_3828, %mul3A_3829 : vector<36x200xf32>
    %broadcast_in_dim3A_3831 = vector.shape_cast %gt3A_22 : vector<36x1xi1> to vector<36x1xi1>
    %broadcast_in_dim3A_3832 = vector.broadcast %broadcast_in_dim3A_3831 : vector<36x1xi1> to vector<36x200xi1>
    %select_n3A_3833 = arith.select %broadcast_in_dim3A_3832, %add3A_3827, %mul3A_3830 : vector<36x200xi1>, vector<36x200xf32>
    %slice3A_3834 = vector.extract_strided_slice %add3A_3810 {offsets = [36, 0], sizes = [6, 200], strides = [1, 1]} : vector<42x200xf32> to vector<6x200xf32>
    %logistic3A_3835 = arith.negf %slice3A_3834 : vector<6x200xf32>
    %logistic3A_3836 = math.exp %logistic3A_3835 : vector<6x200xf32>
    %logistic3A_3837 = arith.constant 1.000000e+00 : f32
    %logistic3A_3838 = vector.broadcast %logistic3A_3837 : f32 to vector<6x200xf32>
    %logistic3A_3839 = arith.addf %logistic3A_3838, %logistic3A_3836 : vector<6x200xf32>
    %logistic3A_3840 = arith.divf %logistic3A_3838, %logistic3A_3839 : vector<6x200xf32>
    %mul3A_3841 = vector.broadcast %get3A_41 : vector<6x1xf32> to vector<6x200xf32>
    %mul3A_3842 = arith.mulf %logistic3A_3840, %mul3A_3841 : vector<6x200xf32>
    %mul3A_3843 = arith.mulf %mul3A_3842, %mul3A_3842 : vector<6x200xf32>
    %sub3A_3844 = arith.constant 1.000000e+00 : f32
    %sub3A_3845 = vector.broadcast %sub3A_3844 : f32 to vector<6x200xf32>
    %sub3A_3846 = arith.subf %sub3A_3845, %mul3A_3843 : vector<6x200xf32>
    %sqrt3A_3847 = math.sqrt %sub3A_3846 : vector<6x200xf32>
    %atan23A_3848 = math.atan2 %mul3A_3842, %sqrt3A_3847 : vector<6x200xf32>
    %slice3A_3849 = vector.extract_strided_slice %select_n3A_3833 {offsets = [0, 0], sizes = [6, 200], strides = [1, 1]} : vector<36x200xf32> to vector<6x200xf32>
    %slice3A_3850 = vector.extract_strided_slice %atan23A_3848 {offsets = [0, 0], sizes = [1, 200], strides = [1, 1]} : vector<6x200xf32> to vector<1x200xf32>
    %slice3A_3851 = vector.extract_strided_slice %select_n3A_3833 {offsets = [6, 0], sizes = [6, 200], strides = [1, 1]} : vector<36x200xf32> to vector<6x200xf32>
    %slice3A_3852 = vector.extract_strided_slice %atan23A_3848 {offsets = [1, 0], sizes = [1, 200], strides = [1, 1]} : vector<6x200xf32> to vector<1x200xf32>
    %slice3A_3853 = vector.extract_strided_slice %select_n3A_3833 {offsets = [12, 0], sizes = [6, 200], strides = [1, 1]} : vector<36x200xf32> to vector<6x200xf32>
    %slice3A_3854 = vector.extract_strided_slice %atan23A_3848 {offsets = [2, 0], sizes = [1, 200], strides = [1, 1]} : vector<6x200xf32> to vector<1x200xf32>
    %slice3A_3855 = vector.extract_strided_slice %select_n3A_3833 {offsets = [18, 0], sizes = [6, 200], strides = [1, 1]} : vector<36x200xf32> to vector<6x200xf32>
    %slice3A_3856 = vector.extract_strided_slice %atan23A_3848 {offsets = [3, 0], sizes = [1, 200], strides = [1, 1]} : vector<6x200xf32> to vector<1x200xf32>
    %slice3A_3857 = vector.extract_strided_slice %select_n3A_3833 {offsets = [24, 0], sizes = [6, 200], strides = [1, 1]} : vector<36x200xf32> to vector<6x200xf32>
    %slice3A_3858 = vector.extract_strided_slice %atan23A_3848 {offsets = [4, 0], sizes = [1, 200], strides = [1, 1]} : vector<6x200xf32> to vector<1x200xf32>
    %slice3A_3859 = vector.extract_strided_slice %select_n3A_3833 {offsets = [30, 0], sizes = [6, 200], strides = [1, 1]} : vector<36x200xf32> to vector<6x200xf32>
    %slice3A_3860 = vector.extract_strided_slice %atan23A_3848 {offsets = [5, 0], sizes = [1, 200], strides = [1, 1]} : vector<6x200xf32> to vector<1x200xf32>
    %concatenate3A_3861 = tpu.concatenate %slice3A_3849, %slice3A_3850, %slice3A_3851, %slice3A_3852, %slice3A_3853, %slice3A_3854, %slice3A_3855, %slice3A_3856, %slice3A_3857, %slice3A_3858, %slice3A_3859, %slice3A_3860 in 0 : vector<6x200xf32>, vector<1x200xf32>, vector<6x200xf32>, vector<1x200xf32>, vector<6x200xf32>, vector<1x200xf32>, vector<6x200xf32>, vector<1x200xf32>, vector<6x200xf32>, vector<1x200xf32>, vector<6x200xf32>, vector<1x200xf32> -> vector<42x200xf32>
    %swap3A_3862 = arith.constant 0 : index
    %swap3A_3863 = arith.constant 31 : index
    %swap3A_3864 = arith.constant 0 : index
    %swap3A_3865 = arith.constant 0 : index
    %swap3A_3866 = arith.constant 0 : index
    %swap3A_3867 = vector.load %arg15[%swap3A_3862, %swap3A_3863, %swap3A_3864, %swap3A_3865, %swap3A_3866] : memref<1x36x1x42x200xf32, #tpu.memory_space<vmem>>, vector<1x1x1x42x200xf32>
    %swap3A_3868 = vector.shape_cast %swap3A_3867 : vector<1x1x1x42x200xf32> to vector<42x200xf32>
    %swap3A_3869 = vector.shape_cast %concatenate3A_3861 : vector<42x200xf32> to vector<1x1x1x42x200xf32>
    tpu.vector_store %arg15[%swap3A_3862, %swap3A_3863, %swap3A_3864, %swap3A_3865, %swap3A_3866], %swap3A_3869 {strides = array<i32>} : memref<1x36x1x42x200xf32, #tpu.memory_space<vmem>>, vector<1x1x1x42x200xf32>,
    %get3A_3870 = arith.constant 0 : index
    %get3A_3871 = arith.constant 32 : index
    %get3A_3872 = arith.constant 0 : index
    %get3A_3873 = arith.constant 0 : index
    %get3A_3874 = arith.constant 0 : index
    %get3A_3875 = vector.load %arg3[%get3A_3870, %get3A_3871, %get3A_3872, %get3A_3873, %get3A_3874] : memref<1x36x1x64x200xf32, #tpu.memory_space<vmem>>, vector<1x1x1x64x200xf32>
    %get3A_3876 = vector.shape_cast %get3A_3875 : vector<1x1x1x64x200xf32> to vector<64x200xf32>
    %get3A_3877 = arith.constant 0 : index
    %get3A_3878 = arith.constant 0 : index
    %get3A_3879 = vector.load %arg4[%get3A_3877, %get3A_3878] : memref<64x64xf32, #tpu.memory_space<vmem>>, vector<64x64xf32>
    %dot_general3A_3880 = arith.constant dense<0.000000e+00> : vector<64x200xf32>
    %dot_general3A_3881 = tpu.matmul %get3A_3879, %get3A_3876, %dot_general3A_3880 {dimension_numbers = #tpu.dot_dimension_numbers<[1], [0], [0], [1], [0, 0, 1, 1], [], []>, transpose_lhs_hint = false} : vector<64x64xf32>, vector<64x200xf32>, vector<64x200xf32> -> vector<64x200xf32>
    %get3A_3882 = arith.constant 0 : index
    %get3A_3883 = arith.constant 0 : index
    %get3A_3884 = vector.load %arg5[%get3A_3882, %get3A_3883] : memref<64x1xf32, #tpu.memory_space<vmem>>, vector<64x1xf32>
    %add3A_3885 = vector.broadcast %get3A_3884 : vector<64x1xf32> to vector<64x200xf32>
    %add3A_3886 = arith.addf %dot_general3A_3881, %add3A_3885 : vector<64x200xf32>
    %max3A_3887 = arith.constant 0.000000e+00 : f32
    %max3A_3888 = vector.broadcast %max3A_3887 : f32 to vector<64x200xf32>
    %max3A_3889 = arith.maximumf %add3A_3886, %max3A_3888 : vector<64x200xf32>
    %get3A_3890 = arith.constant 0 : index
    %get3A_3891 = arith.constant 0 : index
    %get3A_3892 = vector.load %arg6[%get3A_3890, %get3A_3891] : memref<24x64xf32, #tpu.memory_space<vmem>>, vector<24x64xf32>
    %dot_general3A_3893 = arith.constant dense<0.000000e+00> : vector<24x200xf32>
    %dot_general3A_3894 = tpu.matmul %get3A_3892, %max3A_3889, %dot_general3A_3893 {dimension_numbers = #tpu.dot_dimension_numbers<[1], [0], [0], [1], [0, 0, 1, 1], [], []>, transpose_lhs_hint = false} : vector<24x64xf32>, vector<64x200xf32>, vector<24x200xf32> -> vector<24x200xf32>
    %get3A_3895 = arith.constant 0 : index
    %get3A_3896 = arith.constant 0 : index
    %get3A_3897 = vector.load %arg7[%get3A_3895, %get3A_3896] : memref<24x1xf32, #tpu.memory_space<vmem>>, vector<24x1xf32>
    %add3A_3898 = vector.broadcast %get3A_3897 : vector<24x1xf32> to vector<24x200xf32>
    %add3A_3899 = arith.addf %dot_general3A_3894, %add3A_3898 : vector<24x200xf32>
    %swap3A_3900 = arith.constant 0 : index
    %swap3A_3901 = arith.constant 32 : index
    %swap3A_3902 = arith.constant 0 : index
    %swap3A_3903 = arith.constant 0 : index
    %swap3A_3904 = arith.constant 0 : index
    %swap3A_3905 = vector.load %arg14[%swap3A_3900, %swap3A_3901, %swap3A_3902, %swap3A_3903, %swap3A_3904] : memref<1x36x1x24x200xf32, #tpu.memory_space<vmem>>, vector<1x1x1x24x200xf32>
    %swap3A_3906 = vector.shape_cast %swap3A_3905 : vector<1x1x1x24x200xf32> to vector<24x200xf32>
    %swap3A_3907 = vector.shape_cast %add3A_3899 : vector<24x200xf32> to vector<1x1x1x24x200xf32>
    tpu.vector_store %arg14[%swap3A_3900, %swap3A_3901, %swap3A_3902, %swap3A_3903, %swap3A_3904], %swap3A_3907 {strides = array<i32>} : memref<1x36x1x24x200xf32, #tpu.memory_space<vmem>>, vector<1x1x1x24x200xf32>,
    %get3A_3908 = arith.constant 0 : index
    %get3A_3909 = arith.constant 0 : index
    %get3A_3910 = vector.load %arg8[%get3A_3908, %get3A_3909] : memref<64x64xf32, #tpu.memory_space<vmem>>, vector<64x64xf32>
    %dot_general3A_3911 = arith.constant dense<0.000000e+00> : vector<64x200xf32>
    %dot_general3A_3912 = tpu.matmul %get3A_3910, %get3A_3876, %dot_general3A_3911 {dimension_numbers = #tpu.dot_dimension_numbers<[1], [0], [0], [1], [0, 0, 1, 1], [], []>, transpose_lhs_hint = false} : vector<64x64xf32>, vector<64x200xf32>, vector<64x200xf32> -> vector<64x200xf32>
    %get3A_3913 = arith.constant 0 : index
    %get3A_3914 = arith.constant 0 : index
    %get3A_3915 = vector.load %arg9[%get3A_3913, %get3A_3914] : memref<64x1xf32, #tpu.memory_space<vmem>>, vector<64x1xf32>
    %add3A_3916 = vector.broadcast %get3A_3915 : vector<64x1xf32> to vector<64x200xf32>
    %add3A_3917 = arith.addf %dot_general3A_3912, %add3A_3916 : vector<64x200xf32>
    %max3A_3918 = arith.constant 0.000000e+00 : f32
    %max3A_3919 = vector.broadcast %max3A_3918 : f32 to vector<64x200xf32>
    %max3A_3920 = arith.maximumf %add3A_3917, %max3A_3919 : vector<64x200xf32>
    %get3A_3921 = arith.constant 0 : index
    %get3A_3922 = arith.constant 0 : index
    %get3A_3923 = vector.load %arg10[%get3A_3921, %get3A_3922] : memref<42x64xf32, #tpu.memory_space<vmem>>, vector<42x64xf32>
    %dot_general3A_3924 = arith.constant dense<0.000000e+00> : vector<42x200xf32>
    %dot_general3A_3925 = tpu.matmul %get3A_3923, %max3A_3920, %dot_general3A_3924 {dimension_numbers = #tpu.dot_dimension_numbers<[1], [0], [0], [1], [0, 0, 1, 1], [], []>, transpose_lhs_hint = false} : vector<42x64xf32>, vector<64x200xf32>, vector<42x200xf32> -> vector<42x200xf32>
    %get3A_3926 = arith.constant 0 : index
    %get3A_3927 = arith.constant 0 : index
    %get3A_3928 = vector.load %arg11[%get3A_3926, %get3A_3927] : memref<42x1xf32, #tpu.memory_space<vmem>>, vector<42x1xf32>
    %add3A_3929 = vector.broadcast %get3A_3928 : vector<42x1xf32> to vector<42x200xf32>
    %add3A_3930 = arith.addf %dot_general3A_3925, %add3A_3929 : vector<42x200xf32>
    %add3A_3931 = arith.constant 32 : i32
    %add3A_3932 = arith.addi %mul3A_0, %add3A_3931 : i32
    %convert_element_type3A_3933 = arith.sitofp %add3A_3932 : i32 to f32
    %mul3A_3934 = arith.constant 4.000000e-01 : f32
    %mul3A_3935 = arith.mulf %mul3A_3934, %convert_element_type3A_3933 : f32
    %add3A_3936 = arith.constant 0.000000e+00 : f32
    %add3A_3937 = arith.addf %add3A_3936, %mul3A_3935 : f32
    %add3A_3938 = arith.constant 2.000000e-01 : f32
    %add3A_3939 = arith.addf %add3A_3937, %add3A_3938 : f32
    %slice3A_3940 = vector.extract_strided_slice %add3A_3930 {offsets = [0, 0], sizes = [36, 200], strides = [1, 1]} : vector<42x200xf32> to vector<36x200xf32>
    %mul3A_3941 = vector.broadcast %get3A_17 : vector<36x1xf32> to vector<36x200xf32>
    %mul3A_3942 = arith.mulf %slice3A_3940, %mul3A_3941 : vector<36x200xf32>
    %mul3A_3943 = vector.broadcast %add3A_3939 : f32 to vector<36x1xf32>
    %mul3A_3944 = arith.mulf %mul3A_3943, %get3A_38 : vector<36x1xf32>
    %add3A_3945 = vector.broadcast %mul3A_3944 : vector<36x1xf32> to vector<36x200xf32>
    %add3A_3946 = arith.addf %add3A_35, %add3A_3945 : vector<36x200xf32>
    %add3A_3947 = arith.addf %mul3A_3942, %add3A_3946 : vector<36x200xf32>
    %exp3A_3948 = math.exp %slice3A_3940 : vector<36x200xf32>
    %mul3A_3949 = vector.broadcast %get3A_17 : vector<36x1xf32> to vector<36x200xf32>
    %mul3A_3950 = arith.mulf %exp3A_3948, %mul3A_3949 : vector<36x200xf32>
    %broadcast_in_dim3A_3951 = vector.shape_cast %gt3A_22 : vector<36x1xi1> to vector<36x1xi1>
    %broadcast_in_dim3A_3952 = vector.broadcast %broadcast_in_dim3A_3951 : vector<36x1xi1> to vector<36x200xi1>
    %select_n3A_3953 = arith.select %broadcast_in_dim3A_3952, %add3A_3947, %mul3A_3950 : vector<36x200xi1>, vector<36x200xf32>
    %slice3A_3954 = vector.extract_strided_slice %add3A_3930 {offsets = [36, 0], sizes = [6, 200], strides = [1, 1]} : vector<42x200xf32> to vector<6x200xf32>
    %logistic3A_3955 = arith.negf %slice3A_3954 : vector<6x200xf32>
    %logistic3A_3956 = math.exp %logistic3A_3955 : vector<6x200xf32>
    %logistic3A_3957 = arith.constant 1.000000e+00 : f32
    %logistic3A_3958 = vector.broadcast %logistic3A_3957 : f32 to vector<6x200xf32>
    %logistic3A_3959 = arith.addf %logistic3A_3958, %logistic3A_3956 : vector<6x200xf32>
    %logistic3A_3960 = arith.divf %logistic3A_3958, %logistic3A_3959 : vector<6x200xf32>
    %mul3A_3961 = vector.broadcast %get3A_41 : vector<6x1xf32> to vector<6x200xf32>
    %mul3A_3962 = arith.mulf %logistic3A_3960, %mul3A_3961 : vector<6x200xf32>
    %mul3A_3963 = arith.mulf %mul3A_3962, %mul3A_3962 : vector<6x200xf32>
    %sub3A_3964 = arith.constant 1.000000e+00 : f32
    %sub3A_3965 = vector.broadcast %sub3A_3964 : f32 to vector<6x200xf32>
    %sub3A_3966 = arith.subf %sub3A_3965, %mul3A_3963 : vector<6x200xf32>
    %sqrt3A_3967 = math.sqrt %sub3A_3966 : vector<6x200xf32>
    %atan23A_3968 = math.atan2 %mul3A_3962, %sqrt3A_3967 : vector<6x200xf32>
    %slice3A_3969 = vector.extract_strided_slice %select_n3A_3953 {offsets = [0, 0], sizes = [6, 200], strides = [1, 1]} : vector<36x200xf32> to vector<6x200xf32>
    %slice3A_3970 = vector.extract_strided_slice %atan23A_3968 {offsets = [0, 0], sizes = [1, 200], strides = [1, 1]} : vector<6x200xf32> to vector<1x200xf32>
    %slice3A_3971 = vector.extract_strided_slice %select_n3A_3953 {offsets = [6, 0], sizes = [6, 200], strides = [1, 1]} : vector<36x200xf32> to vector<6x200xf32>
    %slice3A_3972 = vector.extract_strided_slice %atan23A_3968 {offsets = [1, 0], sizes = [1, 200], strides = [1, 1]} : vector<6x200xf32> to vector<1x200xf32>
    %slice3A_3973 = vector.extract_strided_slice %select_n3A_3953 {offsets = [12, 0], sizes = [6, 200], strides = [1, 1]} : vector<36x200xf32> to vector<6x200xf32>
    %slice3A_3974 = vector.extract_strided_slice %atan23A_3968 {offsets = [2, 0], sizes = [1, 200], strides = [1, 1]} : vector<6x200xf32> to vector<1x200xf32>
    %slice3A_3975 = vector.extract_strided_slice %select_n3A_3953 {offsets = [18, 0], sizes = [6, 200], strides = [1, 1]} : vector<36x200xf32> to vector<6x200xf32>
    %slice3A_3976 = vector.extract_strided_slice %atan23A_3968 {offsets = [3, 0], sizes = [1, 200], strides = [1, 1]} : vector<6x200xf32> to vector<1x200xf32>
    %slice3A_3977 = vector.extract_strided_slice %select_n3A_3953 {offsets = [24, 0], sizes = [6, 200], strides = [1, 1]} : vector<36x200xf32> to vector<6x200xf32>
    %slice3A_3978 = vector.extract_strided_slice %atan23A_3968 {offsets = [4, 0], sizes = [1, 200], strides = [1, 1]} : vector<6x200xf32> to vector<1x200xf32>
    %slice3A_3979 = vector.extract_strided_slice %select_n3A_3953 {offsets = [30, 0], sizes = [6, 200], strides = [1, 1]} : vector<36x200xf32> to vector<6x200xf32>
    %slice3A_3980 = vector.extract_strided_slice %atan23A_3968 {offsets = [5, 0], sizes = [1, 200], strides = [1, 1]} : vector<6x200xf32> to vector<1x200xf32>
    %concatenate3A_3981 = tpu.concatenate %slice3A_3969, %slice3A_3970, %slice3A_3971, %slice3A_3972, %slice3A_3973, %slice3A_3974, %slice3A_3975, %slice3A_3976, %slice3A_3977, %slice3A_3978, %slice3A_3979, %slice3A_3980 in 0 : vector<6x200xf32>, vector<1x200xf32>, vector<6x200xf32>, vector<1x200xf32>, vector<6x200xf32>, vector<1x200xf32>, vector<6x200xf32>, vector<1x200xf32>, vector<6x200xf32>, vector<1x200xf32>, vector<6x200xf32>, vector<1x200xf32> -> vector<42x200xf32>
    %swap3A_3982 = arith.constant 0 : index
    %swap3A_3983 = arith.constant 32 : index
    %swap3A_3984 = arith.constant 0 : index
    %swap3A_3985 = arith.constant 0 : index
    %swap3A_3986 = arith.constant 0 : index
    %swap3A_3987 = vector.load %arg15[%swap3A_3982, %swap3A_3983, %swap3A_3984, %swap3A_3985, %swap3A_3986] : memref<1x36x1x42x200xf32, #tpu.memory_space<vmem>>, vector<1x1x1x42x200xf32>
    %swap3A_3988 = vector.shape_cast %swap3A_3987 : vector<1x1x1x42x200xf32> to vector<42x200xf32>
    %swap3A_3989 = vector.shape_cast %concatenate3A_3981 : vector<42x200xf32> to vector<1x1x1x42x200xf32>
    tpu.vector_store %arg15[%swap3A_3982, %swap3A_3983, %swap3A_3984, %swap3A_3985, %swap3A_3986], %swap3A_3989 {strides = array<i32>} : memref<1x36x1x42x200xf32, #tpu.memory_space<vmem>>, vector<1x1x1x42x200xf32>,
    %get3A_3990 = arith.constant 0 : index
    %get3A_3991 = arith.constant 33 : index
    %get3A_3992 = arith.constant 0 : index
    %get3A_3993 = arith.constant 0 : index
    %get3A_3994 = arith.constant 0 : index
    %get3A_3995 = vector.load %arg3[%get3A_3990, %get3A_3991, %get3A_3992, %get3A_3993, %get3A_3994] : memref<1x36x1x64x200xf32, #tpu.memory_space<vmem>>, vector<1x1x1x64x200xf32>
    %get3A_3996 = vector.shape_cast %get3A_3995 : vector<1x1x1x64x200xf32> to vector<64x200xf32>
    %get3A_3997 = arith.constant 0 : index
    %get3A_3998 = arith.constant 0 : index
    %get3A_3999 = vector.load %arg4[%get3A_3997, %get3A_3998] : memref<64x64xf32, #tpu.memory_space<vmem>>, vector<64x64xf32>
    %dot_general3A_4000 = arith.constant dense<0.000000e+00> : vector<64x200xf32>
    %dot_general3A_4001 = tpu.matmul %get3A_3999, %get3A_3996, %dot_general3A_4000 {dimension_numbers = #tpu.dot_dimension_numbers<[1], [0], [0], [1], [0, 0, 1, 1], [], []>, transpose_lhs_hint = false} : vector<64x64xf32>, vector<64x200xf32>, vector<64x200xf32> -> vector<64x200xf32>
    %get3A_4002 = arith.constant 0 : index
    %get3A_4003 = arith.constant 0 : index
    %get3A_4004 = vector.load %arg5[%get3A_4002, %get3A_4003] : memref<64x1xf32, #tpu.memory_space<vmem>>, vector<64x1xf32>
    %add3A_4005 = vector.broadcast %get3A_4004 : vector<64x1xf32> to vector<64x200xf32>
    %add3A_4006 = arith.addf %dot_general3A_4001, %add3A_4005 : vector<64x200xf32>
    %max3A_4007 = arith.constant 0.000000e+00 : f32
    %max3A_4008 = vector.broadcast %max3A_4007 : f32 to vector<64x200xf32>
    %max3A_4009 = arith.maximumf %add3A_4006, %max3A_4008 : vector<64x200xf32>
    %get3A_4010 = arith.constant 0 : index
    %get3A_4011 = arith.constant 0 : index
    %get3A_4012 = vector.load %arg6[%get3A_4010, %get3A_4011] : memref<24x64xf32, #tpu.memory_space<vmem>>, vector<24x64xf32>
    %dot_general3A_4013 = arith.constant dense<0.000000e+00> : vector<24x200xf32>
    %dot_general3A_4014 = tpu.matmul %get3A_4012, %max3A_4009, %dot_general3A_4013 {dimension_numbers = #tpu.dot_dimension_numbers<[1], [0], [0], [1], [0, 0, 1, 1], [], []>, transpose_lhs_hint = false} : vector<24x64xf32>, vector<64x200xf32>, vector<24x200xf32> -> vector<24x200xf32>
    %get3A_4015 = arith.constant 0 : index
    %get3A_4016 = arith.constant 0 : index
    %get3A_4017 = vector.load %arg7[%get3A_4015, %get3A_4016] : memref<24x1xf32, #tpu.memory_space<vmem>>, vector<24x1xf32>
    %add3A_4018 = vector.broadcast %get3A_4017 : vector<24x1xf32> to vector<24x200xf32>
    %add3A_4019 = arith.addf %dot_general3A_4014, %add3A_4018 : vector<24x200xf32>
    %swap3A_4020 = arith.constant 0 : index
    %swap3A_4021 = arith.constant 33 : index
    %swap3A_4022 = arith.constant 0 : index
    %swap3A_4023 = arith.constant 0 : index
    %swap3A_4024 = arith.constant 0 : index
    %swap3A_4025 = vector.load %arg14[%swap3A_4020, %swap3A_4021, %swap3A_4022, %swap3A_4023, %swap3A_4024] : memref<1x36x1x24x200xf32, #tpu.memory_space<vmem>>, vector<1x1x1x24x200xf32>
    %swap3A_4026 = vector.shape_cast %swap3A_4025 : vector<1x1x1x24x200xf32> to vector<24x200xf32>
    %swap3A_4027 = vector.shape_cast %add3A_4019 : vector<24x200xf32> to vector<1x1x1x24x200xf32>
    tpu.vector_store %arg14[%swap3A_4020, %swap3A_4021, %swap3A_4022, %swap3A_4023, %swap3A_4024], %swap3A_4027 {strides = array<i32>} : memref<1x36x1x24x200xf32, #tpu.memory_space<vmem>>, vector<1x1x1x24x200xf32>,
    %get3A_4028 = arith.constant 0 : index
    %get3A_4029 = arith.constant 0 : index
    %get3A_4030 = vector.load %arg8[%get3A_4028, %get3A_4029] : memref<64x64xf32, #tpu.memory_space<vmem>>, vector<64x64xf32>
    %dot_general3A_4031 = arith.constant dense<0.000000e+00> : vector<64x200xf32>
    %dot_general3A_4032 = tpu.matmul %get3A_4030, %get3A_3996, %dot_general3A_4031 {dimension_numbers = #tpu.dot_dimension_numbers<[1], [0], [0], [1], [0, 0, 1, 1], [], []>, transpose_lhs_hint = false} : vector<64x64xf32>, vector<64x200xf32>, vector<64x200xf32> -> vector<64x200xf32>
    %get3A_4033 = arith.constant 0 : index
    %get3A_4034 = arith.constant 0 : index
    %get3A_4035 = vector.load %arg9[%get3A_4033, %get3A_4034] : memref<64x1xf32, #tpu.memory_space<vmem>>, vector<64x1xf32>
    %add3A_4036 = vector.broadcast %get3A_4035 : vector<64x1xf32> to vector<64x200xf32>
    %add3A_4037 = arith.addf %dot_general3A_4032, %add3A_4036 : vector<64x200xf32>
    %max3A_4038 = arith.constant 0.000000e+00 : f32
    %max3A_4039 = vector.broadcast %max3A_4038 : f32 to vector<64x200xf32>
    %max3A_4040 = arith.maximumf %add3A_4037, %max3A_4039 : vector<64x200xf32>
    %get3A_4041 = arith.constant 0 : index
    %get3A_4042 = arith.constant 0 : index
    %get3A_4043 = vector.load %arg10[%get3A_4041, %get3A_4042] : memref<42x64xf32, #tpu.memory_space<vmem>>, vector<42x64xf32>
    %dot_general3A_4044 = arith.constant dense<0.000000e+00> : vector<42x200xf32>
    %dot_general3A_4045 = tpu.matmul %get3A_4043, %max3A_4040, %dot_general3A_4044 {dimension_numbers = #tpu.dot_dimension_numbers<[1], [0], [0], [1], [0, 0, 1, 1], [], []>, transpose_lhs_hint = false} : vector<42x64xf32>, vector<64x200xf32>, vector<42x200xf32> -> vector<42x200xf32>
    %get3A_4046 = arith.constant 0 : index
    %get3A_4047 = arith.constant 0 : index
    %get3A_4048 = vector.load %arg11[%get3A_4046, %get3A_4047] : memref<42x1xf32, #tpu.memory_space<vmem>>, vector<42x1xf32>
    %add3A_4049 = vector.broadcast %get3A_4048 : vector<42x1xf32> to vector<42x200xf32>
    %add3A_4050 = arith.addf %dot_general3A_4045, %add3A_4049 : vector<42x200xf32>
    %add3A_4051 = arith.constant 33 : i32
    %add3A_4052 = arith.addi %mul3A_0, %add3A_4051 : i32
    %convert_element_type3A_4053 = arith.sitofp %add3A_4052 : i32 to f32
    %mul3A_4054 = arith.constant 4.000000e-01 : f32
    %mul3A_4055 = arith.mulf %mul3A_4054, %convert_element_type3A_4053 : f32
    %add3A_4056 = arith.constant 0.000000e+00 : f32
    %add3A_4057 = arith.addf %add3A_4056, %mul3A_4055 : f32
    %add3A_4058 = arith.constant 2.000000e-01 : f32
    %add3A_4059 = arith.addf %add3A_4057, %add3A_4058 : f32
    %slice3A_4060 = vector.extract_strided_slice %add3A_4050 {offsets = [0, 0], sizes = [36, 200], strides = [1, 1]} : vector<42x200xf32> to vector<36x200xf32>
    %mul3A_4061 = vector.broadcast %get3A_17 : vector<36x1xf32> to vector<36x200xf32>
    %mul3A_4062 = arith.mulf %slice3A_4060, %mul3A_4061 : vector<36x200xf32>
    %mul3A_4063 = vector.broadcast %add3A_4059 : f32 to vector<36x1xf32>
    %mul3A_4064 = arith.mulf %mul3A_4063, %get3A_38 : vector<36x1xf32>
    %add3A_4065 = vector.broadcast %mul3A_4064 : vector<36x1xf32> to vector<36x200xf32>
    %add3A_4066 = arith.addf %add3A_35, %add3A_4065 : vector<36x200xf32>
    %add3A_4067 = arith.addf %mul3A_4062, %add3A_4066 : vector<36x200xf32>
    %exp3A_4068 = math.exp %slice3A_4060 : vector<36x200xf32>
    %mul3A_4069 = vector.broadcast %get3A_17 : vector<36x1xf32> to vector<36x200xf32>
    %mul3A_4070 = arith.mulf %exp3A_4068, %mul3A_4069 : vector<36x200xf32>
    %broadcast_in_dim3A_4071 = vector.shape_cast %gt3A_22 : vector<36x1xi1> to vector<36x1xi1>
    %broadcast_in_dim3A_4072 = vector.broadcast %broadcast_in_dim3A_4071 : vector<36x1xi1> to vector<36x200xi1>
    %select_n3A_4073 = arith.select %broadcast_in_dim3A_4072, %add3A_4067, %mul3A_4070 : vector<36x200xi1>, vector<36x200xf32>
    %slice3A_4074 = vector.extract_strided_slice %add3A_4050 {offsets = [36, 0], sizes = [6, 200], strides = [1, 1]} : vector<42x200xf32> to vector<6x200xf32>
    %logistic3A_4075 = arith.negf %slice3A_4074 : vector<6x200xf32>
    %logistic3A_4076 = math.exp %logistic3A_4075 : vector<6x200xf32>
    %logistic3A_4077 = arith.constant 1.000000e+00 : f32
    %logistic3A_4078 = vector.broadcast %logistic3A_4077 : f32 to vector<6x200xf32>
    %logistic3A_4079 = arith.addf %logistic3A_4078, %logistic3A_4076 : vector<6x200xf32>
    %logistic3A_4080 = arith.divf %logistic3A_4078, %logistic3A_4079 : vector<6x200xf32>
    %mul3A_4081 = vector.broadcast %get3A_41 : vector<6x1xf32> to vector<6x200xf32>
    %mul3A_4082 = arith.mulf %logistic3A_4080, %mul3A_4081 : vector<6x200xf32>
    %mul3A_4083 = arith.mulf %mul3A_4082, %mul3A_4082 : vector<6x200xf32>
    %sub3A_4084 = arith.constant 1.000000e+00 : f32
    %sub3A_4085 = vector.broadcast %sub3A_4084 : f32 to vector<6x200xf32>
    %sub3A_4086 = arith.subf %sub3A_4085, %mul3A_4083 : vector<6x200xf32>
    %sqrt3A_4087 = math.sqrt %sub3A_4086 : vector<6x200xf32>
    %atan23A_4088 = math.atan2 %mul3A_4082, %sqrt3A_4087 : vector<6x200xf32>
    %slice3A_4089 = vector.extract_strided_slice %select_n3A_4073 {offsets = [0, 0], sizes = [6, 200], strides = [1, 1]} : vector<36x200xf32> to vector<6x200xf32>
    %slice3A_4090 = vector.extract_strided_slice %atan23A_4088 {offsets = [0, 0], sizes = [1, 200], strides = [1, 1]} : vector<6x200xf32> to vector<1x200xf32>
    %slice3A_4091 = vector.extract_strided_slice %select_n3A_4073 {offsets = [6, 0], sizes = [6, 200], strides = [1, 1]} : vector<36x200xf32> to vector<6x200xf32>
    %slice3A_4092 = vector.extract_strided_slice %atan23A_4088 {offsets = [1, 0], sizes = [1, 200], strides = [1, 1]} : vector<6x200xf32> to vector<1x200xf32>
    %slice3A_4093 = vector.extract_strided_slice %select_n3A_4073 {offsets = [12, 0], sizes = [6, 200], strides = [1, 1]} : vector<36x200xf32> to vector<6x200xf32>
    %slice3A_4094 = vector.extract_strided_slice %atan23A_4088 {offsets = [2, 0], sizes = [1, 200], strides = [1, 1]} : vector<6x200xf32> to vector<1x200xf32>
    %slice3A_4095 = vector.extract_strided_slice %select_n3A_4073 {offsets = [18, 0], sizes = [6, 200], strides = [1, 1]} : vector<36x200xf32> to vector<6x200xf32>
    %slice3A_4096 = vector.extract_strided_slice %atan23A_4088 {offsets = [3, 0], sizes = [1, 200], strides = [1, 1]} : vector<6x200xf32> to vector<1x200xf32>
    %slice3A_4097 = vector.extract_strided_slice %select_n3A_4073 {offsets = [24, 0], sizes = [6, 200], strides = [1, 1]} : vector<36x200xf32> to vector<6x200xf32>
    %slice3A_4098 = vector.extract_strided_slice %atan23A_4088 {offsets = [4, 0], sizes = [1, 200], strides = [1, 1]} : vector<6x200xf32> to vector<1x200xf32>
    %slice3A_4099 = vector.extract_strided_slice %select_n3A_4073 {offsets = [30, 0], sizes = [6, 200], strides = [1, 1]} : vector<36x200xf32> to vector<6x200xf32>
    %slice3A_4100 = vector.extract_strided_slice %atan23A_4088 {offsets = [5, 0], sizes = [1, 200], strides = [1, 1]} : vector<6x200xf32> to vector<1x200xf32>
    %concatenate3A_4101 = tpu.concatenate %slice3A_4089, %slice3A_4090, %slice3A_4091, %slice3A_4092, %slice3A_4093, %slice3A_4094, %slice3A_4095, %slice3A_4096, %slice3A_4097, %slice3A_4098, %slice3A_4099, %slice3A_4100 in 0 : vector<6x200xf32>, vector<1x200xf32>, vector<6x200xf32>, vector<1x200xf32>, vector<6x200xf32>, vector<1x200xf32>, vector<6x200xf32>, vector<1x200xf32>, vector<6x200xf32>, vector<1x200xf32>, vector<6x200xf32>, vector<1x200xf32> -> vector<42x200xf32>
    %swap3A_4102 = arith.constant 0 : index
    %swap3A_4103 = arith.constant 33 : index
    %swap3A_4104 = arith.constant 0 : index
    %swap3A_4105 = arith.constant 0 : index
    %swap3A_4106 = arith.constant 0 : index
    %swap3A_4107 = vector.load %arg15[%swap3A_4102, %swap3A_4103, %swap3A_4104, %swap3A_4105, %swap3A_4106] : memref<1x36x1x42x200xf32, #tpu.memory_space<vmem>>, vector<1x1x1x42x200xf32>
    %swap3A_4108 = vector.shape_cast %swap3A_4107 : vector<1x1x1x42x200xf32> to vector<42x200xf32>
    %swap3A_4109 = vector.shape_cast %concatenate3A_4101 : vector<42x200xf32> to vector<1x1x1x42x200xf32>
    tpu.vector_store %arg15[%swap3A_4102, %swap3A_4103, %swap3A_4104, %swap3A_4105, %swap3A_4106], %swap3A_4109 {strides = array<i32>} : memref<1x36x1x42x200xf32, #tpu.memory_space<vmem>>, vector<1x1x1x42x200xf32>,
    %get3A_4110 = arith.constant 0 : index
    %get3A_4111 = arith.constant 34 : index
    %get3A_4112 = arith.constant 0 : index
    %get3A_4113 = arith.constant 0 : index
    %get3A_4114 = arith.constant 0 : index
    %get3A_4115 = vector.load %arg3[%get3A_4110, %get3A_4111, %get3A_4112, %get3A_4113, %get3A_4114] : memref<1x36x1x64x200xf32, #tpu.memory_space<vmem>>, vector<1x1x1x64x200xf32>
    %get3A_4116 = vector.shape_cast %get3A_4115 : vector<1x1x1x64x200xf32> to vector<64x200xf32>
    %get3A_4117 = arith.constant 0 : index
    %get3A_4118 = arith.constant 0 : index
    %get3A_4119 = vector.load %arg4[%get3A_4117, %get3A_4118] : memref<64x64xf32, #tpu.memory_space<vmem>>, vector<64x64xf32>
    %dot_general3A_4120 = arith.constant dense<0.000000e+00> : vector<64x200xf32>
    %dot_general3A_4121 = tpu.matmul %get3A_4119, %get3A_4116, %dot_general3A_4120 {dimension_numbers = #tpu.dot_dimension_numbers<[1], [0], [0], [1], [0, 0, 1, 1], [], []>, transpose_lhs_hint = false} : vector<64x64xf32>, vector<64x200xf32>, vector<64x200xf32> -> vector<64x200xf32>
    %get3A_4122 = arith.constant 0 : index
    %get3A_4123 = arith.constant 0 : index
    %get3A_4124 = vector.load %arg5[%get3A_4122, %get3A_4123] : memref<64x1xf32, #tpu.memory_space<vmem>>, vector<64x1xf32>
    %add3A_4125 = vector.broadcast %get3A_4124 : vector<64x1xf32> to vector<64x200xf32>
    %add3A_4126 = arith.addf %dot_general3A_4121, %add3A_4125 : vector<64x200xf32>
    %max3A_4127 = arith.constant 0.000000e+00 : f32
    %max3A_4128 = vector.broadcast %max3A_4127 : f32 to vector<64x200xf32>
    %max3A_4129 = arith.maximumf %add3A_4126, %max3A_4128 : vector<64x200xf32>
    %get3A_4130 = arith.constant 0 : index
    %get3A_4131 = arith.constant 0 : index
    %get3A_4132 = vector.load %arg6[%get3A_4130, %get3A_4131] : memref<24x64xf32, #tpu.memory_space<vmem>>, vector<24x64xf32>
    %dot_general3A_4133 = arith.constant dense<0.000000e+00> : vector<24x200xf32>
    %dot_general3A_4134 = tpu.matmul %get3A_4132, %max3A_4129, %dot_general3A_4133 {dimension_numbers = #tpu.dot_dimension_numbers<[1], [0], [0], [1], [0, 0, 1, 1], [], []>, transpose_lhs_hint = false} : vector<24x64xf32>, vector<64x200xf32>, vector<24x200xf32> -> vector<24x200xf32>
    %get3A_4135 = arith.constant 0 : index
    %get3A_4136 = arith.constant 0 : index
    %get3A_4137 = vector.load %arg7[%get3A_4135, %get3A_4136] : memref<24x1xf32, #tpu.memory_space<vmem>>, vector<24x1xf32>
    %add3A_4138 = vector.broadcast %get3A_4137 : vector<24x1xf32> to vector<24x200xf32>
    %add3A_4139 = arith.addf %dot_general3A_4134, %add3A_4138 : vector<24x200xf32>
    %swap3A_4140 = arith.constant 0 : index
    %swap3A_4141 = arith.constant 34 : index
    %swap3A_4142 = arith.constant 0 : index
    %swap3A_4143 = arith.constant 0 : index
    %swap3A_4144 = arith.constant 0 : index
    %swap3A_4145 = vector.load %arg14[%swap3A_4140, %swap3A_4141, %swap3A_4142, %swap3A_4143, %swap3A_4144] : memref<1x36x1x24x200xf32, #tpu.memory_space<vmem>>, vector<1x1x1x24x200xf32>
    %swap3A_4146 = vector.shape_cast %swap3A_4145 : vector<1x1x1x24x200xf32> to vector<24x200xf32>
    %swap3A_4147 = vector.shape_cast %add3A_4139 : vector<24x200xf32> to vector<1x1x1x24x200xf32>
    tpu.vector_store %arg14[%swap3A_4140, %swap3A_4141, %swap3A_4142, %swap3A_4143, %swap3A_4144], %swap3A_4147 {strides = array<i32>} : memref<1x36x1x24x200xf32, #tpu.memory_space<vmem>>, vector<1x1x1x24x200xf32>,
    %get3A_4148 = arith.constant 0 : index
    %get3A_4149 = arith.constant 0 : index
    %get3A_4150 = vector.load %arg8[%get3A_4148, %get3A_4149] : memref<64x64xf32, #tpu.memory_space<vmem>>, vector<64x64xf32>
    %dot_general3A_4151 = arith.constant dense<0.000000e+00> : vector<64x200xf32>
    %dot_general3A_4152 = tpu.matmul %get3A_4150, %get3A_4116, %dot_general3A_4151 {dimension_numbers = #tpu.dot_dimension_numbers<[1], [0], [0], [1], [0, 0, 1, 1], [], []>, transpose_lhs_hint = false} : vector<64x64xf32>, vector<64x200xf32>, vector<64x200xf32> -> vector<64x200xf32>
    %get3A_4153 = arith.constant 0 : index
    %get3A_4154 = arith.constant 0 : index
    %get3A_4155 = vector.load %arg9[%get3A_4153, %get3A_4154] : memref<64x1xf32, #tpu.memory_space<vmem>>, vector<64x1xf32>
    %add3A_4156 = vector.broadcast %get3A_4155 : vector<64x1xf32> to vector<64x200xf32>
    %add3A_4157 = arith.addf %dot_general3A_4152, %add3A_4156 : vector<64x200xf32>
    %max3A_4158 = arith.constant 0.000000e+00 : f32
    %max3A_4159 = vector.broadcast %max3A_4158 : f32 to vector<64x200xf32>
    %max3A_4160 = arith.maximumf %add3A_4157, %max3A_4159 : vector<64x200xf32>
    %get3A_4161 = arith.constant 0 : index
    %get3A_4162 = arith.constant 0 : index
    %get3A_4163 = vector.load %arg10[%get3A_4161, %get3A_4162] : memref<42x64xf32, #tpu.memory_space<vmem>>, vector<42x64xf32>
    %dot_general3A_4164 = arith.constant dense<0.000000e+00> : vector<42x200xf32>
    %dot_general3A_4165 = tpu.matmul %get3A_4163, %max3A_4160, %dot_general3A_4164 {dimension_numbers = #tpu.dot_dimension_numbers<[1], [0], [0], [1], [0, 0, 1, 1], [], []>, transpose_lhs_hint = false} : vector<42x64xf32>, vector<64x200xf32>, vector<42x200xf32> -> vector<42x200xf32>
    %get3A_4166 = arith.constant 0 : index
    %get3A_4167 = arith.constant 0 : index
    %get3A_4168 = vector.load %arg11[%get3A_4166, %get3A_4167] : memref<42x1xf32, #tpu.memory_space<vmem>>, vector<42x1xf32>
    %add3A_4169 = vector.broadcast %get3A_4168 : vector<42x1xf32> to vector<42x200xf32>
    %add3A_4170 = arith.addf %dot_general3A_4165, %add3A_4169 : vector<42x200xf32>
    %add3A_4171 = arith.constant 34 : i32
    %add3A_4172 = arith.addi %mul3A_0, %add3A_4171 : i32
    %convert_element_type3A_4173 = arith.sitofp %add3A_4172 : i32 to f32
    %mul3A_4174 = arith.constant 4.000000e-01 : f32
    %mul3A_4175 = arith.mulf %mul3A_4174, %convert_element_type3A_4173 : f32
    %add3A_4176 = arith.constant 0.000000e+00 : f32
    %add3A_4177 = arith.addf %add3A_4176, %mul3A_4175 : f32
    %add3A_4178 = arith.constant 2.000000e-01 : f32
    %add3A_4179 = arith.addf %add3A_4177, %add3A_4178 : f32
    %slice3A_4180 = vector.extract_strided_slice %add3A_4170 {offsets = [0, 0], sizes = [36, 200], strides = [1, 1]} : vector<42x200xf32> to vector<36x200xf32>
    %mul3A_4181 = vector.broadcast %get3A_17 : vector<36x1xf32> to vector<36x200xf32>
    %mul3A_4182 = arith.mulf %slice3A_4180, %mul3A_4181 : vector<36x200xf32>
    %mul3A_4183 = vector.broadcast %add3A_4179 : f32 to vector<36x1xf32>
    %mul3A_4184 = arith.mulf %mul3A_4183, %get3A_38 : vector<36x1xf32>
    %add3A_4185 = vector.broadcast %mul3A_4184 : vector<36x1xf32> to vector<36x200xf32>
    %add3A_4186 = arith.addf %add3A_35, %add3A_4185 : vector<36x200xf32>
    %add3A_4187 = arith.addf %mul3A_4182, %add3A_4186 : vector<36x200xf32>
    %exp3A_4188 = math.exp %slice3A_4180 : vector<36x200xf32>
    %mul3A_4189 = vector.broadcast %get3A_17 : vector<36x1xf32> to vector<36x200xf32>
    %mul3A_4190 = arith.mulf %exp3A_4188, %mul3A_4189 : vector<36x200xf32>
    %broadcast_in_dim3A_4191 = vector.shape_cast %gt3A_22 : vector<36x1xi1> to vector<36x1xi1>
    %broadcast_in_dim3A_4192 = vector.broadcast %broadcast_in_dim3A_4191 : vector<36x1xi1> to vector<36x200xi1>
    %select_n3A_4193 = arith.select %broadcast_in_dim3A_4192, %add3A_4187, %mul3A_4190 : vector<36x200xi1>, vector<36x200xf32>
    %slice3A_4194 = vector.extract_strided_slice %add3A_4170 {offsets = [36, 0], sizes = [6, 200], strides = [1, 1]} : vector<42x200xf32> to vector<6x200xf32>
    %logistic3A_4195 = arith.negf %slice3A_4194 : vector<6x200xf32>
    %logistic3A_4196 = math.exp %logistic3A_4195 : vector<6x200xf32>
    %logistic3A_4197 = arith.constant 1.000000e+00 : f32
    %logistic3A_4198 = vector.broadcast %logistic3A_4197 : f32 to vector<6x200xf32>
    %logistic3A_4199 = arith.addf %logistic3A_4198, %logistic3A_4196 : vector<6x200xf32>
    %logistic3A_4200 = arith.divf %logistic3A_4198, %logistic3A_4199 : vector<6x200xf32>
    %mul3A_4201 = vector.broadcast %get3A_41 : vector<6x1xf32> to vector<6x200xf32>
    %mul3A_4202 = arith.mulf %logistic3A_4200, %mul3A_4201 : vector<6x200xf32>
    %mul3A_4203 = arith.mulf %mul3A_4202, %mul3A_4202 : vector<6x200xf32>
    %sub3A_4204 = arith.constant 1.000000e+00 : f32
    %sub3A_4205 = vector.broadcast %sub3A_4204 : f32 to vector<6x200xf32>
    %sub3A_4206 = arith.subf %sub3A_4205, %mul3A_4203 : vector<6x200xf32>
    %sqrt3A_4207 = math.sqrt %sub3A_4206 : vector<6x200xf32>
    %atan23A_4208 = math.atan2 %mul3A_4202, %sqrt3A_4207 : vector<6x200xf32>
    %slice3A_4209 = vector.extract_strided_slice %select_n3A_4193 {offsets = [0, 0], sizes = [6, 200], strides = [1, 1]} : vector<36x200xf32> to vector<6x200xf32>
    %slice3A_4210 = vector.extract_strided_slice %atan23A_4208 {offsets = [0, 0], sizes = [1, 200], strides = [1, 1]} : vector<6x200xf32> to vector<1x200xf32>
    %slice3A_4211 = vector.extract_strided_slice %select_n3A_4193 {offsets = [6, 0], sizes = [6, 200], strides = [1, 1]} : vector<36x200xf32> to vector<6x200xf32>
    %slice3A_4212 = vector.extract_strided_slice %atan23A_4208 {offsets = [1, 0], sizes = [1, 200], strides = [1, 1]} : vector<6x200xf32> to vector<1x200xf32>
    %slice3A_4213 = vector.extract_strided_slice %select_n3A_4193 {offsets = [12, 0], sizes = [6, 200], strides = [1, 1]} : vector<36x200xf32> to vector<6x200xf32>
    %slice3A_4214 = vector.extract_strided_slice %atan23A_4208 {offsets = [2, 0], sizes = [1, 200], strides = [1, 1]} : vector<6x200xf32> to vector<1x200xf32>
    %slice3A_4215 = vector.extract_strided_slice %select_n3A_4193 {offsets = [18, 0], sizes = [6, 200], strides = [1, 1]} : vector<36x200xf32> to vector<6x200xf32>
    %slice3A_4216 = vector.extract_strided_slice %atan23A_4208 {offsets = [3, 0], sizes = [1, 200], strides = [1, 1]} : vector<6x200xf32> to vector<1x200xf32>
    %slice3A_4217 = vector.extract_strided_slice %select_n3A_4193 {offsets = [24, 0], sizes = [6, 200], strides = [1, 1]} : vector<36x200xf32> to vector<6x200xf32>
    %slice3A_4218 = vector.extract_strided_slice %atan23A_4208 {offsets = [4, 0], sizes = [1, 200], strides = [1, 1]} : vector<6x200xf32> to vector<1x200xf32>
    %slice3A_4219 = vector.extract_strided_slice %select_n3A_4193 {offsets = [30, 0], sizes = [6, 200], strides = [1, 1]} : vector<36x200xf32> to vector<6x200xf32>
    %slice3A_4220 = vector.extract_strided_slice %atan23A_4208 {offsets = [5, 0], sizes = [1, 200], strides = [1, 1]} : vector<6x200xf32> to vector<1x200xf32>
    %concatenate3A_4221 = tpu.concatenate %slice3A_4209, %slice3A_4210, %slice3A_4211, %slice3A_4212, %slice3A_4213, %slice3A_4214, %slice3A_4215, %slice3A_4216, %slice3A_4217, %slice3A_4218, %slice3A_4219, %slice3A_4220 in 0 : vector<6x200xf32>, vector<1x200xf32>, vector<6x200xf32>, vector<1x200xf32>, vector<6x200xf32>, vector<1x200xf32>, vector<6x200xf32>, vector<1x200xf32>, vector<6x200xf32>, vector<1x200xf32>, vector<6x200xf32>, vector<1x200xf32> -> vector<42x200xf32>
    %swap3A_4222 = arith.constant 0 : index
    %swap3A_4223 = arith.constant 34 : index
    %swap3A_4224 = arith.constant 0 : index
    %swap3A_4225 = arith.constant 0 : index
    %swap3A_4226 = arith.constant 0 : index
    %swap3A_4227 = vector.load %arg15[%swap3A_4222, %swap3A_4223, %swap3A_4224, %swap3A_4225, %swap3A_4226] : memref<1x36x1x42x200xf32, #tpu.memory_space<vmem>>, vector<1x1x1x42x200xf32>
    %swap3A_4228 = vector.shape_cast %swap3A_4227 : vector<1x1x1x42x200xf32> to vector<42x200xf32>
    %swap3A_4229 = vector.shape_cast %concatenate3A_4221 : vector<42x200xf32> to vector<1x1x1x42x200xf32>
    tpu.vector_store %arg15[%swap3A_4222, %swap3A_4223, %swap3A_4224, %swap3A_4225, %swap3A_4226], %swap3A_4229 {strides = array<i32>} : memref<1x36x1x42x200xf32, #tpu.memory_space<vmem>>, vector<1x1x1x42x200xf32>,
    %get3A_4230 = arith.constant 0 : index
    %get3A_4231 = arith.constant 35 : index
    %get3A_4232 = arith.constant 0 : index
    %get3A_4233 = arith.constant 0 : index
    %get3A_4234 = arith.constant 0 : index
    %get3A_4235 = vector.load %arg3[%get3A_4230, %get3A_4231, %get3A_4232, %get3A_4233, %get3A_4234] : memref<1x36x1x64x200xf32, #tpu.memory_space<vmem>>, vector<1x1x1x64x200xf32>
    %get3A_4236 = vector.shape_cast %get3A_4235 : vector<1x1x1x64x200xf32> to vector<64x200xf32>
    %get3A_4237 = arith.constant 0 : index
    %get3A_4238 = arith.constant 0 : index
    %get3A_4239 = vector.load %arg4[%get3A_4237, %get3A_4238] : memref<64x64xf32, #tpu.memory_space<vmem>>, vector<64x64xf32>
    %dot_general3A_4240 = arith.constant dense<0.000000e+00> : vector<64x200xf32>
    %dot_general3A_4241 = tpu.matmul %get3A_4239, %get3A_4236, %dot_general3A_4240 {dimension_numbers = #tpu.dot_dimension_numbers<[1], [0], [0], [1], [0, 0, 1, 1], [], []>, transpose_lhs_hint = false} : vector<64x64xf32>, vector<64x200xf32>, vector<64x200xf32> -> vector<64x200xf32>
    %get3A_4242 = arith.constant 0 : index
    %get3A_4243 = arith.constant 0 : index
    %get3A_4244 = vector.load %arg5[%get3A_4242, %get3A_4243] : memref<64x1xf32, #tpu.memory_space<vmem>>, vector<64x1xf32>
    %add3A_4245 = vector.broadcast %get3A_4244 : vector<64x1xf32> to vector<64x200xf32>
    %add3A_4246 = arith.addf %dot_general3A_4241, %add3A_4245 : vector<64x200xf32>
    %max3A_4247 = arith.constant 0.000000e+00 : f32
    %max3A_4248 = vector.broadcast %max3A_4247 : f32 to vector<64x200xf32>
    %max3A_4249 = arith.maximumf %add3A_4246, %max3A_4248 : vector<64x200xf32>
    %get3A_4250 = arith.constant 0 : index
    %get3A_4251 = arith.constant 0 : index
    %get3A_4252 = vector.load %arg6[%get3A_4250, %get3A_4251] : memref<24x64xf32, #tpu.memory_space<vmem>>, vector<24x64xf32>
    %dot_general3A_4253 = arith.constant dense<0.000000e+00> : vector<24x200xf32>
    %dot_general3A_4254 = tpu.matmul %get3A_4252, %max3A_4249, %dot_general3A_4253 {dimension_numbers = #tpu.dot_dimension_numbers<[1], [0], [0], [1], [0, 0, 1, 1], [], []>, transpose_lhs_hint = false} : vector<24x64xf32>, vector<64x200xf32>, vector<24x200xf32> -> vector<24x200xf32>
    %get3A_4255 = arith.constant 0 : index
    %get3A_4256 = arith.constant 0 : index
    %get3A_4257 = vector.load %arg7[%get3A_4255, %get3A_4256] : memref<24x1xf32, #tpu.memory_space<vmem>>, vector<24x1xf32>
    %add3A_4258 = vector.broadcast %get3A_4257 : vector<24x1xf32> to vector<24x200xf32>
    %add3A_4259 = arith.addf %dot_general3A_4254, %add3A_4258 : vector<24x200xf32>
    %swap3A_4260 = arith.constant 0 : index
    %swap3A_4261 = arith.constant 35 : index
    %swap3A_4262 = arith.constant 0 : index
    %swap3A_4263 = arith.constant 0 : index
    %swap3A_4264 = arith.constant 0 : index
    %swap3A_4265 = vector.load %arg14[%swap3A_4260, %swap3A_4261, %swap3A_4262, %swap3A_4263, %swap3A_4264] : memref<1x36x1x24x200xf32, #tpu.memory_space<vmem>>, vector<1x1x1x24x200xf32>
    %swap3A_4266 = vector.shape_cast %swap3A_4265 : vector<1x1x1x24x200xf32> to vector<24x200xf32>
    %swap3A_4267 = vector.shape_cast %add3A_4259 : vector<24x200xf32> to vector<1x1x1x24x200xf32>
    tpu.vector_store %arg14[%swap3A_4260, %swap3A_4261, %swap3A_4262, %swap3A_4263, %swap3A_4264], %swap3A_4267 {strides = array<i32>} : memref<1x36x1x24x200xf32, #tpu.memory_space<vmem>>, vector<1x1x1x24x200xf32>,
    %get3A_4268 = arith.constant 0 : index
    %get3A_4269 = arith.constant 0 : index
    %get3A_4270 = vector.load %arg8[%get3A_4268, %get3A_4269] : memref<64x64xf32, #tpu.memory_space<vmem>>, vector<64x64xf32>
    %dot_general3A_4271 = arith.constant dense<0.000000e+00> : vector<64x200xf32>
    %dot_general3A_4272 = tpu.matmul %get3A_4270, %get3A_4236, %dot_general3A_4271 {dimension_numbers = #tpu.dot_dimension_numbers<[1], [0], [0], [1], [0, 0, 1, 1], [], []>, transpose_lhs_hint = false} : vector<64x64xf32>, vector<64x200xf32>, vector<64x200xf32> -> vector<64x200xf32>
    %get3A_4273 = arith.constant 0 : index
    %get3A_4274 = arith.constant 0 : index
    %get3A_4275 = vector.load %arg9[%get3A_4273, %get3A_4274] : memref<64x1xf32, #tpu.memory_space<vmem>>, vector<64x1xf32>
    %add3A_4276 = vector.broadcast %get3A_4275 : vector<64x1xf32> to vector<64x200xf32>
    %add3A_4277 = arith.addf %dot_general3A_4272, %add3A_4276 : vector<64x200xf32>
    %max3A_4278 = arith.constant 0.000000e+00 : f32
    %max3A_4279 = vector.broadcast %max3A_4278 : f32 to vector<64x200xf32>
    %max3A_4280 = arith.maximumf %add3A_4277, %max3A_4279 : vector<64x200xf32>
    %get3A_4281 = arith.constant 0 : index
    %get3A_4282 = arith.constant 0 : index
    %get3A_4283 = vector.load %arg10[%get3A_4281, %get3A_4282] : memref<42x64xf32, #tpu.memory_space<vmem>>, vector<42x64xf32>
    %dot_general3A_4284 = arith.constant dense<0.000000e+00> : vector<42x200xf32>
    %dot_general3A_4285 = tpu.matmul %get3A_4283, %max3A_4280, %dot_general3A_4284 {dimension_numbers = #tpu.dot_dimension_numbers<[1], [0], [0], [1], [0, 0, 1, 1], [], []>, transpose_lhs_hint = false} : vector<42x64xf32>, vector<64x200xf32>, vector<42x200xf32> -> vector<42x200xf32>
    %get3A_4286 = arith.constant 0 : index
    %get3A_4287 = arith.constant 0 : index
    %get3A_4288 = vector.load %arg11[%get3A_4286, %get3A_4287] : memref<42x1xf32, #tpu.memory_space<vmem>>, vector<42x1xf32>
    %add3A_4289 = vector.broadcast %get3A_4288 : vector<42x1xf32> to vector<42x200xf32>
    %add3A_4290 = arith.addf %dot_general3A_4285, %add3A_4289 : vector<42x200xf32>
    %add3A_4291 = arith.constant 35 : i32
    %add3A_4292 = arith.addi %mul3A_0, %add3A_4291 : i32
    %convert_element_type3A_4293 = arith.sitofp %add3A_4292 : i32 to f32
    %mul3A_4294 = arith.constant 4.000000e-01 : f32
    %mul3A_4295 = arith.mulf %mul3A_4294, %convert_element_type3A_4293 : f32
    %add3A_4296 = arith.constant 0.000000e+00 : f32
    %add3A_4297 = arith.addf %add3A_4296, %mul3A_4295 : f32
    %add3A_4298 = arith.constant 2.000000e-01 : f32
    %add3A_4299 = arith.addf %add3A_4297, %add3A_4298 : f32
    %slice3A_4300 = vector.extract_strided_slice %add3A_4290 {offsets = [0, 0], sizes = [36, 200], strides = [1, 1]} : vector<42x200xf32> to vector<36x200xf32>
    %mul3A_4301 = vector.broadcast %get3A_17 : vector<36x1xf32> to vector<36x200xf32>
    %mul3A_4302 = arith.mulf %slice3A_4300, %mul3A_4301 : vector<36x200xf32>
    %mul3A_4303 = vector.broadcast %add3A_4299 : f32 to vector<36x1xf32>
    %mul3A_4304 = arith.mulf %mul3A_4303, %get3A_38 : vector<36x1xf32>
    %add3A_4305 = vector.broadcast %mul3A_4304 : vector<36x1xf32> to vector<36x200xf32>
    %add3A_4306 = arith.addf %add3A_35, %add3A_4305 : vector<36x200xf32>
    %add3A_4307 = arith.addf %mul3A_4302, %add3A_4306 : vector<36x200xf32>
    %exp3A_4308 = math.exp %slice3A_4300 : vector<36x200xf32>
    %mul3A_4309 = vector.broadcast %get3A_17 : vector<36x1xf32> to vector<36x200xf32>
    %mul3A_4310 = arith.mulf %exp3A_4308, %mul3A_4309 : vector<36x200xf32>
    %broadcast_in_dim3A_4311 = vector.shape_cast %gt3A_22 : vector<36x1xi1> to vector<36x1xi1>
    %broadcast_in_dim3A_4312 = vector.broadcast %broadcast_in_dim3A_4311 : vector<36x1xi1> to vector<36x200xi1>
    %select_n3A_4313 = arith.select %broadcast_in_dim3A_4312, %add3A_4307, %mul3A_4310 : vector<36x200xi1>, vector<36x200xf32>
    %slice3A_4314 = vector.extract_strided_slice %add3A_4290 {offsets = [36, 0], sizes = [6, 200], strides = [1, 1]} : vector<42x200xf32> to vector<6x200xf32>
    %logistic3A_4315 = arith.negf %slice3A_4314 : vector<6x200xf32>
    %logistic3A_4316 = math.exp %logistic3A_4315 : vector<6x200xf32>
    %logistic3A_4317 = arith.constant 1.000000e+00 : f32
    %logistic3A_4318 = vector.broadcast %logistic3A_4317 : f32 to vector<6x200xf32>
    %logistic3A_4319 = arith.addf %logistic3A_4318, %logistic3A_4316 : vector<6x200xf32>
    %logistic3A_4320 = arith.divf %logistic3A_4318, %logistic3A_4319 : vector<6x200xf32>
    %mul3A_4321 = vector.broadcast %get3A_41 : vector<6x1xf32> to vector<6x200xf32>
    %mul3A_4322 = arith.mulf %logistic3A_4320, %mul3A_4321 : vector<6x200xf32>
    %mul3A_4323 = arith.mulf %mul3A_4322, %mul3A_4322 : vector<6x200xf32>
    %sub3A_4324 = arith.constant 1.000000e+00 : f32
    %sub3A_4325 = vector.broadcast %sub3A_4324 : f32 to vector<6x200xf32>
    %sub3A_4326 = arith.subf %sub3A_4325, %mul3A_4323 : vector<6x200xf32>
    %sqrt3A_4327 = math.sqrt %sub3A_4326 : vector<6x200xf32>
    %atan23A_4328 = math.atan2 %mul3A_4322, %sqrt3A_4327 : vector<6x200xf32>
    %slice3A_4329 = vector.extract_strided_slice %select_n3A_4313 {offsets = [0, 0], sizes = [6, 200], strides = [1, 1]} : vector<36x200xf32> to vector<6x200xf32>
    %slice3A_4330 = vector.extract_strided_slice %atan23A_4328 {offsets = [0, 0], sizes = [1, 200], strides = [1, 1]} : vector<6x200xf32> to vector<1x200xf32>
    %slice3A_4331 = vector.extract_strided_slice %select_n3A_4313 {offsets = [6, 0], sizes = [6, 200], strides = [1, 1]} : vector<36x200xf32> to vector<6x200xf32>
    %slice3A_4332 = vector.extract_strided_slice %atan23A_4328 {offsets = [1, 0], sizes = [1, 200], strides = [1, 1]} : vector<6x200xf32> to vector<1x200xf32>
    %slice3A_4333 = vector.extract_strided_slice %select_n3A_4313 {offsets = [12, 0], sizes = [6, 200], strides = [1, 1]} : vector<36x200xf32> to vector<6x200xf32>
    %slice3A_4334 = vector.extract_strided_slice %atan23A_4328 {offsets = [2, 0], sizes = [1, 200], strides = [1, 1]} : vector<6x200xf32> to vector<1x200xf32>
    %slice3A_4335 = vector.extract_strided_slice %select_n3A_4313 {offsets = [18, 0], sizes = [6, 200], strides = [1, 1]} : vector<36x200xf32> to vector<6x200xf32>
    %slice3A_4336 = vector.extract_strided_slice %atan23A_4328 {offsets = [3, 0], sizes = [1, 200], strides = [1, 1]} : vector<6x200xf32> to vector<1x200xf32>
    %slice3A_4337 = vector.extract_strided_slice %select_n3A_4313 {offsets = [24, 0], sizes = [6, 200], strides = [1, 1]} : vector<36x200xf32> to vector<6x200xf32>
    %slice3A_4338 = vector.extract_strided_slice %atan23A_4328 {offsets = [4, 0], sizes = [1, 200], strides = [1, 1]} : vector<6x200xf32> to vector<1x200xf32>
    %slice3A_4339 = vector.extract_strided_slice %select_n3A_4313 {offsets = [30, 0], sizes = [6, 200], strides = [1, 1]} : vector<36x200xf32> to vector<6x200xf32>
    %slice3A_4340 = vector.extract_strided_slice %atan23A_4328 {offsets = [5, 0], sizes = [1, 200], strides = [1, 1]} : vector<6x200xf32> to vector<1x200xf32>
    %concatenate3A_4341 = tpu.concatenate %slice3A_4329, %slice3A_4330, %slice3A_4331, %slice3A_4332, %slice3A_4333, %slice3A_4334, %slice3A_4335, %slice3A_4336, %slice3A_4337, %slice3A_4338, %slice3A_4339, %slice3A_4340 in 0 : vector<6x200xf32>, vector<1x200xf32>, vector<6x200xf32>, vector<1x200xf32>, vector<6x200xf32>, vector<1x200xf32>, vector<6x200xf32>, vector<1x200xf32>, vector<6x200xf32>, vector<1x200xf32>, vector<6x200xf32>, vector<1x200xf32> -> vector<42x200xf32>
    %swap3A_4342 = arith.constant 0 : index
    %swap3A_4343 = arith.constant 35 : index
    %swap3A_4344 = arith.constant 0 : index
    %swap3A_4345 = arith.constant 0 : index
    %swap3A_4346 = arith.constant 0 : index
    %swap3A_4347 = vector.load %arg15[%swap3A_4342, %swap3A_4343, %swap3A_4344, %swap3A_4345, %swap3A_4346] : memref<1x36x1x42x200xf32, #tpu.memory_space<vmem>>, vector<1x1x1x42x200xf32>
    %swap3A_4348 = vector.shape_cast %swap3A_4347 : vector<1x1x1x42x200xf32> to vector<42x200xf32>
    %swap3A_4349 = vector.shape_cast %concatenate3A_4341 : vector<42x200xf32> to vector<1x1x1x42x200xf32>
    tpu.vector_store %arg15[%swap3A_4342, %swap3A_4343, %swap3A_4344, %swap3A_4345, %swap3A_4346], %swap3A_4349 {strides = array<i32>} : memref<1x36x1x42x200xf32, #tpu.memory_space<vmem>>, vector<1x1x1x42x200xf32>,
    return
  }
  func.func @transform_0(%arg0: i32, %arg1: i32, %arg2: i32) -> (i32, i32, i32, i32, i32) {
    %c0_i32 = arith.constant 0 : i32
    %c0_i32_0 = arith.constant 0 : i32
    %c0_i32_1 = arith.constant 0 : i32
    return %arg0, %arg1, %arg2, %c0_i32, %c0_i32_0 : i32, i32, i32, i32, i32
  }
  func.func @transform_1(%arg0: i32, %arg1: i32, %arg2: i32) -> (i32, i32) {
    %c0_i32 = arith.constant 0 : i32
    %c0_i32_0 = arith.constant 0 : i32
    %c0_i32_1 = arith.constant 0 : i32
    return %c0_i32, %c0_i32_0 : i32, i32
  }
  func.func @transform_2(%arg0: i32, %arg1: i32, %arg2: i32) -> (i32, i32) {
    %c0_i32 = arith.constant 0 : i32
    %c0_i32_0 = arith.constant 0 : i32
    %c0_i32_1 = arith.constant 0 : i32
    return %c0_i32, %c0_i32_0 : i32, i32
  }
  func.func @transform_3(%arg0: i32, %arg1: i32, %arg2: i32) -> (i32, i32) {
    %c0_i32 = arith.constant 0 : i32
    %c0_i32_0 = arith.constant 0 : i32
    %c0_i32_1 = arith.constant 0 : i32
    return %c0_i32, %c0_i32_0 : i32, i32
  }
  func.func @transform_4(%arg0: i32, %arg1: i32, %arg2: i32) -> (i32, i32) {
    %c0_i32 = arith.constant 0 : i32
    %c0_i32_0 = arith.constant 0 : i32
    %c0_i32_1 = arith.constant 0 : i32
    return %c0_i32, %c0_i32_0 : i32, i32
  }
  func.func @transform_5(%arg0: i32, %arg1: i32, %arg2: i32) -> (i32, i32) {
    %c0_i32 = arith.constant 0 : i32
    %c0_i32_0 = arith.constant 0 : i32
    %c0_i32_1 = arith.constant 0 : i32
    return %c0_i32, %c0_i32_0 : i32, i32
  }
  func.func @transform_6(%arg0: i32, %arg1: i32, %arg2: i32) -> (i32, i32) {
    %c0_i32 = arith.constant 0 : i32
    %c0_i32_0 = arith.constant 0 : i32
    %c0_i32_1 = arith.constant 0 : i32
    return %c0_i32, %c0_i32_0 : i32, i32
  }
  func.func @transform_7(%arg0: i32, %arg1: i32, %arg2: i32) -> (i32, i32) {
    %c0_i32 = arith.constant 0 : i32
    %c0_i32_0 = arith.constant 0 : i32
    %c0_i32_1 = arith.constant 0 : i32
    return %c0_i32, %c0_i32_0 : i32, i32
  }
  func.func @transform_8(%arg0: i32, %arg1: i32, %arg2: i32) -> (i32, i32) {
    %c0_i32 = arith.constant 0 : i32
    %c0_i32_0 = arith.constant 0 : i32
    %c0_i32_1 = arith.constant 0 : i32
    return %c0_i32, %c0_i32_0 : i32, i32
  }
  func.func @transform_9(%arg0: i32, %arg1: i32, %arg2: i32) -> (i32, i32) {
    %c0_i32 = arith.constant 0 : i32
    %c0_i32_0 = arith.constant 0 : i32
    %c0_i32_1 = arith.constant 0 : i32
    return %c0_i32, %c0_i32_0 : i32, i32
  }
  func.func @transform_10(%arg0: i32, %arg1: i32, %arg2: i32) -> (i32, i32) {
    %c0_i32 = arith.constant 0 : i32
    %c0_i32_0 = arith.constant 0 : i32
    %c0_i32_1 = arith.constant 0 : i32
    return %c0_i32, %c0_i32_0 : i32, i32
  }
  func.func @transform_11(%arg0: i32, %arg1: i32, %arg2: i32) -> (i32, i32, i32, i32, i32) {
    %c0_i32 = arith.constant 0 : i32
    %c0_i32_0 = arith.constant 0 : i32
    %c0_i32_1 = arith.constant 0 : i32
    return %arg0, %arg1, %arg2, %c0_i32, %c0_i32_0 : i32, i32, i32, i32, i32
  }
  func.func @transform_12(%arg0: i32, %arg1: i32, %arg2: i32) -> (i32, i32, i32, i32, i32) {
    %c0_i32 = arith.constant 0 : i32
    %c0_i32_0 = arith.constant 0 : i32
    %c0_i32_1 = arith.constant 0 : i32
    return %arg0, %arg1, %arg2, %c0_i32, %c0_i32_0 : i32, i32, i32, i32, i32
  }
}

</mosaic_0001>

<sc_bundles>
// kernel: sparse-core-data-format-call.cloned.1.call-start
scs
called_computation_lowered:
.L_overlay_start_0:
0x0: {  	s2 =	sld [smem:$0x3FD9]  }
0x1: {  	s3 =	sld [smem:$0x3FFE];
	_ =	sdelay $0x1  }
0x2: {  	s1 =	srdreg.scid  }
0x3: {  	s0 =	sand.u32 $0x1, s1  }
0x4: {  	s15 =	sshll.u32 s0, $0xA;
	s2 =	sadd.s32 s3, s2  }
0x5: {  	s2 =	sadd.s32 s2, s15  }
0x6: {  	[smem:$0x3FB7] =	sst s2  }
0x7: {  	_ = 	snop  }
0x8: {  	s2 =	sld [smem:$0x3FD0];
	_ =	sdelay $0x2  }
0x9: {  	s16 =	simm.s32 $0xA;
	s4 =	simm.s32 $0x10  }
0xa: {  	[smem:s4], [sflag:s16] =	dma.local [hbm:s2], $0x1  }
0xb: {  	_ =	swait.eq [sflag:s16], $0x1  }
0xc: {  	[sflag:s16] =	ssyncset.done $0x0  }
0xd: {  	[sflag:s16] =	ssyncadd.s32 $0xFFFFFFFF  }
0xe: {  	s17 =	sld [smem:$0x11];
	(tm) =	ssettm $0x1  }
0xf: {  	s18 =	sld [smem:$0x3FFB];
	_ =	sdelay $0x3  }
0x10: {  	_ =	strace s18  }
0x11: {  	s3 =	sld [smem:$0x3FFC];
	_ =	sdelay $0x3  }
0x12: {  	_ =	strace s3  }
0x13: {  	s3 =	sld [smem:$0x3FFD];
	_ =	sdelay $0x3  }
0x14: {  	_ =	strace s3  }
0x15: {  	_ =	strace $0x8FFFFFFF  }
0x16: {  	s19 =	sld [smem:$0x3FDB];
	_ =	sdelay $0x1  }
0x17: {  	s20 =	simm.s32 $_scs_section_size  }
0x18: {  	s5 =	simm.s32 $_size__tile_overlayer_lowered;
	s6 =	simm.s32 $_tile_overlayer_lowered  }
0x19: {  	s23 =	simm.s32 $0x1BFF;
	s22 =	sshll.u32 s6, $0x1;
	s3 =	sadd.s32 s20, s19  }
0x1a: {  	s7 =	simm.s32 $0x0;
	s21 =	sshll.u32 s5, $0x1;
	s5 =	sadd.s32 s22, s3  }
0x1b: {  	[timem:s7], [sflag:s23] =	dma.local [hbm:s5], s21  }
0x1c: {  	_ =	swait.ge [sflag:s23], s21  }
0x1d: {  	s4 =	ssub.s32 $0x0, s21;
	[sflag:s23] =	ssyncset.done $0x0  }
0x1e: {  	[sflag:s23] =	ssyncadd.s32 s4;
	_ =	sdelay $0x1  }
0x1f: {  	s24 =	simm.s32 $0x1B8B  }
0x20: {  	_ =	swait.ge [sflag:s24], $0x1  }
0x21: {  	[sflag:s24] =	ssyncset.done $0x0  }
0x22: {  	s26 =	simm.s32 $0x1B8E;
	s25 =	sld [smem:$0x3FFE];
	[sflag:s24] =	ssyncadd.s32 $0xFFFFFFFF  }
0x23: {  	s27 =	simm.s32 $execute0_lowered;
	[smem:$0x3FD2] =	sst s26  }
0x24: {  	s5 =	sshll.u32 s27, $0x1;
	_ =	strace $0x80000046;
	[dreg:$0x1] =	wrdreg $0xFFFFFFFF  }
0x25: {  	s28 =	simm.s32 $_size_execute0_lowered;
	s3 =	sadd.s32 s3, s5;
	[dreg:$0x0] =	wrdreg $0x0  }
0x26: {  	s5 =	sshll.u32 s28, $0x1;
	[dreg:$0x2] =	wrdreg s3  }
0x27: {  	[dreg:$0x3] =	wrdreg s5  }
0x28: {  	[dreg:$0x4] =	wrdreg $0xC0  }
0x29: {  	_ =	task [dreg:s7], $0x5FFFF  }
0x2a: {  	[dreg:$0x1] =	wrdreg $0xFFFFFFFF  }
0x2b: {  	[dreg:$0x0] =	wrdreg $0x60  }
0x2c: {  	[dreg:$0x2] =	wrdreg s25  }
0x2d: {  	[dreg:$0x3] =	wrdreg s17  }
0x2e: {  	[dreg:$0x4] =	wrdreg $0x9  }
0x2f: {  	_ =	task.clear_ibuf [dreg:s7], $0x5FFFF;
	_ =	strace $0x90000046  }
0x30: {  	s29 =	simm.s32 $0x9;
	_ =	strace $0x80000048  }
0x31: {  	_ =	swait.ge [sflag:s29], $0x1  }
0x32: {  	[sflag:s29] =	ssyncadd.s32 $0xFFFFFFFF  }
0x33: {  	_ =	strace $0x90000048  }
0x34: {  	_ =	sfence  }
0x35: {  	s30 =	sld [smem:$0x0];
	_ =	sdelay $0x2  }
0x36: {  	s31 =	sshll.u32 s1, $0xD;
	s1 =	sshrl.u32 s1, $0x2  }
0x37: {  	s3 =	sand.u32 $0x4000, s31;
	s1 =	sadd.s32 s1, s30  }
0x38: {  	s0 =	sor.u32 s3, s0;
	s1 =	sshll.u32 s1, $0x11  }
0x39: {  	s0 =	sor.u32 s1, s0  }
0x3a: {  	s0 =	sadd.s32 $0x8F2B, s0  }
0x3b: {  	[sflag:s0] =	ssyncadd.remote.s32 $0x1  }
0x3c: {  	_ =	sfence.sel $0xFFFF  }
0x3d: {  	[dreg:$0x0] =	wrdreg $0xFFFFFFFF;
	(pc) =	sbr.abs _section_cstart, $3  }
0x3e: {  	[dreg:$0x1] =	wrdreg $0xFFFFFFFF  }
0x3f: {  	_ =	task.clear_ibuf [dreg:s7], $0x2FFFF;
	_ =	strace $0x9FFFFFFF  }
0x40: {  	(tm) =	ssettm $0x7FFFFFFF  }
0x41: {  	_ =	shalt  }
tec
execute0_lowered:
.L_overlay_start_1:
0x0: {  	(tag) =	ssettag $0x1  }
0x1: {  	s0 =	rddreg [dreg:$0x0];
	s3 =	stileid.u32;
	_ =	strace $0x80000047  }
0x2: {  	s1 =	srdreg.scid;
	s29 =	simm.s32 $0x1;
	s30 =	simm.s32 $0x2  }
0x3: {  	s14 =	simm.s32 $0x80;
	s27 =	simm.s32 $0x0;
	s28 =	simm.s32 $0x0  }
0x4: {  	s15 =	simm.s32 $0x0;
	s16 =	simm.s32 $0x0;
	s17 =	simm.s32 $0x0  }
0x5: {  	s18 =	simm.s32 $0x0;
	s20 =	simm.s32 $0x0;
	s2 =	sshll.u32 s3, $0x5  }
0x6: {  	s7 =	sand.u32 $0x1, s3;
	s8 =	sshrl.u32 s3, $0x3;
	s1 =	sshll.u32 s1, $0x7  }
0x7: {  	[sflag:s29] =	ssyncpa.u1 $0x0;
	s0 =	sadd.s32 $0x1400, s0;
	s9 =	sand.u32 $0xC0, s2  }
0x8: {  	s22 =	ssub.s32 $0x2, s7;
	s10 =	sand.u32 $0x80, s1;
	[dreg:$0x8] =	wrdreg s0  }
0x9: {  	s25 =	ssub.s32 $0x2A, s8;
	[sflag:s30] =	ssyncpa.u1 $0x0;
	[dreg:$0x3] =	wrdreg s7  }
0xa: {  	s19 =	smov.u32 s8;
	[dreg:$0x4] =	wrdreg s8;
	s3 =	ssub.s32 $0xB4, s9  }
0xb: {  	s4 =	sshrl.u32 s22, $0x1;
	s2 =	sand.u32 $0x1, s22;
	p0 =	sgt.s32 s3, $0x0  }
0xc: {  	s26 =	sshrl.u32 s25, $0x1;
	s23 =	sadd.s32 s2, s4;
	s3 =	simm.s32 @!p0 $0x0  }
0xd: {  	s31 =	sshll.u32 s10, $0x3;
	s1 =	smul.u32 $0x5, s23;
	s24 =	sand.u32 $0xF4, s3  }
0xe: {  	[dreg:$0x5] =	wrdreg s9;
	s3 =	sand.u32 $0x1, s25;
	p0 =	seq.s32 s24, $0x0  }
.Ltmp0:
0xf: {  	s2 =	sadd.s32 s3, s26;
	s1 =	simm.s32 @p0 $0x0;
	(pc) =	sbr.rel .LBB1_1-.Ltmp0, $4  }
0x10: {  	s21 =	smov.u32 s9;
	[dreg:$0x6] =	wrdreg s10;
	s11 =	smul.u32 s2, s1  }
0x11: {  	s22 =	smov.u32 s7;
	[dreg:$0x9] =	wrdreg s31;
	s23 =	simm.s32 $0x0  }
0x12: {  	s25 =	simm.s32 $0x0;
	s13 =	sadd.s32 $0x1, s11;
	[dreg:$0x7] =	wrdreg s11  }
0x13: {  	s24 =	simm.s32 $0x0;
	s26 =	simm.s32 $0x0;
	[dreg:$0xa] =	wrdreg s13  }
.LBB1_15:
0x14: {  	p0 =	sgt.s32 s15, $0x29;
	s1 =	rddreg [dreg:$0xd]  }
0x15: {  	s0 =	smov.u32 s15;
	s3 =	smul.u32 $0x3480, s17;
	s5 =	rddreg [dreg:$0x1]  }
0x16: {  	s24 =	sshll.u32 s18, $0x4;
	s4 =	smul.u32 $0xA80, s16;
	s28 =	rddreg [dreg:$0xe]  }
0x17: {  	s29 =	sshll.u32 s15, $0x6;
	s30 =	rddreg [dreg:$0xc];
	s2 =	sor.u32 $0x4000, s2  }
0x18: {  	s14 =	simm.s32 $0x80;
	s7 =	rddreg [dreg:$0x3];
	s0 =	simm.s32 @!p0 $0x29  }
0x19: {  	s31 =	simm.s32 $0x1A400;
	s8 =	rddreg [dreg:$0x4];
	s0 =	sadd.s32 s1, s0  }
0x1a: {  	s9 =	rddreg [dreg:$0x5];
	s3 =	sadd.s32 s5, s3;
	s1 =	sadd.s32 $0xFFFFFFD7, s0  }
0x1b: {  	s0 =	ssub.s32 $0x2A, s0;
	p0 =	sgt.s32 s1, $0x0;
	s1 =	sand.u32 $0x10, s24  }
0x1c: {  	s10 =	rddreg [dreg:$0x6];
	s0 =	simm.s32 @p0 $0x0;
	s1 =	sadd.s32 s1, s3  }
0x1d: {  	s11 =	rddreg [dreg:$0x7];
	s0 =	smul.u32 s0, s28;
	s1 =	sadd.s32 s4, s1  }
0x1e: {  	s13 =	rddreg [dreg:$0xa];
	s4 =	sshrl.u32 s30, $0x2;
	s1 =	sadd.s32 s29, s1  }
0x1f: {  	s24 =	rddreg [dreg:$0xb];
	s0 =	sand.u32 $0x3FFFFF80, s0;
	s1 =	sadd.s32 s4, s1  }
0x20: {  	[hbm4b:s1+s14] =	stream.strided.scatter [tilespmem:s2], [sflag:$0x2], s0, s31, s14, $0x38;
	[tilespmem:$0x8000] =	vst v63  }
.LBB1_16:
0x21: {  	p0 =	slt.u32 s23, $0x2;
	s0 =	smov.u32 s27;
	s2 =	smov.u32 s26  }
0x22: {  	s4 =	smov.u32 s24;
	s5 =	sadd.s32 $0x2, s19;
	p1 =	sgt.s32 @!p0 s27, $0x74  }
0x23: {  	s28 =	smov.u32 s10;
	s1 =	sshra.s32 @!p0 s27, $0x1F;
	p1 =	por !p1, p0  }
0x24: {  	s3 =	sshra.s32 @!p0 s26, $0x1F;
	s0 =	simm.s32 @p1 $0x74;
	p1 =	sgt.s32 @!p0 s26, $0x4  }
0x25: {  	s1 =	sand.u32 @!p0 s1, s27;
	s27 =	smov.u32 s17;
	p1 =	por !p1, p0  }
0x26: {  	s0 =	ssub.s32 @!p0 s0, s1;
	s1 =	sand.u32 @!p0 s3, s26;
	s2 =	simm.s32 @p1 $0x4  }
0x27: {  	s17 =	smov.u32 s21;
	s3 =	sadd.s32 @!p0 $0xFFFFFF8C, s0;
	s1 =	ssub.s32 @!p0 s2, s1  }
0x28: {  	s0 =	ssub.s32 @!p0 $0xB4, s0;
	p1 =	sgt.s32 @!p0 s3, $0x3F;
	s2 =	sadd.s32 @!p0 $0xFFFFFFFC, s1  }
0x29: {  	s3 =	smov.u32 s25;
	p1 =	por !p1, p0;
	p2 =	sgt.s32 @!p0 s2, $0x0  }
0x2a: {  	s1 =	ssub.s32 @!p0 $0x5, s1;
	s0 =	simm.s32 @!p1 $0x0;
	p1 =	por !p2, p0  }
0x2b: {  	s2 =	sshra.s32 @!p0 s25, $0x1F;
	s1 =	simm.s32 @!p1 $0x0;
	p1 =	sgt.s32 @!p0 s25, $0x1  }
0x2c: {  	p2 =	sgt.s32 @!p0 s24, $0x29;
	s2 =	sand.u32 @!p0 s2, s25;
	p1 =	por !p1, p0  }
0x2d: {  	p2 =	por !p2, p0;
	s2 =	sxor.u32 @!p0 $0xFFFFFFFF, s2;
	s3 =	simm.s32 @p1 $0x1  }
0x2e: {  	s4 =	simm.s32 @p2 $0x29;
	s2 =	sadd.s32 @!p0 s2, s3;
	s3 =	sshra.s32 @!p0 s24, $0x1F  }
0x2f: {  	s3 =	sand.u32 @!p0 s3, s24;
	p1 =	sgt.s32 @!p0 s2, $0x0;
	s2 =	sshll.u32 @!p0 s2, $0x7  }
0x30: {  	s3 =	ssub.s32 @!p0 s4, s3;
	s2 =	ssub.s32 @!p0 $0x80, s2;
	p1 =	por !p1, p0  }
0x31: {  	s4 =	sadd.s32 @!p0 $0xFFFFFFD7, s3;
	s2 =	simm.s32 @!p1 $0x0;
	p1 =	sgt.s32 s5, $0x29  }
0x32: {  	s3 =	ssub.s32 @!p0 $0x2A, s3;
	s0 =	smul.u32 @!p0 s0, s2;
	s2 =	simm.s32 $0x1  }
0x33: {  	p2 =	sgt.s32 @!p0 s4, $0x0;
	s4 =	smov.u32 s21;
	s2 =	simm.s32 @!p1 $0x0  }
0x34: {  	p2 =	por !p2, p0;
	s0 =	smul.u32 @!p0 s1, s0;
	s1 =	sadd.s32 s2, s20  }
0x35: {  	s3 =	simm.s32 @!p2 $0x0;
	s2 =	sadd.s32 $0x100, s21;
	p2 =	sgt.s32 s1, $0x4  }
0x36: {  	s5 =	smov.u32 @p1 s8;
	s0 =	smul.u32 @!p0 s3, s0;
	s4 =	smov.u32 @p2 s2  }
0x37: {  	s2 =	sadd.s32 $0x2, s22;
	s3 =	smov.u32 s22;
	p1 =	sgt.s32 s4, $0xB3  }
0x38: {  	s26 =	smov.u32 s16;
	s16 =	smov.u32 s20;
	s3 =	smov.u32 @p1 s2  }
0x39: {  	s25 =	smov.u32 s18;
	s4 =	smov.u32 @p1 s9;
	p1 =	sgt.s32 s3, $0x1  }
0x3a: {  	s18 =	smov.u32 s22;
	s3 =	smov.u32 @p1 s7;
	p1 =	sne.s32 s23, s13  }
.Ltmp1:
0x3b: {  	s24 =	smov.u32 s15;
	s15 =	smov.u32 s19;
	(pc) =	sbr.rel @!p1 .LBB1_17-.Ltmp1, $4  }
0x3c: {  	s1 =	simm.s32 @p2 $0x0;
	s0 =	sand.u32 @!p0 $0x3FFFFF80, s0;
	s2 =	simm.s32 @!p0 $0x2  }
0x3d: {  	s19 =	smov.u32 s5;
	s20 =	smov.u32 s1;
	_ =	swait.ge @!p0 [sflag:s2], s0  }
0x3e: {  	s0 =	ssub.s32 @!p0 $0x0, s0;
	s21 =	smov.u32 s4;
	[sflag:s2] =	ssyncset.done @!p0 $0x0  }
0x3f: {  	s23 =	sadd.s32 $0x1, s23;
	[sflag:s2] =	ssyncadd.s32 @!p0 s0;
	s22 =	smov.u32 s3  }
.LBB1_1:
0x40: {  	p0 =	sge.u32 s23, s11  }
.Ltmp2:
0x41: {  	_ = 	snop;
	(pc) =	sbr.rel @p0 .LBB1_3-.Ltmp2, $1  }
0x42: {  	_ =	sdelay $0x3  }
0x43: {  	s0 =	sshll.u32 s19, $0x8;
	s1 =	sshll.u32 s19, $0x7;
	s2 =	rddreg [dreg:$0x9]  }
0x44: {  	p0 =	sgt.s32 s22, $0x1;
	s12 =	sshra.s32 s22, $0x1F;
	s4 =	smov.u32 s21  }
0x45: {  	s5 =	sshra.s32 s21, $0x1F;
	p1 =	sgt.s32 s20, $0x4;
	s6 =	sshra.s32 s20, $0x1F  }
0x46: {  	s31 =	sshra.s32 s19, $0x1F;
	s0 =	sand.u32 $0xFFFFF800, s0;
	s1 =	sand.u32 $0x300, s1  }
0x47: {  	s29 =	sand.u32 s5, s21;
	s5 =	smov.u32 s20;
	s30 =	sand.u32 s6, s20  }
0x48: {  	s0 =	sor.u32 s2, s0;
	s2 =	sand.u32 s12, s22;
	s5 =	simm.s32 @!p1 $0x4  }
0x49: {  	s12 =	sand.u32 s31, s19;
	s0 =	sor.u32 s1, s0;
	s1 =	smov.u32 s22  }
0x4a: {  	s31 =	smul.u32 $0x600, s20;
	s2 =	sxor.u32 $0xFFFFFFFF, s2;
	s1 =	simm.s32 @!p0 $0x1  }
0x4b: {  	s0 =	sshrl.u32 s0, $0x8;
	p0 =	sgt.s32 s21, $0x74;
	s1 =	sadd.s32 s2, s1  }
0x4c: {  	s3 =	smulhi.u32 $0x5555556, s0;
	s4 =	simm.s32 @!p0 $0x74;
	p0 =	sgt.s32 s1, $0x0  }
0x4d: {  	s2 =	ssub.s32 s4, s29;
	s1 =	sshll.u32 s1, $0x7;
	s29 =	smul.u32 $0x151800, s22  }
0x4e: {  	s3 =	smul.u32 $0x30, s3;
	s4 =	sadd.s32 $0xFFFFFF8C, s2;
	s2 =	ssub.s32 $0xB4, s2  }
0x4f: {  	s1 =	ssub.s32 $0x80, s1;
	p1 =	sgt.s32 s4, $0x3F;
	s4 =	ssub.s32 s5, s30  }
0x50: {  	s1 =	simm.s32 @p0 $0x0;
	p0 =	sgt.s32 s19, $0x2F;
	s30 =	smul.u32 $0x1E00, s21  }
0x51: {  	s2 =	simm.s32 @p1 $0x0;
	s5 =	sadd.s32 $0xFFFFFFFC, s4;
	s4 =	ssub.s32 $0x5, s4  }
0x52: {  	p1 =	sgt.s32 s5, $0x0;
	s5 =	smov.u32 s19;
	s1 =	smul.u32 s2, s1  }
0x53: {  	s0 =	ssub.s32 s0, s3;
	s4 =	simm.s32 @p1 $0x0;
	s5 =	simm.s32 @!p0 $0x2F  }
0x54: {  	s2 =	ssub.s32 s5, s12;
	s1 =	smul.u32 s4, s1;
	s4 =	sxor.u32 $0xFFFFFFFF, s23  }
0x55: {  	s12 =	rddreg [dreg:$0x8];
	s5 =	sadd.s32 $0xFFFFFFD1, s2;
	s2 =	ssub.s32 $0x30, s2  }
0x56: {  	s6 =	sadd.s32 s12, s29;
	s12 =	sshll.u32 s19, $0x4;
	p0 =	sgt.s32 s5, $0x0  }
0x57: {  	s4 =	sshll.u32 s4, $0xD;
	s3 =	sadd.s32 s30, s6;
	s2 =	simm.s32 @p0 $0x0  }
0x58: {  	s29 =	sand.u32 $0x10, s12;
	s3 =	sadd.s32 s31, s3;
	s1 =	smul.u32 s2, s1  }
0x59: {  	s0 =	sshll.u32 s0, $0x5;
	s30 =	sand.u32 $0x2000, s4;
	s2 =	sadd.s32 s29, s3  }
0x5a: {  	s31 =	simm.s32 $0xF000;
	s0 =	sadd.s32 s0, s2;
	s1 =	sand.u32 $0x3FFFFF80, s1  }
0x5b: {  	[tilespmem:s30], [sflag:$0x1] =	stream.strided.gather [hbm4b:s0+s14], s1, s31, s14, $0x38;
	[tilespmem:$0x8000] =	vst v63  }
.LBB1_3:
0x5c: {  	s0 =	sadd.s32 $0xFFFFFFFF, s23  }
0x5d: {  	p0 =	sge.u32 s0, s11  }
.Ltmp3:
0x5e: {  	_ = 	snop;
	(pc) =	sbr.rel @p0 .LBB1_16-.Ltmp3, $1  }
0x5f: {  	_ =	sdelay $0x3  }
0x60: {  	p0 =	sgt.s32 s18, $0x1;
	s0 =	smov.u32 s18  }
0x61: {  	s1 =	sshra.s32 s18, $0x1F;
	s2 =	smov.u32 s17;
	s3 =	sshra.s32 s17, $0x1F  }
0x62: {  	p1 =	sgt.s32 s16, $0x4;
	s9 =	sshra.s32 s16, $0x1F;
	s11 =	ssub.s32 $0x0, s15  }
0x63: {  	s12 =	sshra.s32 s15, $0x1F;
	s4 =	smov.u32 s15;
	s1 =	sand.u32 s1, s18  }
0x64: {  	s0 =	simm.s32 @!p0 $0x1;
	p0 =	sgt.s32 s17, $0x74;
	s1 =	sxor.u32 $0xFFFFFFFF, s1  }
0x65: {  	s3 =	sand.u32 s3, s17;
	s2 =	simm.s32 @!p0 $0x74;
	s0 =	sadd.s32 s1, s0  }
0x66: {  	s8 =	ssub.s32 s2, s3;
	s3 =	sand.u32 s9, s16;
	p0 =	sgt.s32 s0, $0x0  }
0x67: {  	s0 =	ssub.s32 $0x1, s0;
	s2 =	sadd.s32 $0xFFFFFF8C, s8;
	s1 =	ssub.s32 $0xB4, s8  }
0x68: {  	s0 =	simm.s32 @p0 $0x0;
	p0 =	sgt.s32 s2, $0x3F;
	s2 =	smov.u32 s16  }
0x69: {  	s1 =	simm.s32 @p0 $0x0;
	s2 =	simm.s32 @!p1 $0x4;
	p0 =	sgt.s32 s15, $0x2F  }
0x6a: {  	s0 =	smul.u32 s0, s1;
	s10 =	ssub.s32 s2, s3;
	s2 =	sand.u32 s11, s12  }
0x6b: {  	s4 =	simm.s32 @!p0 $0x2F;
	s3 =	sadd.s32 $0x40, s17;
	s5 =	sadd.s32 $0xFFFFFFFC, s10  }
0x6c: {  	s1 =	ssub.s32 $0x5, s10;
	[dreg:$0xd] =	wrdreg s2;
	s2 =	sadd.s32 s2, s4  }
0x6d: {  	p1 =	slt.s32 s3, $0xB4;
	s4 =	sadd.s32 $0x1, s16;
	p0 =	sgt.s32 s5, $0x0  }
0x6e: {  	s13 =	sadd.s32 $0xFFFFFFD1, s2;
	s2 =	ssub.s32 $0x30, s2;
	s1 =	simm.s32 @p0 $0x0  }
0x6f: {  	p0 =	sgt.s32 s13, $0x0;
	s0 =	smul.u32 s1, s0;
	s1 =	sadd.s32 $0x1, s18  }
0x70: {  	s3 =	simm.s32 @!p1 $0xB4;
	s2 =	simm.s32 @p0 $0x0;
	p0 =	slt.s32 s1, $0x2  }
0x71: {  	s14 =	sshll.u32 s0, $0x7;
	s1 =	simm.s32 @!p0 $0x2;
	s0 =	ssub.s32 s3, s17  }
0x72: {  	p0 =	slt.s32 s4, $0x5;
	s3 =	sadd.s32 $0x1, s15;
	s31 =	ssub.s32 s1, s18  }
0x73: {  	s4 =	simm.s32 @!p0 $0x5;
	p1 =	slt.s32 s3, $0x2A;
	p0 =	slt.s32 s31, $0x1  }
0x74: {  	s1 =	ssub.s32 s4, s16;
	s3 =	simm.s32 @!p1 $0x2A;
	p2 =	slt.s32 @!p0 s0, $0x1  }
0x75: {  	p1 =	slt.s32 s28, $0x48;
	s4 =	smov.u32 s28;
	p2 =	por p0, p2  }
0x76: {  	[dreg:$0xb] =	wrdreg s24;
	s4 =	simm.s32 @!p1 $0x48;
	p1 =	slt.s32 @!p2 s1, $0x1  }
0x77: {  	s13 =	ssub.s32 s3, s15;
	s24 =	ssub.s32 s4, s28;
	p1 =	por p2, p1  }
0x78: {  	[dreg:$0xe] =	wrdreg s14;
	s3 =	sadd.s32 $0x88, s24;
	p2 =	slt.s32 @!p1 s13, $0x1  }
0x79: {  	s2 =	smul.u32 s2, s14;
	s14 =	sand.u32 $0xFFFFFFD0, s3;
	p1 =	por p1, p2  }
0x7a: {  	p2 =	slt.s32 @!p1 s14, $0x1  }
0x7b: {  	p1 =	por p1, p2  }
.Ltmp4:
0x7c: {  	_ = 	snop;
	(pc) =	sbr.rel @p1 .LBB1_15-.Ltmp4, $4  }
0x7d: {  	[dreg:$0xc] =	wrdreg s28;
	s29 =	simm.s32 $0x1;
	s2 =	sand.u32 $0x3FFFFF80, s2  }
0x7e: {  	_ =	swait.ge [sflag:s29], s2  }
0x7f: {  	s30 =	sshll.u32 s23, $0xD;
	s28 =	ssub.s32 $0x0, s2;
	[sflag:s29] =	ssyncset.done $0x0  }
0x80: {  	s2 =	sand.u32 $0x2000, s30;
	[sflag:s29] =	ssyncadd.s32 s28  }
0x81: {  	s12 =	sor.u32 @!p0 $0x4000, s2;
	s9 =	simm.s32 $0x0  }
.LBB1_6:
0x82: {  	s3 =	sshll.u32 s9, $0xF;
	s4 =	sshll.u32 s9, $0x7  }
0x83: {  	s3 =	sshra.s32 s3, $0x2;
	s4 =	sand.u32 $0x80, s4  }
0x84: {  	s6 =	simm.s32 $0x0;
	s10 =	sadd.s32 s3, s2;
	s7 =	sadd.s32 s4, s12  }
.LBB1_7:
0x85: {  	s3 =	sshll.u32 s6, $0x7  }
0x86: {  	s4 =	simm.s32 $0x0;
	s11 =	sadd.s32 s3, s10;
	s3 =	sadd.s32 s3, s7  }
.LBB1_8:
0x87: {  	s8 =	sshll.u32 s4, $0x7  }
0x88: {  	s29 =	simm.s32 $0x0;
	s5 =	sadd.s32 s8, s11;
	s8 =	sadd.s32 s8, s3  }
.LBB1_9:
0x89: {  	s30 =	sshll.u32 s29, $0x7  }
0x8a: {  	s30 =	sand.u32 $0x380, s30  }
0x8b: {  	s24 =	sadd.s32 s30, s5  }
0x8c: {  	s28 =	sshll.u32 s29, $0x9;
	v0 =	vmov s24  }
0x8d: {  	s28 =	sshra.s32 s28, $0x2  }
0x8e: {  	s28 =	sadd.s32 s28, s8  }
0x8f: {  	s30 =	simm.s32 $0x0;
	v1 =	vmov s28  }
.LBB1_10:
0x90: {  	s24 =	sand.u32 $0x70, s30;
	s30 =	sadd.s32 $0x10, s30  }
0x91: {  	v2 =	vld.idx.msk [tilespmem:v0+s24+$0x0 ss:$0x1], $0xffff;
	p0 =	slt.u32 s30, s14  }
.Ltmp5:
0x92: {  	_ = 	snop;
	(pc) =	sbr.rel @p0 .LBB1_10-.Ltmp5, $2  }
0x93: {  	_ =	sdelay $0x2  }
0x94: {  	[tilespmem:v1+s24+$0x0 ss:$0x1] =	vst.idx.msk $0xffff, v2  }
0x95: {  	s29 =	sadd.s32 $0x1, s29  }
0x96: {  	p0 =	sne.s32 s29, s13  }
.Ltmp6:
0x97: {  	_ = 	snop;
	(pc) =	sbr.rel @p0 .LBB1_9-.Ltmp6, $1  }
0x98: {  	_ =	sdelay $0x3  }
0x99: {  	s4 =	sadd.s32 $0x1, s4  }
0x9a: {  	p0 =	sne.s32 s4, s1  }
.Ltmp7:
0x9b: {  	_ = 	snop;
	(pc) =	sbr.rel @p0 .LBB1_8-.Ltmp7, $1  }
0x9c: {  	_ =	sdelay $0x3  }
0x9d: {  	s6 =	sadd.s32 $0x1, s6  }
0x9e: {  	p0 =	sne.s32 s6, s0  }
.Ltmp8:
0x9f: {  	_ = 	snop;
	(pc) =	sbr.rel @p0 .LBB1_7-.Ltmp8, $1  }
0xa0: {  	_ =	sdelay $0x3  }
0xa1: {  	s9 =	sadd.s32 $0x1, s9  }
0xa2: {  	p0 =	sne.s32 s9, s31  }
.Ltmp9:
0xa3: {  	_ = 	snop;
	(pc) =	sbr.rel @p0 .LBB1_6-.Ltmp9, $4  }
.Ltmp10:
0xa4: {  	_ = 	snop;
	(pc) =	sbr.rel @!p0 .LBB1_15-.Ltmp10, $4  }
0xa5: {  	_ = 	snop  }
0xa6: {  	_ = 	snop  }
0xa7: {  	_ = 	snop  }
0xa8: {  	_ = 	snop  }
.LBB1_17:
0xa9: {  	_ =	sfence.sel $0x180000  }
0xaa: {  	s0 =	simm.s32 $0x1;
	[bflag:$0x0] =	sbarrier.arrive $0xFFFF  }
0xab: {  	s30 =	simm.s32 $0x2;
	[sflag:s0] =	ssyncpa.u1 $0x1  }
0xac: {  	[sflag:s30] =	ssyncpa.u1 $0x1  }
0xad: {  	_ =	strace $0x90000047  }
0xae: {  	s31 =	stileid.u32;
	[bflag:$0x2] =	sbarrier.arrive $0xFFFF  }
0xaf: {  	p0 =	sne.s32 s31, $0x0;
	s0 =	rddreg [dreg:$0x2]  }
0xb0: {  	s0 =	sadd.s32 @!p0 $0x100000, s0  }
0xb1: {  	[sflag:s0] =	ssyncadd.tile.s32 @!p0 $0x1;
	_ =	shalt  }
.Lfunc_end1:
_tile_overlayer_lowered:
.L_overlay_start_2:
0xb2: {  	(tag) =	ssettag $0x2  }
0xb3: {  	s0 =	rddreg [dreg:$0x0];
	s2 =	stileid.u32  }
0xb4: {  	s1 =	rddreg [dreg:$0x1];
	p0 =	sne.s32 s2, $0x0  }
0xb5: {  	s3 =	rddreg [dreg:$0x2];
	[bflag:$0x3] =	sbarrier.arrive $0xFFFF;
	s2 =	simm.s32 @!p0 $0x1C01  }
0xb6: {  	[timem:s3], [sflag:s2] =	dma.local @!p0 [hbm:s0], s1  }
0xb7: {  	s0 =	simm.s32 @!p0 $0x1  }
0xb8: {  	_ =	swait.ge @!p0 [sflag:s0], s1  }
0xb9: {  	s1 =	ssub.s32 @!p0 $0x0, s1;
	[sflag:s0] =	ssyncset.done @!p0 $0x0  }
0xba: {  	[sflag:s0] =	ssyncadd.s32 @!p0 s1  }
0xbb: {  	[bflag:$0x3] =	sbarrier.arrive $0xFFFF  }
0xbc: {  	_ =	shalt  }

</sc_bundles>
